<compile_context>
chip_gen: v7x
topology: tpu7x:2x2x1
jax: 0.10.2.dev20260603
libtpu: 0.0.44.dev20260713+nightly
codegen_flags: <defaults>
</compile_context>

<pallas_src>
import jax
import jax.numpy as jnp
from jax import lax
from jax.experimental import pallas as pl
from jax.experimental.pallas import tpu as pltpu
from jax.experimental.pallas import tpu_sc as plsc

N = 10000
E = 160000
IN_F = 256
HID = 512
OUT_F = 128

NC = 2
NS = 16
CHUNK = 128
E_PAD = 163840
SINK = N
ACC_ROWS = 10240
ROWS_PER_TILE = ACC_ROWS // NS
WB_CHUNKS = ROWS_PER_TILE // CHUNK
_NCH1 = E_PAD // (NS * CHUNK)
_NCH2 = E_PAD // (NC * NS * CHUNK)

_MESH = plsc.VectorSubcoreMesh(
    core_axis_name="c", subcore_axis_name="s", num_cores=NC, num_subcores=NS)

def _fill(ref, nrows, ncols, value):
    v = jnp.full((16,), value, jnp.float32)

    def row(i, _):
        for j in range(ncols // 16):
            ref[i, pl.ds(j * 16, 16)] = v
        return 0

    lax.fori_loop(0, nrows, row, 0)


def _zero_acc(acc, rows, s, ncols):
    _fill(rows, CHUNK, ncols, 0.0)
    for k in range(WB_CHUNKS):
        pltpu.sync_copy(rows, acc.at[pl.ds(s * ROWS_PER_TILE + k * CHUNK, CHUNK)])


def _writeback(acc, rows, out2d, s):
    for k in range(WB_CHUNKS):
        r = s * ROWS_PER_TILE + k * CHUNK
        pltpu.sync_copy(acc.at[pl.ds(r, CHUNK)], rows)
        pltpu.sync_copy(rows, out2d.at[pl.ds(r, CHUNK)])



def _sc_deg_body(dst3, out, idx_d, ones_b, rows, acc, sem0):
    c = lax.axis_index("c")
    s = lax.axis_index("s")
    _zero_acc(acc, rows, s, 128)
    _fill(ones_b, CHUNK, 128, 1.0)
    w = c * NS + s
    pltpu.sync_copy(dst3.at[w], idx_d)
    plsc.subcore_barrier()

    def fire(i, _):
        pltpu.async_copy(ones_b, acc.at[idx_d.at[i]], sem0, add=True)
        return 0

    lax.fori_loop(0, _NCH2, fire, 0)

    def drain(i, _):
        pltpu.make_async_copy(ones_b, acc.at[idx_d.at[0]], sem0).wait()
        return 0

    lax.fori_loop(0, _NCH2, drain, 0)
    plsc.subcore_barrier()

    @pl.when(c == 0)
    def _():
        _writeback(acc, rows, out.at[0], s)

    @pl.when(c == 1)
    def _():
        _writeback(acc, rows, out.at[1], s)


_sc_deg = pl.kernel(
    _sc_deg_body,
    out_type=jax.ShapeDtypeStruct((NC, ACC_ROWS, 128), jnp.float32),
    mesh=_MESH,
    scratch_types=[
        pltpu.VMEM((_NCH2, CHUNK), jnp.int32),
        pltpu.VMEM((CHUNK, 128), jnp.float32),
        pltpu.VMEM((CHUNK, 128), jnp.float32),
        pltpu.VMEM_SHARED((ACC_ROWS, 128), jnp.float32),
        pltpu.SemaphoreType.DMA,
    ],
)


def _pipelined_agg(table, idx_s, idx_d, rows0, rows1, acc, sg0, sg1, ss0,
                   ss1, nch):
    pltpu.async_copy(table.at[idx_s.at[0]], rows0, sg0)

    def body(j, _):
        k0 = 2 * j
        k1 = k0 + 1
        pltpu.async_copy(table.at[idx_s.at[k1]], rows1, sg1)
        pltpu.make_async_copy(table.at[idx_s.at[0]], rows0, sg0).wait()
        pltpu.sync_copy(rows0, acc.at[idx_d.at[k0]], add=True)

        @pl.when(j < nch // 2 - 1)
        def _():
            pltpu.async_copy(table.at[idx_s.at[k0 + 2]], rows0, sg0)

        pltpu.make_async_copy(table.at[idx_s.at[0]], rows1, sg1).wait()
        pltpu.sync_copy(rows1, acc.at[idx_d.at[k1]], add=True)
        return 0

    lax.fori_loop(0, nch // 2, body, 0)



def _sc_agg_feat_body(z1a, z1b, src3, dst3, out, idx_s, idx_d, rows0, rows1,
                      acc, sg0, sg1, ss0, ss1):
    c = lax.axis_index("c")
    s = lax.axis_index("s")
    _zero_acc(acc, rows0, s, 128)
    plsc.subcore_barrier()

    def run(table):
        for p in range(_NCH1 // _NCH2):
            pltpu.sync_copy(src3.at[s, pl.ds(p * _NCH2, _NCH2)], idx_s)
            pltpu.sync_copy(dst3.at[s, pl.ds(p * _NCH2, _NCH2)], idx_d)
            _pipelined_agg(table, idx_s, idx_d, rows0, rows1, acc, sg0,
                           sg1, ss0, ss1, _NCH2)

    @pl.when(c == 0)
    def _():
        run(z1a)

    @pl.when(c == 1)
    def _():
        run(z1b)

    plsc.subcore_barrier()

    @pl.when(c == 0)
    def _():
        _writeback(acc, rows0, out.at[0], s)

    @pl.when(c == 1)
    def _():
        _writeback(acc, rows0, out.at[1], s)


_sc_agg_feat = pl.kernel(
    _sc_agg_feat_body,
    out_type=jax.ShapeDtypeStruct((NC, ACC_ROWS, 128), jnp.float32),
    mesh=_MESH,
    scratch_types=[
        pltpu.VMEM((_NCH2, CHUNK), jnp.int32),
        pltpu.VMEM((_NCH2, CHUNK), jnp.int32),
        pltpu.VMEM((CHUNK, 128), jnp.float32),
        pltpu.VMEM((CHUNK, 128), jnp.float32),
        pltpu.VMEM_SHARED((ACC_ROWS, 128), jnp.float32),
        pltpu.SemaphoreType.DMA,
        pltpu.SemaphoreType.DMA,
        pltpu.SemaphoreType.DMA,
        pltpu.SemaphoreType.DMA,
    ],
)



def _sc_agg_edge_body(z2, src3, dst3, out, idx_s, idx_d, rows0, rows1,
                      acc, sg0, sg1, ss0, ss1):
    c = lax.axis_index("c")
    s = lax.axis_index("s")
    _zero_acc(acc, rows0, s, 128)
    w = c * NS + s
    pltpu.sync_copy(src3.at[w], idx_s)
    pltpu.sync_copy(dst3.at[w], idx_d)
    plsc.subcore_barrier()

    _pipelined_agg(z2, idx_s, idx_d, rows0, rows1, acc, sg0, sg1, ss0, ss1,
                   _NCH2)

    plsc.subcore_barrier()

    @pl.when(c == 0)
    def _():
        _writeback(acc, rows0, out.at[0], s)

    @pl.when(c == 1)
    def _():
        _writeback(acc, rows0, out.at[1], s)


_sc_agg_edge = pl.kernel(
    _sc_agg_edge_body,
    out_type=jax.ShapeDtypeStruct((NC, ACC_ROWS, 128), jnp.float32),
    mesh=_MESH,
    scratch_types=[
        pltpu.VMEM((_NCH2, CHUNK), jnp.int32),
        pltpu.VMEM((_NCH2, CHUNK), jnp.int32),
        pltpu.VMEM((CHUNK, 128), jnp.float32),
        pltpu.VMEM((CHUNK, 128), jnp.float32),
        pltpu.VMEM_SHARED((ACC_ROWS, 128), jnp.float32),
        pltpu.SemaphoreType.DMA,
        pltpu.SemaphoreType.DMA,
        pltpu.SemaphoreType.DMA,
        pltpu.SemaphoreType.DMA,
    ],
)



_RB = 1000


def _tc_prep_body(x_ref, degp_ref, z1a_ref, z1b_ref, dinv_ref):
    deg = 1.0 + degp_ref[0, :, 0:1] + degp_ref[1, :, 0:1]
    dinv = lax.rsqrt(deg)
    z = x_ref[...] * dinv
    z1a_ref[...] = z[:, :128]
    z1b_ref[...] = z[:, 128:]
    dinv_ref[...] = dinv


def _tc_prep(x, degp):
    return pl.pallas_call(
        _tc_prep_body,
        grid=(N // _RB,),
        in_specs=[
            pl.BlockSpec((_RB, IN_F), lambda b: (b, 0)),
            pl.BlockSpec((NC, _RB, 128), lambda b: (0, b, 0)),
        ],
        out_specs=[
            pl.BlockSpec((_RB, 128), lambda b: (b, 0)),
            pl.BlockSpec((_RB, 128), lambda b: (b, 0)),
            pl.BlockSpec((_RB, 1), lambda b: (b, 0)),
        ],
        out_shape=[
            jax.ShapeDtypeStruct((N, 128), jnp.float32),
            jax.ShapeDtypeStruct((N, 128), jnp.float32),
            jax.ShapeDtypeStruct((N, 1), jnp.float32),
        ],
    )(x, degp)


def _tc_mid_body(s1_ref, z1a_ref, z1b_ref, dinv_ref, W1_ref, b1_ref, W2_ref,
                 z2_ref):
    dinv = dinv_ref[...]
    a0 = (s1_ref[0] + z1a_ref[...]) * dinv
    a1 = (s1_ref[1] + z1b_ref[...]) * dinv
    agg = jnp.concatenate([a0, a1], axis=1)
    h = jnp.maximum(
        jnp.dot(agg, W1_ref[...], preferred_element_type=jnp.float32)
        + b1_ref[...], 0.0)
    hw = jnp.dot(h, W2_ref[...], preferred_element_type=jnp.float32)
    z2_ref[...] = hw * dinv


def _tc_mid(s1, z1a, z1b, dinv, W1, b1, W2):
    return pl.pallas_call(
        _tc_mid_body,
        grid=(N // _RB,),
        in_specs=[
            pl.BlockSpec((NC, _RB, 128), lambda b: (0, b, 0)),
            pl.BlockSpec((_RB, 128), lambda b: (b, 0)),
            pl.BlockSpec((_RB, 128), lambda b: (b, 0)),
            pl.BlockSpec((_RB, 1), lambda b: (b, 0)),
            pl.BlockSpec((IN_F, HID), lambda b: (0, 0)),
            pl.BlockSpec((1, HID), lambda b: (0, 0)),
            pl.BlockSpec((HID, OUT_F), lambda b: (0, 0)),
        ],
        out_specs=pl.BlockSpec((_RB, OUT_F), lambda b: (b, 0)),
        out_shape=jax.ShapeDtypeStruct((N, OUT_F), jnp.float32),
    )(s1, z1a, z1b, dinv, W1, b1, W2)


def _tc_final_body(s2_ref, z2_ref, dinv_ref, b2_ref, out_ref):
    out_ref[...] = ((s2_ref[0] + s2_ref[1] + z2_ref[...]) * dinv_ref[...]
                    + b2_ref[...])


def _tc_final(s2, z2, dinv, b2):
    return pl.pallas_call(
        _tc_final_body,
        grid=(N // _RB,),
        in_specs=[
            pl.BlockSpec((NC, _RB, OUT_F), lambda b: (0, b, 0)),
            pl.BlockSpec((_RB, OUT_F), lambda b: (b, 0)),
            pl.BlockSpec((_RB, 1), lambda b: (b, 0)),
            pl.BlockSpec((1, OUT_F), lambda b: (0, 0)),
        ],
        out_specs=pl.BlockSpec((_RB, OUT_F), lambda b: (b, 0)),
        out_shape=jax.ShapeDtypeStruct((N, OUT_F), jnp.float32),
    )(s2, z2, dinv, b2)


@jax.jit
def kernel(x, edge_index, W1, b1, W2, b2):
    src = edge_index[0].astype(jnp.int32)
    dst = edge_index[1].astype(jnp.int32)
    pad = E_PAD - E
    pad_idx = jnp.arange(pad, dtype=jnp.int32)
    src_p = jnp.concatenate([src, pad_idx % N])
    dst_p = jnp.concatenate([dst, SINK + pad_idx % (ACC_ROWS - N)])
    src1 = src_p.reshape(NS, _NCH1, CHUNK)
    dst1 = dst_p.reshape(NS, _NCH1, CHUNK)
    src2 = src_p.reshape(NC * NS, _NCH2, CHUNK)
    dst2 = dst_p.reshape(NC * NS, _NCH2, CHUNK)

    degp = _sc_deg(dst2)
    z1a, z1b, dinv = _tc_prep(x, degp)
    s1 = _sc_agg_feat(z1a, z1b, src1, dst1)
    z2 = _tc_mid(s1, z1a, z1b, dinv, W1, b1.reshape(1, HID), W2)
    s2 = _sc_agg_edge(z2, src2, dst2)
    return _tc_final(s2, z2, dinv, b2.reshape(1, OUT_F))

# --- scband reference (transcript-rebuilt; emitter-appended) ---
"""Pipeline reference for scband-gnnpolicy-12292196401827 (READ-ONLY COPY).

The authoritative reference and input builder live on the scoring server;
editing this copy changes nothing except your own understanding.
"""

import jax, jax.numpy as jnp
import numpy as np

N_NODES = 10000
N_EDGES = 160000
IN_F = 256
HID = 512
OUT_F = 128


def setup_inputs(seed: int = 0) -> dict:
    key = jax.random.key(seed)
    k1, k2, k3, k4, k5, k6 = jax.random.split(key, 6)
    x = jax.random.normal(k1, (N_NODES, IN_F), dtype=jnp.float32)
    edge_index = jax.random.randint(k2, (2, N_EDGES), 0, N_NODES)
    W1 = jax.random.normal(k3, (IN_F, HID), dtype=jnp.float32) * (1.0 / np.sqrt(IN_F))
    b1 = jnp.zeros((HID,), dtype=jnp.float32)
    W2 = jax.random.normal(k4, (HID, OUT_F), dtype=jnp.float32) * (1.0 / np.sqrt(HID))
    b2 = jnp.zeros((OUT_F,), dtype=jnp.float32)
    return {"x": x, "edge_index": edge_index, "W1": W1, "b1": b1, "W2": W2, "b2": b2}


def _gcn_conv(x, edge_index, W, b):
    # GCNConv (PyG semantics): linear transform, add self-loops,
    # symmetric deg^{-1/2} normalization, sum aggregation, bias.
    n = x.shape[0]
    src = edge_index[0]
    dst = edge_index[1]
    loop = jnp.arange(n, dtype=src.dtype)
    src = jnp.concatenate([src, loop], axis=0)
    dst = jnp.concatenate([dst, loop], axis=0)
    xw = x @ W
    ones = jnp.ones(src.shape[0], dtype=xw.dtype)
    deg = jax.ops.segment_sum(ones, dst, num_segments=n)
    deg_inv_sqrt = jnp.where(deg > 0, jax.lax.rsqrt(jnp.maximum(deg, 1e-12)), 0.0)
    norm = deg_inv_sqrt[src] * deg_inv_sqrt[dst]
    msgs = xw[src] * norm[:, None]
    out = jax.ops.segment_sum(msgs, dst, num_segments=n)
    return out + b


def reference(x, edge_index, W1, b1, W2, b2):
    h = jax.nn.relu(_gcn_conv(x, edge_index, W1, b1))
    logits = _gcn_conv(h, edge_index, W2, b2)
    return logits

if __name__ == "__main__":
    import jax
    _d = setup_inputs()
    print(jax.jit(kernel)(*tuple(_d.values())))

</pallas_src>

<mosaic_0001>
#map = affine_map<(d0, d1) -> (0, 0, 0)>
module attributes {stable_mosaic.version = 14 : i64} {
  func.func @_sc_deg_body(%arg0: i32, %arg1: i32, %arg2: memref<32x40x128xi32, #tpu.memory_space<hbm>>, %arg3: memref<2x10240x128xf32, #tpu.memory_space<hbm>>, %arg4: memref<40x128xi32, #tpu.memory_space<vmem>>, %arg5: memref<128x128xf32, #tpu.memory_space<vmem>>, %arg6: memref<128x128xf32, #tpu.memory_space<vmem>>, %arg7: memref<10240x128xf32, #tpu.memory_space<vmem_shared>>, %arg8: memref<!tpu.dma_semaphore, #tpu.memory_space<semaphore_mem>>) attributes {dimension_semantics = [#tpu.dimension_semantics<core_parallel>, #tpu.dimension_semantics<subcore_parallel>], iteration_bounds = array<i64: 2, 16>, scalar_prefetch = 0 : i64, scratch_operands = 5 : i64, tpu.core_type = #tpu.core_type<sc_vector_subcore>, window_params = [{transform_indices = #map}, {transform_indices = #map}]} {
    %broadcast_in_dim3A = arith.constant 0.000000e+00 : f32
    %broadcast_in_dim3A_0 = vector.broadcast %broadcast_in_dim3A : f32 to vector<16xf32>
    %scan3A = arith.constant 0 : i32
    %scan3A_1 = arith.constant 0 : i32
    %scan3A_2 = arith.constant 128 : i32
    %scan3A_3 = arith.addi %scan3A_1, %scan3A_2 : i32
    %scan3A_4 = arith.constant 1 : i32
    %scan3A_5 = scf.for %scan3A_59 = %scan3A_1 to %scan3A_3 step %scan3A_4 iter_args(%scan3A_60 = %scan3A) -> (i32)  : i32 {
      %swap3A = arith.index_cast %scan3A_59 : i32 to index
      %swap3A_61 = arith.constant 0 : index
      %swap3A_62 = tpu.vector_load %arg6[%swap3A, %swap3A_61] {strides = array<i32>} : memref<128x128xf32, #tpu.memory_space<vmem>>, vector<1x16xf32>,
      %swap3A_63 = vector.shape_cast %swap3A_62 : vector<1x16xf32> to vector<16xf32>
      %swap3A_64 = vector.shape_cast %broadcast_in_dim3A_0 : vector<16xf32> to vector<1x16xf32>
      tpu.vector_store %arg6[%swap3A, %swap3A_61], %swap3A_64 {strides = array<i32>} : memref<128x128xf32, #tpu.memory_space<vmem>>, vector<1x16xf32>,
      %swap3A_65 = arith.index_cast %scan3A_59 : i32 to index
      %swap3A_66 = arith.constant 16 : index
      %swap3A_67 = tpu.vector_load %arg6[%swap3A_65, %swap3A_66] {strides = array<i32>} : memref<128x128xf32, #tpu.memory_space<vmem>>, vector<1x16xf32>,
      %swap3A_68 = vector.shape_cast %swap3A_67 : vector<1x16xf32> to vector<16xf32>
      %swap3A_69 = vector.shape_cast %broadcast_in_dim3A_0 : vector<16xf32> to vector<1x16xf32>
      tpu.vector_store %arg6[%swap3A_65, %swap3A_66], %swap3A_69 {strides = array<i32>} : memref<128x128xf32, #tpu.memory_space<vmem>>, vector<1x16xf32>,
      %swap3A_70 = arith.index_cast %scan3A_59 : i32 to index
      %swap3A_71 = arith.constant 32 : index
      %swap3A_72 = tpu.vector_load %arg6[%swap3A_70, %swap3A_71] {strides = array<i32>} : memref<128x128xf32, #tpu.memory_space<vmem>>, vector<1x16xf32>,
      %swap3A_73 = vector.shape_cast %swap3A_72 : vector<1x16xf32> to vector<16xf32>
      %swap3A_74 = vector.shape_cast %broadcast_in_dim3A_0 : vector<16xf32> to vector<1x16xf32>
      tpu.vector_store %arg6[%swap3A_70, %swap3A_71], %swap3A_74 {strides = array<i32>} : memref<128x128xf32, #tpu.memory_space<vmem>>, vector<1x16xf32>,
      %swap3A_75 = arith.index_cast %scan3A_59 : i32 to index
      %swap3A_76 = arith.constant 48 : index
      %swap3A_77 = tpu.vector_load %arg6[%swap3A_75, %swap3A_76] {strides = array<i32>} : memref<128x128xf32, #tpu.memory_space<vmem>>, vector<1x16xf32>,
      %swap3A_78 = vector.shape_cast %swap3A_77 : vector<1x16xf32> to vector<16xf32>
      %swap3A_79 = vector.shape_cast %broadcast_in_dim3A_0 : vector<16xf32> to vector<1x16xf32>
      tpu.vector_store %arg6[%swap3A_75, %swap3A_76], %swap3A_79 {strides = array<i32>} : memref<128x128xf32, #tpu.memory_space<vmem>>, vector<1x16xf32>,
      %swap3A_80 = arith.index_cast %scan3A_59 : i32 to index
      %swap3A_81 = arith.constant 64 : index
      %swap3A_82 = tpu.vector_load %arg6[%swap3A_80, %swap3A_81] {strides = array<i32>} : memref<128x128xf32, #tpu.memory_space<vmem>>, vector<1x16xf32>,
      %swap3A_83 = vector.shape_cast %swap3A_82 : vector<1x16xf32> to vector<16xf32>
      %swap3A_84 = vector.shape_cast %broadcast_in_dim3A_0 : vector<16xf32> to vector<1x16xf32>
      tpu.vector_store %arg6[%swap3A_80, %swap3A_81], %swap3A_84 {strides = array<i32>} : memref<128x128xf32, #tpu.memory_space<vmem>>, vector<1x16xf32>,
      %swap3A_85 = arith.index_cast %scan3A_59 : i32 to index
      %swap3A_86 = arith.constant 80 : index
      %swap3A_87 = tpu.vector_load %arg6[%swap3A_85, %swap3A_86] {strides = array<i32>} : memref<128x128xf32, #tpu.memory_space<vmem>>, vector<1x16xf32>,
      %swap3A_88 = vector.shape_cast %swap3A_87 : vector<1x16xf32> to vector<16xf32>
      %swap3A_89 = vector.shape_cast %broadcast_in_dim3A_0 : vector<16xf32> to vector<1x16xf32>
      tpu.vector_store %arg6[%swap3A_85, %swap3A_86], %swap3A_89 {strides = array<i32>} : memref<128x128xf32, #tpu.memory_space<vmem>>, vector<1x16xf32>,
      %swap3A_90 = arith.index_cast %scan3A_59 : i32 to index
      %swap3A_91 = arith.constant 96 : index
      %swap3A_92 = tpu.vector_load %arg6[%swap3A_90, %swap3A_91] {strides = array<i32>} : memref<128x128xf32, #tpu.memory_space<vmem>>, vector<1x16xf32>,
      %swap3A_93 = vector.shape_cast %swap3A_92 : vector<1x16xf32> to vector<16xf32>
      %swap3A_94 = vector.shape_cast %broadcast_in_dim3A_0 : vector<16xf32> to vector<1x16xf32>
      tpu.vector_store %arg6[%swap3A_90, %swap3A_91], %swap3A_94 {strides = array<i32>} : memref<128x128xf32, #tpu.memory_space<vmem>>, vector<1x16xf32>,
      %swap3A_95 = arith.index_cast %scan3A_59 : i32 to index
      %swap3A_96 = arith.constant 112 : index
      %swap3A_97 = tpu.vector_load %arg6[%swap3A_95, %swap3A_96] {strides = array<i32>} : memref<128x128xf32, #tpu.memory_space<vmem>>, vector<1x16xf32>,
      %swap3A_98 = vector.shape_cast %swap3A_97 : vector<1x16xf32> to vector<16xf32>
      %swap3A_99 = vector.shape_cast %broadcast_in_dim3A_0 : vector<16xf32> to vector<1x16xf32>
      tpu.vector_store %arg6[%swap3A_95, %swap3A_96], %swap3A_99 {strides = array<i32>} : memref<128x128xf32, #tpu.memory_space<vmem>>, vector<1x16xf32>,
      %scan3A_100 = arith.constant 0 : i32
      scf.yield %scan3A_100 : i32
    }
    %scan3A_6 = arith.constant 128 : i32
    %mul3A = arith.constant 640 : i32
    %mul3A_7 = arith.muli %arg1, %mul3A : i32
    %add3A = arith.constant 0 : i32
    %add3A_8 = arith.addi %mul3A_7, %add3A : i32
    "tpu.region"() ({
      %run_scoped3A = tpu.sem_alloc : memref<!tpu.dma_semaphore, #tpu.memory_space<semaphore_mem>>
      %dma_start3A = arith.constant 0 : i32
      %dma_start3A_59 = tpu.memref_slice %arg7[%add3A_8, %dma_start3A] : memref<10240x128xf32, #tpu.memory_space<vmem_shared>> -> memref<128x128xf32, #tpu.memory_space<vmem_shared>>
      %dma_start3A_60 = arith.constant 0 : i32
      %dma_start3A_61 = tpu.memref_slice %arg7[%add3A_8, %dma_start3A_60] : memref<10240x128xf32, #tpu.memory_space<vmem_shared>> -> memref<128x128xf32, #tpu.memory_space<vmem_shared>>
      tpu.enqueue_dma source(%arg6 : memref<128x128xf32, #tpu.memory_space<vmem>>) target(%dma_start3A_61 : memref<128x128xf32, #tpu.memory_space<vmem_shared>>) target_semaphore(%run_scoped3A : memref<!tpu.dma_semaphore, #tpu.memory_space<semaphore_mem>>)
      %dma_wait3A = arith.constant 0 : i32
      %dma_wait3A_62 = tpu.memref_slice %arg7[%add3A_8, %dma_wait3A] : memref<10240x128xf32, #tpu.memory_space<vmem_shared>> -> memref<128x128xf32, #tpu.memory_space<vmem_shared>>
      %dma_wait3A_63 = arith.constant 0 : i32
      %dma_wait3A_64 = tpu.memref_slice %arg7[%add3A_8, %dma_wait3A_63] : memref<10240x128xf32, #tpu.memory_space<vmem_shared>> -> memref<128x128xf32, #tpu.memory_space<vmem_shared>>
      tpu.wait_dma2 semaphore(%run_scoped3A : memref<!tpu.dma_semaphore, #tpu.memory_space<semaphore_mem>>) src(%arg6 : memref<128x128xf32, #tpu.memory_space<vmem>>) dst(%dma_wait3A_64 : memref<128x128xf32, #tpu.memory_space<vmem_shared>>)
      tpu.yield
    }) : () -> ()
    %mul3A_9 = arith.constant 640 : i32
    %mul3A_10 = arith.muli %arg1, %mul3A_9 : i32
    %add3A_11 = arith.constant 128 : i32
    %add3A_12 = arith.addi %mul3A_10, %add3A_11 : i32
    "tpu.region"() ({
      %run_scoped3A = tpu.sem_alloc : memref<!tpu.dma_semaphore, #tpu.memory_space<semaphore_mem>>
      %dma_start3A = arith.constant 0 : i32
      %dma_start3A_59 = tpu.memref_slice %arg7[%add3A_12, %dma_start3A] : memref<10240x128xf32, #tpu.memory_space<vmem_shared>> -> memref<128x128xf32, #tpu.memory_space<vmem_shared>>
      %dma_start3A_60 = arith.constant 0 : i32
      %dma_start3A_61 = tpu.memref_slice %arg7[%add3A_12, %dma_start3A_60] : memref<10240x128xf32, #tpu.memory_space<vmem_shared>> -> memref<128x128xf32, #tpu.memory_space<vmem_shared>>
      tpu.enqueue_dma source(%arg6 : memref<128x128xf32, #tpu.memory_space<vmem>>) target(%dma_start3A_61 : memref<128x128xf32, #tpu.memory_space<vmem_shared>>) target_semaphore(%run_scoped3A : memref<!tpu.dma_semaphore, #tpu.memory_space<semaphore_mem>>)
      %dma_wait3A = arith.constant 0 : i32
      %dma_wait3A_62 = tpu.memref_slice %arg7[%add3A_12, %dma_wait3A] : memref<10240x128xf32, #tpu.memory_space<vmem_shared>> -> memref<128x128xf32, #tpu.memory_space<vmem_shared>>
      %dma_wait3A_63 = arith.constant 0 : i32
      %dma_wait3A_64 = tpu.memref_slice %arg7[%add3A_12, %dma_wait3A_63] : memref<10240x128xf32, #tpu.memory_space<vmem_shared>> -> memref<128x128xf32, #tpu.memory_space<vmem_shared>>
      tpu.wait_dma2 semaphore(%run_scoped3A : memref<!tpu.dma_semaphore, #tpu.memory_space<semaphore_mem>>) src(%arg6 : memref<128x128xf32, #tpu.memory_space<vmem>>) dst(%dma_wait3A_64 : memref<128x128xf32, #tpu.memory_space<vmem_shared>>)
      tpu.yield
    }) : () -> ()
    %mul3A_13 = arith.constant 640 : i32
    %mul3A_14 = arith.muli %arg1, %mul3A_13 : i32
    %add3A_15 = arith.constant 256 : i32
    %add3A_16 = arith.addi %mul3A_14, %add3A_15 : i32
    "tpu.region"() ({
      %run_scoped3A = tpu.sem_alloc : memref<!tpu.dma_semaphore, #tpu.memory_space<semaphore_mem>>
      %dma_start3A = arith.constant 0 : i32
      %dma_start3A_59 = tpu.memref_slice %arg7[%add3A_16, %dma_start3A] : memref<10240x128xf32, #tpu.memory_space<vmem_shared>> -> memref<128x128xf32, #tpu.memory_space<vmem_shared>>
      %dma_start3A_60 = arith.constant 0 : i32
      %dma_start3A_61 = tpu.memref_slice %arg7[%add3A_16, %dma_start3A_60] : memref<10240x128xf32, #tpu.memory_space<vmem_shared>> -> memref<128x128xf32, #tpu.memory_space<vmem_shared>>
      tpu.enqueue_dma source(%arg6 : memref<128x128xf32, #tpu.memory_space<vmem>>) target(%dma_start3A_61 : memref<128x128xf32, #tpu.memory_space<vmem_shared>>) target_semaphore(%run_scoped3A : memref<!tpu.dma_semaphore, #tpu.memory_space<semaphore_mem>>)
      %dma_wait3A = arith.constant 0 : i32
      %dma_wait3A_62 = tpu.memref_slice %arg7[%add3A_16, %dma_wait3A] : memref<10240x128xf32, #tpu.memory_space<vmem_shared>> -> memref<128x128xf32, #tpu.memory_space<vmem_shared>>
      %dma_wait3A_63 = arith.constant 0 : i32
      %dma_wait3A_64 = tpu.memref_slice %arg7[%add3A_16, %dma_wait3A_63] : memref<10240x128xf32, #tpu.memory_space<vmem_shared>> -> memref<128x128xf32, #tpu.memory_space<vmem_shared>>
      tpu.wait_dma2 semaphore(%run_scoped3A : memref<!tpu.dma_semaphore, #tpu.memory_space<semaphore_mem>>) src(%arg6 : memref<128x128xf32, #tpu.memory_space<vmem>>) dst(%dma_wait3A_64 : memref<128x128xf32, #tpu.memory_space<vmem_shared>>)
      tpu.yield
    }) : () -> ()
    %mul3A_17 = arith.constant 640 : i32
    %mul3A_18 = arith.muli %arg1, %mul3A_17 : i32
    %add3A_19 = arith.constant 384 : i32
    %add3A_20 = arith.addi %mul3A_18, %add3A_19 : i32
    "tpu.region"() ({
      %run_scoped3A = tpu.sem_alloc : memref<!tpu.dma_semaphore, #tpu.memory_space<semaphore_mem>>
      %dma_start3A = arith.constant 0 : i32
      %dma_start3A_59 = tpu.memref_slice %arg7[%add3A_20, %dma_start3A] : memref<10240x128xf32, #tpu.memory_space<vmem_shared>> -> memref<128x128xf32, #tpu.memory_space<vmem_shared>>
      %dma_start3A_60 = arith.constant 0 : i32
      %dma_start3A_61 = tpu.memref_slice %arg7[%add3A_20, %dma_start3A_60] : memref<10240x128xf32, #tpu.memory_space<vmem_shared>> -> memref<128x128xf32, #tpu.memory_space<vmem_shared>>
      tpu.enqueue_dma source(%arg6 : memref<128x128xf32, #tpu.memory_space<vmem>>) target(%dma_start3A_61 : memref<128x128xf32, #tpu.memory_space<vmem_shared>>) target_semaphore(%run_scoped3A : memref<!tpu.dma_semaphore, #tpu.memory_space<semaphore_mem>>)
      %dma_wait3A = arith.constant 0 : i32
      %dma_wait3A_62 = tpu.memref_slice %arg7[%add3A_20, %dma_wait3A] : memref<10240x128xf32, #tpu.memory_space<vmem_shared>> -> memref<128x128xf32, #tpu.memory_space<vmem_shared>>
      %dma_wait3A_63 = arith.constant 0 : i32
      %dma_wait3A_64 = tpu.memref_slice %arg7[%add3A_20, %dma_wait3A_63] : memref<10240x128xf32, #tpu.memory_space<vmem_shared>> -> memref<128x128xf32, #tpu.memory_space<vmem_shared>>
      tpu.wait_dma2 semaphore(%run_scoped3A : memref<!tpu.dma_semaphore, #tpu.memory_space<semaphore_mem>>) src(%arg6 : memref<128x128xf32, #tpu.memory_space<vmem>>) dst(%dma_wait3A_64 : memref<128x128xf32, #tpu.memory_space<vmem_shared>>)
      tpu.yield
    }) : () -> ()
    %mul3A_21 = arith.constant 640 : i32
    %mul3A_22 = arith.muli %arg1, %mul3A_21 : i32
    %add3A_23 = arith.constant 512 : i32
    %add3A_24 = arith.addi %mul3A_22, %add3A_23 : i32
    "tpu.region"() ({
      %run_scoped3A = tpu.sem_alloc : memref<!tpu.dma_semaphore, #tpu.memory_space<semaphore_mem>>
      %dma_start3A = arith.constant 0 : i32
      %dma_start3A_59 = tpu.memref_slice %arg7[%add3A_24, %dma_start3A] : memref<10240x128xf32, #tpu.memory_space<vmem_shared>> -> memref<128x128xf32, #tpu.memory_space<vmem_shared>>
      %dma_start3A_60 = arith.constant 0 : i32
      %dma_start3A_61 = tpu.memref_slice %arg7[%add3A_24, %dma_start3A_60] : memref<10240x128xf32, #tpu.memory_space<vmem_shared>> -> memref<128x128xf32, #tpu.memory_space<vmem_shared>>
      tpu.enqueue_dma source(%arg6 : memref<128x128xf32, #tpu.memory_space<vmem>>) target(%dma_start3A_61 : memref<128x128xf32, #tpu.memory_space<vmem_shared>>) target_semaphore(%run_scoped3A : memref<!tpu.dma_semaphore, #tpu.memory_space<semaphore_mem>>)
      %dma_wait3A = arith.constant 0 : i32
      %dma_wait3A_62 = tpu.memref_slice %arg7[%add3A_24, %dma_wait3A] : memref<10240x128xf32, #tpu.memory_space<vmem_shared>> -> memref<128x128xf32, #tpu.memory_space<vmem_shared>>
      %dma_wait3A_63 = arith.constant 0 : i32
      %dma_wait3A_64 = tpu.memref_slice %arg7[%add3A_24, %dma_wait3A_63] : memref<10240x128xf32, #tpu.memory_space<vmem_shared>> -> memref<128x128xf32, #tpu.memory_space<vmem_shared>>
      tpu.wait_dma2 semaphore(%run_scoped3A : memref<!tpu.dma_semaphore, #tpu.memory_space<semaphore_mem>>) src(%arg6 : memref<128x128xf32, #tpu.memory_space<vmem>>) dst(%dma_wait3A_64 : memref<128x128xf32, #tpu.memory_space<vmem_shared>>)
      tpu.yield
    }) : () -> ()
    %broadcast_in_dim3A_25 = arith.constant 1.000000e+00 : f32
    %broadcast_in_dim3A_26 = vector.broadcast %broadcast_in_dim3A_25 : f32 to vector<16xf32>
    %scan3A_27 = arith.constant 0 : i32
    %scan3A_28 = arith.constant 0 : i32
    %scan3A_29 = arith.constant 128 : i32
    %scan3A_30 = arith.addi %scan3A_28, %scan3A_29 : i32
    %scan3A_31 = arith.constant 1 : i32
    %scan3A_32 = scf.for %scan3A_59 = %scan3A_28 to %scan3A_30 step %scan3A_31 iter_args(%scan3A_60 = %scan3A_27) -> (i32)  : i32 {
      %swap3A = arith.index_cast %scan3A_59 : i32 to index
      %swap3A_61 = arith.constant 0 : index
      %swap3A_62 = tpu.vector_load %arg5[%swap3A, %swap3A_61] {strides = array<i32>} : memref<128x128xf32, #tpu.memory_space<vmem>>, vector<1x16xf32>,
      %swap3A_63 = vector.shape_cast %swap3A_62 : vector<1x16xf32> to vector<16xf32>
      %swap3A_64 = vector.shape_cast %broadcast_in_dim3A_26 : vector<16xf32> to vector<1x16xf32>
      tpu.vector_store %arg5[%swap3A, %swap3A_61], %swap3A_64 {strides = array<i32>} : memref<128x128xf32, #tpu.memory_space<vmem>>, vector<1x16xf32>,
      %swap3A_65 = arith.index_cast %scan3A_59 : i32 to index
      %swap3A_66 = arith.constant 16 : index
      %swap3A_67 = tpu.vector_load %arg5[%swap3A_65, %swap3A_66] {strides = array<i32>} : memref<128x128xf32, #tpu.memory_space<vmem>>, vector<1x16xf32>,
      %swap3A_68 = vector.shape_cast %swap3A_67 : vector<1x16xf32> to vector<16xf32>
      %swap3A_69 = vector.shape_cast %broadcast_in_dim3A_26 : vector<16xf32> to vector<1x16xf32>
      tpu.vector_store %arg5[%swap3A_65, %swap3A_66], %swap3A_69 {strides = array<i32>} : memref<128x128xf32, #tpu.memory_space<vmem>>, vector<1x16xf32>,
      %swap3A_70 = arith.index_cast %scan3A_59 : i32 to index
      %swap3A_71 = arith.constant 32 : index
      %swap3A_72 = tpu.vector_load %arg5[%swap3A_70, %swap3A_71] {strides = array<i32>} : memref<128x128xf32, #tpu.memory_space<vmem>>, vector<1x16xf32>,
      %swap3A_73 = vector.shape_cast %swap3A_72 : vector<1x16xf32> to vector<16xf32>
      %swap3A_74 = vector.shape_cast %broadcast_in_dim3A_26 : vector<16xf32> to vector<1x16xf32>
      tpu.vector_store %arg5[%swap3A_70, %swap3A_71], %swap3A_74 {strides = array<i32>} : memref<128x128xf32, #tpu.memory_space<vmem>>, vector<1x16xf32>,
      %swap3A_75 = arith.index_cast %scan3A_59 : i32 to index
      %swap3A_76 = arith.constant 48 : index
      %swap3A_77 = tpu.vector_load %arg5[%swap3A_75, %swap3A_76] {strides = array<i32>} : memref<128x128xf32, #tpu.memory_space<vmem>>, vector<1x16xf32>,
      %swap3A_78 = vector.shape_cast %swap3A_77 : vector<1x16xf32> to vector<16xf32>
      %swap3A_79 = vector.shape_cast %broadcast_in_dim3A_26 : vector<16xf32> to vector<1x16xf32>
      tpu.vector_store %arg5[%swap3A_75, %swap3A_76], %swap3A_79 {strides = array<i32>} : memref<128x128xf32, #tpu.memory_space<vmem>>, vector<1x16xf32>,
      %swap3A_80 = arith.index_cast %scan3A_59 : i32 to index
      %swap3A_81 = arith.constant 64 : index
      %swap3A_82 = tpu.vector_load %arg5[%swap3A_80, %swap3A_81] {strides = array<i32>} : memref<128x128xf32, #tpu.memory_space<vmem>>, vector<1x16xf32>,
      %swap3A_83 = vector.shape_cast %swap3A_82 : vector<1x16xf32> to vector<16xf32>
      %swap3A_84 = vector.shape_cast %broadcast_in_dim3A_26 : vector<16xf32> to vector<1x16xf32>
      tpu.vector_store %arg5[%swap3A_80, %swap3A_81], %swap3A_84 {strides = array<i32>} : memref<128x128xf32, #tpu.memory_space<vmem>>, vector<1x16xf32>,
      %swap3A_85 = arith.index_cast %scan3A_59 : i32 to index
      %swap3A_86 = arith.constant 80 : index
      %swap3A_87 = tpu.vector_load %arg5[%swap3A_85, %swap3A_86] {strides = array<i32>} : memref<128x128xf32, #tpu.memory_space<vmem>>, vector<1x16xf32>,
      %swap3A_88 = vector.shape_cast %swap3A_87 : vector<1x16xf32> to vector<16xf32>
      %swap3A_89 = vector.shape_cast %broadcast_in_dim3A_26 : vector<16xf32> to vector<1x16xf32>
      tpu.vector_store %arg5[%swap3A_85, %swap3A_86], %swap3A_89 {strides = array<i32>} : memref<128x128xf32, #tpu.memory_space<vmem>>, vector<1x16xf32>,
      %swap3A_90 = arith.index_cast %scan3A_59 : i32 to index
      %swap3A_91 = arith.constant 96 : index
      %swap3A_92 = tpu.vector_load %arg5[%swap3A_90, %swap3A_91] {strides = array<i32>} : memref<128x128xf32, #tpu.memory_space<vmem>>, vector<1x16xf32>,
      %swap3A_93 = vector.shape_cast %swap3A_92 : vector<1x16xf32> to vector<16xf32>
      %swap3A_94 = vector.shape_cast %broadcast_in_dim3A_26 : vector<16xf32> to vector<1x16xf32>
      tpu.vector_store %arg5[%swap3A_90, %swap3A_91], %swap3A_94 {strides = array<i32>} : memref<128x128xf32, #tpu.memory_space<vmem>>, vector<1x16xf32>,
      %swap3A_95 = arith.index_cast %scan3A_59 : i32 to index
      %swap3A_96 = arith.constant 112 : index
      %swap3A_97 = tpu.vector_load %arg5[%swap3A_95, %swap3A_96] {strides = array<i32>} : memref<128x128xf32, #tpu.memory_space<vmem>>, vector<1x16xf32>,
      %swap3A_98 = vector.shape_cast %swap3A_97 : vector<1x16xf32> to vector<16xf32>
      %swap3A_99 = vector.shape_cast %broadcast_in_dim3A_26 : vector<16xf32> to vector<1x16xf32>
      tpu.vector_store %arg5[%swap3A_95, %swap3A_96], %swap3A_99 {strides = array<i32>} : memref<128x128xf32, #tpu.memory_space<vmem>>, vector<1x16xf32>,
      %scan3A_100 = arith.constant 0 : i32
      scf.yield %scan3A_100 : i32
    }
    %scan3A_33 = arith.constant 128 : i32
    %mul3A_34 = arith.constant 16 : i32
    %mul3A_35 = arith.muli %arg0, %mul3A_34 : i32
    %add3A_36 = arith.addi %mul3A_35, %arg1 : i32
    "tpu.region"() ({
      %run_scoped3A = tpu.sem_alloc : memref<!tpu.dma_semaphore, #tpu.memory_space<semaphore_mem>>
      %dma_start3A = arith.constant 0 : i32
      %dma_start3A_59 = arith.constant 0 : i32
      %dma_start3A_60 = tpu.memref_slice %arg2[%add3A_36, %dma_start3A, %dma_start3A_59] : memref<32x40x128xi32, #tpu.memory_space<hbm>> -> memref<1x40x128xi32, #tpu.memory_space<hbm>>
      %dma_start3A_61 = tpu.memref_squeeze %dma_start3A_60 : memref<1x40x128xi32, #tpu.memory_space<hbm>> -> memref<40x128xi32, #tpu.memory_space<hbm>>
      %dma_start3A_62 = arith.constant 0 : i32
      %dma_start3A_63 = arith.constant 0 : i32
      %dma_start3A_64 = tpu.memref_slice %arg2[%add3A_36, %dma_start3A_62, %dma_start3A_63] : memref<32x40x128xi32, #tpu.memory_space<hbm>> -> memref<1x40x128xi32, #tpu.memory_space<hbm>>
      %dma_start3A_65 = tpu.memref_squeeze %dma_start3A_64 : memref<1x40x128xi32, #tpu.memory_space<hbm>> -> memref<40x128xi32, #tpu.memory_space<hbm>>
      tpu.enqueue_dma source(%dma_start3A_65 : memref<40x128xi32, #tpu.memory_space<hbm>>) target(%arg4 : memref<40x128xi32, #tpu.memory_space<vmem>>) target_semaphore(%run_scoped3A : memref<!tpu.dma_semaphore, #tpu.memory_space<semaphore_mem>>)
      %dma_wait3A = arith.constant 0 : i32
      %dma_wait3A_66 = arith.constant 0 : i32
      %dma_wait3A_67 = tpu.memref_slice %arg2[%add3A_36, %dma_wait3A, %dma_wait3A_66] : memref<32x40x128xi32, #tpu.memory_space<hbm>> -> memref<1x40x128xi32, #tpu.memory_space<hbm>>
      %dma_wait3A_68 = tpu.memref_squeeze %dma_wait3A_67 : memref<1x40x128xi32, #tpu.memory_space<hbm>> -> memref<40x128xi32, #tpu.memory_space<hbm>>
      %dma_wait3A_69 = arith.constant 0 : i32
      %dma_wait3A_70 = arith.constant 0 : i32
      %dma_wait3A_71 = tpu.memref_slice %arg2[%add3A_36, %dma_wait3A_69, %dma_wait3A_70] : memref<32x40x128xi32, #tpu.memory_space<hbm>> -> memref<1x40x128xi32, #tpu.memory_space<hbm>>
      %dma_wait3A_72 = tpu.memref_squeeze %dma_wait3A_71 : memref<1x40x128xi32, #tpu.memory_space<hbm>> -> memref<40x128xi32, #tpu.memory_space<hbm>>
      tpu.wait_dma2 semaphore(%run_scoped3A : memref<!tpu.dma_semaphore, #tpu.memory_space<semaphore_mem>>) src(%dma_wait3A_72 : memref<40x128xi32, #tpu.memory_space<hbm>>) dst(%arg4 : memref<40x128xi32, #tpu.memory_space<vmem>>)
      tpu.yield
    }) : () -> ()
    %barrier3A = arith.constant 0 : index
    tpu.barrier barrier_id(%barrier3A)
    %scan3A_37 = arith.constant 0 : i32
    %scan3A_38 = arith.constant 0 : i32
    %scan3A_39 = arith.constant 40 : i32
    %scan3A_40 = arith.addi %scan3A_38, %scan3A_39 : i32
    %scan3A_41 = arith.constant 1 : i32
    %scan3A_42 = scf.for %scan3A_59 = %scan3A_38 to %scan3A_40 step %scan3A_41 iter_args(%scan3A_60 = %scan3A_37) -> (i32)  : i32 {
      %dma_start3A = arith.constant 0 : i32
      %dma_start3A_61 = tpu.memref_slice %arg4[%scan3A_59, %dma_start3A] : memref<40x128xi32, #tpu.memory_space<vmem>> -> memref<1x128xi32, #tpu.memory_space<vmem>>
      %dma_start3A_62 = tpu.memref_squeeze %dma_start3A_61 : memref<1x128xi32, #tpu.memory_space<vmem>> -> memref<128xi32, #tpu.memory_space<vmem>>
      %dma_start3A_63 = arith.constant 0 : i32
      %dma_start3A_64 = arith.constant 0 : i32
      %dma_start3A_65 = tpu.memref_slice %arg7[%dma_start3A_63, %dma_start3A_64] : memref<10240x128xf32, #tpu.memory_space<vmem_shared>> -> memref<10240x128xf32, #tpu.memory_space<vmem_shared>>
      tpu.enqueue_indirect_dma source(%arg5 : memref<128x128xf32, #tpu.memory_space<vmem>>) target(%dma_start3A_65 : memref<10240x128xf32, #tpu.memory_space<vmem_shared>>) offsets(%dma_start3A_62 : memref<128xi32, #tpu.memory_space<vmem>>) semaphore(%arg8 : memref<!tpu.dma_semaphore, #tpu.memory_space<semaphore_mem>>) {add = true}
      %scan3A_66 = arith.constant 0 : i32
      scf.yield %scan3A_66 : i32
    }
    %scan3A_43 = arith.constant 40 : i32
    %scan3A_44 = arith.constant 0 : i32
    %scan3A_45 = arith.constant 0 : i32
    %scan3A_46 = arith.constant 40 : i32
    %scan3A_47 = arith.addi %scan3A_45, %scan3A_46 : i32
    %scan3A_48 = arith.constant 1 : i32
    %scan3A_49 = scf.for %scan3A_59 = %scan3A_45 to %scan3A_47 step %scan3A_48 iter_args(%scan3A_60 = %scan3A_44) -> (i32)  : i32 {
      %dma_wait3A = arith.constant 0 : i32
      %dma_wait3A_61 = arith.constant 0 : i32
      %dma_wait3A_62 = tpu.memref_slice %arg4[%dma_wait3A, %dma_wait3A_61] : memref<40x128xi32, #tpu.memory_space<vmem>> -> memref<1x128xi32, #tpu.memory_space<vmem>>
      %dma_wait3A_63 = tpu.memref_squeeze %dma_wait3A_62 : memref<1x128xi32, #tpu.memory_space<vmem>> -> memref<128xi32, #tpu.memory_space<vmem>>
      %dma_wait3A_64 = arith.constant 0 : i32
      %dma_wait3A_65 = arith.constant 0 : i32
      %dma_wait3A_66 = tpu.memref_slice %arg7[%dma_wait3A_64, %dma_wait3A_65] : memref<10240x128xf32, #tpu.memory_space<vmem_shared>> -> memref<10240x128xf32, #tpu.memory_space<vmem_shared>>
      tpu.wait_indirect_dma semaphore(%arg8 : memref<!tpu.dma_semaphore, #tpu.memory_space<semaphore_mem>>) src(%arg5 : memref<128x128xf32, #tpu.memory_space<vmem>>) dst(%dma_wait3A_66 : memref<10240x128xf32, #tpu.memory_space<vmem_shared>>)
      %scan3A_67 = arith.constant 0 : i32
      scf.yield %scan3A_67 : i32
    }
    %scan3A_50 = arith.constant 40 : i32
    %barrier3A_51 = arith.constant 0 : index
    tpu.barrier barrier_id(%barrier3A_51)
    %eq3A = arith.constant 0 : i32
    %eq3A_52 = arith.cmpi eq, %arg0, %eq3A : i32
    %convert_element_type3A = arith.extui %eq3A_52 : i1 to i32
    %cond3A = arith.constant 0 : i32
    %cond3A_53 = arith.cmpi ne, %convert_element_type3A, %cond3A : i32
    scf.if %cond3A_53 {
      %mul3A_59 = arith.constant 640 : i32
      %mul3A_60 = arith.muli %arg1, %mul3A_59 : i32
      %add3A_61 = arith.constant 0 : i32
      %add3A_62 = arith.addi %mul3A_60, %add3A_61 : i32
      "tpu.region"() ({
        %run_scoped3A_83 = tpu.sem_alloc : memref<!tpu.dma_semaphore, #tpu.memory_space<semaphore_mem>>
        %dma_start3A = arith.constant 0 : i32
        %dma_start3A_84 = tpu.memref_slice %arg7[%add3A_62, %dma_start3A] : memref<10240x128xf32, #tpu.memory_space<vmem_shared>> -> memref<128x128xf32, #tpu.memory_space<vmem_shared>>
        %dma_start3A_85 = arith.constant 0 : i32
        %dma_start3A_86 = tpu.memref_slice %arg7[%add3A_62, %dma_start3A_85] : memref<10240x128xf32, #tpu.memory_space<vmem_shared>> -> memref<128x128xf32, #tpu.memory_space<vmem_shared>>
        tpu.enqueue_dma source(%dma_start3A_86 : memref<128x128xf32, #tpu.memory_space<vmem_shared>>) target(%arg6 : memref<128x128xf32, #tpu.memory_space<vmem>>) target_semaphore(%run_scoped3A_83 : memref<!tpu.dma_semaphore, #tpu.memory_space<semaphore_mem>>)
        %dma_wait3A = arith.constant 0 : i32
        %dma_wait3A_87 = tpu.memref_slice %arg7[%add3A_62, %dma_wait3A] : memref<10240x128xf32, #tpu.memory_space<vmem_shared>> -> memref<128x128xf32, #tpu.memory_space<vmem_shared>>
        %dma_wait3A_88 = arith.constant 0 : i32
        %dma_wait3A_89 = tpu.memref_slice %arg7[%add3A_62, %dma_wait3A_88] : memref<10240x128xf32, #tpu.memory_space<vmem_shared>> -> memref<128x128xf32, #tpu.memory_space<vmem_shared>>
        tpu.wait_dma2 semaphore(%run_scoped3A_83 : memref<!tpu.dma_semaphore, #tpu.memory_space<semaphore_mem>>) src(%dma_wait3A_89 : memref<128x128xf32, #tpu.memory_space<vmem_shared>>) dst(%arg6 : memref<128x128xf32, #tpu.memory_space<vmem>>)
        tpu.yield
      }) : () -> ()
      %run_scoped3A = arith.constant 0 : i32
      "tpu.region"() ({
        %run_scoped3A_83 = tpu.sem_alloc : memref<!tpu.dma_semaphore, #tpu.memory_space<semaphore_mem>>
        %dma_start3A = arith.constant 0 : i32
        %dma_start3A_84 = arith.constant 0 : i32
        %dma_start3A_85 = tpu.memref_slice %arg3[%run_scoped3A, %dma_start3A, %dma_start3A_84] : memref<2x10240x128xf32, #tpu.memory_space<hbm>> -> memref<1x10240x128xf32, #tpu.memory_space<hbm>>
        %dma_start3A_86 = tpu.memref_squeeze %dma_start3A_85 : memref<1x10240x128xf32, #tpu.memory_space<hbm>> -> memref<10240x128xf32, #tpu.memory_space<hbm>>
        %dma_start3A_87 = arith.constant 0 : i32
        %dma_start3A_88 = tpu.memref_slice %dma_start3A_86[%add3A_62, %dma_start3A_87] : memref<10240x128xf32, #tpu.memory_space<hbm>> -> memref<128x128xf32, #tpu.memory_space<hbm>>
        %dma_start3A_89 = arith.constant 0 : i32
        %dma_start3A_90 = arith.constant 0 : i32
        %dma_start3A_91 = tpu.memref_slice %arg3[%run_scoped3A, %dma_start3A_89, %dma_start3A_90] : memref<2x10240x128xf32, #tpu.memory_space<hbm>> -> memref<1x10240x128xf32, #tpu.memory_space<hbm>>
        %dma_start3A_92 = tpu.memref_squeeze %dma_start3A_91 : memref<1x10240x128xf32, #tpu.memory_space<hbm>> -> memref<10240x128xf32, #tpu.memory_space<hbm>>
        %dma_start3A_93 = arith.constant 0 : i32
        %dma_start3A_94 = tpu.memref_slice %dma_start3A_92[%add3A_62, %dma_start3A_93] : memref<10240x128xf32, #tpu.memory_space<hbm>> -> memref<128x128xf32, #tpu.memory_space<hbm>>
        tpu.enqueue_dma source(%arg6 : memref<128x128xf32, #tpu.memory_space<vmem>>) target(%dma_start3A_94 : memref<128x128xf32, #tpu.memory_space<hbm>>) target_semaphore(%run_scoped3A_83 : memref<!tpu.dma_semaphore, #tpu.memory_space<semaphore_mem>>)
        %dma_wait3A = arith.constant 0 : i32
        %dma_wait3A_95 = arith.constant 0 : i32
        %dma_wait3A_96 = tpu.memref_slice %arg3[%run_scoped3A, %dma_wait3A, %dma_wait3A_95] : memref<2x10240x128xf32, #tpu.memory_space<hbm>> -> memref<1x10240x128xf32, #tpu.memory_space<hbm>>
        %dma_wait3A_97 = tpu.memref_squeeze %dma_wait3A_96 : memref<1x10240x128xf32, #tpu.memory_space<hbm>> -> memref<10240x128xf32, #tpu.memory_space<hbm>>
        %dma_wait3A_98 = arith.constant 0 : i32
        %dma_wait3A_99 = tpu.memref_slice %dma_wait3A_97[%add3A_62, %dma_wait3A_98] : memref<10240x128xf32, #tpu.memory_space<hbm>> -> memref<128x128xf32, #tpu.memory_space<hbm>>
        %dma_wait3A_100 = arith.constant 0 : i32
        %dma_wait3A_101 = arith.constant 0 : i32
        %dma_wait3A_102 = tpu.memref_slice %arg3[%run_scoped3A, %dma_wait3A_100, %dma_wait3A_101] : memref<2x10240x128xf32, #tpu.memory_space<hbm>> -> memref<1x10240x128xf32, #tpu.memory_space<hbm>>
        %dma_wait3A_103 = tpu.memref_squeeze %dma_wait3A_102 : memref<1x10240x128xf32, #tpu.memory_space<hbm>> -> memref<10240x128xf32, #tpu.memory_space<hbm>>
        %dma_wait3A_104 = arith.constant 0 : i32
        %dma_wait3A_105 = tpu.memref_slice %dma_wait3A_103[%add3A_62, %dma_wait3A_104] : memref<10240x128xf32, #tpu.memory_space<hbm>> -> memref<128x128xf32, #tpu.memory_space<hbm>>
        tpu.wait_dma2 semaphore(%run_scoped3A_83 : memref<!tpu.dma_semaphore, #tpu.memory_space<semaphore_mem>>) src(%arg6 : memref<128x128xf32, #tpu.memory_space<vmem>>) dst(%dma_wait3A_105 : memref<128x128xf32, #tpu.memory_space<hbm>>)
        tpu.yield
      }) : () -> ()
      %mul3A_63 = arith.constant 640 : i32
      %mul3A_64 = arith.muli %arg1, %mul3A_63 : i32
      %add3A_65 = arith.constant 128 : i32
      %add3A_66 = arith.addi %mul3A_64, %add3A_65 : i32
      "tpu.region"() ({
        %run_scoped3A_83 = tpu.sem_alloc : memref<!tpu.dma_semaphore, #tpu.memory_space<semaphore_mem>>
        %dma_start3A = arith.constant 0 : i32
        %dma_start3A_84 = tpu.memref_slice %arg7[%add3A_66, %dma_start3A] : memref<10240x128xf32, #tpu.memory_space<vmem_shared>> -> memref<128x128xf32, #tpu.memory_space<vmem_shared>>
        %dma_start3A_85 = arith.constant 0 : i32
        %dma_start3A_86 = tpu.memref_slice %arg7[%add3A_66, %dma_start3A_85] : memref<10240x128xf32, #tpu.memory_space<vmem_shared>> -> memref<128x128xf32, #tpu.memory_space<vmem_shared>>
        tpu.enqueue_dma source(%dma_start3A_86 : memref<128x128xf32, #tpu.memory_space<vmem_shared>>) target(%arg6 : memref<128x128xf32, #tpu.memory_space<vmem>>) target_semaphore(%run_scoped3A_83 : memref<!tpu.dma_semaphore, #tpu.memory_space<semaphore_mem>>)
        %dma_wait3A = arith.constant 0 : i32
        %dma_wait3A_87 = tpu.memref_slice %arg7[%add3A_66, %dma_wait3A] : memref<10240x128xf32, #tpu.memory_space<vmem_shared>> -> memref<128x128xf32, #tpu.memory_space<vmem_shared>>
        %dma_wait3A_88 = arith.constant 0 : i32
        %dma_wait3A_89 = tpu.memref_slice %arg7[%add3A_66, %dma_wait3A_88] : memref<10240x128xf32, #tpu.memory_space<vmem_shared>> -> memref<128x128xf32, #tpu.memory_space<vmem_shared>>
        tpu.wait_dma2 semaphore(%run_scoped3A_83 : memref<!tpu.dma_semaphore, #tpu.memory_space<semaphore_mem>>) src(%dma_wait3A_89 : memref<128x128xf32, #tpu.memory_space<vmem_shared>>) dst(%arg6 : memref<128x128xf32, #tpu.memory_space<vmem>>)
        tpu.yield
      }) : () -> ()
      %run_scoped3A_67 = arith.constant 0 : i32
      "tpu.region"() ({
        %run_scoped3A_83 = tpu.sem_alloc : memref<!tpu.dma_semaphore, #tpu.memory_space<semaphore_mem>>
        %dma_start3A = arith.constant 0 : i32
        %dma_start3A_84 = arith.constant 0 : i32
        %dma_start3A_85 = tpu.memref_slice %arg3[%run_scoped3A_67, %dma_start3A, %dma_start3A_84] : memref<2x10240x128xf32, #tpu.memory_space<hbm>> -> memref<1x10240x128xf32, #tpu.memory_space<hbm>>
        %dma_start3A_86 = tpu.memref_squeeze %dma_start3A_85 : memref<1x10240x128xf32, #tpu.memory_space<hbm>> -> memref<10240x128xf32, #tpu.memory_space<hbm>>
        %dma_start3A_87 = arith.constant 0 : i32
        %dma_start3A_88 = tpu.memref_slice %dma_start3A_86[%add3A_66, %dma_start3A_87] : memref<10240x128xf32, #tpu.memory_space<hbm>> -> memref<128x128xf32, #tpu.memory_space<hbm>>
        %dma_start3A_89 = arith.constant 0 : i32
        %dma_start3A_90 = arith.constant 0 : i32
        %dma_start3A_91 = tpu.memref_slice %arg3[%run_scoped3A_67, %dma_start3A_89, %dma_start3A_90] : memref<2x10240x128xf32, #tpu.memory_space<hbm>> -> memref<1x10240x128xf32, #tpu.memory_space<hbm>>
        %dma_start3A_92 = tpu.memref_squeeze %dma_start3A_91 : memref<1x10240x128xf32, #tpu.memory_space<hbm>> -> memref<10240x128xf32, #tpu.memory_space<hbm>>
        %dma_start3A_93 = arith.constant 0 : i32
        %dma_start3A_94 = tpu.memref_slice %dma_start3A_92[%add3A_66, %dma_start3A_93] : memref<10240x128xf32, #tpu.memory_space<hbm>> -> memref<128x128xf32, #tpu.memory_space<hbm>>
        tpu.enqueue_dma source(%arg6 : memref<128x128xf32, #tpu.memory_space<vmem>>) target(%dma_start3A_94 : memref<128x128xf32, #tpu.memory_space<hbm>>) target_semaphore(%run_scoped3A_83 : memref<!tpu.dma_semaphore, #tpu.memory_space<semaphore_mem>>)
        %dma_wait3A = arith.constant 0 : i32
        %dma_wait3A_95 = arith.constant 0 : i32
        %dma_wait3A_96 = tpu.memref_slice %arg3[%run_scoped3A_67, %dma_wait3A, %dma_wait3A_95] : memref<2x10240x128xf32, #tpu.memory_space<hbm>> -> memref<1x10240x128xf32, #tpu.memory_space<hbm>>
        %dma_wait3A_97 = tpu.memref_squeeze %dma_wait3A_96 : memref<1x10240x128xf32, #tpu.memory_space<hbm>> -> memref<10240x128xf32, #tpu.memory_space<hbm>>
        %dma_wait3A_98 = arith.constant 0 : i32
        %dma_wait3A_99 = tpu.memref_slice %dma_wait3A_97[%add3A_66, %dma_wait3A_98] : memref<10240x128xf32, #tpu.memory_space<hbm>> -> memref<128x128xf32, #tpu.memory_space<hbm>>
        %dma_wait3A_100 = arith.constant 0 : i32
        %dma_wait3A_101 = arith.constant 0 : i32
        %dma_wait3A_102 = tpu.memref_slice %arg3[%run_scoped3A_67, %dma_wait3A_100, %dma_wait3A_101] : memref<2x10240x128xf32, #tpu.memory_space<hbm>> -> memref<1x10240x128xf32, #tpu.memory_space<hbm>>
        %dma_wait3A_103 = tpu.memref_squeeze %dma_wait3A_102 : memref<1x10240x128xf32, #tpu.memory_space<hbm>> -> memref<10240x128xf32, #tpu.memory_space<hbm>>
        %dma_wait3A_104 = arith.constant 0 : i32
        %dma_wait3A_105 = tpu.memref_slice %dma_wait3A_103[%add3A_66, %dma_wait3A_104] : memref<10240x128xf32, #tpu.memory_space<hbm>> -> memref<128x128xf32, #tpu.memory_space<hbm>>
        tpu.wait_dma2 semaphore(%run_scoped3A_83 : memref<!tpu.dma_semaphore, #tpu.memory_space<semaphore_mem>>) src(%arg6 : memref<128x128xf32, #tpu.memory_space<vmem>>) dst(%dma_wait3A_105 : memref<128x128xf32, #tpu.memory_space<hbm>>)
        tpu.yield
      }) : () -> ()
      %mul3A_68 = arith.constant 640 : i32
      %mul3A_69 = arith.muli %arg1, %mul3A_68 : i32
      %add3A_70 = arith.constant 256 : i32
      %add3A_71 = arith.addi %mul3A_69, %add3A_70 : i32
      "tpu.region"() ({
        %run_scoped3A_83 = tpu.sem_alloc : memref<!tpu.dma_semaphore, #tpu.memory_space<semaphore_mem>>
        %dma_start3A = arith.constant 0 : i32
        %dma_start3A_84 = tpu.memref_slice %arg7[%add3A_71, %dma_start3A] : memref<10240x128xf32, #tpu.memory_space<vmem_shared>> -> memref<128x128xf32, #tpu.memory_space<vmem_shared>>
        %dma_start3A_85 = arith.constant 0 : i32
        %dma_start3A_86 = tpu.memref_slice %arg7[%add3A_71, %dma_start3A_85] : memref<10240x128xf32, #tpu.memory_space<vmem_shared>> -> memref<128x128xf32, #tpu.memory_space<vmem_shared>>
        tpu.enqueue_dma source(%dma_start3A_86 : memref<128x128xf32, #tpu.memory_space<vmem_shared>>) target(%arg6 : memref<128x128xf32, #tpu.memory_space<vmem>>) target_semaphore(%run_scoped3A_83 : memref<!tpu.dma_semaphore, #tpu.memory_space<semaphore_mem>>)
        %dma_wait3A = arith.constant 0 : i32
        %dma_wait3A_87 = tpu.memref_slice %arg7[%add3A_71, %dma_wait3A] : memref<10240x128xf32, #tpu.memory_space<vmem_shared>> -> memref<128x128xf32, #tpu.memory_space<vmem_shared>>
        %dma_wait3A_88 = arith.constant 0 : i32
        %dma_wait3A_89 = tpu.memref_slice %arg7[%add3A_71, %dma_wait3A_88] : memref<10240x128xf32, #tpu.memory_space<vmem_shared>> -> memref<128x128xf32, #tpu.memory_space<vmem_shared>>
        tpu.wait_dma2 semaphore(%run_scoped3A_83 : memref<!tpu.dma_semaphore, #tpu.memory_space<semaphore_mem>>) src(%dma_wait3A_89 : memref<128x128xf32, #tpu.memory_space<vmem_shared>>) dst(%arg6 : memref<128x128xf32, #tpu.memory_space<vmem>>)
        tpu.yield
      }) : () -> ()
      %run_scoped3A_72 = arith.constant 0 : i32
      "tpu.region"() ({
        %run_scoped3A_83 = tpu.sem_alloc : memref<!tpu.dma_semaphore, #tpu.memory_space<semaphore_mem>>
        %dma_start3A = arith.constant 0 : i32
        %dma_start3A_84 = arith.constant 0 : i32
        %dma_start3A_85 = tpu.memref_slice %arg3[%run_scoped3A_72, %dma_start3A, %dma_start3A_84] : memref<2x10240x128xf32, #tpu.memory_space<hbm>> -> memref<1x10240x128xf32, #tpu.memory_space<hbm>>
        %dma_start3A_86 = tpu.memref_squeeze %dma_start3A_85 : memref<1x10240x128xf32, #tpu.memory_space<hbm>> -> memref<10240x128xf32, #tpu.memory_space<hbm>>
        %dma_start3A_87 = arith.constant 0 : i32
        %dma_start3A_88 = tpu.memref_slice %dma_start3A_86[%add3A_71, %dma_start3A_87] : memref<10240x128xf32, #tpu.memory_space<hbm>> -> memref<128x128xf32, #tpu.memory_space<hbm>>
        %dma_start3A_89 = arith.constant 0 : i32
        %dma_start3A_90 = arith.constant 0 : i32
        %dma_start3A_91 = tpu.memref_slice %arg3[%run_scoped3A_72, %dma_start3A_89, %dma_start3A_90] : memref<2x10240x128xf32, #tpu.memory_space<hbm>> -> memref<1x10240x128xf32, #tpu.memory_space<hbm>>
        %dma_start3A_92 = tpu.memref_squeeze %dma_start3A_91 : memref<1x10240x128xf32, #tpu.memory_space<hbm>> -> memref<10240x128xf32, #tpu.memory_space<hbm>>
        %dma_start3A_93 = arith.constant 0 : i32
        %dma_start3A_94 = tpu.memref_slice %dma_start3A_92[%add3A_71, %dma_start3A_93] : memref<10240x128xf32, #tpu.memory_space<hbm>> -> memref<128x128xf32, #tpu.memory_space<hbm>>
        tpu.enqueue_dma source(%arg6 : memref<128x128xf32, #tpu.memory_space<vmem>>) target(%dma_start3A_94 : memref<128x128xf32, #tpu.memory_space<hbm>>) target_semaphore(%run_scoped3A_83 : memref<!tpu.dma_semaphore, #tpu.memory_space<semaphore_mem>>)
        %dma_wait3A = arith.constant 0 : i32
        %dma_wait3A_95 = arith.constant 0 : i32
        %dma_wait3A_96 = tpu.memref_slice %arg3[%run_scoped3A_72, %dma_wait3A, %dma_wait3A_95] : memref<2x10240x128xf32, #tpu.memory_space<hbm>> -> memref<1x10240x128xf32, #tpu.memory_space<hbm>>
        %dma_wait3A_97 = tpu.memref_squeeze %dma_wait3A_96 : memref<1x10240x128xf32, #tpu.memory_space<hbm>> -> memref<10240x128xf32, #tpu.memory_space<hbm>>
        %dma_wait3A_98 = arith.constant 0 : i32
        %dma_wait3A_99 = tpu.memref_slice %dma_wait3A_97[%add3A_71, %dma_wait3A_98] : memref<10240x128xf32, #tpu.memory_space<hbm>> -> memref<128x128xf32, #tpu.memory_space<hbm>>
        %dma_wait3A_100 = arith.constant 0 : i32
        %dma_wait3A_101 = arith.constant 0 : i32
        %dma_wait3A_102 = tpu.memref_slice %arg3[%run_scoped3A_72, %dma_wait3A_100, %dma_wait3A_101] : memref<2x10240x128xf32, #tpu.memory_space<hbm>> -> memref<1x10240x128xf32, #tpu.memory_space<hbm>>
        %dma_wait3A_103 = tpu.memref_squeeze %dma_wait3A_102 : memref<1x10240x128xf32, #tpu.memory_space<hbm>> -> memref<10240x128xf32, #tpu.memory_space<hbm>>
        %dma_wait3A_104 = arith.constant 0 : i32
        %dma_wait3A_105 = tpu.memref_slice %dma_wait3A_103[%add3A_71, %dma_wait3A_104] : memref<10240x128xf32, #tpu.memory_space<hbm>> -> memref<128x128xf32, #tpu.memory_space<hbm>>
        tpu.wait_dma2 semaphore(%run_scoped3A_83 : memref<!tpu.dma_semaphore, #tpu.memory_space<semaphore_mem>>) src(%arg6 : memref<128x128xf32, #tpu.memory_space<vmem>>) dst(%dma_wait3A_105 : memref<128x128xf32, #tpu.memory_space<hbm>>)
        tpu.yield
      }) : () -> ()
      %mul3A_73 = arith.constant 640 : i32
      %mul3A_74 = arith.muli %arg1, %mul3A_73 : i32
      %add3A_75 = arith.constant 384 : i32
      %add3A_76 = arith.addi %mul3A_74, %add3A_75 : i32
      "tpu.region"() ({
        %run_scoped3A_83 = tpu.sem_alloc : memref<!tpu.dma_semaphore, #tpu.memory_space<semaphore_mem>>
        %dma_start3A = arith.constant 0 : i32
        %dma_start3A_84 = tpu.memref_slice %arg7[%add3A_76, %dma_start3A] : memref<10240x128xf32, #tpu.memory_space<vmem_shared>> -> memref<128x128xf32, #tpu.memory_space<vmem_shared>>
        %dma_start3A_85 = arith.constant 0 : i32
        %dma_start3A_86 = tpu.memref_slice %arg7[%add3A_76, %dma_start3A_85] : memref<10240x128xf32, #tpu.memory_space<vmem_shared>> -> memref<128x128xf32, #tpu.memory_space<vmem_shared>>
        tpu.enqueue_dma source(%dma_start3A_86 : memref<128x128xf32, #tpu.memory_space<vmem_shared>>) target(%arg6 : memref<128x128xf32, #tpu.memory_space<vmem>>) target_semaphore(%run_scoped3A_83 : memref<!tpu.dma_semaphore, #tpu.memory_space<semaphore_mem>>)
        %dma_wait3A = arith.constant 0 : i32
        %dma_wait3A_87 = tpu.memref_slice %arg7[%add3A_76, %dma_wait3A] : memref<10240x128xf32, #tpu.memory_space<vmem_shared>> -> memref<128x128xf32, #tpu.memory_space<vmem_shared>>
        %dma_wait3A_88 = arith.constant 0 : i32
        %dma_wait3A_89 = tpu.memref_slice %arg7[%add3A_76, %dma_wait3A_88] : memref<10240x128xf32, #tpu.memory_space<vmem_shared>> -> memref<128x128xf32, #tpu.memory_space<vmem_shared>>
        tpu.wait_dma2 semaphore(%run_scoped3A_83 : memref<!tpu.dma_semaphore, #tpu.memory_space<semaphore_mem>>) src(%dma_wait3A_89 : memref<128x128xf32, #tpu.memory_space<vmem_shared>>) dst(%arg6 : memref<128x128xf32, #tpu.memory_space<vmem>>)
        tpu.yield
      }) : () -> ()
      %run_scoped3A_77 = arith.constant 0 : i32
      "tpu.region"() ({
        %run_scoped3A_83 = tpu.sem_alloc : memref<!tpu.dma_semaphore, #tpu.memory_space<semaphore_mem>>
        %dma_start3A = arith.constant 0 : i32
        %dma_start3A_84 = arith.constant 0 : i32
        %dma_start3A_85 = tpu.memref_slice %arg3[%run_scoped3A_77, %dma_start3A, %dma_start3A_84] : memref<2x10240x128xf32, #tpu.memory_space<hbm>> -> memref<1x10240x128xf32, #tpu.memory_space<hbm>>
        %dma_start3A_86 = tpu.memref_squeeze %dma_start3A_85 : memref<1x10240x128xf32, #tpu.memory_space<hbm>> -> memref<10240x128xf32, #tpu.memory_space<hbm>>
        %dma_start3A_87 = arith.constant 0 : i32
        %dma_start3A_88 = tpu.memref_slice %dma_start3A_86[%add3A_76, %dma_start3A_87] : memref<10240x128xf32, #tpu.memory_space<hbm>> -> memref<128x128xf32, #tpu.memory_space<hbm>>
        %dma_start3A_89 = arith.constant 0 : i32
        %dma_start3A_90 = arith.constant 0 : i32
        %dma_start3A_91 = tpu.memref_slice %arg3[%run_scoped3A_77, %dma_start3A_89, %dma_start3A_90] : memref<2x10240x128xf32, #tpu.memory_space<hbm>> -> memref<1x10240x128xf32, #tpu.memory_space<hbm>>
        %dma_start3A_92 = tpu.memref_squeeze %dma_start3A_91 : memref<1x10240x128xf32, #tpu.memory_space<hbm>> -> memref<10240x128xf32, #tpu.memory_space<hbm>>
        %dma_start3A_93 = arith.constant 0 : i32
        %dma_start3A_94 = tpu.memref_slice %dma_start3A_92[%add3A_76, %dma_start3A_93] : memref<10240x128xf32, #tpu.memory_space<hbm>> -> memref<128x128xf32, #tpu.memory_space<hbm>>
        tpu.enqueue_dma source(%arg6 : memref<128x128xf32, #tpu.memory_space<vmem>>) target(%dma_start3A_94 : memref<128x128xf32, #tpu.memory_space<hbm>>) target_semaphore(%run_scoped3A_83 : memref<!tpu.dma_semaphore, #tpu.memory_space<semaphore_mem>>)
        %dma_wait3A = arith.constant 0 : i32
        %dma_wait3A_95 = arith.constant 0 : i32
        %dma_wait3A_96 = tpu.memref_slice %arg3[%run_scoped3A_77, %dma_wait3A, %dma_wait3A_95] : memref<2x10240x128xf32, #tpu.memory_space<hbm>> -> memref<1x10240x128xf32, #tpu.memory_space<hbm>>
        %dma_wait3A_97 = tpu.memref_squeeze %dma_wait3A_96 : memref<1x10240x128xf32, #tpu.memory_space<hbm>> -> memref<10240x128xf32, #tpu.memory_space<hbm>>
        %dma_wait3A_98 = arith.constant 0 : i32
        %dma_wait3A_99 = tpu.memref_slice %dma_wait3A_97[%add3A_76, %dma_wait3A_98] : memref<10240x128xf32, #tpu.memory_space<hbm>> -> memref<128x128xf32, #tpu.memory_space<hbm>>
        %dma_wait3A_100 = arith.constant 0 : i32
        %dma_wait3A_101 = arith.constant 0 : i32
        %dma_wait3A_102 = tpu.memref_slice %arg3[%run_scoped3A_77, %dma_wait3A_100, %dma_wait3A_101] : memref<2x10240x128xf32, #tpu.memory_space<hbm>> -> memref<1x10240x128xf32, #tpu.memory_space<hbm>>
        %dma_wait3A_103 = tpu.memref_squeeze %dma_wait3A_102 : memref<1x10240x128xf32, #tpu.memory_space<hbm>> -> memref<10240x128xf32, #tpu.memory_space<hbm>>
        %dma_wait3A_104 = arith.constant 0 : i32
        %dma_wait3A_105 = tpu.memref_slice %dma_wait3A_103[%add3A_76, %dma_wait3A_104] : memref<10240x128xf32, #tpu.memory_space<hbm>> -> memref<128x128xf32, #tpu.memory_space<hbm>>
        tpu.wait_dma2 semaphore(%run_scoped3A_83 : memref<!tpu.dma_semaphore, #tpu.memory_space<semaphore_mem>>) src(%arg6 : memref<128x128xf32, #tpu.memory_space<vmem>>) dst(%dma_wait3A_105 : memref<128x128xf32, #tpu.memory_space<hbm>>)
        tpu.yield
      }) : () -> ()
      %mul3A_78 = arith.constant 640 : i32
      %mul3A_79 = arith.muli %arg1, %mul3A_78 : i32
      %add3A_80 = arith.constant 512 : i32
      %add3A_81 = arith.addi %mul3A_79, %add3A_80 : i32
      "tpu.region"() ({
        %run_scoped3A_83 = tpu.sem_alloc : memref<!tpu.dma_semaphore, #tpu.memory_space<semaphore_mem>>
        %dma_start3A = arith.constant 0 : i32
        %dma_start3A_84 = tpu.memref_slice %arg7[%add3A_81, %dma_start3A] : memref<10240x128xf32, #tpu.memory_space<vmem_shared>> -> memref<128x128xf32, #tpu.memory_space<vmem_shared>>
        %dma_start3A_85 = arith.constant 0 : i32
        %dma_start3A_86 = tpu.memref_slice %arg7[%add3A_81, %dma_start3A_85] : memref<10240x128xf32, #tpu.memory_space<vmem_shared>> -> memref<128x128xf32, #tpu.memory_space<vmem_shared>>
        tpu.enqueue_dma source(%dma_start3A_86 : memref<128x128xf32, #tpu.memory_space<vmem_shared>>) target(%arg6 : memref<128x128xf32, #tpu.memory_space<vmem>>) target_semaphore(%run_scoped3A_83 : memref<!tpu.dma_semaphore, #tpu.memory_space<semaphore_mem>>)
        %dma_wait3A = arith.constant 0 : i32
        %dma_wait3A_87 = tpu.memref_slice %arg7[%add3A_81, %dma_wait3A] : memref<10240x128xf32, #tpu.memory_space<vmem_shared>> -> memref<128x128xf32, #tpu.memory_space<vmem_shared>>
        %dma_wait3A_88 = arith.constant 0 : i32
        %dma_wait3A_89 = tpu.memref_slice %arg7[%add3A_81, %dma_wait3A_88] : memref<10240x128xf32, #tpu.memory_space<vmem_shared>> -> memref<128x128xf32, #tpu.memory_space<vmem_shared>>
        tpu.wait_dma2 semaphore(%run_scoped3A_83 : memref<!tpu.dma_semaphore, #tpu.memory_space<semaphore_mem>>) src(%dma_wait3A_89 : memref<128x128xf32, #tpu.memory_space<vmem_shared>>) dst(%arg6 : memref<128x128xf32, #tpu.memory_space<vmem>>)
        tpu.yield
      }) : () -> ()
      %run_scoped3A_82 = arith.constant 0 : i32
      "tpu.region"() ({
        %run_scoped3A_83 = tpu.sem_alloc : memref<!tpu.dma_semaphore, #tpu.memory_space<semaphore_mem>>
        %dma_start3A = arith.constant 0 : i32
        %dma_start3A_84 = arith.constant 0 : i32
        %dma_start3A_85 = tpu.memref_slice %arg3[%run_scoped3A_82, %dma_start3A, %dma_start3A_84] : memref<2x10240x128xf32, #tpu.memory_space<hbm>> -> memref<1x10240x128xf32, #tpu.memory_space<hbm>>
        %dma_start3A_86 = tpu.memref_squeeze %dma_start3A_85 : memref<1x10240x128xf32, #tpu.memory_space<hbm>> -> memref<10240x128xf32, #tpu.memory_space<hbm>>
        %dma_start3A_87 = arith.constant 0 : i32
        %dma_start3A_88 = tpu.memref_slice %dma_start3A_86[%add3A_81, %dma_start3A_87] : memref<10240x128xf32, #tpu.memory_space<hbm>> -> memref<128x128xf32, #tpu.memory_space<hbm>>
        %dma_start3A_89 = arith.constant 0 : i32
        %dma_start3A_90 = arith.constant 0 : i32
        %dma_start3A_91 = tpu.memref_slice %arg3[%run_scoped3A_82, %dma_start3A_89, %dma_start3A_90] : memref<2x10240x128xf32, #tpu.memory_space<hbm>> -> memref<1x10240x128xf32, #tpu.memory_space<hbm>>
        %dma_start3A_92 = tpu.memref_squeeze %dma_start3A_91 : memref<1x10240x128xf32, #tpu.memory_space<hbm>> -> memref<10240x128xf32, #tpu.memory_space<hbm>>
        %dma_start3A_93 = arith.constant 0 : i32
        %dma_start3A_94 = tpu.memref_slice %dma_start3A_92[%add3A_81, %dma_start3A_93] : memref<10240x128xf32, #tpu.memory_space<hbm>> -> memref<128x128xf32, #tpu.memory_space<hbm>>
        tpu.enqueue_dma source(%arg6 : memref<128x128xf32, #tpu.memory_space<vmem>>) target(%dma_start3A_94 : memref<128x128xf32, #tpu.memory_space<hbm>>) target_semaphore(%run_scoped3A_83 : memref<!tpu.dma_semaphore, #tpu.memory_space<semaphore_mem>>)
        %dma_wait3A = arith.constant 0 : i32
        %dma_wait3A_95 = arith.constant 0 : i32
        %dma_wait3A_96 = tpu.memref_slice %arg3[%run_scoped3A_82, %dma_wait3A, %dma_wait3A_95] : memref<2x10240x128xf32, #tpu.memory_space<hbm>> -> memref<1x10240x128xf32, #tpu.memory_space<hbm>>
        %dma_wait3A_97 = tpu.memref_squeeze %dma_wait3A_96 : memref<1x10240x128xf32, #tpu.memory_space<hbm>> -> memref<10240x128xf32, #tpu.memory_space<hbm>>
        %dma_wait3A_98 = arith.constant 0 : i32
        %dma_wait3A_99 = tpu.memref_slice %dma_wait3A_97[%add3A_81, %dma_wait3A_98] : memref<10240x128xf32, #tpu.memory_space<hbm>> -> memref<128x128xf32, #tpu.memory_space<hbm>>
        %dma_wait3A_100 = arith.constant 0 : i32
        %dma_wait3A_101 = arith.constant 0 : i32
        %dma_wait3A_102 = tpu.memref_slice %arg3[%run_scoped3A_82, %dma_wait3A_100, %dma_wait3A_101] : memref<2x10240x128xf32, #tpu.memory_space<hbm>> -> memref<1x10240x128xf32, #tpu.memory_space<hbm>>
        %dma_wait3A_103 = tpu.memref_squeeze %dma_wait3A_102 : memref<1x10240x128xf32, #tpu.memory_space<hbm>> -> memref<10240x128xf32, #tpu.memory_space<hbm>>
        %dma_wait3A_104 = arith.constant 0 : i32
        %dma_wait3A_105 = tpu.memref_slice %dma_wait3A_103[%add3A_81, %dma_wait3A_104] : memref<10240x128xf32, #tpu.memory_space<hbm>> -> memref<128x128xf32, #tpu.memory_space<hbm>>
        tpu.wait_dma2 semaphore(%run_scoped3A_83 : memref<!tpu.dma_semaphore, #tpu.memory_space<semaphore_mem>>) src(%arg6 : memref<128x128xf32, #tpu.memory_space<vmem>>) dst(%dma_wait3A_105 : memref<128x128xf32, #tpu.memory_space<hbm>>)
        tpu.yield
      }) : () -> ()
    } else {
    }
    %eq3A_54 = arith.constant 1 : i32
    %eq3A_55 = arith.cmpi eq, %arg0, %eq3A_54 : i32
    %convert_element_type3A_56 = arith.extui %eq3A_55 : i1 to i32
    %cond3A_57 = arith.constant 0 : i32
    %cond3A_58 = arith.cmpi ne, %convert_element_type3A_56, %cond3A_57 : i32
    scf.if %cond3A_58 {
      %mul3A_59 = arith.constant 640 : i32
      %mul3A_60 = arith.muli %arg1, %mul3A_59 : i32
      %add3A_61 = arith.constant 0 : i32
      %add3A_62 = arith.addi %mul3A_60, %add3A_61 : i32
      "tpu.region"() ({
        %run_scoped3A_83 = tpu.sem_alloc : memref<!tpu.dma_semaphore, #tpu.memory_space<semaphore_mem>>
        %dma_start3A = arith.constant 0 : i32
        %dma_start3A_84 = tpu.memref_slice %arg7[%add3A_62, %dma_start3A] : memref<10240x128xf32, #tpu.memory_space<vmem_shared>> -> memref<128x128xf32, #tpu.memory_space<vmem_shared>>
        %dma_start3A_85 = arith.constant 0 : i32
        %dma_start3A_86 = tpu.memref_slice %arg7[%add3A_62, %dma_start3A_85] : memref<10240x128xf32, #tpu.memory_space<vmem_shared>> -> memref<128x128xf32, #tpu.memory_space<vmem_shared>>
        tpu.enqueue_dma source(%dma_start3A_86 : memref<128x128xf32, #tpu.memory_space<vmem_shared>>) target(%arg6 : memref<128x128xf32, #tpu.memory_space<vmem>>) target_semaphore(%run_scoped3A_83 : memref<!tpu.dma_semaphore, #tpu.memory_space<semaphore_mem>>)
        %dma_wait3A = arith.constant 0 : i32
        %dma_wait3A_87 = tpu.memref_slice %arg7[%add3A_62, %dma_wait3A] : memref<10240x128xf32, #tpu.memory_space<vmem_shared>> -> memref<128x128xf32, #tpu.memory_space<vmem_shared>>
        %dma_wait3A_88 = arith.constant 0 : i32
        %dma_wait3A_89 = tpu.memref_slice %arg7[%add3A_62, %dma_wait3A_88] : memref<10240x128xf32, #tpu.memory_space<vmem_shared>> -> memref<128x128xf32, #tpu.memory_space<vmem_shared>>
        tpu.wait_dma2 semaphore(%run_scoped3A_83 : memref<!tpu.dma_semaphore, #tpu.memory_space<semaphore_mem>>) src(%dma_wait3A_89 : memref<128x128xf32, #tpu.memory_space<vmem_shared>>) dst(%arg6 : memref<128x128xf32, #tpu.memory_space<vmem>>)
        tpu.yield
      }) : () -> ()
      %run_scoped3A = arith.constant 1 : i32
      "tpu.region"() ({
        %run_scoped3A_83 = tpu.sem_alloc : memref<!tpu.dma_semaphore, #tpu.memory_space<semaphore_mem>>
        %dma_start3A = arith.constant 0 : i32
        %dma_start3A_84 = arith.constant 0 : i32
        %dma_start3A_85 = tpu.memref_slice %arg3[%run_scoped3A, %dma_start3A, %dma_start3A_84] : memref<2x10240x128xf32, #tpu.memory_space<hbm>> -> memref<1x10240x128xf32, #tpu.memory_space<hbm>>
        %dma_start3A_86 = tpu.memref_squeeze %dma_start3A_85 : memref<1x10240x128xf32, #tpu.memory_space<hbm>> -> memref<10240x128xf32, #tpu.memory_space<hbm>>
        %dma_start3A_87 = arith.constant 0 : i32
        %dma_start3A_88 = tpu.memref_slice %dma_start3A_86[%add3A_62, %dma_start3A_87] : memref<10240x128xf32, #tpu.memory_space<hbm>> -> memref<128x128xf32, #tpu.memory_space<hbm>>
        %dma_start3A_89 = arith.constant 0 : i32
        %dma_start3A_90 = arith.constant 0 : i32
        %dma_start3A_91 = tpu.memref_slice %arg3[%run_scoped3A, %dma_start3A_89, %dma_start3A_90] : memref<2x10240x128xf32, #tpu.memory_space<hbm>> -> memref<1x10240x128xf32, #tpu.memory_space<hbm>>
        %dma_start3A_92 = tpu.memref_squeeze %dma_start3A_91 : memref<1x10240x128xf32, #tpu.memory_space<hbm>> -> memref<10240x128xf32, #tpu.memory_space<hbm>>
        %dma_start3A_93 = arith.constant 0 : i32
        %dma_start3A_94 = tpu.memref_slice %dma_start3A_92[%add3A_62, %dma_start3A_93] : memref<10240x128xf32, #tpu.memory_space<hbm>> -> memref<128x128xf32, #tpu.memory_space<hbm>>
        tpu.enqueue_dma source(%arg6 : memref<128x128xf32, #tpu.memory_space<vmem>>) target(%dma_start3A_94 : memref<128x128xf32, #tpu.memory_space<hbm>>) target_semaphore(%run_scoped3A_83 : memref<!tpu.dma_semaphore, #tpu.memory_space<semaphore_mem>>)
        %dma_wait3A = arith.constant 0 : i32
        %dma_wait3A_95 = arith.constant 0 : i32
        %dma_wait3A_96 = tpu.memref_slice %arg3[%run_scoped3A, %dma_wait3A, %dma_wait3A_95] : memref<2x10240x128xf32, #tpu.memory_space<hbm>> -> memref<1x10240x128xf32, #tpu.memory_space<hbm>>
        %dma_wait3A_97 = tpu.memref_squeeze %dma_wait3A_96 : memref<1x10240x128xf32, #tpu.memory_space<hbm>> -> memref<10240x128xf32, #tpu.memory_space<hbm>>
        %dma_wait3A_98 = arith.constant 0 : i32
        %dma_wait3A_99 = tpu.memref_slice %dma_wait3A_97[%add3A_62, %dma_wait3A_98] : memref<10240x128xf32, #tpu.memory_space<hbm>> -> memref<128x128xf32, #tpu.memory_space<hbm>>
        %dma_wait3A_100 = arith.constant 0 : i32
        %dma_wait3A_101 = arith.constant 0 : i32
        %dma_wait3A_102 = tpu.memref_slice %arg3[%run_scoped3A, %dma_wait3A_100, %dma_wait3A_101] : memref<2x10240x128xf32, #tpu.memory_space<hbm>> -> memref<1x10240x128xf32, #tpu.memory_space<hbm>>
        %dma_wait3A_103 = tpu.memref_squeeze %dma_wait3A_102 : memref<1x10240x128xf32, #tpu.memory_space<hbm>> -> memref<10240x128xf32, #tpu.memory_space<hbm>>
        %dma_wait3A_104 = arith.constant 0 : i32
        %dma_wait3A_105 = tpu.memref_slice %dma_wait3A_103[%add3A_62, %dma_wait3A_104] : memref<10240x128xf32, #tpu.memory_space<hbm>> -> memref<128x128xf32, #tpu.memory_space<hbm>>
        tpu.wait_dma2 semaphore(%run_scoped3A_83 : memref<!tpu.dma_semaphore, #tpu.memory_space<semaphore_mem>>) src(%arg6 : memref<128x128xf32, #tpu.memory_space<vmem>>) dst(%dma_wait3A_105 : memref<128x128xf32, #tpu.memory_space<hbm>>)
        tpu.yield
      }) : () -> ()
      %mul3A_63 = arith.constant 640 : i32
      %mul3A_64 = arith.muli %arg1, %mul3A_63 : i32
      %add3A_65 = arith.constant 128 : i32
      %add3A_66 = arith.addi %mul3A_64, %add3A_65 : i32
      "tpu.region"() ({
        %run_scoped3A_83 = tpu.sem_alloc : memref<!tpu.dma_semaphore, #tpu.memory_space<semaphore_mem>>
        %dma_start3A = arith.constant 0 : i32
        %dma_start3A_84 = tpu.memref_slice %arg7[%add3A_66, %dma_start3A] : memref<10240x128xf32, #tpu.memory_space<vmem_shared>> -> memref<128x128xf32, #tpu.memory_space<vmem_shared>>
        %dma_start3A_85 = arith.constant 0 : i32
        %dma_start3A_86 = tpu.memref_slice %arg7[%add3A_66, %dma_start3A_85] : memref<10240x128xf32, #tpu.memory_space<vmem_shared>> -> memref<128x128xf32, #tpu.memory_space<vmem_shared>>
        tpu.enqueue_dma source(%dma_start3A_86 : memref<128x128xf32, #tpu.memory_space<vmem_shared>>) target(%arg6 : memref<128x128xf32, #tpu.memory_space<vmem>>) target_semaphore(%run_scoped3A_83 : memref<!tpu.dma_semaphore, #tpu.memory_space<semaphore_mem>>)
        %dma_wait3A = arith.constant 0 : i32
        %dma_wait3A_87 = tpu.memref_slice %arg7[%add3A_66, %dma_wait3A] : memref<10240x128xf32, #tpu.memory_space<vmem_shared>> -> memref<128x128xf32, #tpu.memory_space<vmem_shared>>
        %dma_wait3A_88 = arith.constant 0 : i32
        %dma_wait3A_89 = tpu.memref_slice %arg7[%add3A_66, %dma_wait3A_88] : memref<10240x128xf32, #tpu.memory_space<vmem_shared>> -> memref<128x128xf32, #tpu.memory_space<vmem_shared>>
        tpu.wait_dma2 semaphore(%run_scoped3A_83 : memref<!tpu.dma_semaphore, #tpu.memory_space<semaphore_mem>>) src(%dma_wait3A_89 : memref<128x128xf32, #tpu.memory_space<vmem_shared>>) dst(%arg6 : memref<128x128xf32, #tpu.memory_space<vmem>>)
        tpu.yield
      }) : () -> ()
      %run_scoped3A_67 = arith.constant 1 : i32
      "tpu.region"() ({
        %run_scoped3A_83 = tpu.sem_alloc : memref<!tpu.dma_semaphore, #tpu.memory_space<semaphore_mem>>
        %dma_start3A = arith.constant 0 : i32
        %dma_start3A_84 = arith.constant 0 : i32
        %dma_start3A_85 = tpu.memref_slice %arg3[%run_scoped3A_67, %dma_start3A, %dma_start3A_84] : memref<2x10240x128xf32, #tpu.memory_space<hbm>> -> memref<1x10240x128xf32, #tpu.memory_space<hbm>>
        %dma_start3A_86 = tpu.memref_squeeze %dma_start3A_85 : memref<1x10240x128xf32, #tpu.memory_space<hbm>> -> memref<10240x128xf32, #tpu.memory_space<hbm>>
        %dma_start3A_87 = arith.constant 0 : i32
        %dma_start3A_88 = tpu.memref_slice %dma_start3A_86[%add3A_66, %dma_start3A_87] : memref<10240x128xf32, #tpu.memory_space<hbm>> -> memref<128x128xf32, #tpu.memory_space<hbm>>
        %dma_start3A_89 = arith.constant 0 : i32
        %dma_start3A_90 = arith.constant 0 : i32
        %dma_start3A_91 = tpu.memref_slice %arg3[%run_scoped3A_67, %dma_start3A_89, %dma_start3A_90] : memref<2x10240x128xf32, #tpu.memory_space<hbm>> -> memref<1x10240x128xf32, #tpu.memory_space<hbm>>
        %dma_start3A_92 = tpu.memref_squeeze %dma_start3A_91 : memref<1x10240x128xf32, #tpu.memory_space<hbm>> -> memref<10240x128xf32, #tpu.memory_space<hbm>>
        %dma_start3A_93 = arith.constant 0 : i32
        %dma_start3A_94 = tpu.memref_slice %dma_start3A_92[%add3A_66, %dma_start3A_93] : memref<10240x128xf32, #tpu.memory_space<hbm>> -> memref<128x128xf32, #tpu.memory_space<hbm>>
        tpu.enqueue_dma source(%arg6 : memref<128x128xf32, #tpu.memory_space<vmem>>) target(%dma_start3A_94 : memref<128x128xf32, #tpu.memory_space<hbm>>) target_semaphore(%run_scoped3A_83 : memref<!tpu.dma_semaphore, #tpu.memory_space<semaphore_mem>>)
        %dma_wait3A = arith.constant 0 : i32
        %dma_wait3A_95 = arith.constant 0 : i32
        %dma_wait3A_96 = tpu.memref_slice %arg3[%run_scoped3A_67, %dma_wait3A, %dma_wait3A_95] : memref<2x10240x128xf32, #tpu.memory_space<hbm>> -> memref<1x10240x128xf32, #tpu.memory_space<hbm>>
        %dma_wait3A_97 = tpu.memref_squeeze %dma_wait3A_96 : memref<1x10240x128xf32, #tpu.memory_space<hbm>> -> memref<10240x128xf32, #tpu.memory_space<hbm>>
        %dma_wait3A_98 = arith.constant 0 : i32
        %dma_wait3A_99 = tpu.memref_slice %dma_wait3A_97[%add3A_66, %dma_wait3A_98] : memref<10240x128xf32, #tpu.memory_space<hbm>> -> memref<128x128xf32, #tpu.memory_space<hbm>>
        %dma_wait3A_100 = arith.constant 0 : i32
        %dma_wait3A_101 = arith.constant 0 : i32
        %dma_wait3A_102 = tpu.memref_slice %arg3[%run_scoped3A_67, %dma_wait3A_100, %dma_wait3A_101] : memref<2x10240x128xf32, #tpu.memory_space<hbm>> -> memref<1x10240x128xf32, #tpu.memory_space<hbm>>
        %dma_wait3A_103 = tpu.memref_squeeze %dma_wait3A_102 : memref<1x10240x128xf32, #tpu.memory_space<hbm>> -> memref<10240x128xf32, #tpu.memory_space<hbm>>
        %dma_wait3A_104 = arith.constant 0 : i32
        %dma_wait3A_105 = tpu.memref_slice %dma_wait3A_103[%add3A_66, %dma_wait3A_104] : memref<10240x128xf32, #tpu.memory_space<hbm>> -> memref<128x128xf32, #tpu.memory_space<hbm>>
        tpu.wait_dma2 semaphore(%run_scoped3A_83 : memref<!tpu.dma_semaphore, #tpu.memory_space<semaphore_mem>>) src(%arg6 : memref<128x128xf32, #tpu.memory_space<vmem>>) dst(%dma_wait3A_105 : memref<128x128xf32, #tpu.memory_space<hbm>>)
        tpu.yield
      }) : () -> ()
      %mul3A_68 = arith.constant 640 : i32
      %mul3A_69 = arith.muli %arg1, %mul3A_68 : i32
      %add3A_70 = arith.constant 256 : i32
      %add3A_71 = arith.addi %mul3A_69, %add3A_70 : i32
      "tpu.region"() ({
        %run_scoped3A_83 = tpu.sem_alloc : memref<!tpu.dma_semaphore, #tpu.memory_space<semaphore_mem>>
        %dma_start3A = arith.constant 0 : i32
        %dma_start3A_84 = tpu.memref_slice %arg7[%add3A_71, %dma_start3A] : memref<10240x128xf32, #tpu.memory_space<vmem_shared>> -> memref<128x128xf32, #tpu.memory_space<vmem_shared>>
        %dma_start3A_85 = arith.constant 0 : i32
        %dma_start3A_86 = tpu.memref_slice %arg7[%add3A_71, %dma_start3A_85] : memref<10240x128xf32, #tpu.memory_space<vmem_shared>> -> memref<128x128xf32, #tpu.memory_space<vmem_shared>>
        tpu.enqueue_dma source(%dma_start3A_86 : memref<128x128xf32, #tpu.memory_space<vmem_shared>>) target(%arg6 : memref<128x128xf32, #tpu.memory_space<vmem>>) target_semaphore(%run_scoped3A_83 : memref<!tpu.dma_semaphore, #tpu.memory_space<semaphore_mem>>)
        %dma_wait3A = arith.constant 0 : i32
        %dma_wait3A_87 = tpu.memref_slice %arg7[%add3A_71, %dma_wait3A] : memref<10240x128xf32, #tpu.memory_space<vmem_shared>> -> memref<128x128xf32, #tpu.memory_space<vmem_shared>>
        %dma_wait3A_88 = arith.constant 0 : i32
        %dma_wait3A_89 = tpu.memref_slice %arg7[%add3A_71, %dma_wait3A_88] : memref<10240x128xf32, #tpu.memory_space<vmem_shared>> -> memref<128x128xf32, #tpu.memory_space<vmem_shared>>
        tpu.wait_dma2 semaphore(%run_scoped3A_83 : memref<!tpu.dma_semaphore, #tpu.memory_space<semaphore_mem>>) src(%dma_wait3A_89 : memref<128x128xf32, #tpu.memory_space<vmem_shared>>) dst(%arg6 : memref<128x128xf32, #tpu.memory_space<vmem>>)
        tpu.yield
      }) : () -> ()
      %run_scoped3A_72 = arith.constant 1 : i32
      "tpu.region"() ({
        %run_scoped3A_83 = tpu.sem_alloc : memref<!tpu.dma_semaphore, #tpu.memory_space<semaphore_mem>>
        %dma_start3A = arith.constant 0 : i32
        %dma_start3A_84 = arith.constant 0 : i32
        %dma_start3A_85 = tpu.memref_slice %arg3[%run_scoped3A_72, %dma_start3A, %dma_start3A_84] : memref<2x10240x128xf32, #tpu.memory_space<hbm>> -> memref<1x10240x128xf32, #tpu.memory_space<hbm>>
        %dma_start3A_86 = tpu.memref_squeeze %dma_start3A_85 : memref<1x10240x128xf32, #tpu.memory_space<hbm>> -> memref<10240x128xf32, #tpu.memory_space<hbm>>
        %dma_start3A_87 = arith.constant 0 : i32
        %dma_start3A_88 = tpu.memref_slice %dma_start3A_86[%add3A_71, %dma_start3A_87] : memref<10240x128xf32, #tpu.memory_space<hbm>> -> memref<128x128xf32, #tpu.memory_space<hbm>>
        %dma_start3A_89 = arith.constant 0 : i32
        %dma_start3A_90 = arith.constant 0 : i32
        %dma_start3A_91 = tpu.memref_slice %arg3[%run_scoped3A_72, %dma_start3A_89, %dma_start3A_90] : memref<2x10240x128xf32, #tpu.memory_space<hbm>> -> memref<1x10240x128xf32, #tpu.memory_space<hbm>>
        %dma_start3A_92 = tpu.memref_squeeze %dma_start3A_91 : memref<1x10240x128xf32, #tpu.memory_space<hbm>> -> memref<10240x128xf32, #tpu.memory_space<hbm>>
        %dma_start3A_93 = arith.constant 0 : i32
        %dma_start3A_94 = tpu.memref_slice %dma_start3A_92[%add3A_71, %dma_start3A_93] : memref<10240x128xf32, #tpu.memory_space<hbm>> -> memref<128x128xf32, #tpu.memory_space<hbm>>
        tpu.enqueue_dma source(%arg6 : memref<128x128xf32, #tpu.memory_space<vmem>>) target(%dma_start3A_94 : memref<128x128xf32, #tpu.memory_space<hbm>>) target_semaphore(%run_scoped3A_83 : memref<!tpu.dma_semaphore, #tpu.memory_space<semaphore_mem>>)
        %dma_wait3A = arith.constant 0 : i32
        %dma_wait3A_95 = arith.constant 0 : i32
        %dma_wait3A_96 = tpu.memref_slice %arg3[%run_scoped3A_72, %dma_wait3A, %dma_wait3A_95] : memref<2x10240x128xf32, #tpu.memory_space<hbm>> -> memref<1x10240x128xf32, #tpu.memory_space<hbm>>
        %dma_wait3A_97 = tpu.memref_squeeze %dma_wait3A_96 : memref<1x10240x128xf32, #tpu.memory_space<hbm>> -> memref<10240x128xf32, #tpu.memory_space<hbm>>
        %dma_wait3A_98 = arith.constant 0 : i32
        %dma_wait3A_99 = tpu.memref_slice %dma_wait3A_97[%add3A_71, %dma_wait3A_98] : memref<10240x128xf32, #tpu.memory_space<hbm>> -> memref<128x128xf32, #tpu.memory_space<hbm>>
        %dma_wait3A_100 = arith.constant 0 : i32
        %dma_wait3A_101 = arith.constant 0 : i32
        %dma_wait3A_102 = tpu.memref_slice %arg3[%run_scoped3A_72, %dma_wait3A_100, %dma_wait3A_101] : memref<2x10240x128xf32, #tpu.memory_space<hbm>> -> memref<1x10240x128xf32, #tpu.memory_space<hbm>>
        %dma_wait3A_103 = tpu.memref_squeeze %dma_wait3A_102 : memref<1x10240x128xf32, #tpu.memory_space<hbm>> -> memref<10240x128xf32, #tpu.memory_space<hbm>>
        %dma_wait3A_104 = arith.constant 0 : i32
        %dma_wait3A_105 = tpu.memref_slice %dma_wait3A_103[%add3A_71, %dma_wait3A_104] : memref<10240x128xf32, #tpu.memory_space<hbm>> -> memref<128x128xf32, #tpu.memory_space<hbm>>
        tpu.wait_dma2 semaphore(%run_scoped3A_83 : memref<!tpu.dma_semaphore, #tpu.memory_space<semaphore_mem>>) src(%arg6 : memref<128x128xf32, #tpu.memory_space<vmem>>) dst(%dma_wait3A_105 : memref<128x128xf32, #tpu.memory_space<hbm>>)
        tpu.yield
      }) : () -> ()
      %mul3A_73 = arith.constant 640 : i32
      %mul3A_74 = arith.muli %arg1, %mul3A_73 : i32
      %add3A_75 = arith.constant 384 : i32
      %add3A_76 = arith.addi %mul3A_74, %add3A_75 : i32
      "tpu.region"() ({
        %run_scoped3A_83 = tpu.sem_alloc : memref<!tpu.dma_semaphore, #tpu.memory_space<semaphore_mem>>
        %dma_start3A = arith.constant 0 : i32
        %dma_start3A_84 = tpu.memref_slice %arg7[%add3A_76, %dma_start3A] : memref<10240x128xf32, #tpu.memory_space<vmem_shared>> -> memref<128x128xf32, #tpu.memory_space<vmem_shared>>
        %dma_start3A_85 = arith.constant 0 : i32
        %dma_start3A_86 = tpu.memref_slice %arg7[%add3A_76, %dma_start3A_85] : memref<10240x128xf32, #tpu.memory_space<vmem_shared>> -> memref<128x128xf32, #tpu.memory_space<vmem_shared>>
        tpu.enqueue_dma source(%dma_start3A_86 : memref<128x128xf32, #tpu.memory_space<vmem_shared>>) target(%arg6 : memref<128x128xf32, #tpu.memory_space<vmem>>) target_semaphore(%run_scoped3A_83 : memref<!tpu.dma_semaphore, #tpu.memory_space<semaphore_mem>>)
        %dma_wait3A = arith.constant 0 : i32
        %dma_wait3A_87 = tpu.memref_slice %arg7[%add3A_76, %dma_wait3A] : memref<10240x128xf32, #tpu.memory_space<vmem_shared>> -> memref<128x128xf32, #tpu.memory_space<vmem_shared>>
        %dma_wait3A_88 = arith.constant 0 : i32
        %dma_wait3A_89 = tpu.memref_slice %arg7[%add3A_76, %dma_wait3A_88] : memref<10240x128xf32, #tpu.memory_space<vmem_shared>> -> memref<128x128xf32, #tpu.memory_space<vmem_shared>>
        tpu.wait_dma2 semaphore(%run_scoped3A_83 : memref<!tpu.dma_semaphore, #tpu.memory_space<semaphore_mem>>) src(%dma_wait3A_89 : memref<128x128xf32, #tpu.memory_space<vmem_shared>>) dst(%arg6 : memref<128x128xf32, #tpu.memory_space<vmem>>)
        tpu.yield
      }) : () -> ()
      %run_scoped3A_77 = arith.constant 1 : i32
      "tpu.region"() ({
        %run_scoped3A_83 = tpu.sem_alloc : memref<!tpu.dma_semaphore, #tpu.memory_space<semaphore_mem>>
        %dma_start3A = arith.constant 0 : i32
        %dma_start3A_84 = arith.constant 0 : i32
        %dma_start3A_85 = tpu.memref_slice %arg3[%run_scoped3A_77, %dma_start3A, %dma_start3A_84] : memref<2x10240x128xf32, #tpu.memory_space<hbm>> -> memref<1x10240x128xf32, #tpu.memory_space<hbm>>
        %dma_start3A_86 = tpu.memref_squeeze %dma_start3A_85 : memref<1x10240x128xf32, #tpu.memory_space<hbm>> -> memref<10240x128xf32, #tpu.memory_space<hbm>>
        %dma_start3A_87 = arith.constant 0 : i32
        %dma_start3A_88 = tpu.memref_slice %dma_start3A_86[%add3A_76, %dma_start3A_87] : memref<10240x128xf32, #tpu.memory_space<hbm>> -> memref<128x128xf32, #tpu.memory_space<hbm>>
        %dma_start3A_89 = arith.constant 0 : i32
        %dma_start3A_90 = arith.constant 0 : i32
        %dma_start3A_91 = tpu.memref_slice %arg3[%run_scoped3A_77, %dma_start3A_89, %dma_start3A_90] : memref<2x10240x128xf32, #tpu.memory_space<hbm>> -> memref<1x10240x128xf32, #tpu.memory_space<hbm>>
        %dma_start3A_92 = tpu.memref_squeeze %dma_start3A_91 : memref<1x10240x128xf32, #tpu.memory_space<hbm>> -> memref<10240x128xf32, #tpu.memory_space<hbm>>
        %dma_start3A_93 = arith.constant 0 : i32
        %dma_start3A_94 = tpu.memref_slice %dma_start3A_92[%add3A_76, %dma_start3A_93] : memref<10240x128xf32, #tpu.memory_space<hbm>> -> memref<128x128xf32, #tpu.memory_space<hbm>>
        tpu.enqueue_dma source(%arg6 : memref<128x128xf32, #tpu.memory_space<vmem>>) target(%dma_start3A_94 : memref<128x128xf32, #tpu.memory_space<hbm>>) target_semaphore(%run_scoped3A_83 : memref<!tpu.dma_semaphore, #tpu.memory_space<semaphore_mem>>)
        %dma_wait3A = arith.constant 0 : i32
        %dma_wait3A_95 = arith.constant 0 : i32
        %dma_wait3A_96 = tpu.memref_slice %arg3[%run_scoped3A_77, %dma_wait3A, %dma_wait3A_95] : memref<2x10240x128xf32, #tpu.memory_space<hbm>> -> memref<1x10240x128xf32, #tpu.memory_space<hbm>>
        %dma_wait3A_97 = tpu.memref_squeeze %dma_wait3A_96 : memref<1x10240x128xf32, #tpu.memory_space<hbm>> -> memref<10240x128xf32, #tpu.memory_space<hbm>>
        %dma_wait3A_98 = arith.constant 0 : i32
        %dma_wait3A_99 = tpu.memref_slice %dma_wait3A_97[%add3A_76, %dma_wait3A_98] : memref<10240x128xf32, #tpu.memory_space<hbm>> -> memref<128x128xf32, #tpu.memory_space<hbm>>
        %dma_wait3A_100 = arith.constant 0 : i32
        %dma_wait3A_101 = arith.constant 0 : i32
        %dma_wait3A_102 = tpu.memref_slice %arg3[%run_scoped3A_77, %dma_wait3A_100, %dma_wait3A_101] : memref<2x10240x128xf32, #tpu.memory_space<hbm>> -> memref<1x10240x128xf32, #tpu.memory_space<hbm>>
        %dma_wait3A_103 = tpu.memref_squeeze %dma_wait3A_102 : memref<1x10240x128xf32, #tpu.memory_space<hbm>> -> memref<10240x128xf32, #tpu.memory_space<hbm>>
        %dma_wait3A_104 = arith.constant 0 : i32
        %dma_wait3A_105 = tpu.memref_slice %dma_wait3A_103[%add3A_76, %dma_wait3A_104] : memref<10240x128xf32, #tpu.memory_space<hbm>> -> memref<128x128xf32, #tpu.memory_space<hbm>>
        tpu.wait_dma2 semaphore(%run_scoped3A_83 : memref<!tpu.dma_semaphore, #tpu.memory_space<semaphore_mem>>) src(%arg6 : memref<128x128xf32, #tpu.memory_space<vmem>>) dst(%dma_wait3A_105 : memref<128x128xf32, #tpu.memory_space<hbm>>)
        tpu.yield
      }) : () -> ()
      %mul3A_78 = arith.constant 640 : i32
      %mul3A_79 = arith.muli %arg1, %mul3A_78 : i32
      %add3A_80 = arith.constant 512 : i32
      %add3A_81 = arith.addi %mul3A_79, %add3A_80 : i32
      "tpu.region"() ({
        %run_scoped3A_83 = tpu.sem_alloc : memref<!tpu.dma_semaphore, #tpu.memory_space<semaphore_mem>>
        %dma_start3A = arith.constant 0 : i32
        %dma_start3A_84 = tpu.memref_slice %arg7[%add3A_81, %dma_start3A] : memref<10240x128xf32, #tpu.memory_space<vmem_shared>> -> memref<128x128xf32, #tpu.memory_space<vmem_shared>>
        %dma_start3A_85 = arith.constant 0 : i32
        %dma_start3A_86 = tpu.memref_slice %arg7[%add3A_81, %dma_start3A_85] : memref<10240x128xf32, #tpu.memory_space<vmem_shared>> -> memref<128x128xf32, #tpu.memory_space<vmem_shared>>
        tpu.enqueue_dma source(%dma_start3A_86 : memref<128x128xf32, #tpu.memory_space<vmem_shared>>) target(%arg6 : memref<128x128xf32, #tpu.memory_space<vmem>>) target_semaphore(%run_scoped3A_83 : memref<!tpu.dma_semaphore, #tpu.memory_space<semaphore_mem>>)
        %dma_wait3A = arith.constant 0 : i32
        %dma_wait3A_87 = tpu.memref_slice %arg7[%add3A_81, %dma_wait3A] : memref<10240x128xf32, #tpu.memory_space<vmem_shared>> -> memref<128x128xf32, #tpu.memory_space<vmem_shared>>
        %dma_wait3A_88 = arith.constant 0 : i32
        %dma_wait3A_89 = tpu.memref_slice %arg7[%add3A_81, %dma_wait3A_88] : memref<10240x128xf32, #tpu.memory_space<vmem_shared>> -> memref<128x128xf32, #tpu.memory_space<vmem_shared>>
        tpu.wait_dma2 semaphore(%run_scoped3A_83 : memref<!tpu.dma_semaphore, #tpu.memory_space<semaphore_mem>>) src(%dma_wait3A_89 : memref<128x128xf32, #tpu.memory_space<vmem_shared>>) dst(%arg6 : memref<128x128xf32, #tpu.memory_space<vmem>>)
        tpu.yield
      }) : () -> ()
      %run_scoped3A_82 = arith.constant 1 : i32
      "tpu.region"() ({
        %run_scoped3A_83 = tpu.sem_alloc : memref<!tpu.dma_semaphore, #tpu.memory_space<semaphore_mem>>
        %dma_start3A = arith.constant 0 : i32
        %dma_start3A_84 = arith.constant 0 : i32
        %dma_start3A_85 = tpu.memref_slice %arg3[%run_scoped3A_82, %dma_start3A, %dma_start3A_84] : memref<2x10240x128xf32, #tpu.memory_space<hbm>> -> memref<1x10240x128xf32, #tpu.memory_space<hbm>>
        %dma_start3A_86 = tpu.memref_squeeze %dma_start3A_85 : memref<1x10240x128xf32, #tpu.memory_space<hbm>> -> memref<10240x128xf32, #tpu.memory_space<hbm>>
        %dma_start3A_87 = arith.constant 0 : i32
        %dma_start3A_88 = tpu.memref_slice %dma_start3A_86[%add3A_81, %dma_start3A_87] : memref<10240x128xf32, #tpu.memory_space<hbm>> -> memref<128x128xf32, #tpu.memory_space<hbm>>
        %dma_start3A_89 = arith.constant 0 : i32
        %dma_start3A_90 = arith.constant 0 : i32
        %dma_start3A_91 = tpu.memref_slice %arg3[%run_scoped3A_82, %dma_start3A_89, %dma_start3A_90] : memref<2x10240x128xf32, #tpu.memory_space<hbm>> -> memref<1x10240x128xf32, #tpu.memory_space<hbm>>
        %dma_start3A_92 = tpu.memref_squeeze %dma_start3A_91 : memref<1x10240x128xf32, #tpu.memory_space<hbm>> -> memref<10240x128xf32, #tpu.memory_space<hbm>>
        %dma_start3A_93 = arith.constant 0 : i32
        %dma_start3A_94 = tpu.memref_slice %dma_start3A_92[%add3A_81, %dma_start3A_93] : memref<10240x128xf32, #tpu.memory_space<hbm>> -> memref<128x128xf32, #tpu.memory_space<hbm>>
        tpu.enqueue_dma source(%arg6 : memref<128x128xf32, #tpu.memory_space<vmem>>) target(%dma_start3A_94 : memref<128x128xf32, #tpu.memory_space<hbm>>) target_semaphore(%run_scoped3A_83 : memref<!tpu.dma_semaphore, #tpu.memory_space<semaphore_mem>>)
        %dma_wait3A = arith.constant 0 : i32
        %dma_wait3A_95 = arith.constant 0 : i32
        %dma_wait3A_96 = tpu.memref_slice %arg3[%run_scoped3A_82, %dma_wait3A, %dma_wait3A_95] : memref<2x10240x128xf32, #tpu.memory_space<hbm>> -> memref<1x10240x128xf32, #tpu.memory_space<hbm>>
        %dma_wait3A_97 = tpu.memref_squeeze %dma_wait3A_96 : memref<1x10240x128xf32, #tpu.memory_space<hbm>> -> memref<10240x128xf32, #tpu.memory_space<hbm>>
        %dma_wait3A_98 = arith.constant 0 : i32
        %dma_wait3A_99 = tpu.memref_slice %dma_wait3A_97[%add3A_81, %dma_wait3A_98] : memref<10240x128xf32, #tpu.memory_space<hbm>> -> memref<128x128xf32, #tpu.memory_space<hbm>>
        %dma_wait3A_100 = arith.constant 0 : i32
        %dma_wait3A_101 = arith.constant 0 : i32
        %dma_wait3A_102 = tpu.memref_slice %arg3[%run_scoped3A_82, %dma_wait3A_100, %dma_wait3A_101] : memref<2x10240x128xf32, #tpu.memory_space<hbm>> -> memref<1x10240x128xf32, #tpu.memory_space<hbm>>
        %dma_wait3A_103 = tpu.memref_squeeze %dma_wait3A_102 : memref<1x10240x128xf32, #tpu.memory_space<hbm>> -> memref<10240x128xf32, #tpu.memory_space<hbm>>
        %dma_wait3A_104 = arith.constant 0 : i32
        %dma_wait3A_105 = tpu.memref_slice %dma_wait3A_103[%add3A_81, %dma_wait3A_104] : memref<10240x128xf32, #tpu.memory_space<hbm>> -> memref<128x128xf32, #tpu.memory_space<hbm>>
        tpu.wait_dma2 semaphore(%run_scoped3A_83 : memref<!tpu.dma_semaphore, #tpu.memory_space<semaphore_mem>>) src(%arg6 : memref<128x128xf32, #tpu.memory_space<vmem>>) dst(%dma_wait3A_105 : memref<128x128xf32, #tpu.memory_space<hbm>>)
        tpu.yield
      }) : () -> ()
    } else {
    }
    return
  }
}

#map = affine_map<(d0, d1) -> (0, 0)>
#map1 = affine_map<(d0, d1) -> (0, 0, 0)>
module attributes {stable_mosaic.version = 14 : i64} {
  func.func @_sc_agg_feat_body(%arg0: i32, %arg1: i32, %arg2: memref<10000x128xf32, #tpu.memory_space<hbm>>, %arg3: memref<10000x128xf32, #tpu.memory_space<hbm>>, %arg4: memref<16x80x128xi32, #tpu.memory_space<hbm>>, %arg5: memref<16x80x128xi32, #tpu.memory_space<hbm>>, %arg6: memref<2x10240x128xf32, #tpu.memory_space<hbm>>, %arg7: memref<40x128xi32, #tpu.memory_space<vmem>>, %arg8: memref<40x128xi32, #tpu.memory_space<vmem>>, %arg9: memref<128x128xf32, #tpu.memory_space<vmem>>, %arg10: memref<128x128xf32, #tpu.memory_space<vmem>>, %arg11: memref<10240x128xf32, #tpu.memory_space<vmem_shared>>, %arg12: memref<!tpu.dma_semaphore, #tpu.memory_space<semaphore_mem>>, %arg13: memref<!tpu.dma_semaphore, #tpu.memory_space<semaphore_mem>>, %arg14: memref<!tpu.dma_semaphore, #tpu.memory_space<semaphore_mem>>, %arg15: memref<!tpu.dma_semaphore, #tpu.memory_space<semaphore_mem>>) attributes {dimension_semantics = [#tpu.dimension_semantics<core_parallel>, #tpu.dimension_semantics<subcore_parallel>], iteration_bounds = array<i64: 2, 16>, scalar_prefetch = 0 : i64, scratch_operands = 9 : i64, tpu.core_type = #tpu.core_type<sc_vector_subcore>, window_params = [{transform_indices = #map}, {transform_indices = #map}, {transform_indices = #map1}, {transform_indices = #map1}, {transform_indices = #map1}]} {
    %broadcast_in_dim3A = arith.constant 0.000000e+00 : f32
    %broadcast_in_dim3A_0 = vector.broadcast %broadcast_in_dim3A : f32 to vector<16xf32>
    %scan3A = arith.constant 0 : i32
    %scan3A_1 = arith.constant 0 : i32
    %scan3A_2 = arith.constant 128 : i32
    %scan3A_3 = arith.addi %scan3A_1, %scan3A_2 : i32
    %scan3A_4 = arith.constant 1 : i32
    %scan3A_5 = scf.for %scan3A_43 = %scan3A_1 to %scan3A_3 step %scan3A_4 iter_args(%scan3A_44 = %scan3A) -> (i32)  : i32 {
      %swap3A = arith.index_cast %scan3A_43 : i32 to index
      %swap3A_45 = arith.constant 0 : index
      %swap3A_46 = tpu.vector_load %arg9[%swap3A, %swap3A_45] {strides = array<i32>} : memref<128x128xf32, #tpu.memory_space<vmem>>, vector<1x16xf32>,
      %swap3A_47 = vector.shape_cast %swap3A_46 : vector<1x16xf32> to vector<16xf32>
      %swap3A_48 = vector.shape_cast %broadcast_in_dim3A_0 : vector<16xf32> to vector<1x16xf32>
      tpu.vector_store %arg9[%swap3A, %swap3A_45], %swap3A_48 {strides = array<i32>} : memref<128x128xf32, #tpu.memory_space<vmem>>, vector<1x16xf32>,
      %swap3A_49 = arith.index_cast %scan3A_43 : i32 to index
      %swap3A_50 = arith.constant 16 : index
      %swap3A_51 = tpu.vector_load %arg9[%swap3A_49, %swap3A_50] {strides = array<i32>} : memref<128x128xf32, #tpu.memory_space<vmem>>, vector<1x16xf32>,
      %swap3A_52 = vector.shape_cast %swap3A_51 : vector<1x16xf32> to vector<16xf32>
      %swap3A_53 = vector.shape_cast %broadcast_in_dim3A_0 : vector<16xf32> to vector<1x16xf32>
      tpu.vector_store %arg9[%swap3A_49, %swap3A_50], %swap3A_53 {strides = array<i32>} : memref<128x128xf32, #tpu.memory_space<vmem>>, vector<1x16xf32>,
      %swap3A_54 = arith.index_cast %scan3A_43 : i32 to index
      %swap3A_55 = arith.constant 32 : index
      %swap3A_56 = tpu.vector_load %arg9[%swap3A_54, %swap3A_55] {strides = array<i32>} : memref<128x128xf32, #tpu.memory_space<vmem>>, vector<1x16xf32>,
      %swap3A_57 = vector.shape_cast %swap3A_56 : vector<1x16xf32> to vector<16xf32>
      %swap3A_58 = vector.shape_cast %broadcast_in_dim3A_0 : vector<16xf32> to vector<1x16xf32>
      tpu.vector_store %arg9[%swap3A_54, %swap3A_55], %swap3A_58 {strides = array<i32>} : memref<128x128xf32, #tpu.memory_space<vmem>>, vector<1x16xf32>,
      %swap3A_59 = arith.index_cast %scan3A_43 : i32 to index
      %swap3A_60 = arith.constant 48 : index
      %swap3A_61 = tpu.vector_load %arg9[%swap3A_59, %swap3A_60] {strides = array<i32>} : memref<128x128xf32, #tpu.memory_space<vmem>>, vector<1x16xf32>,
      %swap3A_62 = vector.shape_cast %swap3A_61 : vector<1x16xf32> to vector<16xf32>
      %swap3A_63 = vector.shape_cast %broadcast_in_dim3A_0 : vector<16xf32> to vector<1x16xf32>
      tpu.vector_store %arg9[%swap3A_59, %swap3A_60], %swap3A_63 {strides = array<i32>} : memref<128x128xf32, #tpu.memory_space<vmem>>, vector<1x16xf32>,
      %swap3A_64 = arith.index_cast %scan3A_43 : i32 to index
      %swap3A_65 = arith.constant 64 : index
      %swap3A_66 = tpu.vector_load %arg9[%swap3A_64, %swap3A_65] {strides = array<i32>} : memref<128x128xf32, #tpu.memory_space<vmem>>, vector<1x16xf32>,
      %swap3A_67 = vector.shape_cast %swap3A_66 : vector<1x16xf32> to vector<16xf32>
      %swap3A_68 = vector.shape_cast %broadcast_in_dim3A_0 : vector<16xf32> to vector<1x16xf32>
      tpu.vector_store %arg9[%swap3A_64, %swap3A_65], %swap3A_68 {strides = array<i32>} : memref<128x128xf32, #tpu.memory_space<vmem>>, vector<1x16xf32>,
      %swap3A_69 = arith.index_cast %scan3A_43 : i32 to index
      %swap3A_70 = arith.constant 80 : index
      %swap3A_71 = tpu.vector_load %arg9[%swap3A_69, %swap3A_70] {strides = array<i32>} : memref<128x128xf32, #tpu.memory_space<vmem>>, vector<1x16xf32>,
      %swap3A_72 = vector.shape_cast %swap3A_71 : vector<1x16xf32> to vector<16xf32>
      %swap3A_73 = vector.shape_cast %broadcast_in_dim3A_0 : vector<16xf32> to vector<1x16xf32>
      tpu.vector_store %arg9[%swap3A_69, %swap3A_70], %swap3A_73 {strides = array<i32>} : memref<128x128xf32, #tpu.memory_space<vmem>>, vector<1x16xf32>,
      %swap3A_74 = arith.index_cast %scan3A_43 : i32 to index
      %swap3A_75 = arith.constant 96 : index
      %swap3A_76 = tpu.vector_load %arg9[%swap3A_74, %swap3A_75] {strides = array<i32>} : memref<128x128xf32, #tpu.memory_space<vmem>>, vector<1x16xf32>,
      %swap3A_77 = vector.shape_cast %swap3A_76 : vector<1x16xf32> to vector<16xf32>
      %swap3A_78 = vector.shape_cast %broadcast_in_dim3A_0 : vector<16xf32> to vector<1x16xf32>
      tpu.vector_store %arg9[%swap3A_74, %swap3A_75], %swap3A_78 {strides = array<i32>} : memref<128x128xf32, #tpu.memory_space<vmem>>, vector<1x16xf32>,
      %swap3A_79 = arith.index_cast %scan3A_43 : i32 to index
      %swap3A_80 = arith.constant 112 : index
      %swap3A_81 = tpu.vector_load %arg9[%swap3A_79, %swap3A_80] {strides = array<i32>} : memref<128x128xf32, #tpu.memory_space<vmem>>, vector<1x16xf32>,
      %swap3A_82 = vector.shape_cast %swap3A_81 : vector<1x16xf32> to vector<16xf32>
      %swap3A_83 = vector.shape_cast %broadcast_in_dim3A_0 : vector<16xf32> to vector<1x16xf32>
      tpu.vector_store %arg9[%swap3A_79, %swap3A_80], %swap3A_83 {strides = array<i32>} : memref<128x128xf32, #tpu.memory_space<vmem>>, vector<1x16xf32>,
      %scan3A_84 = arith.constant 0 : i32
      scf.yield %scan3A_84 : i32
    }
    %scan3A_6 = arith.constant 128 : i32
    %mul3A = arith.constant 640 : i32
    %mul3A_7 = arith.muli %arg1, %mul3A : i32
    %add3A = arith.constant 0 : i32
    %add3A_8 = arith.addi %mul3A_7, %add3A : i32
    "tpu.region"() ({
      %run_scoped3A = tpu.sem_alloc : memref<!tpu.dma_semaphore, #tpu.memory_space<semaphore_mem>>
      %dma_start3A = arith.constant 0 : i32
      %dma_start3A_43 = tpu.memref_slice %arg11[%add3A_8, %dma_start3A] : memref<10240x128xf32, #tpu.memory_space<vmem_shared>> -> memref<128x128xf32, #tpu.memory_space<vmem_shared>>
      %dma_start3A_44 = arith.constant 0 : i32
      %dma_start3A_45 = tpu.memref_slice %arg11[%add3A_8, %dma_start3A_44] : memref<10240x128xf32, #tpu.memory_space<vmem_shared>> -> memref<128x128xf32, #tpu.memory_space<vmem_shared>>
      tpu.enqueue_dma source(%arg9 : memref<128x128xf32, #tpu.memory_space<vmem>>) target(%dma_start3A_45 : memref<128x128xf32, #tpu.memory_space<vmem_shared>>) target_semaphore(%run_scoped3A : memref<!tpu.dma_semaphore, #tpu.memory_space<semaphore_mem>>)
      %dma_wait3A = arith.constant 0 : i32
      %dma_wait3A_46 = tpu.memref_slice %arg11[%add3A_8, %dma_wait3A] : memref<10240x128xf32, #tpu.memory_space<vmem_shared>> -> memref<128x128xf32, #tpu.memory_space<vmem_shared>>
      %dma_wait3A_47 = arith.constant 0 : i32
      %dma_wait3A_48 = tpu.memref_slice %arg11[%add3A_8, %dma_wait3A_47] : memref<10240x128xf32, #tpu.memory_space<vmem_shared>> -> memref<128x128xf32, #tpu.memory_space<vmem_shared>>
      tpu.wait_dma2 semaphore(%run_scoped3A : memref<!tpu.dma_semaphore, #tpu.memory_space<semaphore_mem>>) src(%arg9 : memref<128x128xf32, #tpu.memory_space<vmem>>) dst(%dma_wait3A_48 : memref<128x128xf32, #tpu.memory_space<vmem_shared>>)
      tpu.yield
    }) : () -> ()
    %mul3A_9 = arith.constant 640 : i32
    %mul3A_10 = arith.muli %arg1, %mul3A_9 : i32
    %add3A_11 = arith.constant 128 : i32
    %add3A_12 = arith.addi %mul3A_10, %add3A_11 : i32
    "tpu.region"() ({
      %run_scoped3A = tpu.sem_alloc : memref<!tpu.dma_semaphore, #tpu.memory_space<semaphore_mem>>
      %dma_start3A = arith.constant 0 : i32
      %dma_start3A_43 = tpu.memref_slice %arg11[%add3A_12, %dma_start3A] : memref<10240x128xf32, #tpu.memory_space<vmem_shared>> -> memref<128x128xf32, #tpu.memory_space<vmem_shared>>
      %dma_start3A_44 = arith.constant 0 : i32
      %dma_start3A_45 = tpu.memref_slice %arg11[%add3A_12, %dma_start3A_44] : memref<10240x128xf32, #tpu.memory_space<vmem_shared>> -> memref<128x128xf32, #tpu.memory_space<vmem_shared>>
      tpu.enqueue_dma source(%arg9 : memref<128x128xf32, #tpu.memory_space<vmem>>) target(%dma_start3A_45 : memref<128x128xf32, #tpu.memory_space<vmem_shared>>) target_semaphore(%run_scoped3A : memref<!tpu.dma_semaphore, #tpu.memory_space<semaphore_mem>>)
      %dma_wait3A = arith.constant 0 : i32
      %dma_wait3A_46 = tpu.memref_slice %arg11[%add3A_12, %dma_wait3A] : memref<10240x128xf32, #tpu.memory_space<vmem_shared>> -> memref<128x128xf32, #tpu.memory_space<vmem_shared>>
      %dma_wait3A_47 = arith.constant 0 : i32
      %dma_wait3A_48 = tpu.memref_slice %arg11[%add3A_12, %dma_wait3A_47] : memref<10240x128xf32, #tpu.memory_space<vmem_shared>> -> memref<128x128xf32, #tpu.memory_space<vmem_shared>>
      tpu.wait_dma2 semaphore(%run_scoped3A : memref<!tpu.dma_semaphore, #tpu.memory_space<semaphore_mem>>) src(%arg9 : memref<128x128xf32, #tpu.memory_space<vmem>>) dst(%dma_wait3A_48 : memref<128x128xf32, #tpu.memory_space<vmem_shared>>)
      tpu.yield
    }) : () -> ()
    %mul3A_13 = arith.constant 640 : i32
    %mul3A_14 = arith.muli %arg1, %mul3A_13 : i32
    %add3A_15 = arith.constant 256 : i32
    %add3A_16 = arith.addi %mul3A_14, %add3A_15 : i32
    "tpu.region"() ({
      %run_scoped3A = tpu.sem_alloc : memref<!tpu.dma_semaphore, #tpu.memory_space<semaphore_mem>>
      %dma_start3A = arith.constant 0 : i32
      %dma_start3A_43 = tpu.memref_slice %arg11[%add3A_16, %dma_start3A] : memref<10240x128xf32, #tpu.memory_space<vmem_shared>> -> memref<128x128xf32, #tpu.memory_space<vmem_shared>>
      %dma_start3A_44 = arith.constant 0 : i32
      %dma_start3A_45 = tpu.memref_slice %arg11[%add3A_16, %dma_start3A_44] : memref<10240x128xf32, #tpu.memory_space<vmem_shared>> -> memref<128x128xf32, #tpu.memory_space<vmem_shared>>
      tpu.enqueue_dma source(%arg9 : memref<128x128xf32, #tpu.memory_space<vmem>>) target(%dma_start3A_45 : memref<128x128xf32, #tpu.memory_space<vmem_shared>>) target_semaphore(%run_scoped3A : memref<!tpu.dma_semaphore, #tpu.memory_space<semaphore_mem>>)
      %dma_wait3A = arith.constant 0 : i32
      %dma_wait3A_46 = tpu.memref_slice %arg11[%add3A_16, %dma_wait3A] : memref<10240x128xf32, #tpu.memory_space<vmem_shared>> -> memref<128x128xf32, #tpu.memory_space<vmem_shared>>
      %dma_wait3A_47 = arith.constant 0 : i32
      %dma_wait3A_48 = tpu.memref_slice %arg11[%add3A_16, %dma_wait3A_47] : memref<10240x128xf32, #tpu.memory_space<vmem_shared>> -> memref<128x128xf32, #tpu.memory_space<vmem_shared>>
      tpu.wait_dma2 semaphore(%run_scoped3A : memref<!tpu.dma_semaphore, #tpu.memory_space<semaphore_mem>>) src(%arg9 : memref<128x128xf32, #tpu.memory_space<vmem>>) dst(%dma_wait3A_48 : memref<128x128xf32, #tpu.memory_space<vmem_shared>>)
      tpu.yield
    }) : () -> ()
    %mul3A_17 = arith.constant 640 : i32
    %mul3A_18 = arith.muli %arg1, %mul3A_17 : i32
    %add3A_19 = arith.constant 384 : i32
    %add3A_20 = arith.addi %mul3A_18, %add3A_19 : i32
    "tpu.region"() ({
      %run_scoped3A = tpu.sem_alloc : memref<!tpu.dma_semaphore, #tpu.memory_space<semaphore_mem>>
      %dma_start3A = arith.constant 0 : i32
      %dma_start3A_43 = tpu.memref_slice %arg11[%add3A_20, %dma_start3A] : memref<10240x128xf32, #tpu.memory_space<vmem_shared>> -> memref<128x128xf32, #tpu.memory_space<vmem_shared>>
      %dma_start3A_44 = arith.constant 0 : i32
      %dma_start3A_45 = tpu.memref_slice %arg11[%add3A_20, %dma_start3A_44] : memref<10240x128xf32, #tpu.memory_space<vmem_shared>> -> memref<128x128xf32, #tpu.memory_space<vmem_shared>>
      tpu.enqueue_dma source(%arg9 : memref<128x128xf32, #tpu.memory_space<vmem>>) target(%dma_start3A_45 : memref<128x128xf32, #tpu.memory_space<vmem_shared>>) target_semaphore(%run_scoped3A : memref<!tpu.dma_semaphore, #tpu.memory_space<semaphore_mem>>)
      %dma_wait3A = arith.constant 0 : i32
      %dma_wait3A_46 = tpu.memref_slice %arg11[%add3A_20, %dma_wait3A] : memref<10240x128xf32, #tpu.memory_space<vmem_shared>> -> memref<128x128xf32, #tpu.memory_space<vmem_shared>>
      %dma_wait3A_47 = arith.constant 0 : i32
      %dma_wait3A_48 = tpu.memref_slice %arg11[%add3A_20, %dma_wait3A_47] : memref<10240x128xf32, #tpu.memory_space<vmem_shared>> -> memref<128x128xf32, #tpu.memory_space<vmem_shared>>
      tpu.wait_dma2 semaphore(%run_scoped3A : memref<!tpu.dma_semaphore, #tpu.memory_space<semaphore_mem>>) src(%arg9 : memref<128x128xf32, #tpu.memory_space<vmem>>) dst(%dma_wait3A_48 : memref<128x128xf32, #tpu.memory_space<vmem_shared>>)
      tpu.yield
    }) : () -> ()
    %mul3A_21 = arith.constant 640 : i32
    %mul3A_22 = arith.muli %arg1, %mul3A_21 : i32
    %add3A_23 = arith.constant 512 : i32
    %add3A_24 = arith.addi %mul3A_22, %add3A_23 : i32
    "tpu.region"() ({
      %run_scoped3A = tpu.sem_alloc : memref<!tpu.dma_semaphore, #tpu.memory_space<semaphore_mem>>
      %dma_start3A = arith.constant 0 : i32
      %dma_start3A_43 = tpu.memref_slice %arg11[%add3A_24, %dma_start3A] : memref<10240x128xf32, #tpu.memory_space<vmem_shared>> -> memref<128x128xf32, #tpu.memory_space<vmem_shared>>
      %dma_start3A_44 = arith.constant 0 : i32
      %dma_start3A_45 = tpu.memref_slice %arg11[%add3A_24, %dma_start3A_44] : memref<10240x128xf32, #tpu.memory_space<vmem_shared>> -> memref<128x128xf32, #tpu.memory_space<vmem_shared>>
      tpu.enqueue_dma source(%arg9 : memref<128x128xf32, #tpu.memory_space<vmem>>) target(%dma_start3A_45 : memref<128x128xf32, #tpu.memory_space<vmem_shared>>) target_semaphore(%run_scoped3A : memref<!tpu.dma_semaphore, #tpu.memory_space<semaphore_mem>>)
      %dma_wait3A = arith.constant 0 : i32
      %dma_wait3A_46 = tpu.memref_slice %arg11[%add3A_24, %dma_wait3A] : memref<10240x128xf32, #tpu.memory_space<vmem_shared>> -> memref<128x128xf32, #tpu.memory_space<vmem_shared>>
      %dma_wait3A_47 = arith.constant 0 : i32
      %dma_wait3A_48 = tpu.memref_slice %arg11[%add3A_24, %dma_wait3A_47] : memref<10240x128xf32, #tpu.memory_space<vmem_shared>> -> memref<128x128xf32, #tpu.memory_space<vmem_shared>>
      tpu.wait_dma2 semaphore(%run_scoped3A : memref<!tpu.dma_semaphore, #tpu.memory_space<semaphore_mem>>) src(%arg9 : memref<128x128xf32, #tpu.memory_space<vmem>>) dst(%dma_wait3A_48 : memref<128x128xf32, #tpu.memory_space<vmem_shared>>)
      tpu.yield
    }) : () -> ()
    %barrier3A = arith.constant 0 : index
    tpu.barrier barrier_id(%barrier3A)
    %eq3A = arith.constant 0 : i32
    %eq3A_25 = arith.cmpi eq, %arg0, %eq3A : i32
    %convert_element_type3A = arith.extui %eq3A_25 : i1 to i32
    %cond3A = arith.constant 0 : i32
    %cond3A_26 = arith.cmpi ne, %convert_element_type3A, %cond3A : i32
    scf.if %cond3A_26 {
      "tpu.region"() ({
        %run_scoped3A = tpu.sem_alloc : memref<!tpu.dma_semaphore, #tpu.memory_space<semaphore_mem>>
        %dma_start3A_70 = arith.constant 0 : i32
        %dma_start3A_71 = arith.constant 0 : i32
        %dma_start3A_72 = tpu.memref_slice %arg4[%arg1, %dma_start3A_70, %dma_start3A_71] : memref<16x80x128xi32, #tpu.memory_space<hbm>> -> memref<1x40x128xi32, #tpu.memory_space<hbm>>
        %dma_start3A_73 = tpu.memref_squeeze %dma_start3A_72 : memref<1x40x128xi32, #tpu.memory_space<hbm>> -> memref<40x128xi32, #tpu.memory_space<hbm>>
        %dma_start3A_74 = arith.constant 0 : i32
        %dma_start3A_75 = arith.constant 0 : i32
        %dma_start3A_76 = tpu.memref_slice %arg4[%arg1, %dma_start3A_74, %dma_start3A_75] : memref<16x80x128xi32, #tpu.memory_space<hbm>> -> memref<1x40x128xi32, #tpu.memory_space<hbm>>
        %dma_start3A_77 = tpu.memref_squeeze %dma_start3A_76 : memref<1x40x128xi32, #tpu.memory_space<hbm>> -> memref<40x128xi32, #tpu.memory_space<hbm>>
        tpu.enqueue_dma source(%dma_start3A_77 : memref<40x128xi32, #tpu.memory_space<hbm>>) target(%arg7 : memref<40x128xi32, #tpu.memory_space<vmem>>) target_semaphore(%run_scoped3A : memref<!tpu.dma_semaphore, #tpu.memory_space<semaphore_mem>>)
        %dma_wait3A = arith.constant 0 : i32
        %dma_wait3A_78 = arith.constant 0 : i32
        %dma_wait3A_79 = tpu.memref_slice %arg4[%arg1, %dma_wait3A, %dma_wait3A_78] : memref<16x80x128xi32, #tpu.memory_space<hbm>> -> memref<1x40x128xi32, #tpu.memory_space<hbm>>
        %dma_wait3A_80 = tpu.memref_squeeze %dma_wait3A_79 : memref<1x40x128xi32, #tpu.memory_space<hbm>> -> memref<40x128xi32, #tpu.memory_space<hbm>>
        %dma_wait3A_81 = arith.constant 0 : i32
        %dma_wait3A_82 = arith.constant 0 : i32
        %dma_wait3A_83 = tpu.memref_slice %arg4[%arg1, %dma_wait3A_81, %dma_wait3A_82] : memref<16x80x128xi32, #tpu.memory_space<hbm>> -> memref<1x40x128xi32, #tpu.memory_space<hbm>>
        %dma_wait3A_84 = tpu.memref_squeeze %dma_wait3A_83 : memref<1x40x128xi32, #tpu.memory_space<hbm>> -> memref<40x128xi32, #tpu.memory_space<hbm>>
        tpu.wait_dma2 semaphore(%run_scoped3A : memref<!tpu.dma_semaphore, #tpu.memory_space<semaphore_mem>>) src(%dma_wait3A_84 : memref<40x128xi32, #tpu.memory_space<hbm>>) dst(%arg7 : memref<40x128xi32, #tpu.memory_space<vmem>>)
        tpu.yield
      }) : () -> ()
      "tpu.region"() ({
        %run_scoped3A = tpu.sem_alloc : memref<!tpu.dma_semaphore, #tpu.memory_space<semaphore_mem>>
        %dma_start3A_70 = arith.constant 0 : i32
        %dma_start3A_71 = arith.constant 0 : i32
        %dma_start3A_72 = tpu.memref_slice %arg5[%arg1, %dma_start3A_70, %dma_start3A_71] : memref<16x80x128xi32, #tpu.memory_space<hbm>> -> memref<1x40x128xi32, #tpu.memory_space<hbm>>
        %dma_start3A_73 = tpu.memref_squeeze %dma_start3A_72 : memref<1x40x128xi32, #tpu.memory_space<hbm>> -> memref<40x128xi32, #tpu.memory_space<hbm>>
        %dma_start3A_74 = arith.constant 0 : i32
        %dma_start3A_75 = arith.constant 0 : i32
        %dma_start3A_76 = tpu.memref_slice %arg5[%arg1, %dma_start3A_74, %dma_start3A_75] : memref<16x80x128xi32, #tpu.memory_space<hbm>> -> memref<1x40x128xi32, #tpu.memory_space<hbm>>
        %dma_start3A_77 = tpu.memref_squeeze %dma_start3A_76 : memref<1x40x128xi32, #tpu.memory_space<hbm>> -> memref<40x128xi32, #tpu.memory_space<hbm>>
        tpu.enqueue_dma source(%dma_start3A_77 : memref<40x128xi32, #tpu.memory_space<hbm>>) target(%arg8 : memref<40x128xi32, #tpu.memory_space<vmem>>) target_semaphore(%run_scoped3A : memref<!tpu.dma_semaphore, #tpu.memory_space<semaphore_mem>>)
        %dma_wait3A = arith.constant 0 : i32
        %dma_wait3A_78 = arith.constant 0 : i32
        %dma_wait3A_79 = tpu.memref_slice %arg5[%arg1, %dma_wait3A, %dma_wait3A_78] : memref<16x80x128xi32, #tpu.memory_space<hbm>> -> memref<1x40x128xi32, #tpu.memory_space<hbm>>
        %dma_wait3A_80 = tpu.memref_squeeze %dma_wait3A_79 : memref<1x40x128xi32, #tpu.memory_space<hbm>> -> memref<40x128xi32, #tpu.memory_space<hbm>>
        %dma_wait3A_81 = arith.constant 0 : i32
        %dma_wait3A_82 = arith.constant 0 : i32
        %dma_wait3A_83 = tpu.memref_slice %arg5[%arg1, %dma_wait3A_81, %dma_wait3A_82] : memref<16x80x128xi32, #tpu.memory_space<hbm>> -> memref<1x40x128xi32, #tpu.memory_space<hbm>>
        %dma_wait3A_84 = tpu.memref_squeeze %dma_wait3A_83 : memref<1x40x128xi32, #tpu.memory_space<hbm>> -> memref<40x128xi32, #tpu.memory_space<hbm>>
        tpu.wait_dma2 semaphore(%run_scoped3A : memref<!tpu.dma_semaphore, #tpu.memory_space<semaphore_mem>>) src(%dma_wait3A_84 : memref<40x128xi32, #tpu.memory_space<hbm>>) dst(%arg8 : memref<40x128xi32, #tpu.memory_space<vmem>>)
        tpu.yield
      }) : () -> ()
      %dma_start3A = arith.constant 0 : i32
      %dma_start3A_43 = arith.constant 0 : i32
      %dma_start3A_44 = tpu.memref_slice %arg7[%dma_start3A, %dma_start3A_43] : memref<40x128xi32, #tpu.memory_space<vmem>> -> memref<1x128xi32, #tpu.memory_space<vmem>>
      %dma_start3A_45 = tpu.memref_squeeze %dma_start3A_44 : memref<1x128xi32, #tpu.memory_space<vmem>> -> memref<128xi32, #tpu.memory_space<vmem>>
      %dma_start3A_46 = arith.constant 0 : i32
      %dma_start3A_47 = arith.constant 0 : i32
      %dma_start3A_48 = tpu.memref_slice %arg2[%dma_start3A_46, %dma_start3A_47] : memref<10000x128xf32, #tpu.memory_space<hbm>> -> memref<10000x128xf32, #tpu.memory_space<hbm>>
      tpu.enqueue_indirect_dma source(%dma_start3A_48 : memref<10000x128xf32, #tpu.memory_space<hbm>>) target(%arg9 : memref<128x128xf32, #tpu.memory_space<vmem>>) offsets(%dma_start3A_45 : memref<128xi32, #tpu.memory_space<vmem>>) semaphore(%arg12 : memref<!tpu.dma_semaphore, #tpu.memory_space<semaphore_mem>>)
      %scan3A_49 = arith.constant 0 : i32
      %scan3A_50 = arith.constant 0 : i32
      %scan3A_51 = arith.constant 20 : i32
      %scan3A_52 = arith.addi %scan3A_50, %scan3A_51 : i32
      %scan3A_53 = arith.constant 1 : i32
      %scan3A_54 = scf.for %scan3A_70 = %scan3A_50 to %scan3A_52 step %scan3A_53 iter_args(%scan3A_71 = %scan3A_49) -> (i32)  : i32 {
        %mul3A_72 = arith.constant 2 : i32
        %mul3A_73 = arith.muli %mul3A_72, %scan3A_70 : i32
        %add3A_74 = arith.constant 1 : i32
        %add3A_75 = arith.addi %mul3A_73, %add3A_74 : i32
        %dma_start3A_76 = arith.constant 0 : i32
        %dma_start3A_77 = tpu.memref_slice %arg7[%add3A_75, %dma_start3A_76] : memref<40x128xi32, #tpu.memory_space<vmem>> -> memref<1x128xi32, #tpu.memory_space<vmem>>
        %dma_start3A_78 = tpu.memref_squeeze %dma_start3A_77 : memref<1x128xi32, #tpu.memory_space<vmem>> -> memref<128xi32, #tpu.memory_space<vmem>>
        %dma_start3A_79 = arith.constant 0 : i32
        %dma_start3A_80 = arith.constant 0 : i32
        %dma_start3A_81 = tpu.memref_slice %arg2[%dma_start3A_79, %dma_start3A_80] : memref<10000x128xf32, #tpu.memory_space<hbm>> -> memref<10000x128xf32, #tpu.memory_space<hbm>>
        tpu.enqueue_indirect_dma source(%dma_start3A_81 : memref<10000x128xf32, #tpu.memory_space<hbm>>) target(%arg10 : memref<128x128xf32, #tpu.memory_space<vmem>>) offsets(%dma_start3A_78 : memref<128xi32, #tpu.memory_space<vmem>>) semaphore(%arg13 : memref<!tpu.dma_semaphore, #tpu.memory_space<semaphore_mem>>)
        %dma_wait3A = arith.constant 0 : i32
        %dma_wait3A_82 = arith.constant 0 : i32
        %dma_wait3A_83 = tpu.memref_slice %arg7[%dma_wait3A, %dma_wait3A_82] : memref<40x128xi32, #tpu.memory_space<vmem>> -> memref<1x128xi32, #tpu.memory_space<vmem>>
        %dma_wait3A_84 = tpu.memref_squeeze %dma_wait3A_83 : memref<1x128xi32, #tpu.memory_space<vmem>> -> memref<128xi32, #tpu.memory_space<vmem>>
        %dma_wait3A_85 = arith.constant 0 : i32
        %dma_wait3A_86 = arith.constant 0 : i32
        %dma_wait3A_87 = tpu.memref_slice %arg2[%dma_wait3A_85, %dma_wait3A_86] : memref<10000x128xf32, #tpu.memory_space<hbm>> -> memref<10000x128xf32, #tpu.memory_space<hbm>>
        tpu.wait_indirect_dma semaphore(%arg12 : memref<!tpu.dma_semaphore, #tpu.memory_space<semaphore_mem>>) src(%dma_wait3A_87 : memref<10000x128xf32, #tpu.memory_space<hbm>>) dst(%arg9 : memref<128x128xf32, #tpu.memory_space<vmem>>)
        "tpu.region"() ({
          %run_scoped3A = tpu.sem_alloc : memref<!tpu.dma_semaphore, #tpu.memory_space<semaphore_mem>>
          %dma_start3A_100 = arith.constant 0 : i32
          %dma_start3A_101 = tpu.memref_slice %arg8[%mul3A_73, %dma_start3A_100] : memref<40x128xi32, #tpu.memory_space<vmem>> -> memref<1x128xi32, #tpu.memory_space<vmem>>
          %dma_start3A_102 = tpu.memref_squeeze %dma_start3A_101 : memref<1x128xi32, #tpu.memory_space<vmem>> -> memref<128xi32, #tpu.memory_space<vmem>>
          %dma_start3A_103 = arith.constant 0 : i32
          %dma_start3A_104 = arith.constant 0 : i32
          %dma_start3A_105 = tpu.memref_slice %arg11[%dma_start3A_103, %dma_start3A_104] : memref<10240x128xf32, #tpu.memory_space<vmem_shared>> -> memref<10240x128xf32, #tpu.memory_space<vmem_shared>>
          tpu.enqueue_indirect_dma source(%arg9 : memref<128x128xf32, #tpu.memory_space<vmem>>) target(%dma_start3A_105 : memref<10240x128xf32, #tpu.memory_space<vmem_shared>>) offsets(%dma_start3A_102 : memref<128xi32, #tpu.memory_space<vmem>>) semaphore(%run_scoped3A : memref<!tpu.dma_semaphore, #tpu.memory_space<semaphore_mem>>) {add = true}
          %dma_wait3A_106 = arith.constant 0 : i32
          %dma_wait3A_107 = tpu.memref_slice %arg8[%mul3A_73, %dma_wait3A_106] : memref<40x128xi32, #tpu.memory_space<vmem>> -> memref<1x128xi32, #tpu.memory_space<vmem>>
          %dma_wait3A_108 = tpu.memref_squeeze %dma_wait3A_107 : memref<1x128xi32, #tpu.memory_space<vmem>> -> memref<128xi32, #tpu.memory_space<vmem>>
          %dma_wait3A_109 = arith.constant 0 : i32
          %dma_wait3A_110 = arith.constant 0 : i32
          %dma_wait3A_111 = tpu.memref_slice %arg11[%dma_wait3A_109, %dma_wait3A_110] : memref<10240x128xf32, #tpu.memory_space<vmem_shared>> -> memref<10240x128xf32, #tpu.memory_space<vmem_shared>>
          tpu.wait_indirect_dma semaphore(%run_scoped3A : memref<!tpu.dma_semaphore, #tpu.memory_space<semaphore_mem>>) src(%arg9 : memref<128x128xf32, #tpu.memory_space<vmem>>) dst(%dma_wait3A_111 : memref<10240x128xf32, #tpu.memory_space<vmem_shared>>)
          tpu.yield
        }) : () -> ()
        %lt3A = arith.constant 19 : i32
        %lt3A_88 = arith.cmpi slt, %scan3A_70, %lt3A : i32
        %convert_element_type3A_89 = arith.extui %lt3A_88 : i1 to i32
        %cond3A_90 = arith.constant 0 : i32
        %cond3A_91 = arith.cmpi ne, %convert_element_type3A_89, %cond3A_90 : i32
        scf.if %cond3A_91 {
          %add3A_100 = arith.constant 2 : i32
          %add3A_101 = arith.addi %mul3A_73, %add3A_100 : i32
          %dma_start3A_102 = arith.constant 0 : i32
          %dma_start3A_103 = tpu.memref_slice %arg7[%add3A_101, %dma_start3A_102] : memref<40x128xi32, #tpu.memory_space<vmem>> -> memref<1x128xi32, #tpu.memory_space<vmem>>
          %dma_start3A_104 = tpu.memref_squeeze %dma_start3A_103 : memref<1x128xi32, #tpu.memory_space<vmem>> -> memref<128xi32, #tpu.memory_space<vmem>>
          %dma_start3A_105 = arith.constant 0 : i32
          %dma_start3A_106 = arith.constant 0 : i32
          %dma_start3A_107 = tpu.memref_slice %arg2[%dma_start3A_105, %dma_start3A_106] : memref<10000x128xf32, #tpu.memory_space<hbm>> -> memref<10000x128xf32, #tpu.memory_space<hbm>>
          tpu.enqueue_indirect_dma source(%dma_start3A_107 : memref<10000x128xf32, #tpu.memory_space<hbm>>) target(%arg9 : memref<128x128xf32, #tpu.memory_space<vmem>>) offsets(%dma_start3A_104 : memref<128xi32, #tpu.memory_space<vmem>>) semaphore(%arg12 : memref<!tpu.dma_semaphore, #tpu.memory_space<semaphore_mem>>)
        } else {
        }
        %dma_wait3A_92 = arith.constant 0 : i32
        %dma_wait3A_93 = arith.constant 0 : i32
        %dma_wait3A_94 = tpu.memref_slice %arg7[%dma_wait3A_92, %dma_wait3A_93] : memref<40x128xi32, #tpu.memory_space<vmem>> -> memref<1x128xi32, #tpu.memory_space<vmem>>
        %dma_wait3A_95 = tpu.memref_squeeze %dma_wait3A_94 : memref<1x128xi32, #tpu.memory_space<vmem>> -> memref<128xi32, #tpu.memory_space<vmem>>
        %dma_wait3A_96 = arith.constant 0 : i32
        %dma_wait3A_97 = arith.constant 0 : i32
        %dma_wait3A_98 = tpu.memref_slice %arg2[%dma_wait3A_96, %dma_wait3A_97] : memref<10000x128xf32, #tpu.memory_space<hbm>> -> memref<10000x128xf32, #tpu.memory_space<hbm>>
        tpu.wait_indirect_dma semaphore(%arg13 : memref<!tpu.dma_semaphore, #tpu.memory_space<semaphore_mem>>) src(%dma_wait3A_98 : memref<10000x128xf32, #tpu.memory_space<hbm>>) dst(%arg10 : memref<128x128xf32, #tpu.memory_space<vmem>>)
        "tpu.region"() ({
          %run_scoped3A = tpu.sem_alloc : memref<!tpu.dma_semaphore, #tpu.memory_space<semaphore_mem>>
          %dma_start3A_100 = arith.constant 0 : i32
          %dma_start3A_101 = tpu.memref_slice %arg8[%add3A_75, %dma_start3A_100] : memref<40x128xi32, #tpu.memory_space<vmem>> -> memref<1x128xi32, #tpu.memory_space<vmem>>
          %dma_start3A_102 = tpu.memref_squeeze %dma_start3A_101 : memref<1x128xi32, #tpu.memory_space<vmem>> -> memref<128xi32, #tpu.memory_space<vmem>>
          %dma_start3A_103 = arith.constant 0 : i32
          %dma_start3A_104 = arith.constant 0 : i32
          %dma_start3A_105 = tpu.memref_slice %arg11[%dma_start3A_103, %dma_start3A_104] : memref<10240x128xf32, #tpu.memory_space<vmem_shared>> -> memref<10240x128xf32, #tpu.memory_space<vmem_shared>>
          tpu.enqueue_indirect_dma source(%arg10 : memref<128x128xf32, #tpu.memory_space<vmem>>) target(%dma_start3A_105 : memref<10240x128xf32, #tpu.memory_space<vmem_shared>>) offsets(%dma_start3A_102 : memref<128xi32, #tpu.memory_space<vmem>>) semaphore(%run_scoped3A : memref<!tpu.dma_semaphore, #tpu.memory_space<semaphore_mem>>) {add = true}
          %dma_wait3A_106 = arith.constant 0 : i32
          %dma_wait3A_107 = tpu.memref_slice %arg8[%add3A_75, %dma_wait3A_106] : memref<40x128xi32, #tpu.memory_space<vmem>> -> memref<1x128xi32, #tpu.memory_space<vmem>>
          %dma_wait3A_108 = tpu.memref_squeeze %dma_wait3A_107 : memref<1x128xi32, #tpu.memory_space<vmem>> -> memref<128xi32, #tpu.memory_space<vmem>>
          %dma_wait3A_109 = arith.constant 0 : i32
          %dma_wait3A_110 = arith.constant 0 : i32
          %dma_wait3A_111 = tpu.memref_slice %arg11[%dma_wait3A_109, %dma_wait3A_110] : memref<10240x128xf32, #tpu.memory_space<vmem_shared>> -> memref<10240x128xf32, #tpu.memory_space<vmem_shared>>
          tpu.wait_indirect_dma semaphore(%run_scoped3A : memref<!tpu.dma_semaphore, #tpu.memory_space<semaphore_mem>>) src(%arg10 : memref<128x128xf32, #tpu.memory_space<vmem>>) dst(%dma_wait3A_111 : memref<10240x128xf32, #tpu.memory_space<vmem_shared>>)
          tpu.yield
        }) : () -> ()
        %scan3A_99 = arith.constant 0 : i32
        scf.yield %scan3A_99 : i32
      }
      %scan3A_55 = arith.constant 20 : i32
      "tpu.region"() ({
        %run_scoped3A = tpu.sem_alloc : memref<!tpu.dma_semaphore, #tpu.memory_space<semaphore_mem>>
        %dma_start3A_70 = arith.constant 40 : i32
        %dma_start3A_71 = arith.constant 0 : i32
        %dma_start3A_72 = tpu.memref_slice %arg4[%arg1, %dma_start3A_70, %dma_start3A_71] : memref<16x80x128xi32, #tpu.memory_space<hbm>> -> memref<1x40x128xi32, #tpu.memory_space<hbm>>
        %dma_start3A_73 = tpu.memref_squeeze %dma_start3A_72 : memref<1x40x128xi32, #tpu.memory_space<hbm>> -> memref<40x128xi32, #tpu.memory_space<hbm>>
        %dma_start3A_74 = arith.constant 40 : i32
        %dma_start3A_75 = arith.constant 0 : i32
        %dma_start3A_76 = tpu.memref_slice %arg4[%arg1, %dma_start3A_74, %dma_start3A_75] : memref<16x80x128xi32, #tpu.memory_space<hbm>> -> memref<1x40x128xi32, #tpu.memory_space<hbm>>
        %dma_start3A_77 = tpu.memref_squeeze %dma_start3A_76 : memref<1x40x128xi32, #tpu.memory_space<hbm>> -> memref<40x128xi32, #tpu.memory_space<hbm>>
        tpu.enqueue_dma source(%dma_start3A_77 : memref<40x128xi32, #tpu.memory_space<hbm>>) target(%arg7 : memref<40x128xi32, #tpu.memory_space<vmem>>) target_semaphore(%run_scoped3A : memref<!tpu.dma_semaphore, #tpu.memory_space<semaphore_mem>>)
        %dma_wait3A = arith.constant 40 : i32
        %dma_wait3A_78 = arith.constant 0 : i32
        %dma_wait3A_79 = tpu.memref_slice %arg4[%arg1, %dma_wait3A, %dma_wait3A_78] : memref<16x80x128xi32, #tpu.memory_space<hbm>> -> memref<1x40x128xi32, #tpu.memory_space<hbm>>
        %dma_wait3A_80 = tpu.memref_squeeze %dma_wait3A_79 : memref<1x40x128xi32, #tpu.memory_space<hbm>> -> memref<40x128xi32, #tpu.memory_space<hbm>>
        %dma_wait3A_81 = arith.constant 40 : i32
        %dma_wait3A_82 = arith.constant 0 : i32
        %dma_wait3A_83 = tpu.memref_slice %arg4[%arg1, %dma_wait3A_81, %dma_wait3A_82] : memref<16x80x128xi32, #tpu.memory_space<hbm>> -> memref<1x40x128xi32, #tpu.memory_space<hbm>>
        %dma_wait3A_84 = tpu.memref_squeeze %dma_wait3A_83 : memref<1x40x128xi32, #tpu.memory_space<hbm>> -> memref<40x128xi32, #tpu.memory_space<hbm>>
        tpu.wait_dma2 semaphore(%run_scoped3A : memref<!tpu.dma_semaphore, #tpu.memory_space<semaphore_mem>>) src(%dma_wait3A_84 : memref<40x128xi32, #tpu.memory_space<hbm>>) dst(%arg7 : memref<40x128xi32, #tpu.memory_space<vmem>>)
        tpu.yield
      }) : () -> ()
      "tpu.region"() ({
        %run_scoped3A = tpu.sem_alloc : memref<!tpu.dma_semaphore, #tpu.memory_space<semaphore_mem>>
        %dma_start3A_70 = arith.constant 40 : i32
        %dma_start3A_71 = arith.constant 0 : i32
        %dma_start3A_72 = tpu.memref_slice %arg5[%arg1, %dma_start3A_70, %dma_start3A_71] : memref<16x80x128xi32, #tpu.memory_space<hbm>> -> memref<1x40x128xi32, #tpu.memory_space<hbm>>
        %dma_start3A_73 = tpu.memref_squeeze %dma_start3A_72 : memref<1x40x128xi32, #tpu.memory_space<hbm>> -> memref<40x128xi32, #tpu.memory_space<hbm>>
        %dma_start3A_74 = arith.constant 40 : i32
        %dma_start3A_75 = arith.constant 0 : i32
        %dma_start3A_76 = tpu.memref_slice %arg5[%arg1, %dma_start3A_74, %dma_start3A_75] : memref<16x80x128xi32, #tpu.memory_space<hbm>> -> memref<1x40x128xi32, #tpu.memory_space<hbm>>
        %dma_start3A_77 = tpu.memref_squeeze %dma_start3A_76 : memref<1x40x128xi32, #tpu.memory_space<hbm>> -> memref<40x128xi32, #tpu.memory_space<hbm>>
        tpu.enqueue_dma source(%dma_start3A_77 : memref<40x128xi32, #tpu.memory_space<hbm>>) target(%arg8 : memref<40x128xi32, #tpu.memory_space<vmem>>) target_semaphore(%run_scoped3A : memref<!tpu.dma_semaphore, #tpu.memory_space<semaphore_mem>>)
        %dma_wait3A = arith.constant 40 : i32
        %dma_wait3A_78 = arith.constant 0 : i32
        %dma_wait3A_79 = tpu.memref_slice %arg5[%arg1, %dma_wait3A, %dma_wait3A_78] : memref<16x80x128xi32, #tpu.memory_space<hbm>> -> memref<1x40x128xi32, #tpu.memory_space<hbm>>
        %dma_wait3A_80 = tpu.memref_squeeze %dma_wait3A_79 : memref<1x40x128xi32, #tpu.memory_space<hbm>> -> memref<40x128xi32, #tpu.memory_space<hbm>>
        %dma_wait3A_81 = arith.constant 40 : i32
        %dma_wait3A_82 = arith.constant 0 : i32
        %dma_wait3A_83 = tpu.memref_slice %arg5[%arg1, %dma_wait3A_81, %dma_wait3A_82] : memref<16x80x128xi32, #tpu.memory_space<hbm>> -> memref<1x40x128xi32, #tpu.memory_space<hbm>>
        %dma_wait3A_84 = tpu.memref_squeeze %dma_wait3A_83 : memref<1x40x128xi32, #tpu.memory_space<hbm>> -> memref<40x128xi32, #tpu.memory_space<hbm>>
        tpu.wait_dma2 semaphore(%run_scoped3A : memref<!tpu.dma_semaphore, #tpu.memory_space<semaphore_mem>>) src(%dma_wait3A_84 : memref<40x128xi32, #tpu.memory_space<hbm>>) dst(%arg8 : memref<40x128xi32, #tpu.memory_space<vmem>>)
        tpu.yield
      }) : () -> ()
      %dma_start3A_56 = arith.constant 0 : i32
      %dma_start3A_57 = arith.constant 0 : i32
      %dma_start3A_58 = tpu.memref_slice %arg7[%dma_start3A_56, %dma_start3A_57] : memref<40x128xi32, #tpu.memory_space<vmem>> -> memref<1x128xi32, #tpu.memory_space<vmem>>
      %dma_start3A_59 = tpu.memref_squeeze %dma_start3A_58 : memref<1x128xi32, #tpu.memory_space<vmem>> -> memref<128xi32, #tpu.memory_space<vmem>>
      %dma_start3A_60 = arith.constant 0 : i32
      %dma_start3A_61 = arith.constant 0 : i32
      %dma_start3A_62 = tpu.memref_slice %arg2[%dma_start3A_60, %dma_start3A_61] : memref<10000x128xf32, #tpu.memory_space<hbm>> -> memref<10000x128xf32, #tpu.memory_space<hbm>>
      tpu.enqueue_indirect_dma source(%dma_start3A_62 : memref<10000x128xf32, #tpu.memory_space<hbm>>) target(%arg9 : memref<128x128xf32, #tpu.memory_space<vmem>>) offsets(%dma_start3A_59 : memref<128xi32, #tpu.memory_space<vmem>>) semaphore(%arg12 : memref<!tpu.dma_semaphore, #tpu.memory_space<semaphore_mem>>)
      %scan3A_63 = arith.constant 0 : i32
      %scan3A_64 = arith.constant 0 : i32
      %scan3A_65 = arith.constant 20 : i32
      %scan3A_66 = arith.addi %scan3A_64, %scan3A_65 : i32
      %scan3A_67 = arith.constant 1 : i32
      %scan3A_68 = scf.for %scan3A_70 = %scan3A_64 to %scan3A_66 step %scan3A_67 iter_args(%scan3A_71 = %scan3A_63) -> (i32)  : i32 {
        %mul3A_72 = arith.constant 2 : i32
        %mul3A_73 = arith.muli %mul3A_72, %scan3A_70 : i32
        %add3A_74 = arith.constant 1 : i32
        %add3A_75 = arith.addi %mul3A_73, %add3A_74 : i32
        %dma_start3A_76 = arith.constant 0 : i32
        %dma_start3A_77 = tpu.memref_slice %arg7[%add3A_75, %dma_start3A_76] : memref<40x128xi32, #tpu.memory_space<vmem>> -> memref<1x128xi32, #tpu.memory_space<vmem>>
        %dma_start3A_78 = tpu.memref_squeeze %dma_start3A_77 : memref<1x128xi32, #tpu.memory_space<vmem>> -> memref<128xi32, #tpu.memory_space<vmem>>
        %dma_start3A_79 = arith.constant 0 : i32
        %dma_start3A_80 = arith.constant 0 : i32
        %dma_start3A_81 = tpu.memref_slice %arg2[%dma_start3A_79, %dma_start3A_80] : memref<10000x128xf32, #tpu.memory_space<hbm>> -> memref<10000x128xf32, #tpu.memory_space<hbm>>
        tpu.enqueue_indirect_dma source(%dma_start3A_81 : memref<10000x128xf32, #tpu.memory_space<hbm>>) target(%arg10 : memref<128x128xf32, #tpu.memory_space<vmem>>) offsets(%dma_start3A_78 : memref<128xi32, #tpu.memory_space<vmem>>) semaphore(%arg13 : memref<!tpu.dma_semaphore, #tpu.memory_space<semaphore_mem>>)
        %dma_wait3A = arith.constant 0 : i32
        %dma_wait3A_82 = arith.constant 0 : i32
        %dma_wait3A_83 = tpu.memref_slice %arg7[%dma_wait3A, %dma_wait3A_82] : memref<40x128xi32, #tpu.memory_space<vmem>> -> memref<1x128xi32, #tpu.memory_space<vmem>>
        %dma_wait3A_84 = tpu.memref_squeeze %dma_wait3A_83 : memref<1x128xi32, #tpu.memory_space<vmem>> -> memref<128xi32, #tpu.memory_space<vmem>>
        %dma_wait3A_85 = arith.constant 0 : i32
        %dma_wait3A_86 = arith.constant 0 : i32
        %dma_wait3A_87 = tpu.memref_slice %arg2[%dma_wait3A_85, %dma_wait3A_86] : memref<10000x128xf32, #tpu.memory_space<hbm>> -> memref<10000x128xf32, #tpu.memory_space<hbm>>
        tpu.wait_indirect_dma semaphore(%arg12 : memref<!tpu.dma_semaphore, #tpu.memory_space<semaphore_mem>>) src(%dma_wait3A_87 : memref<10000x128xf32, #tpu.memory_space<hbm>>) dst(%arg9 : memref<128x128xf32, #tpu.memory_space<vmem>>)
        "tpu.region"() ({
          %run_scoped3A = tpu.sem_alloc : memref<!tpu.dma_semaphore, #tpu.memory_space<semaphore_mem>>
          %dma_start3A_100 = arith.constant 0 : i32
          %dma_start3A_101 = tpu.memref_slice %arg8[%mul3A_73, %dma_start3A_100] : memref<40x128xi32, #tpu.memory_space<vmem>> -> memref<1x128xi32, #tpu.memory_space<vmem>>
          %dma_start3A_102 = tpu.memref_squeeze %dma_start3A_101 : memref<1x128xi32, #tpu.memory_space<vmem>> -> memref<128xi32, #tpu.memory_space<vmem>>
          %dma_start3A_103 = arith.constant 0 : i32
          %dma_start3A_104 = arith.constant 0 : i32
          %dma_start3A_105 = tpu.memref_slice %arg11[%dma_start3A_103, %dma_start3A_104] : memref<10240x128xf32, #tpu.memory_space<vmem_shared>> -> memref<10240x128xf32, #tpu.memory_space<vmem_shared>>
          tpu.enqueue_indirect_dma source(%arg9 : memref<128x128xf32, #tpu.memory_space<vmem>>) target(%dma_start3A_105 : memref<10240x128xf32, #tpu.memory_space<vmem_shared>>) offsets(%dma_start3A_102 : memref<128xi32, #tpu.memory_space<vmem>>) semaphore(%run_scoped3A : memref<!tpu.dma_semaphore, #tpu.memory_space<semaphore_mem>>) {add = true}
          %dma_wait3A_106 = arith.constant 0 : i32
          %dma_wait3A_107 = tpu.memref_slice %arg8[%mul3A_73, %dma_wait3A_106] : memref<40x128xi32, #tpu.memory_space<vmem>> -> memref<1x128xi32, #tpu.memory_space<vmem>>
          %dma_wait3A_108 = tpu.memref_squeeze %dma_wait3A_107 : memref<1x128xi32, #tpu.memory_space<vmem>> -> memref<128xi32, #tpu.memory_space<vmem>>
          %dma_wait3A_109 = arith.constant 0 : i32
          %dma_wait3A_110 = arith.constant 0 : i32
          %dma_wait3A_111 = tpu.memref_slice %arg11[%dma_wait3A_109, %dma_wait3A_110] : memref<10240x128xf32, #tpu.memory_space<vmem_shared>> -> memref<10240x128xf32, #tpu.memory_space<vmem_shared>>
          tpu.wait_indirect_dma semaphore(%run_scoped3A : memref<!tpu.dma_semaphore, #tpu.memory_space<semaphore_mem>>) src(%arg9 : memref<128x128xf32, #tpu.memory_space<vmem>>) dst(%dma_wait3A_111 : memref<10240x128xf32, #tpu.memory_space<vmem_shared>>)
          tpu.yield
        }) : () -> ()
        %lt3A = arith.constant 19 : i32
        %lt3A_88 = arith.cmpi slt, %scan3A_70, %lt3A : i32
        %convert_element_type3A_89 = arith.extui %lt3A_88 : i1 to i32
        %cond3A_90 = arith.constant 0 : i32
        %cond3A_91 = arith.cmpi ne, %convert_element_type3A_89, %cond3A_90 : i32
        scf.if %cond3A_91 {
          %add3A_100 = arith.constant 2 : i32
          %add3A_101 = arith.addi %mul3A_73, %add3A_100 : i32
          %dma_start3A_102 = arith.constant 0 : i32
          %dma_start3A_103 = tpu.memref_slice %arg7[%add3A_101, %dma_start3A_102] : memref<40x128xi32, #tpu.memory_space<vmem>> -> memref<1x128xi32, #tpu.memory_space<vmem>>
          %dma_start3A_104 = tpu.memref_squeeze %dma_start3A_103 : memref<1x128xi32, #tpu.memory_space<vmem>> -> memref<128xi32, #tpu.memory_space<vmem>>
          %dma_start3A_105 = arith.constant 0 : i32
          %dma_start3A_106 = arith.constant 0 : i32
          %dma_start3A_107 = tpu.memref_slice %arg2[%dma_start3A_105, %dma_start3A_106] : memref<10000x128xf32, #tpu.memory_space<hbm>> -> memref<10000x128xf32, #tpu.memory_space<hbm>>
          tpu.enqueue_indirect_dma source(%dma_start3A_107 : memref<10000x128xf32, #tpu.memory_space<hbm>>) target(%arg9 : memref<128x128xf32, #tpu.memory_space<vmem>>) offsets(%dma_start3A_104 : memref<128xi32, #tpu.memory_space<vmem>>) semaphore(%arg12 : memref<!tpu.dma_semaphore, #tpu.memory_space<semaphore_mem>>)
        } else {
        }
        %dma_wait3A_92 = arith.constant 0 : i32
        %dma_wait3A_93 = arith.constant 0 : i32
        %dma_wait3A_94 = tpu.memref_slice %arg7[%dma_wait3A_92, %dma_wait3A_93] : memref<40x128xi32, #tpu.memory_space<vmem>> -> memref<1x128xi32, #tpu.memory_space<vmem>>
        %dma_wait3A_95 = tpu.memref_squeeze %dma_wait3A_94 : memref<1x128xi32, #tpu.memory_space<vmem>> -> memref<128xi32, #tpu.memory_space<vmem>>
        %dma_wait3A_96 = arith.constant 0 : i32
        %dma_wait3A_97 = arith.constant 0 : i32
        %dma_wait3A_98 = tpu.memref_slice %arg2[%dma_wait3A_96, %dma_wait3A_97] : memref<10000x128xf32, #tpu.memory_space<hbm>> -> memref<10000x128xf32, #tpu.memory_space<hbm>>
        tpu.wait_indirect_dma semaphore(%arg13 : memref<!tpu.dma_semaphore, #tpu.memory_space<semaphore_mem>>) src(%dma_wait3A_98 : memref<10000x128xf32, #tpu.memory_space<hbm>>) dst(%arg10 : memref<128x128xf32, #tpu.memory_space<vmem>>)
        "tpu.region"() ({
          %run_scoped3A = tpu.sem_alloc : memref<!tpu.dma_semaphore, #tpu.memory_space<semaphore_mem>>
          %dma_start3A_100 = arith.constant 0 : i32
          %dma_start3A_101 = tpu.memref_slice %arg8[%add3A_75, %dma_start3A_100] : memref<40x128xi32, #tpu.memory_space<vmem>> -> memref<1x128xi32, #tpu.memory_space<vmem>>
          %dma_start3A_102 = tpu.memref_squeeze %dma_start3A_101 : memref<1x128xi32, #tpu.memory_space<vmem>> -> memref<128xi32, #tpu.memory_space<vmem>>
          %dma_start3A_103 = arith.constant 0 : i32
          %dma_start3A_104 = arith.constant 0 : i32
          %dma_start3A_105 = tpu.memref_slice %arg11[%dma_start3A_103, %dma_start3A_104] : memref<10240x128xf32, #tpu.memory_space<vmem_shared>> -> memref<10240x128xf32, #tpu.memory_space<vmem_shared>>
          tpu.enqueue_indirect_dma source(%arg10 : memref<128x128xf32, #tpu.memory_space<vmem>>) target(%dma_start3A_105 : memref<10240x128xf32, #tpu.memory_space<vmem_shared>>) offsets(%dma_start3A_102 : memref<128xi32, #tpu.memory_space<vmem>>) semaphore(%run_scoped3A : memref<!tpu.dma_semaphore, #tpu.memory_space<semaphore_mem>>) {add = true}
          %dma_wait3A_106 = arith.constant 0 : i32
          %dma_wait3A_107 = tpu.memref_slice %arg8[%add3A_75, %dma_wait3A_106] : memref<40x128xi32, #tpu.memory_space<vmem>> -> memref<1x128xi32, #tpu.memory_space<vmem>>
          %dma_wait3A_108 = tpu.memref_squeeze %dma_wait3A_107 : memref<1x128xi32, #tpu.memory_space<vmem>> -> memref<128xi32, #tpu.memory_space<vmem>>
          %dma_wait3A_109 = arith.constant 0 : i32
          %dma_wait3A_110 = arith.constant 0 : i32
          %dma_wait3A_111 = tpu.memref_slice %arg11[%dma_wait3A_109, %dma_wait3A_110] : memref<10240x128xf32, #tpu.memory_space<vmem_shared>> -> memref<10240x128xf32, #tpu.memory_space<vmem_shared>>
          tpu.wait_indirect_dma semaphore(%run_scoped3A : memref<!tpu.dma_semaphore, #tpu.memory_space<semaphore_mem>>) src(%arg10 : memref<128x128xf32, #tpu.memory_space<vmem>>) dst(%dma_wait3A_111 : memref<10240x128xf32, #tpu.memory_space<vmem_shared>>)
          tpu.yield
        }) : () -> ()
        %scan3A_99 = arith.constant 0 : i32
        scf.yield %scan3A_99 : i32
      }
      %scan3A_69 = arith.constant 20 : i32
    } else {
    }
    %eq3A_27 = arith.constant 1 : i32
    %eq3A_28 = arith.cmpi eq, %arg0, %eq3A_27 : i32
    %convert_element_type3A_29 = arith.extui %eq3A_28 : i1 to i32
    %cond3A_30 = arith.constant 0 : i32
    %cond3A_31 = arith.cmpi ne, %convert_element_type3A_29, %cond3A_30 : i32
    scf.if %cond3A_31 {
      "tpu.region"() ({
        %run_scoped3A = tpu.sem_alloc : memref<!tpu.dma_semaphore, #tpu.memory_space<semaphore_mem>>
        %dma_start3A_70 = arith.constant 0 : i32
        %dma_start3A_71 = arith.constant 0 : i32
        %dma_start3A_72 = tpu.memref_slice %arg4[%arg1, %dma_start3A_70, %dma_start3A_71] : memref<16x80x128xi32, #tpu.memory_space<hbm>> -> memref<1x40x128xi32, #tpu.memory_space<hbm>>
        %dma_start3A_73 = tpu.memref_squeeze %dma_start3A_72 : memref<1x40x128xi32, #tpu.memory_space<hbm>> -> memref<40x128xi32, #tpu.memory_space<hbm>>
        %dma_start3A_74 = arith.constant 0 : i32
        %dma_start3A_75 = arith.constant 0 : i32
        %dma_start3A_76 = tpu.memref_slice %arg4[%arg1, %dma_start3A_74, %dma_start3A_75] : memref<16x80x128xi32, #tpu.memory_space<hbm>> -> memref<1x40x128xi32, #tpu.memory_space<hbm>>
        %dma_start3A_77 = tpu.memref_squeeze %dma_start3A_76 : memref<1x40x128xi32, #tpu.memory_space<hbm>> -> memref<40x128xi32, #tpu.memory_space<hbm>>
        tpu.enqueue_dma source(%dma_start3A_77 : memref<40x128xi32, #tpu.memory_space<hbm>>) target(%arg7 : memref<40x128xi32, #tpu.memory_space<vmem>>) target_semaphore(%run_scoped3A : memref<!tpu.dma_semaphore, #tpu.memory_space<semaphore_mem>>)
        %dma_wait3A = arith.constant 0 : i32
        %dma_wait3A_78 = arith.constant 0 : i32
        %dma_wait3A_79 = tpu.memref_slice %arg4[%arg1, %dma_wait3A, %dma_wait3A_78] : memref<16x80x128xi32, #tpu.memory_space<hbm>> -> memref<1x40x128xi32, #tpu.memory_space<hbm>>
        %dma_wait3A_80 = tpu.memref_squeeze %dma_wait3A_79 : memref<1x40x128xi32, #tpu.memory_space<hbm>> -> memref<40x128xi32, #tpu.memory_space<hbm>>
        %dma_wait3A_81 = arith.constant 0 : i32
        %dma_wait3A_82 = arith.constant 0 : i32
        %dma_wait3A_83 = tpu.memref_slice %arg4[%arg1, %dma_wait3A_81, %dma_wait3A_82] : memref<16x80x128xi32, #tpu.memory_space<hbm>> -> memref<1x40x128xi32, #tpu.memory_space<hbm>>
        %dma_wait3A_84 = tpu.memref_squeeze %dma_wait3A_83 : memref<1x40x128xi32, #tpu.memory_space<hbm>> -> memref<40x128xi32, #tpu.memory_space<hbm>>
        tpu.wait_dma2 semaphore(%run_scoped3A : memref<!tpu.dma_semaphore, #tpu.memory_space<semaphore_mem>>) src(%dma_wait3A_84 : memref<40x128xi32, #tpu.memory_space<hbm>>) dst(%arg7 : memref<40x128xi32, #tpu.memory_space<vmem>>)
        tpu.yield
      }) : () -> ()
      "tpu.region"() ({
        %run_scoped3A = tpu.sem_alloc : memref<!tpu.dma_semaphore, #tpu.memory_space<semaphore_mem>>
        %dma_start3A_70 = arith.constant 0 : i32
        %dma_start3A_71 = arith.constant 0 : i32
        %dma_start3A_72 = tpu.memref_slice %arg5[%arg1, %dma_start3A_70, %dma_start3A_71] : memref<16x80x128xi32, #tpu.memory_space<hbm>> -> memref<1x40x128xi32, #tpu.memory_space<hbm>>
        %dma_start3A_73 = tpu.memref_squeeze %dma_start3A_72 : memref<1x40x128xi32, #tpu.memory_space<hbm>> -> memref<40x128xi32, #tpu.memory_space<hbm>>
        %dma_start3A_74 = arith.constant 0 : i32
        %dma_start3A_75 = arith.constant 0 : i32
        %dma_start3A_76 = tpu.memref_slice %arg5[%arg1, %dma_start3A_74, %dma_start3A_75] : memref<16x80x128xi32, #tpu.memory_space<hbm>> -> memref<1x40x128xi32, #tpu.memory_space<hbm>>
        %dma_start3A_77 = tpu.memref_squeeze %dma_start3A_76 : memref<1x40x128xi32, #tpu.memory_space<hbm>> -> memref<40x128xi32, #tpu.memory_space<hbm>>
        tpu.enqueue_dma source(%dma_start3A_77 : memref<40x128xi32, #tpu.memory_space<hbm>>) target(%arg8 : memref<40x128xi32, #tpu.memory_space<vmem>>) target_semaphore(%run_scoped3A : memref<!tpu.dma_semaphore, #tpu.memory_space<semaphore_mem>>)
        %dma_wait3A = arith.constant 0 : i32
        %dma_wait3A_78 = arith.constant 0 : i32
        %dma_wait3A_79 = tpu.memref_slice %arg5[%arg1, %dma_wait3A, %dma_wait3A_78] : memref<16x80x128xi32, #tpu.memory_space<hbm>> -> memref<1x40x128xi32, #tpu.memory_space<hbm>>
        %dma_wait3A_80 = tpu.memref_squeeze %dma_wait3A_79 : memref<1x40x128xi32, #tpu.memory_space<hbm>> -> memref<40x128xi32, #tpu.memory_space<hbm>>
        %dma_wait3A_81 = arith.constant 0 : i32
        %dma_wait3A_82 = arith.constant 0 : i32
        %dma_wait3A_83 = tpu.memref_slice %arg5[%arg1, %dma_wait3A_81, %dma_wait3A_82] : memref<16x80x128xi32, #tpu.memory_space<hbm>> -> memref<1x40x128xi32, #tpu.memory_space<hbm>>
        %dma_wait3A_84 = tpu.memref_squeeze %dma_wait3A_83 : memref<1x40x128xi32, #tpu.memory_space<hbm>> -> memref<40x128xi32, #tpu.memory_space<hbm>>
        tpu.wait_dma2 semaphore(%run_scoped3A : memref<!tpu.dma_semaphore, #tpu.memory_space<semaphore_mem>>) src(%dma_wait3A_84 : memref<40x128xi32, #tpu.memory_space<hbm>>) dst(%arg8 : memref<40x128xi32, #tpu.memory_space<vmem>>)
        tpu.yield
      }) : () -> ()
      %dma_start3A = arith.constant 0 : i32
      %dma_start3A_43 = arith.constant 0 : i32
      %dma_start3A_44 = tpu.memref_slice %arg7[%dma_start3A, %dma_start3A_43] : memref<40x128xi32, #tpu.memory_space<vmem>> -> memref<1x128xi32, #tpu.memory_space<vmem>>
      %dma_start3A_45 = tpu.memref_squeeze %dma_start3A_44 : memref<1x128xi32, #tpu.memory_space<vmem>> -> memref<128xi32, #tpu.memory_space<vmem>>
      %dma_start3A_46 = arith.constant 0 : i32
      %dma_start3A_47 = arith.constant 0 : i32
      %dma_start3A_48 = tpu.memref_slice %arg3[%dma_start3A_46, %dma_start3A_47] : memref<10000x128xf32, #tpu.memory_space<hbm>> -> memref<10000x128xf32, #tpu.memory_space<hbm>>
      tpu.enqueue_indirect_dma source(%dma_start3A_48 : memref<10000x128xf32, #tpu.memory_space<hbm>>) target(%arg9 : memref<128x128xf32, #tpu.memory_space<vmem>>) offsets(%dma_start3A_45 : memref<128xi32, #tpu.memory_space<vmem>>) semaphore(%arg12 : memref<!tpu.dma_semaphore, #tpu.memory_space<semaphore_mem>>)
      %scan3A_49 = arith.constant 0 : i32
      %scan3A_50 = arith.constant 0 : i32
      %scan3A_51 = arith.constant 20 : i32
      %scan3A_52 = arith.addi %scan3A_50, %scan3A_51 : i32
      %scan3A_53 = arith.constant 1 : i32
      %scan3A_54 = scf.for %scan3A_70 = %scan3A_50 to %scan3A_52 step %scan3A_53 iter_args(%scan3A_71 = %scan3A_49) -> (i32)  : i32 {
        %mul3A_72 = arith.constant 2 : i32
        %mul3A_73 = arith.muli %mul3A_72, %scan3A_70 : i32
        %add3A_74 = arith.constant 1 : i32
        %add3A_75 = arith.addi %mul3A_73, %add3A_74 : i32
        %dma_start3A_76 = arith.constant 0 : i32
        %dma_start3A_77 = tpu.memref_slice %arg7[%add3A_75, %dma_start3A_76] : memref<40x128xi32, #tpu.memory_space<vmem>> -> memref<1x128xi32, #tpu.memory_space<vmem>>
        %dma_start3A_78 = tpu.memref_squeeze %dma_start3A_77 : memref<1x128xi32, #tpu.memory_space<vmem>> -> memref<128xi32, #tpu.memory_space<vmem>>
        %dma_start3A_79 = arith.constant 0 : i32
        %dma_start3A_80 = arith.constant 0 : i32
        %dma_start3A_81 = tpu.memref_slice %arg3[%dma_start3A_79, %dma_start3A_80] : memref<10000x128xf32, #tpu.memory_space<hbm>> -> memref<10000x128xf32, #tpu.memory_space<hbm>>
        tpu.enqueue_indirect_dma source(%dma_start3A_81 : memref<10000x128xf32, #tpu.memory_space<hbm>>) target(%arg10 : memref<128x128xf32, #tpu.memory_space<vmem>>) offsets(%dma_start3A_78 : memref<128xi32, #tpu.memory_space<vmem>>) semaphore(%arg13 : memref<!tpu.dma_semaphore, #tpu.memory_space<semaphore_mem>>)
        %dma_wait3A = arith.constant 0 : i32
        %dma_wait3A_82 = arith.constant 0 : i32
        %dma_wait3A_83 = tpu.memref_slice %arg7[%dma_wait3A, %dma_wait3A_82] : memref<40x128xi32, #tpu.memory_space<vmem>> -> memref<1x128xi32, #tpu.memory_space<vmem>>
        %dma_wait3A_84 = tpu.memref_squeeze %dma_wait3A_83 : memref<1x128xi32, #tpu.memory_space<vmem>> -> memref<128xi32, #tpu.memory_space<vmem>>
        %dma_wait3A_85 = arith.constant 0 : i32
        %dma_wait3A_86 = arith.constant 0 : i32
        %dma_wait3A_87 = tpu.memref_slice %arg3[%dma_wait3A_85, %dma_wait3A_86] : memref<10000x128xf32, #tpu.memory_space<hbm>> -> memref<10000x128xf32, #tpu.memory_space<hbm>>
        tpu.wait_indirect_dma semaphore(%arg12 : memref<!tpu.dma_semaphore, #tpu.memory_space<semaphore_mem>>) src(%dma_wait3A_87 : memref<10000x128xf32, #tpu.memory_space<hbm>>) dst(%arg9 : memref<128x128xf32, #tpu.memory_space<vmem>>)
        "tpu.region"() ({
          %run_scoped3A = tpu.sem_alloc : memref<!tpu.dma_semaphore, #tpu.memory_space<semaphore_mem>>
          %dma_start3A_100 = arith.constant 0 : i32
          %dma_start3A_101 = tpu.memref_slice %arg8[%mul3A_73, %dma_start3A_100] : memref<40x128xi32, #tpu.memory_space<vmem>> -> memref<1x128xi32, #tpu.memory_space<vmem>>
          %dma_start3A_102 = tpu.memref_squeeze %dma_start3A_101 : memref<1x128xi32, #tpu.memory_space<vmem>> -> memref<128xi32, #tpu.memory_space<vmem>>
          %dma_start3A_103 = arith.constant 0 : i32
          %dma_start3A_104 = arith.constant 0 : i32
          %dma_start3A_105 = tpu.memref_slice %arg11[%dma_start3A_103, %dma_start3A_104] : memref<10240x128xf32, #tpu.memory_space<vmem_shared>> -> memref<10240x128xf32, #tpu.memory_space<vmem_shared>>
          tpu.enqueue_indirect_dma source(%arg9 : memref<128x128xf32, #tpu.memory_space<vmem>>) target(%dma_start3A_105 : memref<10240x128xf32, #tpu.memory_space<vmem_shared>>) offsets(%dma_start3A_102 : memref<128xi32, #tpu.memory_space<vmem>>) semaphore(%run_scoped3A : memref<!tpu.dma_semaphore, #tpu.memory_space<semaphore_mem>>) {add = true}
          %dma_wait3A_106 = arith.constant 0 : i32
          %dma_wait3A_107 = tpu.memref_slice %arg8[%mul3A_73, %dma_wait3A_106] : memref<40x128xi32, #tpu.memory_space<vmem>> -> memref<1x128xi32, #tpu.memory_space<vmem>>
          %dma_wait3A_108 = tpu.memref_squeeze %dma_wait3A_107 : memref<1x128xi32, #tpu.memory_space<vmem>> -> memref<128xi32, #tpu.memory_space<vmem>>
          %dma_wait3A_109 = arith.constant 0 : i32
          %dma_wait3A_110 = arith.constant 0 : i32
          %dma_wait3A_111 = tpu.memref_slice %arg11[%dma_wait3A_109, %dma_wait3A_110] : memref<10240x128xf32, #tpu.memory_space<vmem_shared>> -> memref<10240x128xf32, #tpu.memory_space<vmem_shared>>
          tpu.wait_indirect_dma semaphore(%run_scoped3A : memref<!tpu.dma_semaphore, #tpu.memory_space<semaphore_mem>>) src(%arg9 : memref<128x128xf32, #tpu.memory_space<vmem>>) dst(%dma_wait3A_111 : memref<10240x128xf32, #tpu.memory_space<vmem_shared>>)
          tpu.yield
        }) : () -> ()
        %lt3A = arith.constant 19 : i32
        %lt3A_88 = arith.cmpi slt, %scan3A_70, %lt3A : i32
        %convert_element_type3A_89 = arith.extui %lt3A_88 : i1 to i32
        %cond3A_90 = arith.constant 0 : i32
        %cond3A_91 = arith.cmpi ne, %convert_element_type3A_89, %cond3A_90 : i32
        scf.if %cond3A_91 {
          %add3A_100 = arith.constant 2 : i32
          %add3A_101 = arith.addi %mul3A_73, %add3A_100 : i32
          %dma_start3A_102 = arith.constant 0 : i32
          %dma_start3A_103 = tpu.memref_slice %arg7[%add3A_101, %dma_start3A_102] : memref<40x128xi32, #tpu.memory_space<vmem>> -> memref<1x128xi32, #tpu.memory_space<vmem>>
          %dma_start3A_104 = tpu.memref_squeeze %dma_start3A_103 : memref<1x128xi32, #tpu.memory_space<vmem>> -> memref<128xi32, #tpu.memory_space<vmem>>
          %dma_start3A_105 = arith.constant 0 : i32
          %dma_start3A_106 = arith.constant 0 : i32
          %dma_start3A_107 = tpu.memref_slice %arg3[%dma_start3A_105, %dma_start3A_106] : memref<10000x128xf32, #tpu.memory_space<hbm>> -> memref<10000x128xf32, #tpu.memory_space<hbm>>
          tpu.enqueue_indirect_dma source(%dma_start3A_107 : memref<10000x128xf32, #tpu.memory_space<hbm>>) target(%arg9 : memref<128x128xf32, #tpu.memory_space<vmem>>) offsets(%dma_start3A_104 : memref<128xi32, #tpu.memory_space<vmem>>) semaphore(%arg12 : memref<!tpu.dma_semaphore, #tpu.memory_space<semaphore_mem>>)
        } else {
        }
        %dma_wait3A_92 = arith.constant 0 : i32
        %dma_wait3A_93 = arith.constant 0 : i32
        %dma_wait3A_94 = tpu.memref_slice %arg7[%dma_wait3A_92, %dma_wait3A_93] : memref<40x128xi32, #tpu.memory_space<vmem>> -> memref<1x128xi32, #tpu.memory_space<vmem>>
        %dma_wait3A_95 = tpu.memref_squeeze %dma_wait3A_94 : memref<1x128xi32, #tpu.memory_space<vmem>> -> memref<128xi32, #tpu.memory_space<vmem>>
        %dma_wait3A_96 = arith.constant 0 : i32
        %dma_wait3A_97 = arith.constant 0 : i32
        %dma_wait3A_98 = tpu.memref_slice %arg3[%dma_wait3A_96, %dma_wait3A_97] : memref<10000x128xf32, #tpu.memory_space<hbm>> -> memref<10000x128xf32, #tpu.memory_space<hbm>>
        tpu.wait_indirect_dma semaphore(%arg13 : memref<!tpu.dma_semaphore, #tpu.memory_space<semaphore_mem>>) src(%dma_wait3A_98 : memref<10000x128xf32, #tpu.memory_space<hbm>>) dst(%arg10 : memref<128x128xf32, #tpu.memory_space<vmem>>)
        "tpu.region"() ({
          %run_scoped3A = tpu.sem_alloc : memref<!tpu.dma_semaphore, #tpu.memory_space<semaphore_mem>>
          %dma_start3A_100 = arith.constant 0 : i32
          %dma_start3A_101 = tpu.memref_slice %arg8[%add3A_75, %dma_start3A_100] : memref<40x128xi32, #tpu.memory_space<vmem>> -> memref<1x128xi32, #tpu.memory_space<vmem>>
          %dma_start3A_102 = tpu.memref_squeeze %dma_start3A_101 : memref<1x128xi32, #tpu.memory_space<vmem>> -> memref<128xi32, #tpu.memory_space<vmem>>
          %dma_start3A_103 = arith.constant 0 : i32
          %dma_start3A_104 = arith.constant 0 : i32
          %dma_start3A_105 = tpu.memref_slice %arg11[%dma_start3A_103, %dma_start3A_104] : memref<10240x128xf32, #tpu.memory_space<vmem_shared>> -> memref<10240x128xf32, #tpu.memory_space<vmem_shared>>
          tpu.enqueue_indirect_dma source(%arg10 : memref<128x128xf32, #tpu.memory_space<vmem>>) target(%dma_start3A_105 : memref<10240x128xf32, #tpu.memory_space<vmem_shared>>) offsets(%dma_start3A_102 : memref<128xi32, #tpu.memory_space<vmem>>) semaphore(%run_scoped3A : memref<!tpu.dma_semaphore, #tpu.memory_space<semaphore_mem>>) {add = true}
          %dma_wait3A_106 = arith.constant 0 : i32
          %dma_wait3A_107 = tpu.memref_slice %arg8[%add3A_75, %dma_wait3A_106] : memref<40x128xi32, #tpu.memory_space<vmem>> -> memref<1x128xi32, #tpu.memory_space<vmem>>
          %dma_wait3A_108 = tpu.memref_squeeze %dma_wait3A_107 : memref<1x128xi32, #tpu.memory_space<vmem>> -> memref<128xi32, #tpu.memory_space<vmem>>
          %dma_wait3A_109 = arith.constant 0 : i32
          %dma_wait3A_110 = arith.constant 0 : i32
          %dma_wait3A_111 = tpu.memref_slice %arg11[%dma_wait3A_109, %dma_wait3A_110] : memref<10240x128xf32, #tpu.memory_space<vmem_shared>> -> memref<10240x128xf32, #tpu.memory_space<vmem_shared>>
          tpu.wait_indirect_dma semaphore(%run_scoped3A : memref<!tpu.dma_semaphore, #tpu.memory_space<semaphore_mem>>) src(%arg10 : memref<128x128xf32, #tpu.memory_space<vmem>>) dst(%dma_wait3A_111 : memref<10240x128xf32, #tpu.memory_space<vmem_shared>>)
          tpu.yield
        }) : () -> ()
        %scan3A_99 = arith.constant 0 : i32
        scf.yield %scan3A_99 : i32
      }
      %scan3A_55 = arith.constant 20 : i32
      "tpu.region"() ({
        %run_scoped3A = tpu.sem_alloc : memref<!tpu.dma_semaphore, #tpu.memory_space<semaphore_mem>>
        %dma_start3A_70 = arith.constant 40 : i32
        %dma_start3A_71 = arith.constant 0 : i32
        %dma_start3A_72 = tpu.memref_slice %arg4[%arg1, %dma_start3A_70, %dma_start3A_71] : memref<16x80x128xi32, #tpu.memory_space<hbm>> -> memref<1x40x128xi32, #tpu.memory_space<hbm>>
        %dma_start3A_73 = tpu.memref_squeeze %dma_start3A_72 : memref<1x40x128xi32, #tpu.memory_space<hbm>> -> memref<40x128xi32, #tpu.memory_space<hbm>>
        %dma_start3A_74 = arith.constant 40 : i32
        %dma_start3A_75 = arith.constant 0 : i32
        %dma_start3A_76 = tpu.memref_slice %arg4[%arg1, %dma_start3A_74, %dma_start3A_75] : memref<16x80x128xi32, #tpu.memory_space<hbm>> -> memref<1x40x128xi32, #tpu.memory_space<hbm>>
        %dma_start3A_77 = tpu.memref_squeeze %dma_start3A_76 : memref<1x40x128xi32, #tpu.memory_space<hbm>> -> memref<40x128xi32, #tpu.memory_space<hbm>>
        tpu.enqueue_dma source(%dma_start3A_77 : memref<40x128xi32, #tpu.memory_space<hbm>>) target(%arg7 : memref<40x128xi32, #tpu.memory_space<vmem>>) target_semaphore(%run_scoped3A : memref<!tpu.dma_semaphore, #tpu.memory_space<semaphore_mem>>)
        %dma_wait3A = arith.constant 40 : i32
        %dma_wait3A_78 = arith.constant 0 : i32
        %dma_wait3A_79 = tpu.memref_slice %arg4[%arg1, %dma_wait3A, %dma_wait3A_78] : memref<16x80x128xi32, #tpu.memory_space<hbm>> -> memref<1x40x128xi32, #tpu.memory_space<hbm>>
        %dma_wait3A_80 = tpu.memref_squeeze %dma_wait3A_79 : memref<1x40x128xi32, #tpu.memory_space<hbm>> -> memref<40x128xi32, #tpu.memory_space<hbm>>
        %dma_wait3A_81 = arith.constant 40 : i32
        %dma_wait3A_82 = arith.constant 0 : i32
        %dma_wait3A_83 = tpu.memref_slice %arg4[%arg1, %dma_wait3A_81, %dma_wait3A_82] : memref<16x80x128xi32, #tpu.memory_space<hbm>> -> memref<1x40x128xi32, #tpu.memory_space<hbm>>
        %dma_wait3A_84 = tpu.memref_squeeze %dma_wait3A_83 : memref<1x40x128xi32, #tpu.memory_space<hbm>> -> memref<40x128xi32, #tpu.memory_space<hbm>>
        tpu.wait_dma2 semaphore(%run_scoped3A : memref<!tpu.dma_semaphore, #tpu.memory_space<semaphore_mem>>) src(%dma_wait3A_84 : memref<40x128xi32, #tpu.memory_space<hbm>>) dst(%arg7 : memref<40x128xi32, #tpu.memory_space<vmem>>)
        tpu.yield
      }) : () -> ()
      "tpu.region"() ({
        %run_scoped3A = tpu.sem_alloc : memref<!tpu.dma_semaphore, #tpu.memory_space<semaphore_mem>>
        %dma_start3A_70 = arith.constant 40 : i32
        %dma_start3A_71 = arith.constant 0 : i32
        %dma_start3A_72 = tpu.memref_slice %arg5[%arg1, %dma_start3A_70, %dma_start3A_71] : memref<16x80x128xi32, #tpu.memory_space<hbm>> -> memref<1x40x128xi32, #tpu.memory_space<hbm>>
        %dma_start3A_73 = tpu.memref_squeeze %dma_start3A_72 : memref<1x40x128xi32, #tpu.memory_space<hbm>> -> memref<40x128xi32, #tpu.memory_space<hbm>>
        %dma_start3A_74 = arith.constant 40 : i32
        %dma_start3A_75 = arith.constant 0 : i32
        %dma_start3A_76 = tpu.memref_slice %arg5[%arg1, %dma_start3A_74, %dma_start3A_75] : memref<16x80x128xi32, #tpu.memory_space<hbm>> -> memref<1x40x128xi32, #tpu.memory_space<hbm>>
        %dma_start3A_77 = tpu.memref_squeeze %dma_start3A_76 : memref<1x40x128xi32, #tpu.memory_space<hbm>> -> memref<40x128xi32, #tpu.memory_space<hbm>>
        tpu.enqueue_dma source(%dma_start3A_77 : memref<40x128xi32, #tpu.memory_space<hbm>>) target(%arg8 : memref<40x128xi32, #tpu.memory_space<vmem>>) target_semaphore(%run_scoped3A : memref<!tpu.dma_semaphore, #tpu.memory_space<semaphore_mem>>)
        %dma_wait3A = arith.constant 40 : i32
        %dma_wait3A_78 = arith.constant 0 : i32
        %dma_wait3A_79 = tpu.memref_slice %arg5[%arg1, %dma_wait3A, %dma_wait3A_78] : memref<16x80x128xi32, #tpu.memory_space<hbm>> -> memref<1x40x128xi32, #tpu.memory_space<hbm>>
        %dma_wait3A_80 = tpu.memref_squeeze %dma_wait3A_79 : memref<1x40x128xi32, #tpu.memory_space<hbm>> -> memref<40x128xi32, #tpu.memory_space<hbm>>
        %dma_wait3A_81 = arith.constant 40 : i32
        %dma_wait3A_82 = arith.constant 0 : i32
        %dma_wait3A_83 = tpu.memref_slice %arg5[%arg1, %dma_wait3A_81, %dma_wait3A_82] : memref<16x80x128xi32, #tpu.memory_space<hbm>> -> memref<1x40x128xi32, #tpu.memory_space<hbm>>
        %dma_wait3A_84 = tpu.memref_squeeze %dma_wait3A_83 : memref<1x40x128xi32, #tpu.memory_space<hbm>> -> memref<40x128xi32, #tpu.memory_space<hbm>>
        tpu.wait_dma2 semaphore(%run_scoped3A : memref<!tpu.dma_semaphore, #tpu.memory_space<semaphore_mem>>) src(%dma_wait3A_84 : memref<40x128xi32, #tpu.memory_space<hbm>>) dst(%arg8 : memref<40x128xi32, #tpu.memory_space<vmem>>)
        tpu.yield
      }) : () -> ()
      %dma_start3A_56 = arith.constant 0 : i32
      %dma_start3A_57 = arith.constant 0 : i32
      %dma_start3A_58 = tpu.memref_slice %arg7[%dma_start3A_56, %dma_start3A_57] : memref<40x128xi32, #tpu.memory_space<vmem>> -> memref<1x128xi32, #tpu.memory_space<vmem>>
      %dma_start3A_59 = tpu.memref_squeeze %dma_start3A_58 : memref<1x128xi32, #tpu.memory_space<vmem>> -> memref<128xi32, #tpu.memory_space<vmem>>
      %dma_start3A_60 = arith.constant 0 : i32
      %dma_start3A_61 = arith.constant 0 : i32
      %dma_start3A_62 = tpu.memref_slice %arg3[%dma_start3A_60, %dma_start3A_61] : memref<10000x128xf32, #tpu.memory_space<hbm>> -> memref<10000x128xf32, #tpu.memory_space<hbm>>
      tpu.enqueue_indirect_dma source(%dma_start3A_62 : memref<10000x128xf32, #tpu.memory_space<hbm>>) target(%arg9 : memref<128x128xf32, #tpu.memory_space<vmem>>) offsets(%dma_start3A_59 : memref<128xi32, #tpu.memory_space<vmem>>) semaphore(%arg12 : memref<!tpu.dma_semaphore, #tpu.memory_space<semaphore_mem>>)
      %scan3A_63 = arith.constant 0 : i32
      %scan3A_64 = arith.constant 0 : i32
      %scan3A_65 = arith.constant 20 : i32
      %scan3A_66 = arith.addi %scan3A_64, %scan3A_65 : i32
      %scan3A_67 = arith.constant 1 : i32
      %scan3A_68 = scf.for %scan3A_70 = %scan3A_64 to %scan3A_66 step %scan3A_67 iter_args(%scan3A_71 = %scan3A_63) -> (i32)  : i32 {
        %mul3A_72 = arith.constant 2 : i32
        %mul3A_73 = arith.muli %mul3A_72, %scan3A_70 : i32
        %add3A_74 = arith.constant 1 : i32
        %add3A_75 = arith.addi %mul3A_73, %add3A_74 : i32
        %dma_start3A_76 = arith.constant 0 : i32
        %dma_start3A_77 = tpu.memref_slice %arg7[%add3A_75, %dma_start3A_76] : memref<40x128xi32, #tpu.memory_space<vmem>> -> memref<1x128xi32, #tpu.memory_space<vmem>>
        %dma_start3A_78 = tpu.memref_squeeze %dma_start3A_77 : memref<1x128xi32, #tpu.memory_space<vmem>> -> memref<128xi32, #tpu.memory_space<vmem>>
        %dma_start3A_79 = arith.constant 0 : i32
        %dma_start3A_80 = arith.constant 0 : i32
        %dma_start3A_81 = tpu.memref_slice %arg3[%dma_start3A_79, %dma_start3A_80] : memref<10000x128xf32, #tpu.memory_space<hbm>> -> memref<10000x128xf32, #tpu.memory_space<hbm>>
        tpu.enqueue_indirect_dma source(%dma_start3A_81 : memref<10000x128xf32, #tpu.memory_space<hbm>>) target(%arg10 : memref<128x128xf32, #tpu.memory_space<vmem>>) offsets(%dma_start3A_78 : memref<128xi32, #tpu.memory_space<vmem>>) semaphore(%arg13 : memref<!tpu.dma_semaphore, #tpu.memory_space<semaphore_mem>>)
        %dma_wait3A = arith.constant 0 : i32
        %dma_wait3A_82 = arith.constant 0 : i32
        %dma_wait3A_83 = tpu.memref_slice %arg7[%dma_wait3A, %dma_wait3A_82] : memref<40x128xi32, #tpu.memory_space<vmem>> -> memref<1x128xi32, #tpu.memory_space<vmem>>
        %dma_wait3A_84 = tpu.memref_squeeze %dma_wait3A_83 : memref<1x128xi32, #tpu.memory_space<vmem>> -> memref<128xi32, #tpu.memory_space<vmem>>
        %dma_wait3A_85 = arith.constant 0 : i32
        %dma_wait3A_86 = arith.constant 0 : i32
        %dma_wait3A_87 = tpu.memref_slice %arg3[%dma_wait3A_85, %dma_wait3A_86] : memref<10000x128xf32, #tpu.memory_space<hbm>> -> memref<10000x128xf32, #tpu.memory_space<hbm>>
        tpu.wait_indirect_dma semaphore(%arg12 : memref<!tpu.dma_semaphore, #tpu.memory_space<semaphore_mem>>) src(%dma_wait3A_87 : memref<10000x128xf32, #tpu.memory_space<hbm>>) dst(%arg9 : memref<128x128xf32, #tpu.memory_space<vmem>>)
        "tpu.region"() ({
          %run_scoped3A = tpu.sem_alloc : memref<!tpu.dma_semaphore, #tpu.memory_space<semaphore_mem>>
          %dma_start3A_100 = arith.constant 0 : i32
          %dma_start3A_101 = tpu.memref_slice %arg8[%mul3A_73, %dma_start3A_100] : memref<40x128xi32, #tpu.memory_space<vmem>> -> memref<1x128xi32, #tpu.memory_space<vmem>>
          %dma_start3A_102 = tpu.memref_squeeze %dma_start3A_101 : memref<1x128xi32, #tpu.memory_space<vmem>> -> memref<128xi32, #tpu.memory_space<vmem>>
          %dma_start3A_103 = arith.constant 0 : i32
          %dma_start3A_104 = arith.constant 0 : i32
          %dma_start3A_105 = tpu.memref_slice %arg11[%dma_start3A_103, %dma_start3A_104] : memref<10240x128xf32, #tpu.memory_space<vmem_shared>> -> memref<10240x128xf32, #tpu.memory_space<vmem_shared>>
          tpu.enqueue_indirect_dma source(%arg9 : memref<128x128xf32, #tpu.memory_space<vmem>>) target(%dma_start3A_105 : memref<10240x128xf32, #tpu.memory_space<vmem_shared>>) offsets(%dma_start3A_102 : memref<128xi32, #tpu.memory_space<vmem>>) semaphore(%run_scoped3A : memref<!tpu.dma_semaphore, #tpu.memory_space<semaphore_mem>>) {add = true}
          %dma_wait3A_106 = arith.constant 0 : i32
          %dma_wait3A_107 = tpu.memref_slice %arg8[%mul3A_73, %dma_wait3A_106] : memref<40x128xi32, #tpu.memory_space<vmem>> -> memref<1x128xi32, #tpu.memory_space<vmem>>
          %dma_wait3A_108 = tpu.memref_squeeze %dma_wait3A_107 : memref<1x128xi32, #tpu.memory_space<vmem>> -> memref<128xi32, #tpu.memory_space<vmem>>
          %dma_wait3A_109 = arith.constant 0 : i32
          %dma_wait3A_110 = arith.constant 0 : i32
          %dma_wait3A_111 = tpu.memref_slice %arg11[%dma_wait3A_109, %dma_wait3A_110] : memref<10240x128xf32, #tpu.memory_space<vmem_shared>> -> memref<10240x128xf32, #tpu.memory_space<vmem_shared>>
          tpu.wait_indirect_dma semaphore(%run_scoped3A : memref<!tpu.dma_semaphore, #tpu.memory_space<semaphore_mem>>) src(%arg9 : memref<128x128xf32, #tpu.memory_space<vmem>>) dst(%dma_wait3A_111 : memref<10240x128xf32, #tpu.memory_space<vmem_shared>>)
          tpu.yield
        }) : () -> ()
        %lt3A = arith.constant 19 : i32
        %lt3A_88 = arith.cmpi slt, %scan3A_70, %lt3A : i32
        %convert_element_type3A_89 = arith.extui %lt3A_88 : i1 to i32
        %cond3A_90 = arith.constant 0 : i32
        %cond3A_91 = arith.cmpi ne, %convert_element_type3A_89, %cond3A_90 : i32
        scf.if %cond3A_91 {
          %add3A_100 = arith.constant 2 : i32
          %add3A_101 = arith.addi %mul3A_73, %add3A_100 : i32
          %dma_start3A_102 = arith.constant 0 : i32
          %dma_start3A_103 = tpu.memref_slice %arg7[%add3A_101, %dma_start3A_102] : memref<40x128xi32, #tpu.memory_space<vmem>> -> memref<1x128xi32, #tpu.memory_space<vmem>>
          %dma_start3A_104 = tpu.memref_squeeze %dma_start3A_103 : memref<1x128xi32, #tpu.memory_space<vmem>> -> memref<128xi32, #tpu.memory_space<vmem>>
          %dma_start3A_105 = arith.constant 0 : i32
          %dma_start3A_106 = arith.constant 0 : i32
          %dma_start3A_107 = tpu.memref_slice %arg3[%dma_start3A_105, %dma_start3A_106] : memref<10000x128xf32, #tpu.memory_space<hbm>> -> memref<10000x128xf32, #tpu.memory_space<hbm>>
          tpu.enqueue_indirect_dma source(%dma_start3A_107 : memref<10000x128xf32, #tpu.memory_space<hbm>>) target(%arg9 : memref<128x128xf32, #tpu.memory_space<vmem>>) offsets(%dma_start3A_104 : memref<128xi32, #tpu.memory_space<vmem>>) semaphore(%arg12 : memref<!tpu.dma_semaphore, #tpu.memory_space<semaphore_mem>>)
        } else {
        }
        %dma_wait3A_92 = arith.constant 0 : i32
        %dma_wait3A_93 = arith.constant 0 : i32
        %dma_wait3A_94 = tpu.memref_slice %arg7[%dma_wait3A_92, %dma_wait3A_93] : memref<40x128xi32, #tpu.memory_space<vmem>> -> memref<1x128xi32, #tpu.memory_space<vmem>>
        %dma_wait3A_95 = tpu.memref_squeeze %dma_wait3A_94 : memref<1x128xi32, #tpu.memory_space<vmem>> -> memref<128xi32, #tpu.memory_space<vmem>>
        %dma_wait3A_96 = arith.constant 0 : i32
        %dma_wait3A_97 = arith.constant 0 : i32
        %dma_wait3A_98 = tpu.memref_slice %arg3[%dma_wait3A_96, %dma_wait3A_97] : memref<10000x128xf32, #tpu.memory_space<hbm>> -> memref<10000x128xf32, #tpu.memory_space<hbm>>
        tpu.wait_indirect_dma semaphore(%arg13 : memref<!tpu.dma_semaphore, #tpu.memory_space<semaphore_mem>>) src(%dma_wait3A_98 : memref<10000x128xf32, #tpu.memory_space<hbm>>) dst(%arg10 : memref<128x128xf32, #tpu.memory_space<vmem>>)
        "tpu.region"() ({
          %run_scoped3A = tpu.sem_alloc : memref<!tpu.dma_semaphore, #tpu.memory_space<semaphore_mem>>
          %dma_start3A_100 = arith.constant 0 : i32
          %dma_start3A_101 = tpu.memref_slice %arg8[%add3A_75, %dma_start3A_100] : memref<40x128xi32, #tpu.memory_space<vmem>> -> memref<1x128xi32, #tpu.memory_space<vmem>>
          %dma_start3A_102 = tpu.memref_squeeze %dma_start3A_101 : memref<1x128xi32, #tpu.memory_space<vmem>> -> memref<128xi32, #tpu.memory_space<vmem>>
          %dma_start3A_103 = arith.constant 0 : i32
          %dma_start3A_104 = arith.constant 0 : i32
          %dma_start3A_105 = tpu.memref_slice %arg11[%dma_start3A_103, %dma_start3A_104] : memref<10240x128xf32, #tpu.memory_space<vmem_shared>> -> memref<10240x128xf32, #tpu.memory_space<vmem_shared>>
          tpu.enqueue_indirect_dma source(%arg10 : memref<128x128xf32, #tpu.memory_space<vmem>>) target(%dma_start3A_105 : memref<10240x128xf32, #tpu.memory_space<vmem_shared>>) offsets(%dma_start3A_102 : memref<128xi32, #tpu.memory_space<vmem>>) semaphore(%run_scoped3A : memref<!tpu.dma_semaphore, #tpu.memory_space<semaphore_mem>>) {add = true}
          %dma_wait3A_106 = arith.constant 0 : i32
          %dma_wait3A_107 = tpu.memref_slice %arg8[%add3A_75, %dma_wait3A_106] : memref<40x128xi32, #tpu.memory_space<vmem>> -> memref<1x128xi32, #tpu.memory_space<vmem>>
          %dma_wait3A_108 = tpu.memref_squeeze %dma_wait3A_107 : memref<1x128xi32, #tpu.memory_space<vmem>> -> memref<128xi32, #tpu.memory_space<vmem>>
          %dma_wait3A_109 = arith.constant 0 : i32
          %dma_wait3A_110 = arith.constant 0 : i32
          %dma_wait3A_111 = tpu.memref_slice %arg11[%dma_wait3A_109, %dma_wait3A_110] : memref<10240x128xf32, #tpu.memory_space<vmem_shared>> -> memref<10240x128xf32, #tpu.memory_space<vmem_shared>>
          tpu.wait_indirect_dma semaphore(%run_scoped3A : memref<!tpu.dma_semaphore, #tpu.memory_space<semaphore_mem>>) src(%arg10 : memref<128x128xf32, #tpu.memory_space<vmem>>) dst(%dma_wait3A_111 : memref<10240x128xf32, #tpu.memory_space<vmem_shared>>)
          tpu.yield
        }) : () -> ()
        %scan3A_99 = arith.constant 0 : i32
        scf.yield %scan3A_99 : i32
      }
      %scan3A_69 = arith.constant 20 : i32
    } else {
    }
    %barrier3A_32 = arith.constant 0 : index
    tpu.barrier barrier_id(%barrier3A_32)
    %eq3A_33 = arith.constant 0 : i32
    %eq3A_34 = arith.cmpi eq, %arg0, %eq3A_33 : i32
    %convert_element_type3A_35 = arith.extui %eq3A_34 : i1 to i32
    %cond3A_36 = arith.constant 0 : i32
    %cond3A_37 = arith.cmpi ne, %convert_element_type3A_35, %cond3A_36 : i32
    scf.if %cond3A_37 {
      %mul3A_43 = arith.constant 640 : i32
      %mul3A_44 = arith.muli %arg1, %mul3A_43 : i32
      %add3A_45 = arith.constant 0 : i32
      %add3A_46 = arith.addi %mul3A_44, %add3A_45 : i32
      "tpu.region"() ({
        %run_scoped3A_67 = tpu.sem_alloc : memref<!tpu.dma_semaphore, #tpu.memory_space<semaphore_mem>>
        %dma_start3A = arith.constant 0 : i32
        %dma_start3A_68 = tpu.memref_slice %arg11[%add3A_46, %dma_start3A] : memref<10240x128xf32, #tpu.memory_space<vmem_shared>> -> memref<128x128xf32, #tpu.memory_space<vmem_shared>>
        %dma_start3A_69 = arith.constant 0 : i32
        %dma_start3A_70 = tpu.memref_slice %arg11[%add3A_46, %dma_start3A_69] : memref<10240x128xf32, #tpu.memory_space<vmem_shared>> -> memref<128x128xf32, #tpu.memory_space<vmem_shared>>
        tpu.enqueue_dma source(%dma_start3A_70 : memref<128x128xf32, #tpu.memory_space<vmem_shared>>) target(%arg9 : memref<128x128xf32, #tpu.memory_space<vmem>>) target_semaphore(%run_scoped3A_67 : memref<!tpu.dma_semaphore, #tpu.memory_space<semaphore_mem>>)
        %dma_wait3A = arith.constant 0 : i32
        %dma_wait3A_71 = tpu.memref_slice %arg11[%add3A_46, %dma_wait3A] : memref<10240x128xf32, #tpu.memory_space<vmem_shared>> -> memref<128x128xf32, #tpu.memory_space<vmem_shared>>
        %dma_wait3A_72 = arith.constant 0 : i32
        %dma_wait3A_73 = tpu.memref_slice %arg11[%add3A_46, %dma_wait3A_72] : memref<10240x128xf32, #tpu.memory_space<vmem_shared>> -> memref<128x128xf32, #tpu.memory_space<vmem_shared>>
        tpu.wait_dma2 semaphore(%run_scoped3A_67 : memref<!tpu.dma_semaphore, #tpu.memory_space<semaphore_mem>>) src(%dma_wait3A_73 : memref<128x128xf32, #tpu.memory_space<vmem_shared>>) dst(%arg9 : memref<128x128xf32, #tpu.memory_space<vmem>>)
        tpu.yield
      }) : () -> ()
      %run_scoped3A = arith.constant 0 : i32
      "tpu.region"() ({
        %run_scoped3A_67 = tpu.sem_alloc : memref<!tpu.dma_semaphore, #tpu.memory_space<semaphore_mem>>
        %dma_start3A = arith.constant 0 : i32
        %dma_start3A_68 = arith.constant 0 : i32
        %dma_start3A_69 = tpu.memref_slice %arg6[%run_scoped3A, %dma_start3A, %dma_start3A_68] : memref<2x10240x128xf32, #tpu.memory_space<hbm>> -> memref<1x10240x128xf32, #tpu.memory_space<hbm>>
        %dma_start3A_70 = tpu.memref_squeeze %dma_start3A_69 : memref<1x10240x128xf32, #tpu.memory_space<hbm>> -> memref<10240x128xf32, #tpu.memory_space<hbm>>
        %dma_start3A_71 = arith.constant 0 : i32
        %dma_start3A_72 = tpu.memref_slice %dma_start3A_70[%add3A_46, %dma_start3A_71] : memref<10240x128xf32, #tpu.memory_space<hbm>> -> memref<128x128xf32, #tpu.memory_space<hbm>>
        %dma_start3A_73 = arith.constant 0 : i32
        %dma_start3A_74 = arith.constant 0 : i32
        %dma_start3A_75 = tpu.memref_slice %arg6[%run_scoped3A, %dma_start3A_73, %dma_start3A_74] : memref<2x10240x128xf32, #tpu.memory_space<hbm>> -> memref<1x10240x128xf32, #tpu.memory_space<hbm>>
        %dma_start3A_76 = tpu.memref_squeeze %dma_start3A_75 : memref<1x10240x128xf32, #tpu.memory_space<hbm>> -> memref<10240x128xf32, #tpu.memory_space<hbm>>
        %dma_start3A_77 = arith.constant 0 : i32
        %dma_start3A_78 = tpu.memref_slice %dma_start3A_76[%add3A_46, %dma_start3A_77] : memref<10240x128xf32, #tpu.memory_space<hbm>> -> memref<128x128xf32, #tpu.memory_space<hbm>>
        tpu.enqueue_dma source(%arg9 : memref<128x128xf32, #tpu.memory_space<vmem>>) target(%dma_start3A_78 : memref<128x128xf32, #tpu.memory_space<hbm>>) target_semaphore(%run_scoped3A_67 : memref<!tpu.dma_semaphore, #tpu.memory_space<semaphore_mem>>)
        %dma_wait3A = arith.constant 0 : i32
        %dma_wait3A_79 = arith.constant 0 : i32
        %dma_wait3A_80 = tpu.memref_slice %arg6[%run_scoped3A, %dma_wait3A, %dma_wait3A_79] : memref<2x10240x128xf32, #tpu.memory_space<hbm>> -> memref<1x10240x128xf32, #tpu.memory_space<hbm>>
        %dma_wait3A_81 = tpu.memref_squeeze %dma_wait3A_80 : memref<1x10240x128xf32, #tpu.memory_space<hbm>> -> memref<10240x128xf32, #tpu.memory_space<hbm>>
        %dma_wait3A_82 = arith.constant 0 : i32
        %dma_wait3A_83 = tpu.memref_slice %dma_wait3A_81[%add3A_46, %dma_wait3A_82] : memref<10240x128xf32, #tpu.memory_space<hbm>> -> memref<128x128xf32, #tpu.memory_space<hbm>>
        %dma_wait3A_84 = arith.constant 0 : i32
        %dma_wait3A_85 = arith.constant 0 : i32
        %dma_wait3A_86 = tpu.memref_slice %arg6[%run_scoped3A, %dma_wait3A_84, %dma_wait3A_85] : memref<2x10240x128xf32, #tpu.memory_space<hbm>> -> memref<1x10240x128xf32, #tpu.memory_space<hbm>>
        %dma_wait3A_87 = tpu.memref_squeeze %dma_wait3A_86 : memref<1x10240x128xf32, #tpu.memory_space<hbm>> -> memref<10240x128xf32, #tpu.memory_space<hbm>>
        %dma_wait3A_88 = arith.constant 0 : i32
        %dma_wait3A_89 = tpu.memref_slice %dma_wait3A_87[%add3A_46, %dma_wait3A_88] : memref<10240x128xf32, #tpu.memory_space<hbm>> -> memref<128x128xf32, #tpu.memory_space<hbm>>
        tpu.wait_dma2 semaphore(%run_scoped3A_67 : memref<!tpu.dma_semaphore, #tpu.memory_space<semaphore_mem>>) src(%arg9 : memref<128x128xf32, #tpu.memory_space<vmem>>) dst(%dma_wait3A_89 : memref<128x128xf32, #tpu.memory_space<hbm>>)
        tpu.yield
      }) : () -> ()
      %mul3A_47 = arith.constant 640 : i32
      %mul3A_48 = arith.muli %arg1, %mul3A_47 : i32
      %add3A_49 = arith.constant 128 : i32
      %add3A_50 = arith.addi %mul3A_48, %add3A_49 : i32
      "tpu.region"() ({
        %run_scoped3A_67 = tpu.sem_alloc : memref<!tpu.dma_semaphore, #tpu.memory_space<semaphore_mem>>
        %dma_start3A = arith.constant 0 : i32
        %dma_start3A_68 = tpu.memref_slice %arg11[%add3A_50, %dma_start3A] : memref<10240x128xf32, #tpu.memory_space<vmem_shared>> -> memref<128x128xf32, #tpu.memory_space<vmem_shared>>
        %dma_start3A_69 = arith.constant 0 : i32
        %dma_start3A_70 = tpu.memref_slice %arg11[%add3A_50, %dma_start3A_69] : memref<10240x128xf32, #tpu.memory_space<vmem_shared>> -> memref<128x128xf32, #tpu.memory_space<vmem_shared>>
        tpu.enqueue_dma source(%dma_start3A_70 : memref<128x128xf32, #tpu.memory_space<vmem_shared>>) target(%arg9 : memref<128x128xf32, #tpu.memory_space<vmem>>) target_semaphore(%run_scoped3A_67 : memref<!tpu.dma_semaphore, #tpu.memory_space<semaphore_mem>>)
        %dma_wait3A = arith.constant 0 : i32
        %dma_wait3A_71 = tpu.memref_slice %arg11[%add3A_50, %dma_wait3A] : memref<10240x128xf32, #tpu.memory_space<vmem_shared>> -> memref<128x128xf32, #tpu.memory_space<vmem_shared>>
        %dma_wait3A_72 = arith.constant 0 : i32
        %dma_wait3A_73 = tpu.memref_slice %arg11[%add3A_50, %dma_wait3A_72] : memref<10240x128xf32, #tpu.memory_space<vmem_shared>> -> memref<128x128xf32, #tpu.memory_space<vmem_shared>>
        tpu.wait_dma2 semaphore(%run_scoped3A_67 : memref<!tpu.dma_semaphore, #tpu.memory_space<semaphore_mem>>) src(%dma_wait3A_73 : memref<128x128xf32, #tpu.memory_space<vmem_shared>>) dst(%arg9 : memref<128x128xf32, #tpu.memory_space<vmem>>)
        tpu.yield
      }) : () -> ()
      %run_scoped3A_51 = arith.constant 0 : i32
      "tpu.region"() ({
        %run_scoped3A_67 = tpu.sem_alloc : memref<!tpu.dma_semaphore, #tpu.memory_space<semaphore_mem>>
        %dma_start3A = arith.constant 0 : i32
        %dma_start3A_68 = arith.constant 0 : i32
        %dma_start3A_69 = tpu.memref_slice %arg6[%run_scoped3A_51, %dma_start3A, %dma_start3A_68] : memref<2x10240x128xf32, #tpu.memory_space<hbm>> -> memref<1x10240x128xf32, #tpu.memory_space<hbm>>
        %dma_start3A_70 = tpu.memref_squeeze %dma_start3A_69 : memref<1x10240x128xf32, #tpu.memory_space<hbm>> -> memref<10240x128xf32, #tpu.memory_space<hbm>>
        %dma_start3A_71 = arith.constant 0 : i32
        %dma_start3A_72 = tpu.memref_slice %dma_start3A_70[%add3A_50, %dma_start3A_71] : memref<10240x128xf32, #tpu.memory_space<hbm>> -> memref<128x128xf32, #tpu.memory_space<hbm>>
        %dma_start3A_73 = arith.constant 0 : i32
        %dma_start3A_74 = arith.constant 0 : i32
        %dma_start3A_75 = tpu.memref_slice %arg6[%run_scoped3A_51, %dma_start3A_73, %dma_start3A_74] : memref<2x10240x128xf32, #tpu.memory_space<hbm>> -> memref<1x10240x128xf32, #tpu.memory_space<hbm>>
        %dma_start3A_76 = tpu.memref_squeeze %dma_start3A_75 : memref<1x10240x128xf32, #tpu.memory_space<hbm>> -> memref<10240x128xf32, #tpu.memory_space<hbm>>
        %dma_start3A_77 = arith.constant 0 : i32
        %dma_start3A_78 = tpu.memref_slice %dma_start3A_76[%add3A_50, %dma_start3A_77] : memref<10240x128xf32, #tpu.memory_space<hbm>> -> memref<128x128xf32, #tpu.memory_space<hbm>>
        tpu.enqueue_dma source(%arg9 : memref<128x128xf32, #tpu.memory_space<vmem>>) target(%dma_start3A_78 : memref<128x128xf32, #tpu.memory_space<hbm>>) target_semaphore(%run_scoped3A_67 : memref<!tpu.dma_semaphore, #tpu.memory_space<semaphore_mem>>)
        %dma_wait3A = arith.constant 0 : i32
        %dma_wait3A_79 = arith.constant 0 : i32
        %dma_wait3A_80 = tpu.memref_slice %arg6[%run_scoped3A_51, %dma_wait3A, %dma_wait3A_79] : memref<2x10240x128xf32, #tpu.memory_space<hbm>> -> memref<1x10240x128xf32, #tpu.memory_space<hbm>>
        %dma_wait3A_81 = tpu.memref_squeeze %dma_wait3A_80 : memref<1x10240x128xf32, #tpu.memory_space<hbm>> -> memref<10240x128xf32, #tpu.memory_space<hbm>>
        %dma_wait3A_82 = arith.constant 0 : i32
        %dma_wait3A_83 = tpu.memref_slice %dma_wait3A_81[%add3A_50, %dma_wait3A_82] : memref<10240x128xf32, #tpu.memory_space<hbm>> -> memref<128x128xf32, #tpu.memory_space<hbm>>
        %dma_wait3A_84 = arith.constant 0 : i32
        %dma_wait3A_85 = arith.constant 0 : i32
        %dma_wait3A_86 = tpu.memref_slice %arg6[%run_scoped3A_51, %dma_wait3A_84, %dma_wait3A_85] : memref<2x10240x128xf32, #tpu.memory_space<hbm>> -> memref<1x10240x128xf32, #tpu.memory_space<hbm>>
        %dma_wait3A_87 = tpu.memref_squeeze %dma_wait3A_86 : memref<1x10240x128xf32, #tpu.memory_space<hbm>> -> memref<10240x128xf32, #tpu.memory_space<hbm>>
        %dma_wait3A_88 = arith.constant 0 : i32
        %dma_wait3A_89 = tpu.memref_slice %dma_wait3A_87[%add3A_50, %dma_wait3A_88] : memref<10240x128xf32, #tpu.memory_space<hbm>> -> memref<128x128xf32, #tpu.memory_space<hbm>>
        tpu.wait_dma2 semaphore(%run_scoped3A_67 : memref<!tpu.dma_semaphore, #tpu.memory_space<semaphore_mem>>) src(%arg9 : memref<128x128xf32, #tpu.memory_space<vmem>>) dst(%dma_wait3A_89 : memref<128x128xf32, #tpu.memory_space<hbm>>)
        tpu.yield
      }) : () -> ()
      %mul3A_52 = arith.constant 640 : i32
      %mul3A_53 = arith.muli %arg1, %mul3A_52 : i32
      %add3A_54 = arith.constant 256 : i32
      %add3A_55 = arith.addi %mul3A_53, %add3A_54 : i32
      "tpu.region"() ({
        %run_scoped3A_67 = tpu.sem_alloc : memref<!tpu.dma_semaphore, #tpu.memory_space<semaphore_mem>>
        %dma_start3A = arith.constant 0 : i32
        %dma_start3A_68 = tpu.memref_slice %arg11[%add3A_55, %dma_start3A] : memref<10240x128xf32, #tpu.memory_space<vmem_shared>> -> memref<128x128xf32, #tpu.memory_space<vmem_shared>>
        %dma_start3A_69 = arith.constant 0 : i32
        %dma_start3A_70 = tpu.memref_slice %arg11[%add3A_55, %dma_start3A_69] : memref<10240x128xf32, #tpu.memory_space<vmem_shared>> -> memref<128x128xf32, #tpu.memory_space<vmem_shared>>
        tpu.enqueue_dma source(%dma_start3A_70 : memref<128x128xf32, #tpu.memory_space<vmem_shared>>) target(%arg9 : memref<128x128xf32, #tpu.memory_space<vmem>>) target_semaphore(%run_scoped3A_67 : memref<!tpu.dma_semaphore, #tpu.memory_space<semaphore_mem>>)
        %dma_wait3A = arith.constant 0 : i32
        %dma_wait3A_71 = tpu.memref_slice %arg11[%add3A_55, %dma_wait3A] : memref<10240x128xf32, #tpu.memory_space<vmem_shared>> -> memref<128x128xf32, #tpu.memory_space<vmem_shared>>
        %dma_wait3A_72 = arith.constant 0 : i32
        %dma_wait3A_73 = tpu.memref_slice %arg11[%add3A_55, %dma_wait3A_72] : memref<10240x128xf32, #tpu.memory_space<vmem_shared>> -> memref<128x128xf32, #tpu.memory_space<vmem_shared>>
        tpu.wait_dma2 semaphore(%run_scoped3A_67 : memref<!tpu.dma_semaphore, #tpu.memory_space<semaphore_mem>>) src(%dma_wait3A_73 : memref<128x128xf32, #tpu.memory_space<vmem_shared>>) dst(%arg9 : memref<128x128xf32, #tpu.memory_space<vmem>>)
        tpu.yield
      }) : () -> ()
      %run_scoped3A_56 = arith.constant 0 : i32
      "tpu.region"() ({
        %run_scoped3A_67 = tpu.sem_alloc : memref<!tpu.dma_semaphore, #tpu.memory_space<semaphore_mem>>
        %dma_start3A = arith.constant 0 : i32
        %dma_start3A_68 = arith.constant 0 : i32
        %dma_start3A_69 = tpu.memref_slice %arg6[%run_scoped3A_56, %dma_start3A, %dma_start3A_68] : memref<2x10240x128xf32, #tpu.memory_space<hbm>> -> memref<1x10240x128xf32, #tpu.memory_space<hbm>>
        %dma_start3A_70 = tpu.memref_squeeze %dma_start3A_69 : memref<1x10240x128xf32, #tpu.memory_space<hbm>> -> memref<10240x128xf32, #tpu.memory_space<hbm>>
        %dma_start3A_71 = arith.constant 0 : i32
        %dma_start3A_72 = tpu.memref_slice %dma_start3A_70[%add3A_55, %dma_start3A_71] : memref<10240x128xf32, #tpu.memory_space<hbm>> -> memref<128x128xf32, #tpu.memory_space<hbm>>
        %dma_start3A_73 = arith.constant 0 : i32
        %dma_start3A_74 = arith.constant 0 : i32
        %dma_start3A_75 = tpu.memref_slice %arg6[%run_scoped3A_56, %dma_start3A_73, %dma_start3A_74] : memref<2x10240x128xf32, #tpu.memory_space<hbm>> -> memref<1x10240x128xf32, #tpu.memory_space<hbm>>
        %dma_start3A_76 = tpu.memref_squeeze %dma_start3A_75 : memref<1x10240x128xf32, #tpu.memory_space<hbm>> -> memref<10240x128xf32, #tpu.memory_space<hbm>>
        %dma_start3A_77 = arith.constant 0 : i32
        %dma_start3A_78 = tpu.memref_slice %dma_start3A_76[%add3A_55, %dma_start3A_77] : memref<10240x128xf32, #tpu.memory_space<hbm>> -> memref<128x128xf32, #tpu.memory_space<hbm>>
        tpu.enqueue_dma source(%arg9 : memref<128x128xf32, #tpu.memory_space<vmem>>) target(%dma_start3A_78 : memref<128x128xf32, #tpu.memory_space<hbm>>) target_semaphore(%run_scoped3A_67 : memref<!tpu.dma_semaphore, #tpu.memory_space<semaphore_mem>>)
        %dma_wait3A = arith.constant 0 : i32
        %dma_wait3A_79 = arith.constant 0 : i32
        %dma_wait3A_80 = tpu.memref_slice %arg6[%run_scoped3A_56, %dma_wait3A, %dma_wait3A_79] : memref<2x10240x128xf32, #tpu.memory_space<hbm>> -> memref<1x10240x128xf32, #tpu.memory_space<hbm>>
        %dma_wait3A_81 = tpu.memref_squeeze %dma_wait3A_80 : memref<1x10240x128xf32, #tpu.memory_space<hbm>> -> memref<10240x128xf32, #tpu.memory_space<hbm>>
        %dma_wait3A_82 = arith.constant 0 : i32
        %dma_wait3A_83 = tpu.memref_slice %dma_wait3A_81[%add3A_55, %dma_wait3A_82] : memref<10240x128xf32, #tpu.memory_space<hbm>> -> memref<128x128xf32, #tpu.memory_space<hbm>>
        %dma_wait3A_84 = arith.constant 0 : i32
        %dma_wait3A_85 = arith.constant 0 : i32
        %dma_wait3A_86 = tpu.memref_slice %arg6[%run_scoped3A_56, %dma_wait3A_84, %dma_wait3A_85] : memref<2x10240x128xf32, #tpu.memory_space<hbm>> -> memref<1x10240x128xf32, #tpu.memory_space<hbm>>
        %dma_wait3A_87 = tpu.memref_squeeze %dma_wait3A_86 : memref<1x10240x128xf32, #tpu.memory_space<hbm>> -> memref<10240x128xf32, #tpu.memory_space<hbm>>
        %dma_wait3A_88 = arith.constant 0 : i32
        %dma_wait3A_89 = tpu.memref_slice %dma_wait3A_87[%add3A_55, %dma_wait3A_88] : memref<10240x128xf32, #tpu.memory_space<hbm>> -> memref<128x128xf32, #tpu.memory_space<hbm>>
        tpu.wait_dma2 semaphore(%run_scoped3A_67 : memref<!tpu.dma_semaphore, #tpu.memory_space<semaphore_mem>>) src(%arg9 : memref<128x128xf32, #tpu.memory_space<vmem>>) dst(%dma_wait3A_89 : memref<128x128xf32, #tpu.memory_space<hbm>>)
        tpu.yield
      }) : () -> ()
      %mul3A_57 = arith.constant 640 : i32
      %mul3A_58 = arith.muli %arg1, %mul3A_57 : i32
      %add3A_59 = arith.constant 384 : i32
      %add3A_60 = arith.addi %mul3A_58, %add3A_59 : i32
      "tpu.region"() ({
        %run_scoped3A_67 = tpu.sem_alloc : memref<!tpu.dma_semaphore, #tpu.memory_space<semaphore_mem>>
        %dma_start3A = arith.constant 0 : i32
        %dma_start3A_68 = tpu.memref_slice %arg11[%add3A_60, %dma_start3A] : memref<10240x128xf32, #tpu.memory_space<vmem_shared>> -> memref<128x128xf32, #tpu.memory_space<vmem_shared>>
        %dma_start3A_69 = arith.constant 0 : i32
        %dma_start3A_70 = tpu.memref_slice %arg11[%add3A_60, %dma_start3A_69] : memref<10240x128xf32, #tpu.memory_space<vmem_shared>> -> memref<128x128xf32, #tpu.memory_space<vmem_shared>>
        tpu.enqueue_dma source(%dma_start3A_70 : memref<128x128xf32, #tpu.memory_space<vmem_shared>>) target(%arg9 : memref<128x128xf32, #tpu.memory_space<vmem>>) target_semaphore(%run_scoped3A_67 : memref<!tpu.dma_semaphore, #tpu.memory_space<semaphore_mem>>)
        %dma_wait3A = arith.constant 0 : i32
        %dma_wait3A_71 = tpu.memref_slice %arg11[%add3A_60, %dma_wait3A] : memref<10240x128xf32, #tpu.memory_space<vmem_shared>> -> memref<128x128xf32, #tpu.memory_space<vmem_shared>>
        %dma_wait3A_72 = arith.constant 0 : i32
        %dma_wait3A_73 = tpu.memref_slice %arg11[%add3A_60, %dma_wait3A_72] : memref<10240x128xf32, #tpu.memory_space<vmem_shared>> -> memref<128x128xf32, #tpu.memory_space<vmem_shared>>
        tpu.wait_dma2 semaphore(%run_scoped3A_67 : memref<!tpu.dma_semaphore, #tpu.memory_space<semaphore_mem>>) src(%dma_wait3A_73 : memref<128x128xf32, #tpu.memory_space<vmem_shared>>) dst(%arg9 : memref<128x128xf32, #tpu.memory_space<vmem>>)
        tpu.yield
      }) : () -> ()
      %run_scoped3A_61 = arith.constant 0 : i32
      "tpu.region"() ({
        %run_scoped3A_67 = tpu.sem_alloc : memref<!tpu.dma_semaphore, #tpu.memory_space<semaphore_mem>>
        %dma_start3A = arith.constant 0 : i32
        %dma_start3A_68 = arith.constant 0 : i32
        %dma_start3A_69 = tpu.memref_slice %arg6[%run_scoped3A_61, %dma_start3A, %dma_start3A_68] : memref<2x10240x128xf32, #tpu.memory_space<hbm>> -> memref<1x10240x128xf32, #tpu.memory_space<hbm>>
        %dma_start3A_70 = tpu.memref_squeeze %dma_start3A_69 : memref<1x10240x128xf32, #tpu.memory_space<hbm>> -> memref<10240x128xf32, #tpu.memory_space<hbm>>
        %dma_start3A_71 = arith.constant 0 : i32
        %dma_start3A_72 = tpu.memref_slice %dma_start3A_70[%add3A_60, %dma_start3A_71] : memref<10240x128xf32, #tpu.memory_space<hbm>> -> memref<128x128xf32, #tpu.memory_space<hbm>>
        %dma_start3A_73 = arith.constant 0 : i32
        %dma_start3A_74 = arith.constant 0 : i32
        %dma_start3A_75 = tpu.memref_slice %arg6[%run_scoped3A_61, %dma_start3A_73, %dma_start3A_74] : memref<2x10240x128xf32, #tpu.memory_space<hbm>> -> memref<1x10240x128xf32, #tpu.memory_space<hbm>>
        %dma_start3A_76 = tpu.memref_squeeze %dma_start3A_75 : memref<1x10240x128xf32, #tpu.memory_space<hbm>> -> memref<10240x128xf32, #tpu.memory_space<hbm>>
        %dma_start3A_77 = arith.constant 0 : i32
        %dma_start3A_78 = tpu.memref_slice %dma_start3A_76[%add3A_60, %dma_start3A_77] : memref<10240x128xf32, #tpu.memory_space<hbm>> -> memref<128x128xf32, #tpu.memory_space<hbm>>
        tpu.enqueue_dma source(%arg9 : memref<128x128xf32, #tpu.memory_space<vmem>>) target(%dma_start3A_78 : memref<128x128xf32, #tpu.memory_space<hbm>>) target_semaphore(%run_scoped3A_67 : memref<!tpu.dma_semaphore, #tpu.memory_space<semaphore_mem>>)
        %dma_wait3A = arith.constant 0 : i32
        %dma_wait3A_79 = arith.constant 0 : i32
        %dma_wait3A_80 = tpu.memref_slice %arg6[%run_scoped3A_61, %dma_wait3A, %dma_wait3A_79] : memref<2x10240x128xf32, #tpu.memory_space<hbm>> -> memref<1x10240x128xf32, #tpu.memory_space<hbm>>
        %dma_wait3A_81 = tpu.memref_squeeze %dma_wait3A_80 : memref<1x10240x128xf32, #tpu.memory_space<hbm>> -> memref<10240x128xf32, #tpu.memory_space<hbm>>
        %dma_wait3A_82 = arith.constant 0 : i32
        %dma_wait3A_83 = tpu.memref_slice %dma_wait3A_81[%add3A_60, %dma_wait3A_82] : memref<10240x128xf32, #tpu.memory_space<hbm>> -> memref<128x128xf32, #tpu.memory_space<hbm>>
        %dma_wait3A_84 = arith.constant 0 : i32
        %dma_wait3A_85 = arith.constant 0 : i32
        %dma_wait3A_86 = tpu.memref_slice %arg6[%run_scoped3A_61, %dma_wait3A_84, %dma_wait3A_85] : memref<2x10240x128xf32, #tpu.memory_space<hbm>> -> memref<1x10240x128xf32, #tpu.memory_space<hbm>>
        %dma_wait3A_87 = tpu.memref_squeeze %dma_wait3A_86 : memref<1x10240x128xf32, #tpu.memory_space<hbm>> -> memref<10240x128xf32, #tpu.memory_space<hbm>>
        %dma_wait3A_88 = arith.constant 0 : i32
        %dma_wait3A_89 = tpu.memref_slice %dma_wait3A_87[%add3A_60, %dma_wait3A_88] : memref<10240x128xf32, #tpu.memory_space<hbm>> -> memref<128x128xf32, #tpu.memory_space<hbm>>
        tpu.wait_dma2 semaphore(%run_scoped3A_67 : memref<!tpu.dma_semaphore, #tpu.memory_space<semaphore_mem>>) src(%arg9 : memref<128x128xf32, #tpu.memory_space<vmem>>) dst(%dma_wait3A_89 : memref<128x128xf32, #tpu.memory_space<hbm>>)
        tpu.yield
      }) : () -> ()
      %mul3A_62 = arith.constant 640 : i32
      %mul3A_63 = arith.muli %arg1, %mul3A_62 : i32
      %add3A_64 = arith.constant 512 : i32
      %add3A_65 = arith.addi %mul3A_63, %add3A_64 : i32
      "tpu.region"() ({
        %run_scoped3A_67 = tpu.sem_alloc : memref<!tpu.dma_semaphore, #tpu.memory_space<semaphore_mem>>
        %dma_start3A = arith.constant 0 : i32
        %dma_start3A_68 = tpu.memref_slice %arg11[%add3A_65, %dma_start3A] : memref<10240x128xf32, #tpu.memory_space<vmem_shared>> -> memref<128x128xf32, #tpu.memory_space<vmem_shared>>
        %dma_start3A_69 = arith.constant 0 : i32
        %dma_start3A_70 = tpu.memref_slice %arg11[%add3A_65, %dma_start3A_69] : memref<10240x128xf32, #tpu.memory_space<vmem_shared>> -> memref<128x128xf32, #tpu.memory_space<vmem_shared>>
        tpu.enqueue_dma source(%dma_start3A_70 : memref<128x128xf32, #tpu.memory_space<vmem_shared>>) target(%arg9 : memref<128x128xf32, #tpu.memory_space<vmem>>) target_semaphore(%run_scoped3A_67 : memref<!tpu.dma_semaphore, #tpu.memory_space<semaphore_mem>>)
        %dma_wait3A = arith.constant 0 : i32
        %dma_wait3A_71 = tpu.memref_slice %arg11[%add3A_65, %dma_wait3A] : memref<10240x128xf32, #tpu.memory_space<vmem_shared>> -> memref<128x128xf32, #tpu.memory_space<vmem_shared>>
        %dma_wait3A_72 = arith.constant 0 : i32
        %dma_wait3A_73 = tpu.memref_slice %arg11[%add3A_65, %dma_wait3A_72] : memref<10240x128xf32, #tpu.memory_space<vmem_shared>> -> memref<128x128xf32, #tpu.memory_space<vmem_shared>>
        tpu.wait_dma2 semaphore(%run_scoped3A_67 : memref<!tpu.dma_semaphore, #tpu.memory_space<semaphore_mem>>) src(%dma_wait3A_73 : memref<128x128xf32, #tpu.memory_space<vmem_shared>>) dst(%arg9 : memref<128x128xf32, #tpu.memory_space<vmem>>)
        tpu.yield
      }) : () -> ()
      %run_scoped3A_66 = arith.constant 0 : i32
      "tpu.region"() ({
        %run_scoped3A_67 = tpu.sem_alloc : memref<!tpu.dma_semaphore, #tpu.memory_space<semaphore_mem>>
        %dma_start3A = arith.constant 0 : i32
        %dma_start3A_68 = arith.constant 0 : i32
        %dma_start3A_69 = tpu.memref_slice %arg6[%run_scoped3A_66, %dma_start3A, %dma_start3A_68] : memref<2x10240x128xf32, #tpu.memory_space<hbm>> -> memref<1x10240x128xf32, #tpu.memory_space<hbm>>
        %dma_start3A_70 = tpu.memref_squeeze %dma_start3A_69 : memref<1x10240x128xf32, #tpu.memory_space<hbm>> -> memref<10240x128xf32, #tpu.memory_space<hbm>>
        %dma_start3A_71 = arith.constant 0 : i32
        %dma_start3A_72 = tpu.memref_slice %dma_start3A_70[%add3A_65, %dma_start3A_71] : memref<10240x128xf32, #tpu.memory_space<hbm>> -> memref<128x128xf32, #tpu.memory_space<hbm>>
        %dma_start3A_73 = arith.constant 0 : i32
        %dma_start3A_74 = arith.constant 0 : i32
        %dma_start3A_75 = tpu.memref_slice %arg6[%run_scoped3A_66, %dma_start3A_73, %dma_start3A_74] : memref<2x10240x128xf32, #tpu.memory_space<hbm>> -> memref<1x10240x128xf32, #tpu.memory_space<hbm>>
        %dma_start3A_76 = tpu.memref_squeeze %dma_start3A_75 : memref<1x10240x128xf32, #tpu.memory_space<hbm>> -> memref<10240x128xf32, #tpu.memory_space<hbm>>
        %dma_start3A_77 = arith.constant 0 : i32
        %dma_start3A_78 = tpu.memref_slice %dma_start3A_76[%add3A_65, %dma_start3A_77] : memref<10240x128xf32, #tpu.memory_space<hbm>> -> memref<128x128xf32, #tpu.memory_space<hbm>>
        tpu.enqueue_dma source(%arg9 : memref<128x128xf32, #tpu.memory_space<vmem>>) target(%dma_start3A_78 : memref<128x128xf32, #tpu.memory_space<hbm>>) target_semaphore(%run_scoped3A_67 : memref<!tpu.dma_semaphore, #tpu.memory_space<semaphore_mem>>)
        %dma_wait3A = arith.constant 0 : i32
        %dma_wait3A_79 = arith.constant 0 : i32
        %dma_wait3A_80 = tpu.memref_slice %arg6[%run_scoped3A_66, %dma_wait3A, %dma_wait3A_79] : memref<2x10240x128xf32, #tpu.memory_space<hbm>> -> memref<1x10240x128xf32, #tpu.memory_space<hbm>>
        %dma_wait3A_81 = tpu.memref_squeeze %dma_wait3A_80 : memref<1x10240x128xf32, #tpu.memory_space<hbm>> -> memref<10240x128xf32, #tpu.memory_space<hbm>>
        %dma_wait3A_82 = arith.constant 0 : i32
        %dma_wait3A_83 = tpu.memref_slice %dma_wait3A_81[%add3A_65, %dma_wait3A_82] : memref<10240x128xf32, #tpu.memory_space<hbm>> -> memref<128x128xf32, #tpu.memory_space<hbm>>
        %dma_wait3A_84 = arith.constant 0 : i32
        %dma_wait3A_85 = arith.constant 0 : i32
        %dma_wait3A_86 = tpu.memref_slice %arg6[%run_scoped3A_66, %dma_wait3A_84, %dma_wait3A_85] : memref<2x10240x128xf32, #tpu.memory_space<hbm>> -> memref<1x10240x128xf32, #tpu.memory_space<hbm>>
        %dma_wait3A_87 = tpu.memref_squeeze %dma_wait3A_86 : memref<1x10240x128xf32, #tpu.memory_space<hbm>> -> memref<10240x128xf32, #tpu.memory_space<hbm>>
        %dma_wait3A_88 = arith.constant 0 : i32
        %dma_wait3A_89 = tpu.memref_slice %dma_wait3A_87[%add3A_65, %dma_wait3A_88] : memref<10240x128xf32, #tpu.memory_space<hbm>> -> memref<128x128xf32, #tpu.memory_space<hbm>>
        tpu.wait_dma2 semaphore(%run_scoped3A_67 : memref<!tpu.dma_semaphore, #tpu.memory_space<semaphore_mem>>) src(%arg9 : memref<128x128xf32, #tpu.memory_space<vmem>>) dst(%dma_wait3A_89 : memref<128x128xf32, #tpu.memory_space<hbm>>)
        tpu.yield
      }) : () -> ()
    } else {
    }
    %eq3A_38 = arith.constant 1 : i32
    %eq3A_39 = arith.cmpi eq, %arg0, %eq3A_38 : i32
    %convert_element_type3A_40 = arith.extui %eq3A_39 : i1 to i32
    %cond3A_41 = arith.constant 0 : i32
    %cond3A_42 = arith.cmpi ne, %convert_element_type3A_40, %cond3A_41 : i32
    scf.if %cond3A_42 {
      %mul3A_43 = arith.constant 640 : i32
      %mul3A_44 = arith.muli %arg1, %mul3A_43 : i32
      %add3A_45 = arith.constant 0 : i32
      %add3A_46 = arith.addi %mul3A_44, %add3A_45 : i32
      "tpu.region"() ({
        %run_scoped3A_67 = tpu.sem_alloc : memref<!tpu.dma_semaphore, #tpu.memory_space<semaphore_mem>>
        %dma_start3A = arith.constant 0 : i32
        %dma_start3A_68 = tpu.memref_slice %arg11[%add3A_46, %dma_start3A] : memref<10240x128xf32, #tpu.memory_space<vmem_shared>> -> memref<128x128xf32, #tpu.memory_space<vmem_shared>>
        %dma_start3A_69 = arith.constant 0 : i32
        %dma_start3A_70 = tpu.memref_slice %arg11[%add3A_46, %dma_start3A_69] : memref<10240x128xf32, #tpu.memory_space<vmem_shared>> -> memref<128x128xf32, #tpu.memory_space<vmem_shared>>
        tpu.enqueue_dma source(%dma_start3A_70 : memref<128x128xf32, #tpu.memory_space<vmem_shared>>) target(%arg9 : memref<128x128xf32, #tpu.memory_space<vmem>>) target_semaphore(%run_scoped3A_67 : memref<!tpu.dma_semaphore, #tpu.memory_space<semaphore_mem>>)
        %dma_wait3A = arith.constant 0 : i32
        %dma_wait3A_71 = tpu.memref_slice %arg11[%add3A_46, %dma_wait3A] : memref<10240x128xf32, #tpu.memory_space<vmem_shared>> -> memref<128x128xf32, #tpu.memory_space<vmem_shared>>
        %dma_wait3A_72 = arith.constant 0 : i32
        %dma_wait3A_73 = tpu.memref_slice %arg11[%add3A_46, %dma_wait3A_72] : memref<10240x128xf32, #tpu.memory_space<vmem_shared>> -> memref<128x128xf32, #tpu.memory_space<vmem_shared>>
        tpu.wait_dma2 semaphore(%run_scoped3A_67 : memref<!tpu.dma_semaphore, #tpu.memory_space<semaphore_mem>>) src(%dma_wait3A_73 : memref<128x128xf32, #tpu.memory_space<vmem_shared>>) dst(%arg9 : memref<128x128xf32, #tpu.memory_space<vmem>>)
        tpu.yield
      }) : () -> ()
      %run_scoped3A = arith.constant 1 : i32
      "tpu.region"() ({
        %run_scoped3A_67 = tpu.sem_alloc : memref<!tpu.dma_semaphore, #tpu.memory_space<semaphore_mem>>
        %dma_start3A = arith.constant 0 : i32
        %dma_start3A_68 = arith.constant 0 : i32
        %dma_start3A_69 = tpu.memref_slice %arg6[%run_scoped3A, %dma_start3A, %dma_start3A_68] : memref<2x10240x128xf32, #tpu.memory_space<hbm>> -> memref<1x10240x128xf32, #tpu.memory_space<hbm>>
        %dma_start3A_70 = tpu.memref_squeeze %dma_start3A_69 : memref<1x10240x128xf32, #tpu.memory_space<hbm>> -> memref<10240x128xf32, #tpu.memory_space<hbm>>
        %dma_start3A_71 = arith.constant 0 : i32
        %dma_start3A_72 = tpu.memref_slice %dma_start3A_70[%add3A_46, %dma_start3A_71] : memref<10240x128xf32, #tpu.memory_space<hbm>> -> memref<128x128xf32, #tpu.memory_space<hbm>>
        %dma_start3A_73 = arith.constant 0 : i32
        %dma_start3A_74 = arith.constant 0 : i32
        %dma_start3A_75 = tpu.memref_slice %arg6[%run_scoped3A, %dma_start3A_73, %dma_start3A_74] : memref<2x10240x128xf32, #tpu.memory_space<hbm>> -> memref<1x10240x128xf32, #tpu.memory_space<hbm>>
        %dma_start3A_76 = tpu.memref_squeeze %dma_start3A_75 : memref<1x10240x128xf32, #tpu.memory_space<hbm>> -> memref<10240x128xf32, #tpu.memory_space<hbm>>
        %dma_start3A_77 = arith.constant 0 : i32
        %dma_start3A_78 = tpu.memref_slice %dma_start3A_76[%add3A_46, %dma_start3A_77] : memref<10240x128xf32, #tpu.memory_space<hbm>> -> memref<128x128xf32, #tpu.memory_space<hbm>>
        tpu.enqueue_dma source(%arg9 : memref<128x128xf32, #tpu.memory_space<vmem>>) target(%dma_start3A_78 : memref<128x128xf32, #tpu.memory_space<hbm>>) target_semaphore(%run_scoped3A_67 : memref<!tpu.dma_semaphore, #tpu.memory_space<semaphore_mem>>)
        %dma_wait3A = arith.constant 0 : i32
        %dma_wait3A_79 = arith.constant 0 : i32
        %dma_wait3A_80 = tpu.memref_slice %arg6[%run_scoped3A, %dma_wait3A, %dma_wait3A_79] : memref<2x10240x128xf32, #tpu.memory_space<hbm>> -> memref<1x10240x128xf32, #tpu.memory_space<hbm>>
        %dma_wait3A_81 = tpu.memref_squeeze %dma_wait3A_80 : memref<1x10240x128xf32, #tpu.memory_space<hbm>> -> memref<10240x128xf32, #tpu.memory_space<hbm>>
        %dma_wait3A_82 = arith.constant 0 : i32
        %dma_wait3A_83 = tpu.memref_slice %dma_wait3A_81[%add3A_46, %dma_wait3A_82] : memref<10240x128xf32, #tpu.memory_space<hbm>> -> memref<128x128xf32, #tpu.memory_space<hbm>>
        %dma_wait3A_84 = arith.constant 0 : i32
        %dma_wait3A_85 = arith.constant 0 : i32
        %dma_wait3A_86 = tpu.memref_slice %arg6[%run_scoped3A, %dma_wait3A_84, %dma_wait3A_85] : memref<2x10240x128xf32, #tpu.memory_space<hbm>> -> memref<1x10240x128xf32, #tpu.memory_space<hbm>>
        %dma_wait3A_87 = tpu.memref_squeeze %dma_wait3A_86 : memref<1x10240x128xf32, #tpu.memory_space<hbm>> -> memref<10240x128xf32, #tpu.memory_space<hbm>>
        %dma_wait3A_88 = arith.constant 0 : i32
        %dma_wait3A_89 = tpu.memref_slice %dma_wait3A_87[%add3A_46, %dma_wait3A_88] : memref<10240x128xf32, #tpu.memory_space<hbm>> -> memref<128x128xf32, #tpu.memory_space<hbm>>
        tpu.wait_dma2 semaphore(%run_scoped3A_67 : memref<!tpu.dma_semaphore, #tpu.memory_space<semaphore_mem>>) src(%arg9 : memref<128x128xf32, #tpu.memory_space<vmem>>) dst(%dma_wait3A_89 : memref<128x128xf32, #tpu.memory_space<hbm>>)
        tpu.yield
      }) : () -> ()
      %mul3A_47 = arith.constant 640 : i32
      %mul3A_48 = arith.muli %arg1, %mul3A_47 : i32
      %add3A_49 = arith.constant 128 : i32
      %add3A_50 = arith.addi %mul3A_48, %add3A_49 : i32
      "tpu.region"() ({
        %run_scoped3A_67 = tpu.sem_alloc : memref<!tpu.dma_semaphore, #tpu.memory_space<semaphore_mem>>
        %dma_start3A = arith.constant 0 : i32
        %dma_start3A_68 = tpu.memref_slice %arg11[%add3A_50, %dma_start3A] : memref<10240x128xf32, #tpu.memory_space<vmem_shared>> -> memref<128x128xf32, #tpu.memory_space<vmem_shared>>
        %dma_start3A_69 = arith.constant 0 : i32
        %dma_start3A_70 = tpu.memref_slice %arg11[%add3A_50, %dma_start3A_69] : memref<10240x128xf32, #tpu.memory_space<vmem_shared>> -> memref<128x128xf32, #tpu.memory_space<vmem_shared>>
        tpu.enqueue_dma source(%dma_start3A_70 : memref<128x128xf32, #tpu.memory_space<vmem_shared>>) target(%arg9 : memref<128x128xf32, #tpu.memory_space<vmem>>) target_semaphore(%run_scoped3A_67 : memref<!tpu.dma_semaphore, #tpu.memory_space<semaphore_mem>>)
        %dma_wait3A = arith.constant 0 : i32
        %dma_wait3A_71 = tpu.memref_slice %arg11[%add3A_50, %dma_wait3A] : memref<10240x128xf32, #tpu.memory_space<vmem_shared>> -> memref<128x128xf32, #tpu.memory_space<vmem_shared>>
        %dma_wait3A_72 = arith.constant 0 : i32
        %dma_wait3A_73 = tpu.memref_slice %arg11[%add3A_50, %dma_wait3A_72] : memref<10240x128xf32, #tpu.memory_space<vmem_shared>> -> memref<128x128xf32, #tpu.memory_space<vmem_shared>>
        tpu.wait_dma2 semaphore(%run_scoped3A_67 : memref<!tpu.dma_semaphore, #tpu.memory_space<semaphore_mem>>) src(%dma_wait3A_73 : memref<128x128xf32, #tpu.memory_space<vmem_shared>>) dst(%arg9 : memref<128x128xf32, #tpu.memory_space<vmem>>)
        tpu.yield
      }) : () -> ()
      %run_scoped3A_51 = arith.constant 1 : i32
      "tpu.region"() ({
        %run_scoped3A_67 = tpu.sem_alloc : memref<!tpu.dma_semaphore, #tpu.memory_space<semaphore_mem>>
        %dma_start3A = arith.constant 0 : i32
        %dma_start3A_68 = arith.constant 0 : i32
        %dma_start3A_69 = tpu.memref_slice %arg6[%run_scoped3A_51, %dma_start3A, %dma_start3A_68] : memref<2x10240x128xf32, #tpu.memory_space<hbm>> -> memref<1x10240x128xf32, #tpu.memory_space<hbm>>
        %dma_start3A_70 = tpu.memref_squeeze %dma_start3A_69 : memref<1x10240x128xf32, #tpu.memory_space<hbm>> -> memref<10240x128xf32, #tpu.memory_space<hbm>>
        %dma_start3A_71 = arith.constant 0 : i32
        %dma_start3A_72 = tpu.memref_slice %dma_start3A_70[%add3A_50, %dma_start3A_71] : memref<10240x128xf32, #tpu.memory_space<hbm>> -> memref<128x128xf32, #tpu.memory_space<hbm>>
        %dma_start3A_73 = arith.constant 0 : i32
        %dma_start3A_74 = arith.constant 0 : i32
        %dma_start3A_75 = tpu.memref_slice %arg6[%run_scoped3A_51, %dma_start3A_73, %dma_start3A_74] : memref<2x10240x128xf32, #tpu.memory_space<hbm>> -> memref<1x10240x128xf32, #tpu.memory_space<hbm>>
        %dma_start3A_76 = tpu.memref_squeeze %dma_start3A_75 : memref<1x10240x128xf32, #tpu.memory_space<hbm>> -> memref<10240x128xf32, #tpu.memory_space<hbm>>
        %dma_start3A_77 = arith.constant 0 : i32
        %dma_start3A_78 = tpu.memref_slice %dma_start3A_76[%add3A_50, %dma_start3A_77] : memref<10240x128xf32, #tpu.memory_space<hbm>> -> memref<128x128xf32, #tpu.memory_space<hbm>>
        tpu.enqueue_dma source(%arg9 : memref<128x128xf32, #tpu.memory_space<vmem>>) target(%dma_start3A_78 : memref<128x128xf32, #tpu.memory_space<hbm>>) target_semaphore(%run_scoped3A_67 : memref<!tpu.dma_semaphore, #tpu.memory_space<semaphore_mem>>)
        %dma_wait3A = arith.constant 0 : i32
        %dma_wait3A_79 = arith.constant 0 : i32
        %dma_wait3A_80 = tpu.memref_slice %arg6[%run_scoped3A_51, %dma_wait3A, %dma_wait3A_79] : memref<2x10240x128xf32, #tpu.memory_space<hbm>> -> memref<1x10240x128xf32, #tpu.memory_space<hbm>>
        %dma_wait3A_81 = tpu.memref_squeeze %dma_wait3A_80 : memref<1x10240x128xf32, #tpu.memory_space<hbm>> -> memref<10240x128xf32, #tpu.memory_space<hbm>>
        %dma_wait3A_82 = arith.constant 0 : i32
        %dma_wait3A_83 = tpu.memref_slice %dma_wait3A_81[%add3A_50, %dma_wait3A_82] : memref<10240x128xf32, #tpu.memory_space<hbm>> -> memref<128x128xf32, #tpu.memory_space<hbm>>
        %dma_wait3A_84 = arith.constant 0 : i32
        %dma_wait3A_85 = arith.constant 0 : i32
        %dma_wait3A_86 = tpu.memref_slice %arg6[%run_scoped3A_51, %dma_wait3A_84, %dma_wait3A_85] : memref<2x10240x128xf32, #tpu.memory_space<hbm>> -> memref<1x10240x128xf32, #tpu.memory_space<hbm>>
        %dma_wait3A_87 = tpu.memref_squeeze %dma_wait3A_86 : memref<1x10240x128xf32, #tpu.memory_space<hbm>> -> memref<10240x128xf32, #tpu.memory_space<hbm>>
        %dma_wait3A_88 = arith.constant 0 : i32
        %dma_wait3A_89 = tpu.memref_slice %dma_wait3A_87[%add3A_50, %dma_wait3A_88] : memref<10240x128xf32, #tpu.memory_space<hbm>> -> memref<128x128xf32, #tpu.memory_space<hbm>>
        tpu.wait_dma2 semaphore(%run_scoped3A_67 : memref<!tpu.dma_semaphore, #tpu.memory_space<semaphore_mem>>) src(%arg9 : memref<128x128xf32, #tpu.memory_space<vmem>>) dst(%dma_wait3A_89 : memref<128x128xf32, #tpu.memory_space<hbm>>)
        tpu.yield
      }) : () -> ()
      %mul3A_52 = arith.constant 640 : i32
      %mul3A_53 = arith.muli %arg1, %mul3A_52 : i32
      %add3A_54 = arith.constant 256 : i32
      %add3A_55 = arith.addi %mul3A_53, %add3A_54 : i32
      "tpu.region"() ({
        %run_scoped3A_67 = tpu.sem_alloc : memref<!tpu.dma_semaphore, #tpu.memory_space<semaphore_mem>>
        %dma_start3A = arith.constant 0 : i32
        %dma_start3A_68 = tpu.memref_slice %arg11[%add3A_55, %dma_start3A] : memref<10240x128xf32, #tpu.memory_space<vmem_shared>> -> memref<128x128xf32, #tpu.memory_space<vmem_shared>>
        %dma_start3A_69 = arith.constant 0 : i32
        %dma_start3A_70 = tpu.memref_slice %arg11[%add3A_55, %dma_start3A_69] : memref<10240x128xf32, #tpu.memory_space<vmem_shared>> -> memref<128x128xf32, #tpu.memory_space<vmem_shared>>
        tpu.enqueue_dma source(%dma_start3A_70 : memref<128x128xf32, #tpu.memory_space<vmem_shared>>) target(%arg9 : memref<128x128xf32, #tpu.memory_space<vmem>>) target_semaphore(%run_scoped3A_67 : memref<!tpu.dma_semaphore, #tpu.memory_space<semaphore_mem>>)
        %dma_wait3A = arith.constant 0 : i32
        %dma_wait3A_71 = tpu.memref_slice %arg11[%add3A_55, %dma_wait3A] : memref<10240x128xf32, #tpu.memory_space<vmem_shared>> -> memref<128x128xf32, #tpu.memory_space<vmem_shared>>
        %dma_wait3A_72 = arith.constant 0 : i32
        %dma_wait3A_73 = tpu.memref_slice %arg11[%add3A_55, %dma_wait3A_72] : memref<10240x128xf32, #tpu.memory_space<vmem_shared>> -> memref<128x128xf32, #tpu.memory_space<vmem_shared>>
        tpu.wait_dma2 semaphore(%run_scoped3A_67 : memref<!tpu.dma_semaphore, #tpu.memory_space<semaphore_mem>>) src(%dma_wait3A_73 : memref<128x128xf32, #tpu.memory_space<vmem_shared>>) dst(%arg9 : memref<128x128xf32, #tpu.memory_space<vmem>>)
        tpu.yield
      }) : () -> ()
      %run_scoped3A_56 = arith.constant 1 : i32
      "tpu.region"() ({
        %run_scoped3A_67 = tpu.sem_alloc : memref<!tpu.dma_semaphore, #tpu.memory_space<semaphore_mem>>
        %dma_start3A = arith.constant 0 : i32
        %dma_start3A_68 = arith.constant 0 : i32
        %dma_start3A_69 = tpu.memref_slice %arg6[%run_scoped3A_56, %dma_start3A, %dma_start3A_68] : memref<2x10240x128xf32, #tpu.memory_space<hbm>> -> memref<1x10240x128xf32, #tpu.memory_space<hbm>>
        %dma_start3A_70 = tpu.memref_squeeze %dma_start3A_69 : memref<1x10240x128xf32, #tpu.memory_space<hbm>> -> memref<10240x128xf32, #tpu.memory_space<hbm>>
        %dma_start3A_71 = arith.constant 0 : i32
        %dma_start3A_72 = tpu.memref_slice %dma_start3A_70[%add3A_55, %dma_start3A_71] : memref<10240x128xf32, #tpu.memory_space<hbm>> -> memref<128x128xf32, #tpu.memory_space<hbm>>
        %dma_start3A_73 = arith.constant 0 : i32
        %dma_start3A_74 = arith.constant 0 : i32
        %dma_start3A_75 = tpu.memref_slice %arg6[%run_scoped3A_56, %dma_start3A_73, %dma_start3A_74] : memref<2x10240x128xf32, #tpu.memory_space<hbm>> -> memref<1x10240x128xf32, #tpu.memory_space<hbm>>
        %dma_start3A_76 = tpu.memref_squeeze %dma_start3A_75 : memref<1x10240x128xf32, #tpu.memory_space<hbm>> -> memref<10240x128xf32, #tpu.memory_space<hbm>>
        %dma_start3A_77 = arith.constant 0 : i32
        %dma_start3A_78 = tpu.memref_slice %dma_start3A_76[%add3A_55, %dma_start3A_77] : memref<10240x128xf32, #tpu.memory_space<hbm>> -> memref<128x128xf32, #tpu.memory_space<hbm>>
        tpu.enqueue_dma source(%arg9 : memref<128x128xf32, #tpu.memory_space<vmem>>) target(%dma_start3A_78 : memref<128x128xf32, #tpu.memory_space<hbm>>) target_semaphore(%run_scoped3A_67 : memref<!tpu.dma_semaphore, #tpu.memory_space<semaphore_mem>>)
        %dma_wait3A = arith.constant 0 : i32
        %dma_wait3A_79 = arith.constant 0 : i32
        %dma_wait3A_80 = tpu.memref_slice %arg6[%run_scoped3A_56, %dma_wait3A, %dma_wait3A_79] : memref<2x10240x128xf32, #tpu.memory_space<hbm>> -> memref<1x10240x128xf32, #tpu.memory_space<hbm>>
        %dma_wait3A_81 = tpu.memref_squeeze %dma_wait3A_80 : memref<1x10240x128xf32, #tpu.memory_space<hbm>> -> memref<10240x128xf32, #tpu.memory_space<hbm>>
        %dma_wait3A_82 = arith.constant 0 : i32
        %dma_wait3A_83 = tpu.memref_slice %dma_wait3A_81[%add3A_55, %dma_wait3A_82] : memref<10240x128xf32, #tpu.memory_space<hbm>> -> memref<128x128xf32, #tpu.memory_space<hbm>>
        %dma_wait3A_84 = arith.constant 0 : i32
        %dma_wait3A_85 = arith.constant 0 : i32
        %dma_wait3A_86 = tpu.memref_slice %arg6[%run_scoped3A_56, %dma_wait3A_84, %dma_wait3A_85] : memref<2x10240x128xf32, #tpu.memory_space<hbm>> -> memref<1x10240x128xf32, #tpu.memory_space<hbm>>
        %dma_wait3A_87 = tpu.memref_squeeze %dma_wait3A_86 : memref<1x10240x128xf32, #tpu.memory_space<hbm>> -> memref<10240x128xf32, #tpu.memory_space<hbm>>
        %dma_wait3A_88 = arith.constant 0 : i32
        %dma_wait3A_89 = tpu.memref_slice %dma_wait3A_87[%add3A_55, %dma_wait3A_88] : memref<10240x128xf32, #tpu.memory_space<hbm>> -> memref<128x128xf32, #tpu.memory_space<hbm>>
        tpu.wait_dma2 semaphore(%run_scoped3A_67 : memref<!tpu.dma_semaphore, #tpu.memory_space<semaphore_mem>>) src(%arg9 : memref<128x128xf32, #tpu.memory_space<vmem>>) dst(%dma_wait3A_89 : memref<128x128xf32, #tpu.memory_space<hbm>>)
        tpu.yield
      }) : () -> ()
      %mul3A_57 = arith.constant 640 : i32
      %mul3A_58 = arith.muli %arg1, %mul3A_57 : i32
      %add3A_59 = arith.constant 384 : i32
      %add3A_60 = arith.addi %mul3A_58, %add3A_59 : i32
      "tpu.region"() ({
        %run_scoped3A_67 = tpu.sem_alloc : memref<!tpu.dma_semaphore, #tpu.memory_space<semaphore_mem>>
        %dma_start3A = arith.constant 0 : i32
        %dma_start3A_68 = tpu.memref_slice %arg11[%add3A_60, %dma_start3A] : memref<10240x128xf32, #tpu.memory_space<vmem_shared>> -> memref<128x128xf32, #tpu.memory_space<vmem_shared>>
        %dma_start3A_69 = arith.constant 0 : i32
        %dma_start3A_70 = tpu.memref_slice %arg11[%add3A_60, %dma_start3A_69] : memref<10240x128xf32, #tpu.memory_space<vmem_shared>> -> memref<128x128xf32, #tpu.memory_space<vmem_shared>>
        tpu.enqueue_dma source(%dma_start3A_70 : memref<128x128xf32, #tpu.memory_space<vmem_shared>>) target(%arg9 : memref<128x128xf32, #tpu.memory_space<vmem>>) target_semaphore(%run_scoped3A_67 : memref<!tpu.dma_semaphore, #tpu.memory_space<semaphore_mem>>)
        %dma_wait3A = arith.constant 0 : i32
        %dma_wait3A_71 = tpu.memref_slice %arg11[%add3A_60, %dma_wait3A] : memref<10240x128xf32, #tpu.memory_space<vmem_shared>> -> memref<128x128xf32, #tpu.memory_space<vmem_shared>>
        %dma_wait3A_72 = arith.constant 0 : i32
        %dma_wait3A_73 = tpu.memref_slice %arg11[%add3A_60, %dma_wait3A_72] : memref<10240x128xf32, #tpu.memory_space<vmem_shared>> -> memref<128x128xf32, #tpu.memory_space<vmem_shared>>
        tpu.wait_dma2 semaphore(%run_scoped3A_67 : memref<!tpu.dma_semaphore, #tpu.memory_space<semaphore_mem>>) src(%dma_wait3A_73 : memref<128x128xf32, #tpu.memory_space<vmem_shared>>) dst(%arg9 : memref<128x128xf32, #tpu.memory_space<vmem>>)
        tpu.yield
      }) : () -> ()
      %run_scoped3A_61 = arith.constant 1 : i32
      "tpu.region"() ({
        %run_scoped3A_67 = tpu.sem_alloc : memref<!tpu.dma_semaphore, #tpu.memory_space<semaphore_mem>>
        %dma_start3A = arith.constant 0 : i32
        %dma_start3A_68 = arith.constant 0 : i32
        %dma_start3A_69 = tpu.memref_slice %arg6[%run_scoped3A_61, %dma_start3A, %dma_start3A_68] : memref<2x10240x128xf32, #tpu.memory_space<hbm>> -> memref<1x10240x128xf32, #tpu.memory_space<hbm>>
        %dma_start3A_70 = tpu.memref_squeeze %dma_start3A_69 : memref<1x10240x128xf32, #tpu.memory_space<hbm>> -> memref<10240x128xf32, #tpu.memory_space<hbm>>
        %dma_start3A_71 = arith.constant 0 : i32
        %dma_start3A_72 = tpu.memref_slice %dma_start3A_70[%add3A_60, %dma_start3A_71] : memref<10240x128xf32, #tpu.memory_space<hbm>> -> memref<128x128xf32, #tpu.memory_space<hbm>>
        %dma_start3A_73 = arith.constant 0 : i32
        %dma_start3A_74 = arith.constant 0 : i32
        %dma_start3A_75 = tpu.memref_slice %arg6[%run_scoped3A_61, %dma_start3A_73, %dma_start3A_74] : memref<2x10240x128xf32, #tpu.memory_space<hbm>> -> memref<1x10240x128xf32, #tpu.memory_space<hbm>>
        %dma_start3A_76 = tpu.memref_squeeze %dma_start3A_75 : memref<1x10240x128xf32, #tpu.memory_space<hbm>> -> memref<10240x128xf32, #tpu.memory_space<hbm>>
        %dma_start3A_77 = arith.constant 0 : i32
        %dma_start3A_78 = tpu.memref_slice %dma_start3A_76[%add3A_60, %dma_start3A_77] : memref<10240x128xf32, #tpu.memory_space<hbm>> -> memref<128x128xf32, #tpu.memory_space<hbm>>
        tpu.enqueue_dma source(%arg9 : memref<128x128xf32, #tpu.memory_space<vmem>>) target(%dma_start3A_78 : memref<128x128xf32, #tpu.memory_space<hbm>>) target_semaphore(%run_scoped3A_67 : memref<!tpu.dma_semaphore, #tpu.memory_space<semaphore_mem>>)
        %dma_wait3A = arith.constant 0 : i32
        %dma_wait3A_79 = arith.constant 0 : i32
        %dma_wait3A_80 = tpu.memref_slice %arg6[%run_scoped3A_61, %dma_wait3A, %dma_wait3A_79] : memref<2x10240x128xf32, #tpu.memory_space<hbm>> -> memref<1x10240x128xf32, #tpu.memory_space<hbm>>
        %dma_wait3A_81 = tpu.memref_squeeze %dma_wait3A_80 : memref<1x10240x128xf32, #tpu.memory_space<hbm>> -> memref<10240x128xf32, #tpu.memory_space<hbm>>
        %dma_wait3A_82 = arith.constant 0 : i32
        %dma_wait3A_83 = tpu.memref_slice %dma_wait3A_81[%add3A_60, %dma_wait3A_82] : memref<10240x128xf32, #tpu.memory_space<hbm>> -> memref<128x128xf32, #tpu.memory_space<hbm>>
        %dma_wait3A_84 = arith.constant 0 : i32
        %dma_wait3A_85 = arith.constant 0 : i32
        %dma_wait3A_86 = tpu.memref_slice %arg6[%run_scoped3A_61, %dma_wait3A_84, %dma_wait3A_85] : memref<2x10240x128xf32, #tpu.memory_space<hbm>> -> memref<1x10240x128xf32, #tpu.memory_space<hbm>>
        %dma_wait3A_87 = tpu.memref_squeeze %dma_wait3A_86 : memref<1x10240x128xf32, #tpu.memory_space<hbm>> -> memref<10240x128xf32, #tpu.memory_space<hbm>>
        %dma_wait3A_88 = arith.constant 0 : i32
        %dma_wait3A_89 = tpu.memref_slice %dma_wait3A_87[%add3A_60, %dma_wait3A_88] : memref<10240x128xf32, #tpu.memory_space<hbm>> -> memref<128x128xf32, #tpu.memory_space<hbm>>
        tpu.wait_dma2 semaphore(%run_scoped3A_67 : memref<!tpu.dma_semaphore, #tpu.memory_space<semaphore_mem>>) src(%arg9 : memref<128x128xf32, #tpu.memory_space<vmem>>) dst(%dma_wait3A_89 : memref<128x128xf32, #tpu.memory_space<hbm>>)
        tpu.yield
      }) : () -> ()
      %mul3A_62 = arith.constant 640 : i32
      %mul3A_63 = arith.muli %arg1, %mul3A_62 : i32
      %add3A_64 = arith.constant 512 : i32
      %add3A_65 = arith.addi %mul3A_63, %add3A_64 : i32
      "tpu.region"() ({
        %run_scoped3A_67 = tpu.sem_alloc : memref<!tpu.dma_semaphore, #tpu.memory_space<semaphore_mem>>
        %dma_start3A = arith.constant 0 : i32
        %dma_start3A_68 = tpu.memref_slice %arg11[%add3A_65, %dma_start3A] : memref<10240x128xf32, #tpu.memory_space<vmem_shared>> -> memref<128x128xf32, #tpu.memory_space<vmem_shared>>
        %dma_start3A_69 = arith.constant 0 : i32
        %dma_start3A_70 = tpu.memref_slice %arg11[%add3A_65, %dma_start3A_69] : memref<10240x128xf32, #tpu.memory_space<vmem_shared>> -> memref<128x128xf32, #tpu.memory_space<vmem_shared>>
        tpu.enqueue_dma source(%dma_start3A_70 : memref<128x128xf32, #tpu.memory_space<vmem_shared>>) target(%arg9 : memref<128x128xf32, #tpu.memory_space<vmem>>) target_semaphore(%run_scoped3A_67 : memref<!tpu.dma_semaphore, #tpu.memory_space<semaphore_mem>>)
        %dma_wait3A = arith.constant 0 : i32
        %dma_wait3A_71 = tpu.memref_slice %arg11[%add3A_65, %dma_wait3A] : memref<10240x128xf32, #tpu.memory_space<vmem_shared>> -> memref<128x128xf32, #tpu.memory_space<vmem_shared>>
        %dma_wait3A_72 = arith.constant 0 : i32
        %dma_wait3A_73 = tpu.memref_slice %arg11[%add3A_65, %dma_wait3A_72] : memref<10240x128xf32, #tpu.memory_space<vmem_shared>> -> memref<128x128xf32, #tpu.memory_space<vmem_shared>>
        tpu.wait_dma2 semaphore(%run_scoped3A_67 : memref<!tpu.dma_semaphore, #tpu.memory_space<semaphore_mem>>) src(%dma_wait3A_73 : memref<128x128xf32, #tpu.memory_space<vmem_shared>>) dst(%arg9 : memref<128x128xf32, #tpu.memory_space<vmem>>)
        tpu.yield
      }) : () -> ()
      %run_scoped3A_66 = arith.constant 1 : i32
      "tpu.region"() ({
        %run_scoped3A_67 = tpu.sem_alloc : memref<!tpu.dma_semaphore, #tpu.memory_space<semaphore_mem>>
        %dma_start3A = arith.constant 0 : i32
        %dma_start3A_68 = arith.constant 0 : i32
        %dma_start3A_69 = tpu.memref_slice %arg6[%run_scoped3A_66, %dma_start3A, %dma_start3A_68] : memref<2x10240x128xf32, #tpu.memory_space<hbm>> -> memref<1x10240x128xf32, #tpu.memory_space<hbm>>
        %dma_start3A_70 = tpu.memref_squeeze %dma_start3A_69 : memref<1x10240x128xf32, #tpu.memory_space<hbm>> -> memref<10240x128xf32, #tpu.memory_space<hbm>>
        %dma_start3A_71 = arith.constant 0 : i32
        %dma_start3A_72 = tpu.memref_slice %dma_start3A_70[%add3A_65, %dma_start3A_71] : memref<10240x128xf32, #tpu.memory_space<hbm>> -> memref<128x128xf32, #tpu.memory_space<hbm>>
        %dma_start3A_73 = arith.constant 0 : i32
        %dma_start3A_74 = arith.constant 0 : i32
        %dma_start3A_75 = tpu.memref_slice %arg6[%run_scoped3A_66, %dma_start3A_73, %dma_start3A_74] : memref<2x10240x128xf32, #tpu.memory_space<hbm>> -> memref<1x10240x128xf32, #tpu.memory_space<hbm>>
        %dma_start3A_76 = tpu.memref_squeeze %dma_start3A_75 : memref<1x10240x128xf32, #tpu.memory_space<hbm>> -> memref<10240x128xf32, #tpu.memory_space<hbm>>
        %dma_start3A_77 = arith.constant 0 : i32
        %dma_start3A_78 = tpu.memref_slice %dma_start3A_76[%add3A_65, %dma_start3A_77] : memref<10240x128xf32, #tpu.memory_space<hbm>> -> memref<128x128xf32, #tpu.memory_space<hbm>>
        tpu.enqueue_dma source(%arg9 : memref<128x128xf32, #tpu.memory_space<vmem>>) target(%dma_start3A_78 : memref<128x128xf32, #tpu.memory_space<hbm>>) target_semaphore(%run_scoped3A_67 : memref<!tpu.dma_semaphore, #tpu.memory_space<semaphore_mem>>)
        %dma_wait3A = arith.constant 0 : i32
        %dma_wait3A_79 = arith.constant 0 : i32
        %dma_wait3A_80 = tpu.memref_slice %arg6[%run_scoped3A_66, %dma_wait3A, %dma_wait3A_79] : memref<2x10240x128xf32, #tpu.memory_space<hbm>> -> memref<1x10240x128xf32, #tpu.memory_space<hbm>>
        %dma_wait3A_81 = tpu.memref_squeeze %dma_wait3A_80 : memref<1x10240x128xf32, #tpu.memory_space<hbm>> -> memref<10240x128xf32, #tpu.memory_space<hbm>>
        %dma_wait3A_82 = arith.constant 0 : i32
        %dma_wait3A_83 = tpu.memref_slice %dma_wait3A_81[%add3A_65, %dma_wait3A_82] : memref<10240x128xf32, #tpu.memory_space<hbm>> -> memref<128x128xf32, #tpu.memory_space<hbm>>
        %dma_wait3A_84 = arith.constant 0 : i32
        %dma_wait3A_85 = arith.constant 0 : i32
        %dma_wait3A_86 = tpu.memref_slice %arg6[%run_scoped3A_66, %dma_wait3A_84, %dma_wait3A_85] : memref<2x10240x128xf32, #tpu.memory_space<hbm>> -> memref<1x10240x128xf32, #tpu.memory_space<hbm>>
        %dma_wait3A_87 = tpu.memref_squeeze %dma_wait3A_86 : memref<1x10240x128xf32, #tpu.memory_space<hbm>> -> memref<10240x128xf32, #tpu.memory_space<hbm>>
        %dma_wait3A_88 = arith.constant 0 : i32
        %dma_wait3A_89 = tpu.memref_slice %dma_wait3A_87[%add3A_65, %dma_wait3A_88] : memref<10240x128xf32, #tpu.memory_space<hbm>> -> memref<128x128xf32, #tpu.memory_space<hbm>>
        tpu.wait_dma2 semaphore(%run_scoped3A_67 : memref<!tpu.dma_semaphore, #tpu.memory_space<semaphore_mem>>) src(%arg9 : memref<128x128xf32, #tpu.memory_space<vmem>>) dst(%dma_wait3A_89 : memref<128x128xf32, #tpu.memory_space<hbm>>)
        tpu.yield
      }) : () -> ()
    } else {
    }
    return
  }
}

#map = affine_map<(d0, d1) -> (0, 0)>
#map1 = affine_map<(d0, d1) -> (0, 0, 0)>
module attributes {stable_mosaic.version = 14 : i64} {
  func.func @_sc_agg_edge_body(%arg0: i32, %arg1: i32, %arg2: memref<10000x128xf32, #tpu.memory_space<hbm>>, %arg3: memref<32x40x128xi32, #tpu.memory_space<hbm>>, %arg4: memref<32x40x128xi32, #tpu.memory_space<hbm>>, %arg5: memref<2x10240x128xf32, #tpu.memory_space<hbm>>, %arg6: memref<40x128xi32, #tpu.memory_space<vmem>>, %arg7: memref<40x128xi32, #tpu.memory_space<vmem>>, %arg8: memref<128x128xf32, #tpu.memory_space<vmem>>, %arg9: memref<128x128xf32, #tpu.memory_space<vmem>>, %arg10: memref<10240x128xf32, #tpu.memory_space<vmem_shared>>, %arg11: memref<!tpu.dma_semaphore, #tpu.memory_space<semaphore_mem>>, %arg12: memref<!tpu.dma_semaphore, #tpu.memory_space<semaphore_mem>>, %arg13: memref<!tpu.dma_semaphore, #tpu.memory_space<semaphore_mem>>, %arg14: memref<!tpu.dma_semaphore, #tpu.memory_space<semaphore_mem>>) attributes {dimension_semantics = [#tpu.dimension_semantics<core_parallel>, #tpu.dimension_semantics<subcore_parallel>], iteration_bounds = array<i64: 2, 16>, scalar_prefetch = 0 : i64, scratch_operands = 9 : i64, tpu.core_type = #tpu.core_type<sc_vector_subcore>, window_params = [{transform_indices = #map}, {transform_indices = #map1}, {transform_indices = #map1}, {transform_indices = #map1}]} {
    %broadcast_in_dim3A = arith.constant 0.000000e+00 : f32
    %broadcast_in_dim3A_0 = vector.broadcast %broadcast_in_dim3A : f32 to vector<16xf32>
    %scan3A = arith.constant 0 : i32
    %scan3A_1 = arith.constant 0 : i32
    %scan3A_2 = arith.constant 128 : i32
    %scan3A_3 = arith.addi %scan3A_1, %scan3A_2 : i32
    %scan3A_4 = arith.constant 1 : i32
    %scan3A_5 = scf.for %scan3A_49 = %scan3A_1 to %scan3A_3 step %scan3A_4 iter_args(%scan3A_50 = %scan3A) -> (i32)  : i32 {
      %swap3A = arith.index_cast %scan3A_49 : i32 to index
      %swap3A_51 = arith.constant 0 : index
      %swap3A_52 = tpu.vector_load %arg8[%swap3A, %swap3A_51] {strides = array<i32>} : memref<128x128xf32, #tpu.memory_space<vmem>>, vector<1x16xf32>,
      %swap3A_53 = vector.shape_cast %swap3A_52 : vector<1x16xf32> to vector<16xf32>
      %swap3A_54 = vector.shape_cast %broadcast_in_dim3A_0 : vector<16xf32> to vector<1x16xf32>
      tpu.vector_store %arg8[%swap3A, %swap3A_51], %swap3A_54 {strides = array<i32>} : memref<128x128xf32, #tpu.memory_space<vmem>>, vector<1x16xf32>,
      %swap3A_55 = arith.index_cast %scan3A_49 : i32 to index
      %swap3A_56 = arith.constant 16 : index
      %swap3A_57 = tpu.vector_load %arg8[%swap3A_55, %swap3A_56] {strides = array<i32>} : memref<128x128xf32, #tpu.memory_space<vmem>>, vector<1x16xf32>,
      %swap3A_58 = vector.shape_cast %swap3A_57 : vector<1x16xf32> to vector<16xf32>
      %swap3A_59 = vector.shape_cast %broadcast_in_dim3A_0 : vector<16xf32> to vector<1x16xf32>
      tpu.vector_store %arg8[%swap3A_55, %swap3A_56], %swap3A_59 {strides = array<i32>} : memref<128x128xf32, #tpu.memory_space<vmem>>, vector<1x16xf32>,
      %swap3A_60 = arith.index_cast %scan3A_49 : i32 to index
      %swap3A_61 = arith.constant 32 : index
      %swap3A_62 = tpu.vector_load %arg8[%swap3A_60, %swap3A_61] {strides = array<i32>} : memref<128x128xf32, #tpu.memory_space<vmem>>, vector<1x16xf32>,
      %swap3A_63 = vector.shape_cast %swap3A_62 : vector<1x16xf32> to vector<16xf32>
      %swap3A_64 = vector.shape_cast %broadcast_in_dim3A_0 : vector<16xf32> to vector<1x16xf32>
      tpu.vector_store %arg8[%swap3A_60, %swap3A_61], %swap3A_64 {strides = array<i32>} : memref<128x128xf32, #tpu.memory_space<vmem>>, vector<1x16xf32>,
      %swap3A_65 = arith.index_cast %scan3A_49 : i32 to index
      %swap3A_66 = arith.constant 48 : index
      %swap3A_67 = tpu.vector_load %arg8[%swap3A_65, %swap3A_66] {strides = array<i32>} : memref<128x128xf32, #tpu.memory_space<vmem>>, vector<1x16xf32>,
      %swap3A_68 = vector.shape_cast %swap3A_67 : vector<1x16xf32> to vector<16xf32>
      %swap3A_69 = vector.shape_cast %broadcast_in_dim3A_0 : vector<16xf32> to vector<1x16xf32>
      tpu.vector_store %arg8[%swap3A_65, %swap3A_66], %swap3A_69 {strides = array<i32>} : memref<128x128xf32, #tpu.memory_space<vmem>>, vector<1x16xf32>,
      %swap3A_70 = arith.index_cast %scan3A_49 : i32 to index
      %swap3A_71 = arith.constant 64 : index
      %swap3A_72 = tpu.vector_load %arg8[%swap3A_70, %swap3A_71] {strides = array<i32>} : memref<128x128xf32, #tpu.memory_space<vmem>>, vector<1x16xf32>,
      %swap3A_73 = vector.shape_cast %swap3A_72 : vector<1x16xf32> to vector<16xf32>
      %swap3A_74 = vector.shape_cast %broadcast_in_dim3A_0 : vector<16xf32> to vector<1x16xf32>
      tpu.vector_store %arg8[%swap3A_70, %swap3A_71], %swap3A_74 {strides = array<i32>} : memref<128x128xf32, #tpu.memory_space<vmem>>, vector<1x16xf32>,
      %swap3A_75 = arith.index_cast %scan3A_49 : i32 to index
      %swap3A_76 = arith.constant 80 : index
      %swap3A_77 = tpu.vector_load %arg8[%swap3A_75, %swap3A_76] {strides = array<i32>} : memref<128x128xf32, #tpu.memory_space<vmem>>, vector<1x16xf32>,
      %swap3A_78 = vector.shape_cast %swap3A_77 : vector<1x16xf32> to vector<16xf32>
      %swap3A_79 = vector.shape_cast %broadcast_in_dim3A_0 : vector<16xf32> to vector<1x16xf32>
      tpu.vector_store %arg8[%swap3A_75, %swap3A_76], %swap3A_79 {strides = array<i32>} : memref<128x128xf32, #tpu.memory_space<vmem>>, vector<1x16xf32>,
      %swap3A_80 = arith.index_cast %scan3A_49 : i32 to index
      %swap3A_81 = arith.constant 96 : index
      %swap3A_82 = tpu.vector_load %arg8[%swap3A_80, %swap3A_81] {strides = array<i32>} : memref<128x128xf32, #tpu.memory_space<vmem>>, vector<1x16xf32>,
      %swap3A_83 = vector.shape_cast %swap3A_82 : vector<1x16xf32> to vector<16xf32>
      %swap3A_84 = vector.shape_cast %broadcast_in_dim3A_0 : vector<16xf32> to vector<1x16xf32>
      tpu.vector_store %arg8[%swap3A_80, %swap3A_81], %swap3A_84 {strides = array<i32>} : memref<128x128xf32, #tpu.memory_space<vmem>>, vector<1x16xf32>,
      %swap3A_85 = arith.index_cast %scan3A_49 : i32 to index
      %swap3A_86 = arith.constant 112 : index
      %swap3A_87 = tpu.vector_load %arg8[%swap3A_85, %swap3A_86] {strides = array<i32>} : memref<128x128xf32, #tpu.memory_space<vmem>>, vector<1x16xf32>,
      %swap3A_88 = vector.shape_cast %swap3A_87 : vector<1x16xf32> to vector<16xf32>
      %swap3A_89 = vector.shape_cast %broadcast_in_dim3A_0 : vector<16xf32> to vector<1x16xf32>
      tpu.vector_store %arg8[%swap3A_85, %swap3A_86], %swap3A_89 {strides = array<i32>} : memref<128x128xf32, #tpu.memory_space<vmem>>, vector<1x16xf32>,
      %scan3A_90 = arith.constant 0 : i32
      scf.yield %scan3A_90 : i32
    }
    %scan3A_6 = arith.constant 128 : i32
    %mul3A = arith.constant 640 : i32
    %mul3A_7 = arith.muli %arg1, %mul3A : i32
    %add3A = arith.constant 0 : i32
    %add3A_8 = arith.addi %mul3A_7, %add3A : i32
    "tpu.region"() ({
      %run_scoped3A = tpu.sem_alloc : memref<!tpu.dma_semaphore, #tpu.memory_space<semaphore_mem>>
      %dma_start3A_49 = arith.constant 0 : i32
      %dma_start3A_50 = tpu.memref_slice %arg10[%add3A_8, %dma_start3A_49] : memref<10240x128xf32, #tpu.memory_space<vmem_shared>> -> memref<128x128xf32, #tpu.memory_space<vmem_shared>>
      %dma_start3A_51 = arith.constant 0 : i32
      %dma_start3A_52 = tpu.memref_slice %arg10[%add3A_8, %dma_start3A_51] : memref<10240x128xf32, #tpu.memory_space<vmem_shared>> -> memref<128x128xf32, #tpu.memory_space<vmem_shared>>
      tpu.enqueue_dma source(%arg8 : memref<128x128xf32, #tpu.memory_space<vmem>>) target(%dma_start3A_52 : memref<128x128xf32, #tpu.memory_space<vmem_shared>>) target_semaphore(%run_scoped3A : memref<!tpu.dma_semaphore, #tpu.memory_space<semaphore_mem>>)
      %dma_wait3A = arith.constant 0 : i32
      %dma_wait3A_53 = tpu.memref_slice %arg10[%add3A_8, %dma_wait3A] : memref<10240x128xf32, #tpu.memory_space<vmem_shared>> -> memref<128x128xf32, #tpu.memory_space<vmem_shared>>
      %dma_wait3A_54 = arith.constant 0 : i32
      %dma_wait3A_55 = tpu.memref_slice %arg10[%add3A_8, %dma_wait3A_54] : memref<10240x128xf32, #tpu.memory_space<vmem_shared>> -> memref<128x128xf32, #tpu.memory_space<vmem_shared>>
      tpu.wait_dma2 semaphore(%run_scoped3A : memref<!tpu.dma_semaphore, #tpu.memory_space<semaphore_mem>>) src(%arg8 : memref<128x128xf32, #tpu.memory_space<vmem>>) dst(%dma_wait3A_55 : memref<128x128xf32, #tpu.memory_space<vmem_shared>>)
      tpu.yield
    }) : () -> ()
    %mul3A_9 = arith.constant 640 : i32
    %mul3A_10 = arith.muli %arg1, %mul3A_9 : i32
    %add3A_11 = arith.constant 128 : i32
    %add3A_12 = arith.addi %mul3A_10, %add3A_11 : i32
    "tpu.region"() ({
      %run_scoped3A = tpu.sem_alloc : memref<!tpu.dma_semaphore, #tpu.memory_space<semaphore_mem>>
      %dma_start3A_49 = arith.constant 0 : i32
      %dma_start3A_50 = tpu.memref_slice %arg10[%add3A_12, %dma_start3A_49] : memref<10240x128xf32, #tpu.memory_space<vmem_shared>> -> memref<128x128xf32, #tpu.memory_space<vmem_shared>>
      %dma_start3A_51 = arith.constant 0 : i32
      %dma_start3A_52 = tpu.memref_slice %arg10[%add3A_12, %dma_start3A_51] : memref<10240x128xf32, #tpu.memory_space<vmem_shared>> -> memref<128x128xf32, #tpu.memory_space<vmem_shared>>
      tpu.enqueue_dma source(%arg8 : memref<128x128xf32, #tpu.memory_space<vmem>>) target(%dma_start3A_52 : memref<128x128xf32, #tpu.memory_space<vmem_shared>>) target_semaphore(%run_scoped3A : memref<!tpu.dma_semaphore, #tpu.memory_space<semaphore_mem>>)
      %dma_wait3A = arith.constant 0 : i32
      %dma_wait3A_53 = tpu.memref_slice %arg10[%add3A_12, %dma_wait3A] : memref<10240x128xf32, #tpu.memory_space<vmem_shared>> -> memref<128x128xf32, #tpu.memory_space<vmem_shared>>
      %dma_wait3A_54 = arith.constant 0 : i32
      %dma_wait3A_55 = tpu.memref_slice %arg10[%add3A_12, %dma_wait3A_54] : memref<10240x128xf32, #tpu.memory_space<vmem_shared>> -> memref<128x128xf32, #tpu.memory_space<vmem_shared>>
      tpu.wait_dma2 semaphore(%run_scoped3A : memref<!tpu.dma_semaphore, #tpu.memory_space<semaphore_mem>>) src(%arg8 : memref<128x128xf32, #tpu.memory_space<vmem>>) dst(%dma_wait3A_55 : memref<128x128xf32, #tpu.memory_space<vmem_shared>>)
      tpu.yield
    }) : () -> ()
    %mul3A_13 = arith.constant 640 : i32
    %mul3A_14 = arith.muli %arg1, %mul3A_13 : i32
    %add3A_15 = arith.constant 256 : i32
    %add3A_16 = arith.addi %mul3A_14, %add3A_15 : i32
    "tpu.region"() ({
      %run_scoped3A = tpu.sem_alloc : memref<!tpu.dma_semaphore, #tpu.memory_space<semaphore_mem>>
      %dma_start3A_49 = arith.constant 0 : i32
      %dma_start3A_50 = tpu.memref_slice %arg10[%add3A_16, %dma_start3A_49] : memref<10240x128xf32, #tpu.memory_space<vmem_shared>> -> memref<128x128xf32, #tpu.memory_space<vmem_shared>>
      %dma_start3A_51 = arith.constant 0 : i32
      %dma_start3A_52 = tpu.memref_slice %arg10[%add3A_16, %dma_start3A_51] : memref<10240x128xf32, #tpu.memory_space<vmem_shared>> -> memref<128x128xf32, #tpu.memory_space<vmem_shared>>
      tpu.enqueue_dma source(%arg8 : memref<128x128xf32, #tpu.memory_space<vmem>>) target(%dma_start3A_52 : memref<128x128xf32, #tpu.memory_space<vmem_shared>>) target_semaphore(%run_scoped3A : memref<!tpu.dma_semaphore, #tpu.memory_space<semaphore_mem>>)
      %dma_wait3A = arith.constant 0 : i32
      %dma_wait3A_53 = tpu.memref_slice %arg10[%add3A_16, %dma_wait3A] : memref<10240x128xf32, #tpu.memory_space<vmem_shared>> -> memref<128x128xf32, #tpu.memory_space<vmem_shared>>
      %dma_wait3A_54 = arith.constant 0 : i32
      %dma_wait3A_55 = tpu.memref_slice %arg10[%add3A_16, %dma_wait3A_54] : memref<10240x128xf32, #tpu.memory_space<vmem_shared>> -> memref<128x128xf32, #tpu.memory_space<vmem_shared>>
      tpu.wait_dma2 semaphore(%run_scoped3A : memref<!tpu.dma_semaphore, #tpu.memory_space<semaphore_mem>>) src(%arg8 : memref<128x128xf32, #tpu.memory_space<vmem>>) dst(%dma_wait3A_55 : memref<128x128xf32, #tpu.memory_space<vmem_shared>>)
      tpu.yield
    }) : () -> ()
    %mul3A_17 = arith.constant 640 : i32
    %mul3A_18 = arith.muli %arg1, %mul3A_17 : i32
    %add3A_19 = arith.constant 384 : i32
    %add3A_20 = arith.addi %mul3A_18, %add3A_19 : i32
    "tpu.region"() ({
      %run_scoped3A = tpu.sem_alloc : memref<!tpu.dma_semaphore, #tpu.memory_space<semaphore_mem>>
      %dma_start3A_49 = arith.constant 0 : i32
      %dma_start3A_50 = tpu.memref_slice %arg10[%add3A_20, %dma_start3A_49] : memref<10240x128xf32, #tpu.memory_space<vmem_shared>> -> memref<128x128xf32, #tpu.memory_space<vmem_shared>>
      %dma_start3A_51 = arith.constant 0 : i32
      %dma_start3A_52 = tpu.memref_slice %arg10[%add3A_20, %dma_start3A_51] : memref<10240x128xf32, #tpu.memory_space<vmem_shared>> -> memref<128x128xf32, #tpu.memory_space<vmem_shared>>
      tpu.enqueue_dma source(%arg8 : memref<128x128xf32, #tpu.memory_space<vmem>>) target(%dma_start3A_52 : memref<128x128xf32, #tpu.memory_space<vmem_shared>>) target_semaphore(%run_scoped3A : memref<!tpu.dma_semaphore, #tpu.memory_space<semaphore_mem>>)
      %dma_wait3A = arith.constant 0 : i32
      %dma_wait3A_53 = tpu.memref_slice %arg10[%add3A_20, %dma_wait3A] : memref<10240x128xf32, #tpu.memory_space<vmem_shared>> -> memref<128x128xf32, #tpu.memory_space<vmem_shared>>
      %dma_wait3A_54 = arith.constant 0 : i32
      %dma_wait3A_55 = tpu.memref_slice %arg10[%add3A_20, %dma_wait3A_54] : memref<10240x128xf32, #tpu.memory_space<vmem_shared>> -> memref<128x128xf32, #tpu.memory_space<vmem_shared>>
      tpu.wait_dma2 semaphore(%run_scoped3A : memref<!tpu.dma_semaphore, #tpu.memory_space<semaphore_mem>>) src(%arg8 : memref<128x128xf32, #tpu.memory_space<vmem>>) dst(%dma_wait3A_55 : memref<128x128xf32, #tpu.memory_space<vmem_shared>>)
      tpu.yield
    }) : () -> ()
    %mul3A_21 = arith.constant 640 : i32
    %mul3A_22 = arith.muli %arg1, %mul3A_21 : i32
    %add3A_23 = arith.constant 512 : i32
    %add3A_24 = arith.addi %mul3A_22, %add3A_23 : i32
    "tpu.region"() ({
      %run_scoped3A = tpu.sem_alloc : memref<!tpu.dma_semaphore, #tpu.memory_space<semaphore_mem>>
      %dma_start3A_49 = arith.constant 0 : i32
      %dma_start3A_50 = tpu.memref_slice %arg10[%add3A_24, %dma_start3A_49] : memref<10240x128xf32, #tpu.memory_space<vmem_shared>> -> memref<128x128xf32, #tpu.memory_space<vmem_shared>>
      %dma_start3A_51 = arith.constant 0 : i32
      %dma_start3A_52 = tpu.memref_slice %arg10[%add3A_24, %dma_start3A_51] : memref<10240x128xf32, #tpu.memory_space<vmem_shared>> -> memref<128x128xf32, #tpu.memory_space<vmem_shared>>
      tpu.enqueue_dma source(%arg8 : memref<128x128xf32, #tpu.memory_space<vmem>>) target(%dma_start3A_52 : memref<128x128xf32, #tpu.memory_space<vmem_shared>>) target_semaphore(%run_scoped3A : memref<!tpu.dma_semaphore, #tpu.memory_space<semaphore_mem>>)
      %dma_wait3A = arith.constant 0 : i32
      %dma_wait3A_53 = tpu.memref_slice %arg10[%add3A_24, %dma_wait3A] : memref<10240x128xf32, #tpu.memory_space<vmem_shared>> -> memref<128x128xf32, #tpu.memory_space<vmem_shared>>
      %dma_wait3A_54 = arith.constant 0 : i32
      %dma_wait3A_55 = tpu.memref_slice %arg10[%add3A_24, %dma_wait3A_54] : memref<10240x128xf32, #tpu.memory_space<vmem_shared>> -> memref<128x128xf32, #tpu.memory_space<vmem_shared>>
      tpu.wait_dma2 semaphore(%run_scoped3A : memref<!tpu.dma_semaphore, #tpu.memory_space<semaphore_mem>>) src(%arg8 : memref<128x128xf32, #tpu.memory_space<vmem>>) dst(%dma_wait3A_55 : memref<128x128xf32, #tpu.memory_space<vmem_shared>>)
      tpu.yield
    }) : () -> ()
    %mul3A_25 = arith.constant 16 : i32
    %mul3A_26 = arith.muli %arg0, %mul3A_25 : i32
    %add3A_27 = arith.addi %mul3A_26, %arg1 : i32
    "tpu.region"() ({
      %run_scoped3A = tpu.sem_alloc : memref<!tpu.dma_semaphore, #tpu.memory_space<semaphore_mem>>
      %dma_start3A_49 = arith.constant 0 : i32
      %dma_start3A_50 = arith.constant 0 : i32
      %dma_start3A_51 = tpu.memref_slice %arg3[%add3A_27, %dma_start3A_49, %dma_start3A_50] : memref<32x40x128xi32, #tpu.memory_space<hbm>> -> memref<1x40x128xi32, #tpu.memory_space<hbm>>
      %dma_start3A_52 = tpu.memref_squeeze %dma_start3A_51 : memref<1x40x128xi32, #tpu.memory_space<hbm>> -> memref<40x128xi32, #tpu.memory_space<hbm>>
      %dma_start3A_53 = arith.constant 0 : i32
      %dma_start3A_54 = arith.constant 0 : i32
      %dma_start3A_55 = tpu.memref_slice %arg3[%add3A_27, %dma_start3A_53, %dma_start3A_54] : memref<32x40x128xi32, #tpu.memory_space<hbm>> -> memref<1x40x128xi32, #tpu.memory_space<hbm>>
      %dma_start3A_56 = tpu.memref_squeeze %dma_start3A_55 : memref<1x40x128xi32, #tpu.memory_space<hbm>> -> memref<40x128xi32, #tpu.memory_space<hbm>>
      tpu.enqueue_dma source(%dma_start3A_56 : memref<40x128xi32, #tpu.memory_space<hbm>>) target(%arg6 : memref<40x128xi32, #tpu.memory_space<vmem>>) target_semaphore(%run_scoped3A : memref<!tpu.dma_semaphore, #tpu.memory_space<semaphore_mem>>)
      %dma_wait3A = arith.constant 0 : i32
      %dma_wait3A_57 = arith.constant 0 : i32
      %dma_wait3A_58 = tpu.memref_slice %arg3[%add3A_27, %dma_wait3A, %dma_wait3A_57] : memref<32x40x128xi32, #tpu.memory_space<hbm>> -> memref<1x40x128xi32, #tpu.memory_space<hbm>>
      %dma_wait3A_59 = tpu.memref_squeeze %dma_wait3A_58 : memref<1x40x128xi32, #tpu.memory_space<hbm>> -> memref<40x128xi32, #tpu.memory_space<hbm>>
      %dma_wait3A_60 = arith.constant 0 : i32
      %dma_wait3A_61 = arith.constant 0 : i32
      %dma_wait3A_62 = tpu.memref_slice %arg3[%add3A_27, %dma_wait3A_60, %dma_wait3A_61] : memref<32x40x128xi32, #tpu.memory_space<hbm>> -> memref<1x40x128xi32, #tpu.memory_space<hbm>>
      %dma_wait3A_63 = tpu.memref_squeeze %dma_wait3A_62 : memref<1x40x128xi32, #tpu.memory_space<hbm>> -> memref<40x128xi32, #tpu.memory_space<hbm>>
      tpu.wait_dma2 semaphore(%run_scoped3A : memref<!tpu.dma_semaphore, #tpu.memory_space<semaphore_mem>>) src(%dma_wait3A_63 : memref<40x128xi32, #tpu.memory_space<hbm>>) dst(%arg6 : memref<40x128xi32, #tpu.memory_space<vmem>>)
      tpu.yield
    }) : () -> ()
    "tpu.region"() ({
      %run_scoped3A = tpu.sem_alloc : memref<!tpu.dma_semaphore, #tpu.memory_space<semaphore_mem>>
      %dma_start3A_49 = arith.constant 0 : i32
      %dma_start3A_50 = arith.constant 0 : i32
      %dma_start3A_51 = tpu.memref_slice %arg4[%add3A_27, %dma_start3A_49, %dma_start3A_50] : memref<32x40x128xi32, #tpu.memory_space<hbm>> -> memref<1x40x128xi32, #tpu.memory_space<hbm>>
      %dma_start3A_52 = tpu.memref_squeeze %dma_start3A_51 : memref<1x40x128xi32, #tpu.memory_space<hbm>> -> memref<40x128xi32, #tpu.memory_space<hbm>>
      %dma_start3A_53 = arith.constant 0 : i32
      %dma_start3A_54 = arith.constant 0 : i32
      %dma_start3A_55 = tpu.memref_slice %arg4[%add3A_27, %dma_start3A_53, %dma_start3A_54] : memref<32x40x128xi32, #tpu.memory_space<hbm>> -> memref<1x40x128xi32, #tpu.memory_space<hbm>>
      %dma_start3A_56 = tpu.memref_squeeze %dma_start3A_55 : memref<1x40x128xi32, #tpu.memory_space<hbm>> -> memref<40x128xi32, #tpu.memory_space<hbm>>
      tpu.enqueue_dma source(%dma_start3A_56 : memref<40x128xi32, #tpu.memory_space<hbm>>) target(%arg7 : memref<40x128xi32, #tpu.memory_space<vmem>>) target_semaphore(%run_scoped3A : memref<!tpu.dma_semaphore, #tpu.memory_space<semaphore_mem>>)
      %dma_wait3A = arith.constant 0 : i32
      %dma_wait3A_57 = arith.constant 0 : i32
      %dma_wait3A_58 = tpu.memref_slice %arg4[%add3A_27, %dma_wait3A, %dma_wait3A_57] : memref<32x40x128xi32, #tpu.memory_space<hbm>> -> memref<1x40x128xi32, #tpu.memory_space<hbm>>
      %dma_wait3A_59 = tpu.memref_squeeze %dma_wait3A_58 : memref<1x40x128xi32, #tpu.memory_space<hbm>> -> memref<40x128xi32, #tpu.memory_space<hbm>>
      %dma_wait3A_60 = arith.constant 0 : i32
      %dma_wait3A_61 = arith.constant 0 : i32
      %dma_wait3A_62 = tpu.memref_slice %arg4[%add3A_27, %dma_wait3A_60, %dma_wait3A_61] : memref<32x40x128xi32, #tpu.memory_space<hbm>> -> memref<1x40x128xi32, #tpu.memory_space<hbm>>
      %dma_wait3A_63 = tpu.memref_squeeze %dma_wait3A_62 : memref<1x40x128xi32, #tpu.memory_space<hbm>> -> memref<40x128xi32, #tpu.memory_space<hbm>>
      tpu.wait_dma2 semaphore(%run_scoped3A : memref<!tpu.dma_semaphore, #tpu.memory_space<semaphore_mem>>) src(%dma_wait3A_63 : memref<40x128xi32, #tpu.memory_space<hbm>>) dst(%arg7 : memref<40x128xi32, #tpu.memory_space<vmem>>)
      tpu.yield
    }) : () -> ()
    %barrier3A = arith.constant 0 : index
    tpu.barrier barrier_id(%barrier3A)
    %dma_start3A = arith.constant 0 : i32
    %dma_start3A_28 = arith.constant 0 : i32
    %dma_start3A_29 = tpu.memref_slice %arg6[%dma_start3A, %dma_start3A_28] : memref<40x128xi32, #tpu.memory_space<vmem>> -> memref<1x128xi32, #tpu.memory_space<vmem>>
    %dma_start3A_30 = tpu.memref_squeeze %dma_start3A_29 : memref<1x128xi32, #tpu.memory_space<vmem>> -> memref<128xi32, #tpu.memory_space<vmem>>
    %dma_start3A_31 = arith.constant 0 : i32
    %dma_start3A_32 = arith.constant 0 : i32
    %dma_start3A_33 = tpu.memref_slice %arg2[%dma_start3A_31, %dma_start3A_32] : memref<10000x128xf32, #tpu.memory_space<hbm>> -> memref<10000x128xf32, #tpu.memory_space<hbm>>
    tpu.enqueue_indirect_dma source(%dma_start3A_33 : memref<10000x128xf32, #tpu.memory_space<hbm>>) target(%arg8 : memref<128x128xf32, #tpu.memory_space<vmem>>) offsets(%dma_start3A_30 : memref<128xi32, #tpu.memory_space<vmem>>) semaphore(%arg11 : memref<!tpu.dma_semaphore, #tpu.memory_space<semaphore_mem>>)
    %scan3A_34 = arith.constant 0 : i32
    %scan3A_35 = arith.constant 0 : i32
    %scan3A_36 = arith.constant 20 : i32
    %scan3A_37 = arith.addi %scan3A_35, %scan3A_36 : i32
    %scan3A_38 = arith.constant 1 : i32
    %scan3A_39 = scf.for %scan3A_49 = %scan3A_35 to %scan3A_37 step %scan3A_38 iter_args(%scan3A_50 = %scan3A_34) -> (i32)  : i32 {
      %mul3A_51 = arith.constant 2 : i32
      %mul3A_52 = arith.muli %mul3A_51, %scan3A_49 : i32
      %add3A_53 = arith.constant 1 : i32
      %add3A_54 = arith.addi %mul3A_52, %add3A_53 : i32
      %dma_start3A_55 = arith.constant 0 : i32
      %dma_start3A_56 = tpu.memref_slice %arg6[%add3A_54, %dma_start3A_55] : memref<40x128xi32, #tpu.memory_space<vmem>> -> memref<1x128xi32, #tpu.memory_space<vmem>>
      %dma_start3A_57 = tpu.memref_squeeze %dma_start3A_56 : memref<1x128xi32, #tpu.memory_space<vmem>> -> memref<128xi32, #tpu.memory_space<vmem>>
      %dma_start3A_58 = arith.constant 0 : i32
      %dma_start3A_59 = arith.constant 0 : i32
      %dma_start3A_60 = tpu.memref_slice %arg2[%dma_start3A_58, %dma_start3A_59] : memref<10000x128xf32, #tpu.memory_space<hbm>> -> memref<10000x128xf32, #tpu.memory_space<hbm>>
      tpu.enqueue_indirect_dma source(%dma_start3A_60 : memref<10000x128xf32, #tpu.memory_space<hbm>>) target(%arg9 : memref<128x128xf32, #tpu.memory_space<vmem>>) offsets(%dma_start3A_57 : memref<128xi32, #tpu.memory_space<vmem>>) semaphore(%arg12 : memref<!tpu.dma_semaphore, #tpu.memory_space<semaphore_mem>>)
      %dma_wait3A = arith.constant 0 : i32
      %dma_wait3A_61 = arith.constant 0 : i32
      %dma_wait3A_62 = tpu.memref_slice %arg6[%dma_wait3A, %dma_wait3A_61] : memref<40x128xi32, #tpu.memory_space<vmem>> -> memref<1x128xi32, #tpu.memory_space<vmem>>
      %dma_wait3A_63 = tpu.memref_squeeze %dma_wait3A_62 : memref<1x128xi32, #tpu.memory_space<vmem>> -> memref<128xi32, #tpu.memory_space<vmem>>
      %dma_wait3A_64 = arith.constant 0 : i32
      %dma_wait3A_65 = arith.constant 0 : i32
      %dma_wait3A_66 = tpu.memref_slice %arg2[%dma_wait3A_64, %dma_wait3A_65] : memref<10000x128xf32, #tpu.memory_space<hbm>> -> memref<10000x128xf32, #tpu.memory_space<hbm>>
      tpu.wait_indirect_dma semaphore(%arg11 : memref<!tpu.dma_semaphore, #tpu.memory_space<semaphore_mem>>) src(%dma_wait3A_66 : memref<10000x128xf32, #tpu.memory_space<hbm>>) dst(%arg8 : memref<128x128xf32, #tpu.memory_space<vmem>>)
      "tpu.region"() ({
        %run_scoped3A = tpu.sem_alloc : memref<!tpu.dma_semaphore, #tpu.memory_space<semaphore_mem>>
        %dma_start3A_79 = arith.constant 0 : i32
        %dma_start3A_80 = tpu.memref_slice %arg7[%mul3A_52, %dma_start3A_79] : memref<40x128xi32, #tpu.memory_space<vmem>> -> memref<1x128xi32, #tpu.memory_space<vmem>>
        %dma_start3A_81 = tpu.memref_squeeze %dma_start3A_80 : memref<1x128xi32, #tpu.memory_space<vmem>> -> memref<128xi32, #tpu.memory_space<vmem>>
        %dma_start3A_82 = arith.constant 0 : i32
        %dma_start3A_83 = arith.constant 0 : i32
        %dma_start3A_84 = tpu.memref_slice %arg10[%dma_start3A_82, %dma_start3A_83] : memref<10240x128xf32, #tpu.memory_space<vmem_shared>> -> memref<10240x128xf32, #tpu.memory_space<vmem_shared>>
        tpu.enqueue_indirect_dma source(%arg8 : memref<128x128xf32, #tpu.memory_space<vmem>>) target(%dma_start3A_84 : memref<10240x128xf32, #tpu.memory_space<vmem_shared>>) offsets(%dma_start3A_81 : memref<128xi32, #tpu.memory_space<vmem>>) semaphore(%run_scoped3A : memref<!tpu.dma_semaphore, #tpu.memory_space<semaphore_mem>>) {add = true}
        %dma_wait3A_85 = arith.constant 0 : i32
        %dma_wait3A_86 = tpu.memref_slice %arg7[%mul3A_52, %dma_wait3A_85] : memref<40x128xi32, #tpu.memory_space<vmem>> -> memref<1x128xi32, #tpu.memory_space<vmem>>
        %dma_wait3A_87 = tpu.memref_squeeze %dma_wait3A_86 : memref<1x128xi32, #tpu.memory_space<vmem>> -> memref<128xi32, #tpu.memory_space<vmem>>
        %dma_wait3A_88 = arith.constant 0 : i32
        %dma_wait3A_89 = arith.constant 0 : i32
        %dma_wait3A_90 = tpu.memref_slice %arg10[%dma_wait3A_88, %dma_wait3A_89] : memref<10240x128xf32, #tpu.memory_space<vmem_shared>> -> memref<10240x128xf32, #tpu.memory_space<vmem_shared>>
        tpu.wait_indirect_dma semaphore(%run_scoped3A : memref<!tpu.dma_semaphore, #tpu.memory_space<semaphore_mem>>) src(%arg8 : memref<128x128xf32, #tpu.memory_space<vmem>>) dst(%dma_wait3A_90 : memref<10240x128xf32, #tpu.memory_space<vmem_shared>>)
        tpu.yield
      }) : () -> ()
      %lt3A = arith.constant 19 : i32
      %lt3A_67 = arith.cmpi slt, %scan3A_49, %lt3A : i32
      %convert_element_type3A_68 = arith.extui %lt3A_67 : i1 to i32
      %cond3A_69 = arith.constant 0 : i32
      %cond3A_70 = arith.cmpi ne, %convert_element_type3A_68, %cond3A_69 : i32
      scf.if %cond3A_70 {
        %add3A_79 = arith.constant 2 : i32
        %add3A_80 = arith.addi %mul3A_52, %add3A_79 : i32
        %dma_start3A_81 = arith.constant 0 : i32
        %dma_start3A_82 = tpu.memref_slice %arg6[%add3A_80, %dma_start3A_81] : memref<40x128xi32, #tpu.memory_space<vmem>> -> memref<1x128xi32, #tpu.memory_space<vmem>>
        %dma_start3A_83 = tpu.memref_squeeze %dma_start3A_82 : memref<1x128xi32, #tpu.memory_space<vmem>> -> memref<128xi32, #tpu.memory_space<vmem>>
        %dma_start3A_84 = arith.constant 0 : i32
        %dma_start3A_85 = arith.constant 0 : i32
        %dma_start3A_86 = tpu.memref_slice %arg2[%dma_start3A_84, %dma_start3A_85] : memref<10000x128xf32, #tpu.memory_space<hbm>> -> memref<10000x128xf32, #tpu.memory_space<hbm>>
        tpu.enqueue_indirect_dma source(%dma_start3A_86 : memref<10000x128xf32, #tpu.memory_space<hbm>>) target(%arg8 : memref<128x128xf32, #tpu.memory_space<vmem>>) offsets(%dma_start3A_83 : memref<128xi32, #tpu.memory_space<vmem>>) semaphore(%arg11 : memref<!tpu.dma_semaphore, #tpu.memory_space<semaphore_mem>>)
      } else {
      }
      %dma_wait3A_71 = arith.constant 0 : i32
      %dma_wait3A_72 = arith.constant 0 : i32
      %dma_wait3A_73 = tpu.memref_slice %arg6[%dma_wait3A_71, %dma_wait3A_72] : memref<40x128xi32, #tpu.memory_space<vmem>> -> memref<1x128xi32, #tpu.memory_space<vmem>>
      %dma_wait3A_74 = tpu.memref_squeeze %dma_wait3A_73 : memref<1x128xi32, #tpu.memory_space<vmem>> -> memref<128xi32, #tpu.memory_space<vmem>>
      %dma_wait3A_75 = arith.constant 0 : i32
      %dma_wait3A_76 = arith.constant 0 : i32
      %dma_wait3A_77 = tpu.memref_slice %arg2[%dma_wait3A_75, %dma_wait3A_76] : memref<10000x128xf32, #tpu.memory_space<hbm>> -> memref<10000x128xf32, #tpu.memory_space<hbm>>
      tpu.wait_indirect_dma semaphore(%arg12 : memref<!tpu.dma_semaphore, #tpu.memory_space<semaphore_mem>>) src(%dma_wait3A_77 : memref<10000x128xf32, #tpu.memory_space<hbm>>) dst(%arg9 : memref<128x128xf32, #tpu.memory_space<vmem>>)
      "tpu.region"() ({
        %run_scoped3A = tpu.sem_alloc : memref<!tpu.dma_semaphore, #tpu.memory_space<semaphore_mem>>
        %dma_start3A_79 = arith.constant 0 : i32
        %dma_start3A_80 = tpu.memref_slice %arg7[%add3A_54, %dma_start3A_79] : memref<40x128xi32, #tpu.memory_space<vmem>> -> memref<1x128xi32, #tpu.memory_space<vmem>>
        %dma_start3A_81 = tpu.memref_squeeze %dma_start3A_80 : memref<1x128xi32, #tpu.memory_space<vmem>> -> memref<128xi32, #tpu.memory_space<vmem>>
        %dma_start3A_82 = arith.constant 0 : i32
        %dma_start3A_83 = arith.constant 0 : i32
        %dma_start3A_84 = tpu.memref_slice %arg10[%dma_start3A_82, %dma_start3A_83] : memref<10240x128xf32, #tpu.memory_space<vmem_shared>> -> memref<10240x128xf32, #tpu.memory_space<vmem_shared>>
        tpu.enqueue_indirect_dma source(%arg9 : memref<128x128xf32, #tpu.memory_space<vmem>>) target(%dma_start3A_84 : memref<10240x128xf32, #tpu.memory_space<vmem_shared>>) offsets(%dma_start3A_81 : memref<128xi32, #tpu.memory_space<vmem>>) semaphore(%run_scoped3A : memref<!tpu.dma_semaphore, #tpu.memory_space<semaphore_mem>>) {add = true}
        %dma_wait3A_85 = arith.constant 0 : i32
        %dma_wait3A_86 = tpu.memref_slice %arg7[%add3A_54, %dma_wait3A_85] : memref<40x128xi32, #tpu.memory_space<vmem>> -> memref<1x128xi32, #tpu.memory_space<vmem>>
        %dma_wait3A_87 = tpu.memref_squeeze %dma_wait3A_86 : memref<1x128xi32, #tpu.memory_space<vmem>> -> memref<128xi32, #tpu.memory_space<vmem>>
        %dma_wait3A_88 = arith.constant 0 : i32
        %dma_wait3A_89 = arith.constant 0 : i32
        %dma_wait3A_90 = tpu.memref_slice %arg10[%dma_wait3A_88, %dma_wait3A_89] : memref<10240x128xf32, #tpu.memory_space<vmem_shared>> -> memref<10240x128xf32, #tpu.memory_space<vmem_shared>>
        tpu.wait_indirect_dma semaphore(%run_scoped3A : memref<!tpu.dma_semaphore, #tpu.memory_space<semaphore_mem>>) src(%arg9 : memref<128x128xf32, #tpu.memory_space<vmem>>) dst(%dma_wait3A_90 : memref<10240x128xf32, #tpu.memory_space<vmem_shared>>)
        tpu.yield
      }) : () -> ()
      %scan3A_78 = arith.constant 0 : i32
      scf.yield %scan3A_78 : i32
    }
    %scan3A_40 = arith.constant 20 : i32
    %barrier3A_41 = arith.constant 0 : index
    tpu.barrier barrier_id(%barrier3A_41)
    %eq3A = arith.constant 0 : i32
    %eq3A_42 = arith.cmpi eq, %arg0, %eq3A : i32
    %convert_element_type3A = arith.extui %eq3A_42 : i1 to i32
    %cond3A = arith.constant 0 : i32
    %cond3A_43 = arith.cmpi ne, %convert_element_type3A, %cond3A : i32
    scf.if %cond3A_43 {
      %mul3A_49 = arith.constant 640 : i32
      %mul3A_50 = arith.muli %arg1, %mul3A_49 : i32
      %add3A_51 = arith.constant 0 : i32
      %add3A_52 = arith.addi %mul3A_50, %add3A_51 : i32
      "tpu.region"() ({
        %run_scoped3A_73 = tpu.sem_alloc : memref<!tpu.dma_semaphore, #tpu.memory_space<semaphore_mem>>
        %dma_start3A_74 = arith.constant 0 : i32
        %dma_start3A_75 = tpu.memref_slice %arg10[%add3A_52, %dma_start3A_74] : memref<10240x128xf32, #tpu.memory_space<vmem_shared>> -> memref<128x128xf32, #tpu.memory_space<vmem_shared>>
        %dma_start3A_76 = arith.constant 0 : i32
        %dma_start3A_77 = tpu.memref_slice %arg10[%add3A_52, %dma_start3A_76] : memref<10240x128xf32, #tpu.memory_space<vmem_shared>> -> memref<128x128xf32, #tpu.memory_space<vmem_shared>>
        tpu.enqueue_dma source(%dma_start3A_77 : memref<128x128xf32, #tpu.memory_space<vmem_shared>>) target(%arg8 : memref<128x128xf32, #tpu.memory_space<vmem>>) target_semaphore(%run_scoped3A_73 : memref<!tpu.dma_semaphore, #tpu.memory_space<semaphore_mem>>)
        %dma_wait3A = arith.constant 0 : i32
        %dma_wait3A_78 = tpu.memref_slice %arg10[%add3A_52, %dma_wait3A] : memref<10240x128xf32, #tpu.memory_space<vmem_shared>> -> memref<128x128xf32, #tpu.memory_space<vmem_shared>>
        %dma_wait3A_79 = arith.constant 0 : i32
        %dma_wait3A_80 = tpu.memref_slice %arg10[%add3A_52, %dma_wait3A_79] : memref<10240x128xf32, #tpu.memory_space<vmem_shared>> -> memref<128x128xf32, #tpu.memory_space<vmem_shared>>
        tpu.wait_dma2 semaphore(%run_scoped3A_73 : memref<!tpu.dma_semaphore, #tpu.memory_space<semaphore_mem>>) src(%dma_wait3A_80 : memref<128x128xf32, #tpu.memory_space<vmem_shared>>) dst(%arg8 : memref<128x128xf32, #tpu.memory_space<vmem>>)
        tpu.yield
      }) : () -> ()
      %run_scoped3A = arith.constant 0 : i32
      "tpu.region"() ({
        %run_scoped3A_73 = tpu.sem_alloc : memref<!tpu.dma_semaphore, #tpu.memory_space<semaphore_mem>>
        %dma_start3A_74 = arith.constant 0 : i32
        %dma_start3A_75 = arith.constant 0 : i32
        %dma_start3A_76 = tpu.memref_slice %arg5[%run_scoped3A, %dma_start3A_74, %dma_start3A_75] : memref<2x10240x128xf32, #tpu.memory_space<hbm>> -> memref<1x10240x128xf32, #tpu.memory_space<hbm>>
        %dma_start3A_77 = tpu.memref_squeeze %dma_start3A_76 : memref<1x10240x128xf32, #tpu.memory_space<hbm>> -> memref<10240x128xf32, #tpu.memory_space<hbm>>
        %dma_start3A_78 = arith.constant 0 : i32
        %dma_start3A_79 = tpu.memref_slice %dma_start3A_77[%add3A_52, %dma_start3A_78] : memref<10240x128xf32, #tpu.memory_space<hbm>> -> memref<128x128xf32, #tpu.memory_space<hbm>>
        %dma_start3A_80 = arith.constant 0 : i32
        %dma_start3A_81 = arith.constant 0 : i32
        %dma_start3A_82 = tpu.memref_slice %arg5[%run_scoped3A, %dma_start3A_80, %dma_start3A_81] : memref<2x10240x128xf32, #tpu.memory_space<hbm>> -> memref<1x10240x128xf32, #tpu.memory_space<hbm>>
        %dma_start3A_83 = tpu.memref_squeeze %dma_start3A_82 : memref<1x10240x128xf32, #tpu.memory_space<hbm>> -> memref<10240x128xf32, #tpu.memory_space<hbm>>
        %dma_start3A_84 = arith.constant 0 : i32
        %dma_start3A_85 = tpu.memref_slice %dma_start3A_83[%add3A_52, %dma_start3A_84] : memref<10240x128xf32, #tpu.memory_space<hbm>> -> memref<128x128xf32, #tpu.memory_space<hbm>>
        tpu.enqueue_dma source(%arg8 : memref<128x128xf32, #tpu.memory_space<vmem>>) target(%dma_start3A_85 : memref<128x128xf32, #tpu.memory_space<hbm>>) target_semaphore(%run_scoped3A_73 : memref<!tpu.dma_semaphore, #tpu.memory_space<semaphore_mem>>)
        %dma_wait3A = arith.constant 0 : i32
        %dma_wait3A_86 = arith.constant 0 : i32
        %dma_wait3A_87 = tpu.memref_slice %arg5[%run_scoped3A, %dma_wait3A, %dma_wait3A_86] : memref<2x10240x128xf32, #tpu.memory_space<hbm>> -> memref<1x10240x128xf32, #tpu.memory_space<hbm>>
        %dma_wait3A_88 = tpu.memref_squeeze %dma_wait3A_87 : memref<1x10240x128xf32, #tpu.memory_space<hbm>> -> memref<10240x128xf32, #tpu.memory_space<hbm>>
        %dma_wait3A_89 = arith.constant 0 : i32
        %dma_wait3A_90 = tpu.memref_slice %dma_wait3A_88[%add3A_52, %dma_wait3A_89] : memref<10240x128xf32, #tpu.memory_space<hbm>> -> memref<128x128xf32, #tpu.memory_space<hbm>>
        %dma_wait3A_91 = arith.constant 0 : i32
        %dma_wait3A_92 = arith.constant 0 : i32
        %dma_wait3A_93 = tpu.memref_slice %arg5[%run_scoped3A, %dma_wait3A_91, %dma_wait3A_92] : memref<2x10240x128xf32, #tpu.memory_space<hbm>> -> memref<1x10240x128xf32, #tpu.memory_space<hbm>>
        %dma_wait3A_94 = tpu.memref_squeeze %dma_wait3A_93 : memref<1x10240x128xf32, #tpu.memory_space<hbm>> -> memref<10240x128xf32, #tpu.memory_space<hbm>>
        %dma_wait3A_95 = arith.constant 0 : i32
        %dma_wait3A_96 = tpu.memref_slice %dma_wait3A_94[%add3A_52, %dma_wait3A_95] : memref<10240x128xf32, #tpu.memory_space<hbm>> -> memref<128x128xf32, #tpu.memory_space<hbm>>
        tpu.wait_dma2 semaphore(%run_scoped3A_73 : memref<!tpu.dma_semaphore, #tpu.memory_space<semaphore_mem>>) src(%arg8 : memref<128x128xf32, #tpu.memory_space<vmem>>) dst(%dma_wait3A_96 : memref<128x128xf32, #tpu.memory_space<hbm>>)
        tpu.yield
      }) : () -> ()
      %mul3A_53 = arith.constant 640 : i32
      %mul3A_54 = arith.muli %arg1, %mul3A_53 : i32
      %add3A_55 = arith.constant 128 : i32
      %add3A_56 = arith.addi %mul3A_54, %add3A_55 : i32
      "tpu.region"() ({
        %run_scoped3A_73 = tpu.sem_alloc : memref<!tpu.dma_semaphore, #tpu.memory_space<semaphore_mem>>
        %dma_start3A_74 = arith.constant 0 : i32
        %dma_start3A_75 = tpu.memref_slice %arg10[%add3A_56, %dma_start3A_74] : memref<10240x128xf32, #tpu.memory_space<vmem_shared>> -> memref<128x128xf32, #tpu.memory_space<vmem_shared>>
        %dma_start3A_76 = arith.constant 0 : i32
        %dma_start3A_77 = tpu.memref_slice %arg10[%add3A_56, %dma_start3A_76] : memref<10240x128xf32, #tpu.memory_space<vmem_shared>> -> memref<128x128xf32, #tpu.memory_space<vmem_shared>>
        tpu.enqueue_dma source(%dma_start3A_77 : memref<128x128xf32, #tpu.memory_space<vmem_shared>>) target(%arg8 : memref<128x128xf32, #tpu.memory_space<vmem>>) target_semaphore(%run_scoped3A_73 : memref<!tpu.dma_semaphore, #tpu.memory_space<semaphore_mem>>)
        %dma_wait3A = arith.constant 0 : i32
        %dma_wait3A_78 = tpu.memref_slice %arg10[%add3A_56, %dma_wait3A] : memref<10240x128xf32, #tpu.memory_space<vmem_shared>> -> memref<128x128xf32, #tpu.memory_space<vmem_shared>>
        %dma_wait3A_79 = arith.constant 0 : i32
        %dma_wait3A_80 = tpu.memref_slice %arg10[%add3A_56, %dma_wait3A_79] : memref<10240x128xf32, #tpu.memory_space<vmem_shared>> -> memref<128x128xf32, #tpu.memory_space<vmem_shared>>
        tpu.wait_dma2 semaphore(%run_scoped3A_73 : memref<!tpu.dma_semaphore, #tpu.memory_space<semaphore_mem>>) src(%dma_wait3A_80 : memref<128x128xf32, #tpu.memory_space<vmem_shared>>) dst(%arg8 : memref<128x128xf32, #tpu.memory_space<vmem>>)
        tpu.yield
      }) : () -> ()
      %run_scoped3A_57 = arith.constant 0 : i32
      "tpu.region"() ({
        %run_scoped3A_73 = tpu.sem_alloc : memref<!tpu.dma_semaphore, #tpu.memory_space<semaphore_mem>>
        %dma_start3A_74 = arith.constant 0 : i32
        %dma_start3A_75 = arith.constant 0 : i32
        %dma_start3A_76 = tpu.memref_slice %arg5[%run_scoped3A_57, %dma_start3A_74, %dma_start3A_75] : memref<2x10240x128xf32, #tpu.memory_space<hbm>> -> memref<1x10240x128xf32, #tpu.memory_space<hbm>>
        %dma_start3A_77 = tpu.memref_squeeze %dma_start3A_76 : memref<1x10240x128xf32, #tpu.memory_space<hbm>> -> memref<10240x128xf32, #tpu.memory_space<hbm>>
        %dma_start3A_78 = arith.constant 0 : i32
        %dma_start3A_79 = tpu.memref_slice %dma_start3A_77[%add3A_56, %dma_start3A_78] : memref<10240x128xf32, #tpu.memory_space<hbm>> -> memref<128x128xf32, #tpu.memory_space<hbm>>
        %dma_start3A_80 = arith.constant 0 : i32
        %dma_start3A_81 = arith.constant 0 : i32
        %dma_start3A_82 = tpu.memref_slice %arg5[%run_scoped3A_57, %dma_start3A_80, %dma_start3A_81] : memref<2x10240x128xf32, #tpu.memory_space<hbm>> -> memref<1x10240x128xf32, #tpu.memory_space<hbm>>
        %dma_start3A_83 = tpu.memref_squeeze %dma_start3A_82 : memref<1x10240x128xf32, #tpu.memory_space<hbm>> -> memref<10240x128xf32, #tpu.memory_space<hbm>>
        %dma_start3A_84 = arith.constant 0 : i32
        %dma_start3A_85 = tpu.memref_slice %dma_start3A_83[%add3A_56, %dma_start3A_84] : memref<10240x128xf32, #tpu.memory_space<hbm>> -> memref<128x128xf32, #tpu.memory_space<hbm>>
        tpu.enqueue_dma source(%arg8 : memref<128x128xf32, #tpu.memory_space<vmem>>) target(%dma_start3A_85 : memref<128x128xf32, #tpu.memory_space<hbm>>) target_semaphore(%run_scoped3A_73 : memref<!tpu.dma_semaphore, #tpu.memory_space<semaphore_mem>>)
        %dma_wait3A = arith.constant 0 : i32
        %dma_wait3A_86 = arith.constant 0 : i32
        %dma_wait3A_87 = tpu.memref_slice %arg5[%run_scoped3A_57, %dma_wait3A, %dma_wait3A_86] : memref<2x10240x128xf32, #tpu.memory_space<hbm>> -> memref<1x10240x128xf32, #tpu.memory_space<hbm>>
        %dma_wait3A_88 = tpu.memref_squeeze %dma_wait3A_87 : memref<1x10240x128xf32, #tpu.memory_space<hbm>> -> memref<10240x128xf32, #tpu.memory_space<hbm>>
        %dma_wait3A_89 = arith.constant 0 : i32
        %dma_wait3A_90 = tpu.memref_slice %dma_wait3A_88[%add3A_56, %dma_wait3A_89] : memref<10240x128xf32, #tpu.memory_space<hbm>> -> memref<128x128xf32, #tpu.memory_space<hbm>>
        %dma_wait3A_91 = arith.constant 0 : i32
        %dma_wait3A_92 = arith.constant 0 : i32
        %dma_wait3A_93 = tpu.memref_slice %arg5[%run_scoped3A_57, %dma_wait3A_91, %dma_wait3A_92] : memref<2x10240x128xf32, #tpu.memory_space<hbm>> -> memref<1x10240x128xf32, #tpu.memory_space<hbm>>
        %dma_wait3A_94 = tpu.memref_squeeze %dma_wait3A_93 : memref<1x10240x128xf32, #tpu.memory_space<hbm>> -> memref<10240x128xf32, #tpu.memory_space<hbm>>
        %dma_wait3A_95 = arith.constant 0 : i32
        %dma_wait3A_96 = tpu.memref_slice %dma_wait3A_94[%add3A_56, %dma_wait3A_95] : memref<10240x128xf32, #tpu.memory_space<hbm>> -> memref<128x128xf32, #tpu.memory_space<hbm>>
        tpu.wait_dma2 semaphore(%run_scoped3A_73 : memref<!tpu.dma_semaphore, #tpu.memory_space<semaphore_mem>>) src(%arg8 : memref<128x128xf32, #tpu.memory_space<vmem>>) dst(%dma_wait3A_96 : memref<128x128xf32, #tpu.memory_space<hbm>>)
        tpu.yield
      }) : () -> ()
      %mul3A_58 = arith.constant 640 : i32
      %mul3A_59 = arith.muli %arg1, %mul3A_58 : i32
      %add3A_60 = arith.constant 256 : i32
      %add3A_61 = arith.addi %mul3A_59, %add3A_60 : i32
      "tpu.region"() ({
        %run_scoped3A_73 = tpu.sem_alloc : memref<!tpu.dma_semaphore, #tpu.memory_space<semaphore_mem>>
        %dma_start3A_74 = arith.constant 0 : i32
        %dma_start3A_75 = tpu.memref_slice %arg10[%add3A_61, %dma_start3A_74] : memref<10240x128xf32, #tpu.memory_space<vmem_shared>> -> memref<128x128xf32, #tpu.memory_space<vmem_shared>>
        %dma_start3A_76 = arith.constant 0 : i32
        %dma_start3A_77 = tpu.memref_slice %arg10[%add3A_61, %dma_start3A_76] : memref<10240x128xf32, #tpu.memory_space<vmem_shared>> -> memref<128x128xf32, #tpu.memory_space<vmem_shared>>
        tpu.enqueue_dma source(%dma_start3A_77 : memref<128x128xf32, #tpu.memory_space<vmem_shared>>) target(%arg8 : memref<128x128xf32, #tpu.memory_space<vmem>>) target_semaphore(%run_scoped3A_73 : memref<!tpu.dma_semaphore, #tpu.memory_space<semaphore_mem>>)
        %dma_wait3A = arith.constant 0 : i32
        %dma_wait3A_78 = tpu.memref_slice %arg10[%add3A_61, %dma_wait3A] : memref<10240x128xf32, #tpu.memory_space<vmem_shared>> -> memref<128x128xf32, #tpu.memory_space<vmem_shared>>
        %dma_wait3A_79 = arith.constant 0 : i32
        %dma_wait3A_80 = tpu.memref_slice %arg10[%add3A_61, %dma_wait3A_79] : memref<10240x128xf32, #tpu.memory_space<vmem_shared>> -> memref<128x128xf32, #tpu.memory_space<vmem_shared>>
        tpu.wait_dma2 semaphore(%run_scoped3A_73 : memref<!tpu.dma_semaphore, #tpu.memory_space<semaphore_mem>>) src(%dma_wait3A_80 : memref<128x128xf32, #tpu.memory_space<vmem_shared>>) dst(%arg8 : memref<128x128xf32, #tpu.memory_space<vmem>>)
        tpu.yield
      }) : () -> ()
      %run_scoped3A_62 = arith.constant 0 : i32
      "tpu.region"() ({
        %run_scoped3A_73 = tpu.sem_alloc : memref<!tpu.dma_semaphore, #tpu.memory_space<semaphore_mem>>
        %dma_start3A_74 = arith.constant 0 : i32
        %dma_start3A_75 = arith.constant 0 : i32
        %dma_start3A_76 = tpu.memref_slice %arg5[%run_scoped3A_62, %dma_start3A_74, %dma_start3A_75] : memref<2x10240x128xf32, #tpu.memory_space<hbm>> -> memref<1x10240x128xf32, #tpu.memory_space<hbm>>
        %dma_start3A_77 = tpu.memref_squeeze %dma_start3A_76 : memref<1x10240x128xf32, #tpu.memory_space<hbm>> -> memref<10240x128xf32, #tpu.memory_space<hbm>>
        %dma_start3A_78 = arith.constant 0 : i32
        %dma_start3A_79 = tpu.memref_slice %dma_start3A_77[%add3A_61, %dma_start3A_78] : memref<10240x128xf32, #tpu.memory_space<hbm>> -> memref<128x128xf32, #tpu.memory_space<hbm>>
        %dma_start3A_80 = arith.constant 0 : i32
        %dma_start3A_81 = arith.constant 0 : i32
        %dma_start3A_82 = tpu.memref_slice %arg5[%run_scoped3A_62, %dma_start3A_80, %dma_start3A_81] : memref<2x10240x128xf32, #tpu.memory_space<hbm>> -> memref<1x10240x128xf32, #tpu.memory_space<hbm>>
        %dma_start3A_83 = tpu.memref_squeeze %dma_start3A_82 : memref<1x10240x128xf32, #tpu.memory_space<hbm>> -> memref<10240x128xf32, #tpu.memory_space<hbm>>
        %dma_start3A_84 = arith.constant 0 : i32
        %dma_start3A_85 = tpu.memref_slice %dma_start3A_83[%add3A_61, %dma_start3A_84] : memref<10240x128xf32, #tpu.memory_space<hbm>> -> memref<128x128xf32, #tpu.memory_space<hbm>>
        tpu.enqueue_dma source(%arg8 : memref<128x128xf32, #tpu.memory_space<vmem>>) target(%dma_start3A_85 : memref<128x128xf32, #tpu.memory_space<hbm>>) target_semaphore(%run_scoped3A_73 : memref<!tpu.dma_semaphore, #tpu.memory_space<semaphore_mem>>)
        %dma_wait3A = arith.constant 0 : i32
        %dma_wait3A_86 = arith.constant 0 : i32
        %dma_wait3A_87 = tpu.memref_slice %arg5[%run_scoped3A_62, %dma_wait3A, %dma_wait3A_86] : memref<2x10240x128xf32, #tpu.memory_space<hbm>> -> memref<1x10240x128xf32, #tpu.memory_space<hbm>>
        %dma_wait3A_88 = tpu.memref_squeeze %dma_wait3A_87 : memref<1x10240x128xf32, #tpu.memory_space<hbm>> -> memref<10240x128xf32, #tpu.memory_space<hbm>>
        %dma_wait3A_89 = arith.constant 0 : i32
        %dma_wait3A_90 = tpu.memref_slice %dma_wait3A_88[%add3A_61, %dma_wait3A_89] : memref<10240x128xf32, #tpu.memory_space<hbm>> -> memref<128x128xf32, #tpu.memory_space<hbm>>
        %dma_wait3A_91 = arith.constant 0 : i32
        %dma_wait3A_92 = arith.constant 0 : i32
        %dma_wait3A_93 = tpu.memref_slice %arg5[%run_scoped3A_62, %dma_wait3A_91, %dma_wait3A_92] : memref<2x10240x128xf32, #tpu.memory_space<hbm>> -> memref<1x10240x128xf32, #tpu.memory_space<hbm>>
        %dma_wait3A_94 = tpu.memref_squeeze %dma_wait3A_93 : memref<1x10240x128xf32, #tpu.memory_space<hbm>> -> memref<10240x128xf32, #tpu.memory_space<hbm>>
        %dma_wait3A_95 = arith.constant 0 : i32
        %dma_wait3A_96 = tpu.memref_slice %dma_wait3A_94[%add3A_61, %dma_wait3A_95] : memref<10240x128xf32, #tpu.memory_space<hbm>> -> memref<128x128xf32, #tpu.memory_space<hbm>>
        tpu.wait_dma2 semaphore(%run_scoped3A_73 : memref<!tpu.dma_semaphore, #tpu.memory_space<semaphore_mem>>) src(%arg8 : memref<128x128xf32, #tpu.memory_space<vmem>>) dst(%dma_wait3A_96 : memref<128x128xf32, #tpu.memory_space<hbm>>)
        tpu.yield
      }) : () -> ()
      %mul3A_63 = arith.constant 640 : i32
      %mul3A_64 = arith.muli %arg1, %mul3A_63 : i32
      %add3A_65 = arith.constant 384 : i32
      %add3A_66 = arith.addi %mul3A_64, %add3A_65 : i32
      "tpu.region"() ({
        %run_scoped3A_73 = tpu.sem_alloc : memref<!tpu.dma_semaphore, #tpu.memory_space<semaphore_mem>>
        %dma_start3A_74 = arith.constant 0 : i32
        %dma_start3A_75 = tpu.memref_slice %arg10[%add3A_66, %dma_start3A_74] : memref<10240x128xf32, #tpu.memory_space<vmem_shared>> -> memref<128x128xf32, #tpu.memory_space<vmem_shared>>
        %dma_start3A_76 = arith.constant 0 : i32
        %dma_start3A_77 = tpu.memref_slice %arg10[%add3A_66, %dma_start3A_76] : memref<10240x128xf32, #tpu.memory_space<vmem_shared>> -> memref<128x128xf32, #tpu.memory_space<vmem_shared>>
        tpu.enqueue_dma source(%dma_start3A_77 : memref<128x128xf32, #tpu.memory_space<vmem_shared>>) target(%arg8 : memref<128x128xf32, #tpu.memory_space<vmem>>) target_semaphore(%run_scoped3A_73 : memref<!tpu.dma_semaphore, #tpu.memory_space<semaphore_mem>>)
        %dma_wait3A = arith.constant 0 : i32
        %dma_wait3A_78 = tpu.memref_slice %arg10[%add3A_66, %dma_wait3A] : memref<10240x128xf32, #tpu.memory_space<vmem_shared>> -> memref<128x128xf32, #tpu.memory_space<vmem_shared>>
        %dma_wait3A_79 = arith.constant 0 : i32
        %dma_wait3A_80 = tpu.memref_slice %arg10[%add3A_66, %dma_wait3A_79] : memref<10240x128xf32, #tpu.memory_space<vmem_shared>> -> memref<128x128xf32, #tpu.memory_space<vmem_shared>>
        tpu.wait_dma2 semaphore(%run_scoped3A_73 : memref<!tpu.dma_semaphore, #tpu.memory_space<semaphore_mem>>) src(%dma_wait3A_80 : memref<128x128xf32, #tpu.memory_space<vmem_shared>>) dst(%arg8 : memref<128x128xf32, #tpu.memory_space<vmem>>)
        tpu.yield
      }) : () -> ()
      %run_scoped3A_67 = arith.constant 0 : i32
      "tpu.region"() ({
        %run_scoped3A_73 = tpu.sem_alloc : memref<!tpu.dma_semaphore, #tpu.memory_space<semaphore_mem>>
        %dma_start3A_74 = arith.constant 0 : i32
        %dma_start3A_75 = arith.constant 0 : i32
        %dma_start3A_76 = tpu.memref_slice %arg5[%run_scoped3A_67, %dma_start3A_74, %dma_start3A_75] : memref<2x10240x128xf32, #tpu.memory_space<hbm>> -> memref<1x10240x128xf32, #tpu.memory_space<hbm>>
        %dma_start3A_77 = tpu.memref_squeeze %dma_start3A_76 : memref<1x10240x128xf32, #tpu.memory_space<hbm>> -> memref<10240x128xf32, #tpu.memory_space<hbm>>
        %dma_start3A_78 = arith.constant 0 : i32
        %dma_start3A_79 = tpu.memref_slice %dma_start3A_77[%add3A_66, %dma_start3A_78] : memref<10240x128xf32, #tpu.memory_space<hbm>> -> memref<128x128xf32, #tpu.memory_space<hbm>>
        %dma_start3A_80 = arith.constant 0 : i32
        %dma_start3A_81 = arith.constant 0 : i32
        %dma_start3A_82 = tpu.memref_slice %arg5[%run_scoped3A_67, %dma_start3A_80, %dma_start3A_81] : memref<2x10240x128xf32, #tpu.memory_space<hbm>> -> memref<1x10240x128xf32, #tpu.memory_space<hbm>>
        %dma_start3A_83 = tpu.memref_squeeze %dma_start3A_82 : memref<1x10240x128xf32, #tpu.memory_space<hbm>> -> memref<10240x128xf32, #tpu.memory_space<hbm>>
        %dma_start3A_84 = arith.constant 0 : i32
        %dma_start3A_85 = tpu.memref_slice %dma_start3A_83[%add3A_66, %dma_start3A_84] : memref<10240x128xf32, #tpu.memory_space<hbm>> -> memref<128x128xf32, #tpu.memory_space<hbm>>
        tpu.enqueue_dma source(%arg8 : memref<128x128xf32, #tpu.memory_space<vmem>>) target(%dma_start3A_85 : memref<128x128xf32, #tpu.memory_space<hbm>>) target_semaphore(%run_scoped3A_73 : memref<!tpu.dma_semaphore, #tpu.memory_space<semaphore_mem>>)
        %dma_wait3A = arith.constant 0 : i32
        %dma_wait3A_86 = arith.constant 0 : i32
        %dma_wait3A_87 = tpu.memref_slice %arg5[%run_scoped3A_67, %dma_wait3A, %dma_wait3A_86] : memref<2x10240x128xf32, #tpu.memory_space<hbm>> -> memref<1x10240x128xf32, #tpu.memory_space<hbm>>
        %dma_wait3A_88 = tpu.memref_squeeze %dma_wait3A_87 : memref<1x10240x128xf32, #tpu.memory_space<hbm>> -> memref<10240x128xf32, #tpu.memory_space<hbm>>
        %dma_wait3A_89 = arith.constant 0 : i32
        %dma_wait3A_90 = tpu.memref_slice %dma_wait3A_88[%add3A_66, %dma_wait3A_89] : memref<10240x128xf32, #tpu.memory_space<hbm>> -> memref<128x128xf32, #tpu.memory_space<hbm>>
        %dma_wait3A_91 = arith.constant 0 : i32
        %dma_wait3A_92 = arith.constant 0 : i32
        %dma_wait3A_93 = tpu.memref_slice %arg5[%run_scoped3A_67, %dma_wait3A_91, %dma_wait3A_92] : memref<2x10240x128xf32, #tpu.memory_space<hbm>> -> memref<1x10240x128xf32, #tpu.memory_space<hbm>>
        %dma_wait3A_94 = tpu.memref_squeeze %dma_wait3A_93 : memref<1x10240x128xf32, #tpu.memory_space<hbm>> -> memref<10240x128xf32, #tpu.memory_space<hbm>>
        %dma_wait3A_95 = arith.constant 0 : i32
        %dma_wait3A_96 = tpu.memref_slice %dma_wait3A_94[%add3A_66, %dma_wait3A_95] : memref<10240x128xf32, #tpu.memory_space<hbm>> -> memref<128x128xf32, #tpu.memory_space<hbm>>
        tpu.wait_dma2 semaphore(%run_scoped3A_73 : memref<!tpu.dma_semaphore, #tpu.memory_space<semaphore_mem>>) src(%arg8 : memref<128x128xf32, #tpu.memory_space<vmem>>) dst(%dma_wait3A_96 : memref<128x128xf32, #tpu.memory_space<hbm>>)
        tpu.yield
      }) : () -> ()
      %mul3A_68 = arith.constant 640 : i32
      %mul3A_69 = arith.muli %arg1, %mul3A_68 : i32
      %add3A_70 = arith.constant 512 : i32
      %add3A_71 = arith.addi %mul3A_69, %add3A_70 : i32
      "tpu.region"() ({
        %run_scoped3A_73 = tpu.sem_alloc : memref<!tpu.dma_semaphore, #tpu.memory_space<semaphore_mem>>
        %dma_start3A_74 = arith.constant 0 : i32
        %dma_start3A_75 = tpu.memref_slice %arg10[%add3A_71, %dma_start3A_74] : memref<10240x128xf32, #tpu.memory_space<vmem_shared>> -> memref<128x128xf32, #tpu.memory_space<vmem_shared>>
        %dma_start3A_76 = arith.constant 0 : i32
        %dma_start3A_77 = tpu.memref_slice %arg10[%add3A_71, %dma_start3A_76] : memref<10240x128xf32, #tpu.memory_space<vmem_shared>> -> memref<128x128xf32, #tpu.memory_space<vmem_shared>>
        tpu.enqueue_dma source(%dma_start3A_77 : memref<128x128xf32, #tpu.memory_space<vmem_shared>>) target(%arg8 : memref<128x128xf32, #tpu.memory_space<vmem>>) target_semaphore(%run_scoped3A_73 : memref<!tpu.dma_semaphore, #tpu.memory_space<semaphore_mem>>)
        %dma_wait3A = arith.constant 0 : i32
        %dma_wait3A_78 = tpu.memref_slice %arg10[%add3A_71, %dma_wait3A] : memref<10240x128xf32, #tpu.memory_space<vmem_shared>> -> memref<128x128xf32, #tpu.memory_space<vmem_shared>>
        %dma_wait3A_79 = arith.constant 0 : i32
        %dma_wait3A_80 = tpu.memref_slice %arg10[%add3A_71, %dma_wait3A_79] : memref<10240x128xf32, #tpu.memory_space<vmem_shared>> -> memref<128x128xf32, #tpu.memory_space<vmem_shared>>
        tpu.wait_dma2 semaphore(%run_scoped3A_73 : memref<!tpu.dma_semaphore, #tpu.memory_space<semaphore_mem>>) src(%dma_wait3A_80 : memref<128x128xf32, #tpu.memory_space<vmem_shared>>) dst(%arg8 : memref<128x128xf32, #tpu.memory_space<vmem>>)
        tpu.yield
      }) : () -> ()
      %run_scoped3A_72 = arith.constant 0 : i32
      "tpu.region"() ({
        %run_scoped3A_73 = tpu.sem_alloc : memref<!tpu.dma_semaphore, #tpu.memory_space<semaphore_mem>>
        %dma_start3A_74 = arith.constant 0 : i32
        %dma_start3A_75 = arith.constant 0 : i32
        %dma_start3A_76 = tpu.memref_slice %arg5[%run_scoped3A_72, %dma_start3A_74, %dma_start3A_75] : memref<2x10240x128xf32, #tpu.memory_space<hbm>> -> memref<1x10240x128xf32, #tpu.memory_space<hbm>>
        %dma_start3A_77 = tpu.memref_squeeze %dma_start3A_76 : memref<1x10240x128xf32, #tpu.memory_space<hbm>> -> memref<10240x128xf32, #tpu.memory_space<hbm>>
        %dma_start3A_78 = arith.constant 0 : i32
        %dma_start3A_79 = tpu.memref_slice %dma_start3A_77[%add3A_71, %dma_start3A_78] : memref<10240x128xf32, #tpu.memory_space<hbm>> -> memref<128x128xf32, #tpu.memory_space<hbm>>
        %dma_start3A_80 = arith.constant 0 : i32
        %dma_start3A_81 = arith.constant 0 : i32
        %dma_start3A_82 = tpu.memref_slice %arg5[%run_scoped3A_72, %dma_start3A_80, %dma_start3A_81] : memref<2x10240x128xf32, #tpu.memory_space<hbm>> -> memref<1x10240x128xf32, #tpu.memory_space<hbm>>
        %dma_start3A_83 = tpu.memref_squeeze %dma_start3A_82 : memref<1x10240x128xf32, #tpu.memory_space<hbm>> -> memref<10240x128xf32, #tpu.memory_space<hbm>>
        %dma_start3A_84 = arith.constant 0 : i32
        %dma_start3A_85 = tpu.memref_slice %dma_start3A_83[%add3A_71, %dma_start3A_84] : memref<10240x128xf32, #tpu.memory_space<hbm>> -> memref<128x128xf32, #tpu.memory_space<hbm>>
        tpu.enqueue_dma source(%arg8 : memref<128x128xf32, #tpu.memory_space<vmem>>) target(%dma_start3A_85 : memref<128x128xf32, #tpu.memory_space<hbm>>) target_semaphore(%run_scoped3A_73 : memref<!tpu.dma_semaphore, #tpu.memory_space<semaphore_mem>>)
        %dma_wait3A = arith.constant 0 : i32
        %dma_wait3A_86 = arith.constant 0 : i32
        %dma_wait3A_87 = tpu.memref_slice %arg5[%run_scoped3A_72, %dma_wait3A, %dma_wait3A_86] : memref<2x10240x128xf32, #tpu.memory_space<hbm>> -> memref<1x10240x128xf32, #tpu.memory_space<hbm>>
        %dma_wait3A_88 = tpu.memref_squeeze %dma_wait3A_87 : memref<1x10240x128xf32, #tpu.memory_space<hbm>> -> memref<10240x128xf32, #tpu.memory_space<hbm>>
        %dma_wait3A_89 = arith.constant 0 : i32
        %dma_wait3A_90 = tpu.memref_slice %dma_wait3A_88[%add3A_71, %dma_wait3A_89] : memref<10240x128xf32, #tpu.memory_space<hbm>> -> memref<128x128xf32, #tpu.memory_space<hbm>>
        %dma_wait3A_91 = arith.constant 0 : i32
        %dma_wait3A_92 = arith.constant 0 : i32
        %dma_wait3A_93 = tpu.memref_slice %arg5[%run_scoped3A_72, %dma_wait3A_91, %dma_wait3A_92] : memref<2x10240x128xf32, #tpu.memory_space<hbm>> -> memref<1x10240x128xf32, #tpu.memory_space<hbm>>
        %dma_wait3A_94 = tpu.memref_squeeze %dma_wait3A_93 : memref<1x10240x128xf32, #tpu.memory_space<hbm>> -> memref<10240x128xf32, #tpu.memory_space<hbm>>
        %dma_wait3A_95 = arith.constant 0 : i32
        %dma_wait3A_96 = tpu.memref_slice %dma_wait3A_94[%add3A_71, %dma_wait3A_95] : memref<10240x128xf32, #tpu.memory_space<hbm>> -> memref<128x128xf32, #tpu.memory_space<hbm>>
        tpu.wait_dma2 semaphore(%run_scoped3A_73 : memref<!tpu.dma_semaphore, #tpu.memory_space<semaphore_mem>>) src(%arg8 : memref<128x128xf32, #tpu.memory_space<vmem>>) dst(%dma_wait3A_96 : memref<128x128xf32, #tpu.memory_space<hbm>>)
        tpu.yield
      }) : () -> ()
    } else {
    }
    %eq3A_44 = arith.constant 1 : i32
    %eq3A_45 = arith.cmpi eq, %arg0, %eq3A_44 : i32
    %convert_element_type3A_46 = arith.extui %eq3A_45 : i1 to i32
    %cond3A_47 = arith.constant 0 : i32
    %cond3A_48 = arith.cmpi ne, %convert_element_type3A_46, %cond3A_47 : i32
    scf.if %cond3A_48 {
      %mul3A_49 = arith.constant 640 : i32
      %mul3A_50 = arith.muli %arg1, %mul3A_49 : i32
      %add3A_51 = arith.constant 0 : i32
      %add3A_52 = arith.addi %mul3A_50, %add3A_51 : i32
      "tpu.region"() ({
        %run_scoped3A_73 = tpu.sem_alloc : memref<!tpu.dma_semaphore, #tpu.memory_space<semaphore_mem>>
        %dma_start3A_74 = arith.constant 0 : i32
        %dma_start3A_75 = tpu.memref_slice %arg10[%add3A_52, %dma_start3A_74] : memref<10240x128xf32, #tpu.memory_space<vmem_shared>> -> memref<128x128xf32, #tpu.memory_space<vmem_shared>>
        %dma_start3A_76 = arith.constant 0 : i32
        %dma_start3A_77 = tpu.memref_slice %arg10[%add3A_52, %dma_start3A_76] : memref<10240x128xf32, #tpu.memory_space<vmem_shared>> -> memref<128x128xf32, #tpu.memory_space<vmem_shared>>
        tpu.enqueue_dma source(%dma_start3A_77 : memref<128x128xf32, #tpu.memory_space<vmem_shared>>) target(%arg8 : memref<128x128xf32, #tpu.memory_space<vmem>>) target_semaphore(%run_scoped3A_73 : memref<!tpu.dma_semaphore, #tpu.memory_space<semaphore_mem>>)
        %dma_wait3A = arith.constant 0 : i32
        %dma_wait3A_78 = tpu.memref_slice %arg10[%add3A_52, %dma_wait3A] : memref<10240x128xf32, #tpu.memory_space<vmem_shared>> -> memref<128x128xf32, #tpu.memory_space<vmem_shared>>
        %dma_wait3A_79 = arith.constant 0 : i32
        %dma_wait3A_80 = tpu.memref_slice %arg10[%add3A_52, %dma_wait3A_79] : memref<10240x128xf32, #tpu.memory_space<vmem_shared>> -> memref<128x128xf32, #tpu.memory_space<vmem_shared>>
        tpu.wait_dma2 semaphore(%run_scoped3A_73 : memref<!tpu.dma_semaphore, #tpu.memory_space<semaphore_mem>>) src(%dma_wait3A_80 : memref<128x128xf32, #tpu.memory_space<vmem_shared>>) dst(%arg8 : memref<128x128xf32, #tpu.memory_space<vmem>>)
        tpu.yield
      }) : () -> ()
      %run_scoped3A = arith.constant 1 : i32
      "tpu.region"() ({
        %run_scoped3A_73 = tpu.sem_alloc : memref<!tpu.dma_semaphore, #tpu.memory_space<semaphore_mem>>
        %dma_start3A_74 = arith.constant 0 : i32
        %dma_start3A_75 = arith.constant 0 : i32
        %dma_start3A_76 = tpu.memref_slice %arg5[%run_scoped3A, %dma_start3A_74, %dma_start3A_75] : memref<2x10240x128xf32, #tpu.memory_space<hbm>> -> memref<1x10240x128xf32, #tpu.memory_space<hbm>>
        %dma_start3A_77 = tpu.memref_squeeze %dma_start3A_76 : memref<1x10240x128xf32, #tpu.memory_space<hbm>> -> memref<10240x128xf32, #tpu.memory_space<hbm>>
        %dma_start3A_78 = arith.constant 0 : i32
        %dma_start3A_79 = tpu.memref_slice %dma_start3A_77[%add3A_52, %dma_start3A_78] : memref<10240x128xf32, #tpu.memory_space<hbm>> -> memref<128x128xf32, #tpu.memory_space<hbm>>
        %dma_start3A_80 = arith.constant 0 : i32
        %dma_start3A_81 = arith.constant 0 : i32
        %dma_start3A_82 = tpu.memref_slice %arg5[%run_scoped3A, %dma_start3A_80, %dma_start3A_81] : memref<2x10240x128xf32, #tpu.memory_space<hbm>> -> memref<1x10240x128xf32, #tpu.memory_space<hbm>>
        %dma_start3A_83 = tpu.memref_squeeze %dma_start3A_82 : memref<1x10240x128xf32, #tpu.memory_space<hbm>> -> memref<10240x128xf32, #tpu.memory_space<hbm>>
        %dma_start3A_84 = arith.constant 0 : i32
        %dma_start3A_85 = tpu.memref_slice %dma_start3A_83[%add3A_52, %dma_start3A_84] : memref<10240x128xf32, #tpu.memory_space<hbm>> -> memref<128x128xf32, #tpu.memory_space<hbm>>
        tpu.enqueue_dma source(%arg8 : memref<128x128xf32, #tpu.memory_space<vmem>>) target(%dma_start3A_85 : memref<128x128xf32, #tpu.memory_space<hbm>>) target_semaphore(%run_scoped3A_73 : memref<!tpu.dma_semaphore, #tpu.memory_space<semaphore_mem>>)
        %dma_wait3A = arith.constant 0 : i32
        %dma_wait3A_86 = arith.constant 0 : i32
        %dma_wait3A_87 = tpu.memref_slice %arg5[%run_scoped3A, %dma_wait3A, %dma_wait3A_86] : memref<2x10240x128xf32, #tpu.memory_space<hbm>> -> memref<1x10240x128xf32, #tpu.memory_space<hbm>>
        %dma_wait3A_88 = tpu.memref_squeeze %dma_wait3A_87 : memref<1x10240x128xf32, #tpu.memory_space<hbm>> -> memref<10240x128xf32, #tpu.memory_space<hbm>>
        %dma_wait3A_89 = arith.constant 0 : i32
        %dma_wait3A_90 = tpu.memref_slice %dma_wait3A_88[%add3A_52, %dma_wait3A_89] : memref<10240x128xf32, #tpu.memory_space<hbm>> -> memref<128x128xf32, #tpu.memory_space<hbm>>
        %dma_wait3A_91 = arith.constant 0 : i32
        %dma_wait3A_92 = arith.constant 0 : i32
        %dma_wait3A_93 = tpu.memref_slice %arg5[%run_scoped3A, %dma_wait3A_91, %dma_wait3A_92] : memref<2x10240x128xf32, #tpu.memory_space<hbm>> -> memref<1x10240x128xf32, #tpu.memory_space<hbm>>
        %dma_wait3A_94 = tpu.memref_squeeze %dma_wait3A_93 : memref<1x10240x128xf32, #tpu.memory_space<hbm>> -> memref<10240x128xf32, #tpu.memory_space<hbm>>
        %dma_wait3A_95 = arith.constant 0 : i32
        %dma_wait3A_96 = tpu.memref_slice %dma_wait3A_94[%add3A_52, %dma_wait3A_95] : memref<10240x128xf32, #tpu.memory_space<hbm>> -> memref<128x128xf32, #tpu.memory_space<hbm>>
        tpu.wait_dma2 semaphore(%run_scoped3A_73 : memref<!tpu.dma_semaphore, #tpu.memory_space<semaphore_mem>>) src(%arg8 : memref<128x128xf32, #tpu.memory_space<vmem>>) dst(%dma_wait3A_96 : memref<128x128xf32, #tpu.memory_space<hbm>>)
        tpu.yield
      }) : () -> ()
      %mul3A_53 = arith.constant 640 : i32
      %mul3A_54 = arith.muli %arg1, %mul3A_53 : i32
      %add3A_55 = arith.constant 128 : i32
      %add3A_56 = arith.addi %mul3A_54, %add3A_55 : i32
      "tpu.region"() ({
        %run_scoped3A_73 = tpu.sem_alloc : memref<!tpu.dma_semaphore, #tpu.memory_space<semaphore_mem>>
        %dma_start3A_74 = arith.constant 0 : i32
        %dma_start3A_75 = tpu.memref_slice %arg10[%add3A_56, %dma_start3A_74] : memref<10240x128xf32, #tpu.memory_space<vmem_shared>> -> memref<128x128xf32, #tpu.memory_space<vmem_shared>>
        %dma_start3A_76 = arith.constant 0 : i32
        %dma_start3A_77 = tpu.memref_slice %arg10[%add3A_56, %dma_start3A_76] : memref<10240x128xf32, #tpu.memory_space<vmem_shared>> -> memref<128x128xf32, #tpu.memory_space<vmem_shared>>
        tpu.enqueue_dma source(%dma_start3A_77 : memref<128x128xf32, #tpu.memory_space<vmem_shared>>) target(%arg8 : memref<128x128xf32, #tpu.memory_space<vmem>>) target_semaphore(%run_scoped3A_73 : memref<!tpu.dma_semaphore, #tpu.memory_space<semaphore_mem>>)
        %dma_wait3A = arith.constant 0 : i32
        %dma_wait3A_78 = tpu.memref_slice %arg10[%add3A_56, %dma_wait3A] : memref<10240x128xf32, #tpu.memory_space<vmem_shared>> -> memref<128x128xf32, #tpu.memory_space<vmem_shared>>
        %dma_wait3A_79 = arith.constant 0 : i32
        %dma_wait3A_80 = tpu.memref_slice %arg10[%add3A_56, %dma_wait3A_79] : memref<10240x128xf32, #tpu.memory_space<vmem_shared>> -> memref<128x128xf32, #tpu.memory_space<vmem_shared>>
        tpu.wait_dma2 semaphore(%run_scoped3A_73 : memref<!tpu.dma_semaphore, #tpu.memory_space<semaphore_mem>>) src(%dma_wait3A_80 : memref<128x128xf32, #tpu.memory_space<vmem_shared>>) dst(%arg8 : memref<128x128xf32, #tpu.memory_space<vmem>>)
        tpu.yield
      }) : () -> ()
      %run_scoped3A_57 = arith.constant 1 : i32
      "tpu.region"() ({
        %run_scoped3A_73 = tpu.sem_alloc : memref<!tpu.dma_semaphore, #tpu.memory_space<semaphore_mem>>
        %dma_start3A_74 = arith.constant 0 : i32
        %dma_start3A_75 = arith.constant 0 : i32
        %dma_start3A_76 = tpu.memref_slice %arg5[%run_scoped3A_57, %dma_start3A_74, %dma_start3A_75] : memref<2x10240x128xf32, #tpu.memory_space<hbm>> -> memref<1x10240x128xf32, #tpu.memory_space<hbm>>
        %dma_start3A_77 = tpu.memref_squeeze %dma_start3A_76 : memref<1x10240x128xf32, #tpu.memory_space<hbm>> -> memref<10240x128xf32, #tpu.memory_space<hbm>>
        %dma_start3A_78 = arith.constant 0 : i32
        %dma_start3A_79 = tpu.memref_slice %dma_start3A_77[%add3A_56, %dma_start3A_78] : memref<10240x128xf32, #tpu.memory_space<hbm>> -> memref<128x128xf32, #tpu.memory_space<hbm>>
        %dma_start3A_80 = arith.constant 0 : i32
        %dma_start3A_81 = arith.constant 0 : i32
        %dma_start3A_82 = tpu.memref_slice %arg5[%run_scoped3A_57, %dma_start3A_80, %dma_start3A_81] : memref<2x10240x128xf32, #tpu.memory_space<hbm>> -> memref<1x10240x128xf32, #tpu.memory_space<hbm>>
        %dma_start3A_83 = tpu.memref_squeeze %dma_start3A_82 : memref<1x10240x128xf32, #tpu.memory_space<hbm>> -> memref<10240x128xf32, #tpu.memory_space<hbm>>
        %dma_start3A_84 = arith.constant 0 : i32
        %dma_start3A_85 = tpu.memref_slice %dma_start3A_83[%add3A_56, %dma_start3A_84] : memref<10240x128xf32, #tpu.memory_space<hbm>> -> memref<128x128xf32, #tpu.memory_space<hbm>>
        tpu.enqueue_dma source(%arg8 : memref<128x128xf32, #tpu.memory_space<vmem>>) target(%dma_start3A_85 : memref<128x128xf32, #tpu.memory_space<hbm>>) target_semaphore(%run_scoped3A_73 : memref<!tpu.dma_semaphore, #tpu.memory_space<semaphore_mem>>)
        %dma_wait3A = arith.constant 0 : i32
        %dma_wait3A_86 = arith.constant 0 : i32
        %dma_wait3A_87 = tpu.memref_slice %arg5[%run_scoped3A_57, %dma_wait3A, %dma_wait3A_86] : memref<2x10240x128xf32, #tpu.memory_space<hbm>> -> memref<1x10240x128xf32, #tpu.memory_space<hbm>>
        %dma_wait3A_88 = tpu.memref_squeeze %dma_wait3A_87 : memref<1x10240x128xf32, #tpu.memory_space<hbm>> -> memref<10240x128xf32, #tpu.memory_space<hbm>>
        %dma_wait3A_89 = arith.constant 0 : i32
        %dma_wait3A_90 = tpu.memref_slice %dma_wait3A_88[%add3A_56, %dma_wait3A_89] : memref<10240x128xf32, #tpu.memory_space<hbm>> -> memref<128x128xf32, #tpu.memory_space<hbm>>
        %dma_wait3A_91 = arith.constant 0 : i32
        %dma_wait3A_92 = arith.constant 0 : i32
        %dma_wait3A_93 = tpu.memref_slice %arg5[%run_scoped3A_57, %dma_wait3A_91, %dma_wait3A_92] : memref<2x10240x128xf32, #tpu.memory_space<hbm>> -> memref<1x10240x128xf32, #tpu.memory_space<hbm>>
        %dma_wait3A_94 = tpu.memref_squeeze %dma_wait3A_93 : memref<1x10240x128xf32, #tpu.memory_space<hbm>> -> memref<10240x128xf32, #tpu.memory_space<hbm>>
        %dma_wait3A_95 = arith.constant 0 : i32
        %dma_wait3A_96 = tpu.memref_slice %dma_wait3A_94[%add3A_56, %dma_wait3A_95] : memref<10240x128xf32, #tpu.memory_space<hbm>> -> memref<128x128xf32, #tpu.memory_space<hbm>>
        tpu.wait_dma2 semaphore(%run_scoped3A_73 : memref<!tpu.dma_semaphore, #tpu.memory_space<semaphore_mem>>) src(%arg8 : memref<128x128xf32, #tpu.memory_space<vmem>>) dst(%dma_wait3A_96 : memref<128x128xf32, #tpu.memory_space<hbm>>)
        tpu.yield
      }) : () -> ()
      %mul3A_58 = arith.constant 640 : i32
      %mul3A_59 = arith.muli %arg1, %mul3A_58 : i32
      %add3A_60 = arith.constant 256 : i32
      %add3A_61 = arith.addi %mul3A_59, %add3A_60 : i32
      "tpu.region"() ({
        %run_scoped3A_73 = tpu.sem_alloc : memref<!tpu.dma_semaphore, #tpu.memory_space<semaphore_mem>>
        %dma_start3A_74 = arith.constant 0 : i32
        %dma_start3A_75 = tpu.memref_slice %arg10[%add3A_61, %dma_start3A_74] : memref<10240x128xf32, #tpu.memory_space<vmem_shared>> -> memref<128x128xf32, #tpu.memory_space<vmem_shared>>
        %dma_start3A_76 = arith.constant 0 : i32
        %dma_start3A_77 = tpu.memref_slice %arg10[%add3A_61, %dma_start3A_76] : memref<10240x128xf32, #tpu.memory_space<vmem_shared>> -> memref<128x128xf32, #tpu.memory_space<vmem_shared>>
        tpu.enqueue_dma source(%dma_start3A_77 : memref<128x128xf32, #tpu.memory_space<vmem_shared>>) target(%arg8 : memref<128x128xf32, #tpu.memory_space<vmem>>) target_semaphore(%run_scoped3A_73 : memref<!tpu.dma_semaphore, #tpu.memory_space<semaphore_mem>>)
        %dma_wait3A = arith.constant 0 : i32
        %dma_wait3A_78 = tpu.memref_slice %arg10[%add3A_61, %dma_wait3A] : memref<10240x128xf32, #tpu.memory_space<vmem_shared>> -> memref<128x128xf32, #tpu.memory_space<vmem_shared>>
        %dma_wait3A_79 = arith.constant 0 : i32
        %dma_wait3A_80 = tpu.memref_slice %arg10[%add3A_61, %dma_wait3A_79] : memref<10240x128xf32, #tpu.memory_space<vmem_shared>> -> memref<128x128xf32, #tpu.memory_space<vmem_shared>>
        tpu.wait_dma2 semaphore(%run_scoped3A_73 : memref<!tpu.dma_semaphore, #tpu.memory_space<semaphore_mem>>) src(%dma_wait3A_80 : memref<128x128xf32, #tpu.memory_space<vmem_shared>>) dst(%arg8 : memref<128x128xf32, #tpu.memory_space<vmem>>)
        tpu.yield
      }) : () -> ()
      %run_scoped3A_62 = arith.constant 1 : i32
      "tpu.region"() ({
        %run_scoped3A_73 = tpu.sem_alloc : memref<!tpu.dma_semaphore, #tpu.memory_space<semaphore_mem>>
        %dma_start3A_74 = arith.constant 0 : i32
        %dma_start3A_75 = arith.constant 0 : i32
        %dma_start3A_76 = tpu.memref_slice %arg5[%run_scoped3A_62, %dma_start3A_74, %dma_start3A_75] : memref<2x10240x128xf32, #tpu.memory_space<hbm>> -> memref<1x10240x128xf32, #tpu.memory_space<hbm>>
        %dma_start3A_77 = tpu.memref_squeeze %dma_start3A_76 : memref<1x10240x128xf32, #tpu.memory_space<hbm>> -> memref<10240x128xf32, #tpu.memory_space<hbm>>
        %dma_start3A_78 = arith.constant 0 : i32
        %dma_start3A_79 = tpu.memref_slice %dma_start3A_77[%add3A_61, %dma_start3A_78] : memref<10240x128xf32, #tpu.memory_space<hbm>> -> memref<128x128xf32, #tpu.memory_space<hbm>>
        %dma_start3A_80 = arith.constant 0 : i32
        %dma_start3A_81 = arith.constant 0 : i32
        %dma_start3A_82 = tpu.memref_slice %arg5[%run_scoped3A_62, %dma_start3A_80, %dma_start3A_81] : memref<2x10240x128xf32, #tpu.memory_space<hbm>> -> memref<1x10240x128xf32, #tpu.memory_space<hbm>>
        %dma_start3A_83 = tpu.memref_squeeze %dma_start3A_82 : memref<1x10240x128xf32, #tpu.memory_space<hbm>> -> memref<10240x128xf32, #tpu.memory_space<hbm>>
        %dma_start3A_84 = arith.constant 0 : i32
        %dma_start3A_85 = tpu.memref_slice %dma_start3A_83[%add3A_61, %dma_start3A_84] : memref<10240x128xf32, #tpu.memory_space<hbm>> -> memref<128x128xf32, #tpu.memory_space<hbm>>
        tpu.enqueue_dma source(%arg8 : memref<128x128xf32, #tpu.memory_space<vmem>>) target(%dma_start3A_85 : memref<128x128xf32, #tpu.memory_space<hbm>>) target_semaphore(%run_scoped3A_73 : memref<!tpu.dma_semaphore, #tpu.memory_space<semaphore_mem>>)
        %dma_wait3A = arith.constant 0 : i32
        %dma_wait3A_86 = arith.constant 0 : i32
        %dma_wait3A_87 = tpu.memref_slice %arg5[%run_scoped3A_62, %dma_wait3A, %dma_wait3A_86] : memref<2x10240x128xf32, #tpu.memory_space<hbm>> -> memref<1x10240x128xf32, #tpu.memory_space<hbm>>
        %dma_wait3A_88 = tpu.memref_squeeze %dma_wait3A_87 : memref<1x10240x128xf32, #tpu.memory_space<hbm>> -> memref<10240x128xf32, #tpu.memory_space<hbm>>
        %dma_wait3A_89 = arith.constant 0 : i32
        %dma_wait3A_90 = tpu.memref_slice %dma_wait3A_88[%add3A_61, %dma_wait3A_89] : memref<10240x128xf32, #tpu.memory_space<hbm>> -> memref<128x128xf32, #tpu.memory_space<hbm>>
        %dma_wait3A_91 = arith.constant 0 : i32
        %dma_wait3A_92 = arith.constant 0 : i32
        %dma_wait3A_93 = tpu.memref_slice %arg5[%run_scoped3A_62, %dma_wait3A_91, %dma_wait3A_92] : memref<2x10240x128xf32, #tpu.memory_space<hbm>> -> memref<1x10240x128xf32, #tpu.memory_space<hbm>>
        %dma_wait3A_94 = tpu.memref_squeeze %dma_wait3A_93 : memref<1x10240x128xf32, #tpu.memory_space<hbm>> -> memref<10240x128xf32, #tpu.memory_space<hbm>>
        %dma_wait3A_95 = arith.constant 0 : i32
        %dma_wait3A_96 = tpu.memref_slice %dma_wait3A_94[%add3A_61, %dma_wait3A_95] : memref<10240x128xf32, #tpu.memory_space<hbm>> -> memref<128x128xf32, #tpu.memory_space<hbm>>
        tpu.wait_dma2 semaphore(%run_scoped3A_73 : memref<!tpu.dma_semaphore, #tpu.memory_space<semaphore_mem>>) src(%arg8 : memref<128x128xf32, #tpu.memory_space<vmem>>) dst(%dma_wait3A_96 : memref<128x128xf32, #tpu.memory_space<hbm>>)
        tpu.yield
      }) : () -> ()
      %mul3A_63 = arith.constant 640 : i32
      %mul3A_64 = arith.muli %arg1, %mul3A_63 : i32
      %add3A_65 = arith.constant 384 : i32
      %add3A_66 = arith.addi %mul3A_64, %add3A_65 : i32
      "tpu.region"() ({
        %run_scoped3A_73 = tpu.sem_alloc : memref<!tpu.dma_semaphore, #tpu.memory_space<semaphore_mem>>
        %dma_start3A_74 = arith.constant 0 : i32
        %dma_start3A_75 = tpu.memref_slice %arg10[%add3A_66, %dma_start3A_74] : memref<10240x128xf32, #tpu.memory_space<vmem_shared>> -> memref<128x128xf32, #tpu.memory_space<vmem_shared>>
        %dma_start3A_76 = arith.constant 0 : i32
        %dma_start3A_77 = tpu.memref_slice %arg10[%add3A_66, %dma_start3A_76] : memref<10240x128xf32, #tpu.memory_space<vmem_shared>> -> memref<128x128xf32, #tpu.memory_space<vmem_shared>>
        tpu.enqueue_dma source(%dma_start3A_77 : memref<128x128xf32, #tpu.memory_space<vmem_shared>>) target(%arg8 : memref<128x128xf32, #tpu.memory_space<vmem>>) target_semaphore(%run_scoped3A_73 : memref<!tpu.dma_semaphore, #tpu.memory_space<semaphore_mem>>)
        %dma_wait3A = arith.constant 0 : i32
        %dma_wait3A_78 = tpu.memref_slice %arg10[%add3A_66, %dma_wait3A] : memref<10240x128xf32, #tpu.memory_space<vmem_shared>> -> memref<128x128xf32, #tpu.memory_space<vmem_shared>>
        %dma_wait3A_79 = arith.constant 0 : i32
        %dma_wait3A_80 = tpu.memref_slice %arg10[%add3A_66, %dma_wait3A_79] : memref<10240x128xf32, #tpu.memory_space<vmem_shared>> -> memref<128x128xf32, #tpu.memory_space<vmem_shared>>
        tpu.wait_dma2 semaphore(%run_scoped3A_73 : memref<!tpu.dma_semaphore, #tpu.memory_space<semaphore_mem>>) src(%dma_wait3A_80 : memref<128x128xf32, #tpu.memory_space<vmem_shared>>) dst(%arg8 : memref<128x128xf32, #tpu.memory_space<vmem>>)
        tpu.yield
      }) : () -> ()
      %run_scoped3A_67 = arith.constant 1 : i32
      "tpu.region"() ({
        %run_scoped3A_73 = tpu.sem_alloc : memref<!tpu.dma_semaphore, #tpu.memory_space<semaphore_mem>>
        %dma_start3A_74 = arith.constant 0 : i32
        %dma_start3A_75 = arith.constant 0 : i32
        %dma_start3A_76 = tpu.memref_slice %arg5[%run_scoped3A_67, %dma_start3A_74, %dma_start3A_75] : memref<2x10240x128xf32, #tpu.memory_space<hbm>> -> memref<1x10240x128xf32, #tpu.memory_space<hbm>>
        %dma_start3A_77 = tpu.memref_squeeze %dma_start3A_76 : memref<1x10240x128xf32, #tpu.memory_space<hbm>> -> memref<10240x128xf32, #tpu.memory_space<hbm>>
        %dma_start3A_78 = arith.constant 0 : i32
        %dma_start3A_79 = tpu.memref_slice %dma_start3A_77[%add3A_66, %dma_start3A_78] : memref<10240x128xf32, #tpu.memory_space<hbm>> -> memref<128x128xf32, #tpu.memory_space<hbm>>
        %dma_start3A_80 = arith.constant 0 : i32
        %dma_start3A_81 = arith.constant 0 : i32
        %dma_start3A_82 = tpu.memref_slice %arg5[%run_scoped3A_67, %dma_start3A_80, %dma_start3A_81] : memref<2x10240x128xf32, #tpu.memory_space<hbm>> -> memref<1x10240x128xf32, #tpu.memory_space<hbm>>
        %dma_start3A_83 = tpu.memref_squeeze %dma_start3A_82 : memref<1x10240x128xf32, #tpu.memory_space<hbm>> -> memref<10240x128xf32, #tpu.memory_space<hbm>>
        %dma_start3A_84 = arith.constant 0 : i32
        %dma_start3A_85 = tpu.memref_slice %dma_start3A_83[%add3A_66, %dma_start3A_84] : memref<10240x128xf32, #tpu.memory_space<hbm>> -> memref<128x128xf32, #tpu.memory_space<hbm>>
        tpu.enqueue_dma source(%arg8 : memref<128x128xf32, #tpu.memory_space<vmem>>) target(%dma_start3A_85 : memref<128x128xf32, #tpu.memory_space<hbm>>) target_semaphore(%run_scoped3A_73 : memref<!tpu.dma_semaphore, #tpu.memory_space<semaphore_mem>>)
        %dma_wait3A = arith.constant 0 : i32
        %dma_wait3A_86 = arith.constant 0 : i32
        %dma_wait3A_87 = tpu.memref_slice %arg5[%run_scoped3A_67, %dma_wait3A, %dma_wait3A_86] : memref<2x10240x128xf32, #tpu.memory_space<hbm>> -> memref<1x10240x128xf32, #tpu.memory_space<hbm>>
        %dma_wait3A_88 = tpu.memref_squeeze %dma_wait3A_87 : memref<1x10240x128xf32, #tpu.memory_space<hbm>> -> memref<10240x128xf32, #tpu.memory_space<hbm>>
        %dma_wait3A_89 = arith.constant 0 : i32
        %dma_wait3A_90 = tpu.memref_slice %dma_wait3A_88[%add3A_66, %dma_wait3A_89] : memref<10240x128xf32, #tpu.memory_space<hbm>> -> memref<128x128xf32, #tpu.memory_space<hbm>>
        %dma_wait3A_91 = arith.constant 0 : i32
        %dma_wait3A_92 = arith.constant 0 : i32
        %dma_wait3A_93 = tpu.memref_slice %arg5[%run_scoped3A_67, %dma_wait3A_91, %dma_wait3A_92] : memref<2x10240x128xf32, #tpu.memory_space<hbm>> -> memref<1x10240x128xf32, #tpu.memory_space<hbm>>
        %dma_wait3A_94 = tpu.memref_squeeze %dma_wait3A_93 : memref<1x10240x128xf32, #tpu.memory_space<hbm>> -> memref<10240x128xf32, #tpu.memory_space<hbm>>
        %dma_wait3A_95 = arith.constant 0 : i32
        %dma_wait3A_96 = tpu.memref_slice %dma_wait3A_94[%add3A_66, %dma_wait3A_95] : memref<10240x128xf32, #tpu.memory_space<hbm>> -> memref<128x128xf32, #tpu.memory_space<hbm>>
        tpu.wait_dma2 semaphore(%run_scoped3A_73 : memref<!tpu.dma_semaphore, #tpu.memory_space<semaphore_mem>>) src(%arg8 : memref<128x128xf32, #tpu.memory_space<vmem>>) dst(%dma_wait3A_96 : memref<128x128xf32, #tpu.memory_space<hbm>>)
        tpu.yield
      }) : () -> ()
      %mul3A_68 = arith.constant 640 : i32
      %mul3A_69 = arith.muli %arg1, %mul3A_68 : i32
      %add3A_70 = arith.constant 512 : i32
      %add3A_71 = arith.addi %mul3A_69, %add3A_70 : i32
      "tpu.region"() ({
        %run_scoped3A_73 = tpu.sem_alloc : memref<!tpu.dma_semaphore, #tpu.memory_space<semaphore_mem>>
        %dma_start3A_74 = arith.constant 0 : i32
        %dma_start3A_75 = tpu.memref_slice %arg10[%add3A_71, %dma_start3A_74] : memref<10240x128xf32, #tpu.memory_space<vmem_shared>> -> memref<128x128xf32, #tpu.memory_space<vmem_shared>>
        %dma_start3A_76 = arith.constant 0 : i32
        %dma_start3A_77 = tpu.memref_slice %arg10[%add3A_71, %dma_start3A_76] : memref<10240x128xf32, #tpu.memory_space<vmem_shared>> -> memref<128x128xf32, #tpu.memory_space<vmem_shared>>
        tpu.enqueue_dma source(%dma_start3A_77 : memref<128x128xf32, #tpu.memory_space<vmem_shared>>) target(%arg8 : memref<128x128xf32, #tpu.memory_space<vmem>>) target_semaphore(%run_scoped3A_73 : memref<!tpu.dma_semaphore, #tpu.memory_space<semaphore_mem>>)
        %dma_wait3A = arith.constant 0 : i32
        %dma_wait3A_78 = tpu.memref_slice %arg10[%add3A_71, %dma_wait3A] : memref<10240x128xf32, #tpu.memory_space<vmem_shared>> -> memref<128x128xf32, #tpu.memory_space<vmem_shared>>
        %dma_wait3A_79 = arith.constant 0 : i32
        %dma_wait3A_80 = tpu.memref_slice %arg10[%add3A_71, %dma_wait3A_79] : memref<10240x128xf32, #tpu.memory_space<vmem_shared>> -> memref<128x128xf32, #tpu.memory_space<vmem_shared>>
        tpu.wait_dma2 semaphore(%run_scoped3A_73 : memref<!tpu.dma_semaphore, #tpu.memory_space<semaphore_mem>>) src(%dma_wait3A_80 : memref<128x128xf32, #tpu.memory_space<vmem_shared>>) dst(%arg8 : memref<128x128xf32, #tpu.memory_space<vmem>>)
        tpu.yield
      }) : () -> ()
      %run_scoped3A_72 = arith.constant 1 : i32
      "tpu.region"() ({
        %run_scoped3A_73 = tpu.sem_alloc : memref<!tpu.dma_semaphore, #tpu.memory_space<semaphore_mem>>
        %dma_start3A_74 = arith.constant 0 : i32
        %dma_start3A_75 = arith.constant 0 : i32
        %dma_start3A_76 = tpu.memref_slice %arg5[%run_scoped3A_72, %dma_start3A_74, %dma_start3A_75] : memref<2x10240x128xf32, #tpu.memory_space<hbm>> -> memref<1x10240x128xf32, #tpu.memory_space<hbm>>
        %dma_start3A_77 = tpu.memref_squeeze %dma_start3A_76 : memref<1x10240x128xf32, #tpu.memory_space<hbm>> -> memref<10240x128xf32, #tpu.memory_space<hbm>>
        %dma_start3A_78 = arith.constant 0 : i32
        %dma_start3A_79 = tpu.memref_slice %dma_start3A_77[%add3A_71, %dma_start3A_78] : memref<10240x128xf32, #tpu.memory_space<hbm>> -> memref<128x128xf32, #tpu.memory_space<hbm>>
        %dma_start3A_80 = arith.constant 0 : i32
        %dma_start3A_81 = arith.constant 0 : i32
        %dma_start3A_82 = tpu.memref_slice %arg5[%run_scoped3A_72, %dma_start3A_80, %dma_start3A_81] : memref<2x10240x128xf32, #tpu.memory_space<hbm>> -> memref<1x10240x128xf32, #tpu.memory_space<hbm>>
        %dma_start3A_83 = tpu.memref_squeeze %dma_start3A_82 : memref<1x10240x128xf32, #tpu.memory_space<hbm>> -> memref<10240x128xf32, #tpu.memory_space<hbm>>
        %dma_start3A_84 = arith.constant 0 : i32
        %dma_start3A_85 = tpu.memref_slice %dma_start3A_83[%add3A_71, %dma_start3A_84] : memref<10240x128xf32, #tpu.memory_space<hbm>> -> memref<128x128xf32, #tpu.memory_space<hbm>>
        tpu.enqueue_dma source(%arg8 : memref<128x128xf32, #tpu.memory_space<vmem>>) target(%dma_start3A_85 : memref<128x128xf32, #tpu.memory_space<hbm>>) target_semaphore(%run_scoped3A_73 : memref<!tpu.dma_semaphore, #tpu.memory_space<semaphore_mem>>)
        %dma_wait3A = arith.constant 0 : i32
        %dma_wait3A_86 = arith.constant 0 : i32
        %dma_wait3A_87 = tpu.memref_slice %arg5[%run_scoped3A_72, %dma_wait3A, %dma_wait3A_86] : memref<2x10240x128xf32, #tpu.memory_space<hbm>> -> memref<1x10240x128xf32, #tpu.memory_space<hbm>>
        %dma_wait3A_88 = tpu.memref_squeeze %dma_wait3A_87 : memref<1x10240x128xf32, #tpu.memory_space<hbm>> -> memref<10240x128xf32, #tpu.memory_space<hbm>>
        %dma_wait3A_89 = arith.constant 0 : i32
        %dma_wait3A_90 = tpu.memref_slice %dma_wait3A_88[%add3A_71, %dma_wait3A_89] : memref<10240x128xf32, #tpu.memory_space<hbm>> -> memref<128x128xf32, #tpu.memory_space<hbm>>
        %dma_wait3A_91 = arith.constant 0 : i32
        %dma_wait3A_92 = arith.constant 0 : i32
        %dma_wait3A_93 = tpu.memref_slice %arg5[%run_scoped3A_72, %dma_wait3A_91, %dma_wait3A_92] : memref<2x10240x128xf32, #tpu.memory_space<hbm>> -> memref<1x10240x128xf32, #tpu.memory_space<hbm>>
        %dma_wait3A_94 = tpu.memref_squeeze %dma_wait3A_93 : memref<1x10240x128xf32, #tpu.memory_space<hbm>> -> memref<10240x128xf32, #tpu.memory_space<hbm>>
        %dma_wait3A_95 = arith.constant 0 : i32
        %dma_wait3A_96 = tpu.memref_slice %dma_wait3A_94[%add3A_71, %dma_wait3A_95] : memref<10240x128xf32, #tpu.memory_space<hbm>> -> memref<128x128xf32, #tpu.memory_space<hbm>>
        tpu.wait_dma2 semaphore(%run_scoped3A_73 : memref<!tpu.dma_semaphore, #tpu.memory_space<semaphore_mem>>) src(%arg8 : memref<128x128xf32, #tpu.memory_space<vmem>>) dst(%dma_wait3A_96 : memref<128x128xf32, #tpu.memory_space<hbm>>)
        tpu.yield
      }) : () -> ()
    } else {
    }
    return
  }
}

module attributes {stable_mosaic.version = 14 : i64} {
  func.func @_tc_prep_body(%arg0: i32, %arg1: memref<1000x256xf32, #tpu.memory_space<vmem>>, %arg2: memref<2x1000x128xf32, #tpu.memory_space<vmem>>, %arg3: memref<1000x128xf32, #tpu.memory_space<vmem>>, %arg4: memref<1000x128xf32, #tpu.memory_space<vmem>>, %arg5: memref<1000x1xf32, #tpu.memory_space<vmem>>) attributes {dimension_semantics = [#tpu.dimension_semantics<arbitrary>], iteration_bounds = array<i64: 10>, scalar_prefetch = 0 : i64, scratch_operands = 0 : i64, tpu.core_type = #tpu.core_type<tc>, window_params = [{transform_indices = @transform_0, window_bounds = array<i64: 1000, 256>}, {transform_indices = @transform_1, window_bounds = array<i64: 2, 1000, 128>}, {transform_indices = @transform_2, window_bounds = array<i64: 1000, 128>}, {transform_indices = @transform_3, window_bounds = array<i64: 1000, 128>}, {transform_indices = @transform_4, window_bounds = array<i64: 1000, 1>}]} {
    %get3A = arith.constant 0 : index
    %get3A_0 = arith.constant 0 : index
    %get3A_1 = arith.constant 0 : index
    %get3A_2 = vector.load %arg2[%get3A, %get3A_0, %get3A_1] : memref<2x1000x128xf32, #tpu.memory_space<vmem>>, vector<1x1000x1xf32>
    %get3A_3 = vector.shape_cast %get3A_2 : vector<1x1000x1xf32> to vector<1000x1xf32>
    %add3A = arith.constant 1.000000e+00 : f32
    %add3A_4 = vector.broadcast %add3A : f32 to vector<1000x1xf32>
    %add3A_5 = arith.addf %add3A_4, %get3A_3 : vector<1000x1xf32>
    %get3A_6 = arith.constant 1 : index
    %get3A_7 = arith.constant 0 : index
    %get3A_8 = arith.constant 0 : index
    %get3A_9 = vector.load %arg2[%get3A_6, %get3A_7, %get3A_8] : memref<2x1000x128xf32, #tpu.memory_space<vmem>>, vector<1x1000x1xf32>
    %get3A_10 = vector.shape_cast %get3A_9 : vector<1x1000x1xf32> to vector<1000x1xf32>
    %add3A_11 = arith.addf %add3A_5, %get3A_10 : vector<1000x1xf32>
    %rsqrt3A = math.rsqrt %add3A_11 : vector<1000x1xf32>
    %get3A_12 = arith.constant 0 : index
    %get3A_13 = arith.constant 0 : index
    %get3A_14 = vector.load %arg1[%get3A_12, %get3A_13] : memref<1000x256xf32, #tpu.memory_space<vmem>>, vector<1000x256xf32>
    %mul3A = vector.broadcast %rsqrt3A : vector<1000x1xf32> to vector<1000x256xf32>
    %mul3A_15 = arith.mulf %get3A_14, %mul3A : vector<1000x256xf32>
    %slice3A = vector.extract_strided_slice %mul3A_15 {offsets = [0, 0], sizes = [1000, 128], strides = [1, 1]} : vector<1000x256xf32> to vector<1000x128xf32>
    %swap3A = arith.constant 0 : index
    %swap3A_16 = arith.constant 0 : index
    %swap3A_17 = vector.load %arg3[%swap3A, %swap3A_16] : memref<1000x128xf32, #tpu.memory_space<vmem>>, vector<1000x128xf32>
    tpu.vector_store %arg3[%swap3A, %swap3A_16], %slice3A {strides = array<i32>} : memref<1000x128xf32, #tpu.memory_space<vmem>>, vector<1000x128xf32>,
    %slice3A_18 = vector.extract_strided_slice %mul3A_15 {offsets = [0, 128], sizes = [1000, 128], strides = [1, 1]} : vector<1000x256xf32> to vector<1000x128xf32>
    %swap3A_19 = arith.constant 0 : index
    %swap3A_20 = arith.constant 0 : index
    %swap3A_21 = vector.load %arg4[%swap3A_19, %swap3A_20] : memref<1000x128xf32, #tpu.memory_space<vmem>>, vector<1000x128xf32>
    tpu.vector_store %arg4[%swap3A_19, %swap3A_20], %slice3A_18 {strides = array<i32>} : memref<1000x128xf32, #tpu.memory_space<vmem>>, vector<1000x128xf32>,
    %swap3A_22 = arith.constant 0 : index
    %swap3A_23 = arith.constant 0 : index
    %swap3A_24 = vector.load %arg5[%swap3A_22, %swap3A_23] : memref<1000x1xf32, #tpu.memory_space<vmem>>, vector<1000x1xf32>
    tpu.vector_store %arg5[%swap3A_22, %swap3A_23], %rsqrt3A {strides = array<i32>} : memref<1000x1xf32, #tpu.memory_space<vmem>>, vector<1000x1xf32>,
    return
  }
  func.func @transform_0(%arg0: i32) -> (i32, i32) {
    %c0_i32 = arith.constant 0 : i32
    %c0_i32_0 = arith.constant 0 : i32
    return %arg0, %c0_i32 : i32, i32
  }
  func.func @transform_1(%arg0: i32) -> (i32, i32, i32) {
    %c0_i32 = arith.constant 0 : i32
    %c0_i32_0 = arith.constant 0 : i32
    %c0_i32_1 = arith.constant 0 : i32
    return %c0_i32, %arg0, %c0_i32_0 : i32, i32, i32
  }
  func.func @transform_2(%arg0: i32) -> (i32, i32) {
    %c0_i32 = arith.constant 0 : i32
    %c0_i32_0 = arith.constant 0 : i32
    return %arg0, %c0_i32 : i32, i32
  }
  func.func @transform_3(%arg0: i32) -> (i32, i32) {
    %c0_i32 = arith.constant 0 : i32
    %c0_i32_0 = arith.constant 0 : i32
    return %arg0, %c0_i32 : i32, i32
  }
  func.func @transform_4(%arg0: i32) -> (i32, i32) {
    %c0_i32 = arith.constant 0 : i32
    %c0_i32_0 = arith.constant 0 : i32
    return %arg0, %c0_i32 : i32, i32
  }
}

module attributes {stable_mosaic.version = 14 : i64} {
  func.func @_tc_mid_body(%arg0: i32, %arg1: memref<2x1000x128xf32, #tpu.memory_space<vmem>>, %arg2: memref<1000x128xf32, #tpu.memory_space<vmem>>, %arg3: memref<1000x128xf32, #tpu.memory_space<vmem>>, %arg4: memref<1000x1xf32, #tpu.memory_space<vmem>>, %arg5: memref<256x512xf32, #tpu.memory_space<vmem>>, %arg6: memref<1x512xf32, #tpu.memory_space<vmem>>, %arg7: memref<512x128xf32, #tpu.memory_space<vmem>>, %arg8: memref<1000x128xf32, #tpu.memory_space<vmem>>) attributes {dimension_semantics = [#tpu.dimension_semantics<arbitrary>], iteration_bounds = array<i64: 10>, scalar_prefetch = 0 : i64, scratch_operands = 0 : i64, tpu.core_type = #tpu.core_type<tc>, window_params = [{transform_indices = @transform_0, window_bounds = array<i64: 2, 1000, 128>}, {transform_indices = @transform_1, window_bounds = array<i64: 1000, 128>}, {transform_indices = @transform_2, window_bounds = array<i64: 1000, 128>}, {transform_indices = @transform_3, window_bounds = array<i64: 1000, 1>}, {pipeline_mode = #tpu.pipeline_mode<synchronous>, transform_indices = @transform_4, window_bounds = array<i64: 256, 512>}, {pipeline_mode = #tpu.pipeline_mode<synchronous>, transform_indices = @transform_5, window_bounds = array<i64: 1, 512>}, {pipeline_mode = #tpu.pipeline_mode<synchronous>, transform_indices = @transform_6, window_bounds = array<i64: 512, 128>}, {transform_indices = @transform_7, window_bounds = array<i64: 1000, 128>}]} {
    %get3A = arith.constant 0 : index
    %get3A_0 = arith.constant 0 : index
    %get3A_1 = vector.load %arg4[%get3A, %get3A_0] : memref<1000x1xf32, #tpu.memory_space<vmem>>, vector<1000x1xf32>
    %get3A_2 = arith.constant 0 : index
    %get3A_3 = arith.constant 0 : index
    %get3A_4 = arith.constant 0 : index
    %get3A_5 = vector.load %arg1[%get3A_2, %get3A_3, %get3A_4] : memref<2x1000x128xf32, #tpu.memory_space<vmem>>, vector<1x1000x128xf32>
    %get3A_6 = vector.shape_cast %get3A_5 : vector<1x1000x128xf32> to vector<1000x128xf32>
    %get3A_7 = arith.constant 0 : index
    %get3A_8 = arith.constant 0 : index
    %get3A_9 = vector.load %arg2[%get3A_7, %get3A_8] : memref<1000x128xf32, #tpu.memory_space<vmem>>, vector<1000x128xf32>
    %add3A = arith.addf %get3A_6, %get3A_9 : vector<1000x128xf32>
    %mul3A = vector.broadcast %get3A_1 : vector<1000x1xf32> to vector<1000x128xf32>
    %mul3A_10 = arith.mulf %add3A, %mul3A : vector<1000x128xf32>
    %get3A_11 = arith.constant 1 : index
    %get3A_12 = arith.constant 0 : index
    %get3A_13 = arith.constant 0 : index
    %get3A_14 = vector.load %arg1[%get3A_11, %get3A_12, %get3A_13] : memref<2x1000x128xf32, #tpu.memory_space<vmem>>, vector<1x1000x128xf32>
    %get3A_15 = vector.shape_cast %get3A_14 : vector<1x1000x128xf32> to vector<1000x128xf32>
    %get3A_16 = arith.constant 0 : index
    %get3A_17 = arith.constant 0 : index
    %get3A_18 = vector.load %arg3[%get3A_16, %get3A_17] : memref<1000x128xf32, #tpu.memory_space<vmem>>, vector<1000x128xf32>
    %add3A_19 = arith.addf %get3A_15, %get3A_18 : vector<1000x128xf32>
    %mul3A_20 = vector.broadcast %get3A_1 : vector<1000x1xf32> to vector<1000x128xf32>
    %mul3A_21 = arith.mulf %add3A_19, %mul3A_20 : vector<1000x128xf32>
    %concatenate3A = tpu.concatenate %mul3A_10, %mul3A_21 in 1 : vector<1000x128xf32>, vector<1000x128xf32> -> vector<1000x256xf32>
    %get3A_22 = arith.constant 0 : index
    %get3A_23 = arith.constant 0 : index
    %get3A_24 = vector.load %arg5[%get3A_22, %get3A_23] : memref<256x512xf32, #tpu.memory_space<vmem>>, vector<256x512xf32>
    %dot_general3A = arith.constant dense<0.000000e+00> : vector<1000x512xf32>
    %dot_general3A_25 = tpu.matmul %concatenate3A, %get3A_24, %dot_general3A {dimension_numbers = #tpu.dot_dimension_numbers<[1], [0], [0], [1], [0, 0, 1, 1], [], []>, transpose_lhs_hint = false} : vector<1000x256xf32>, vector<256x512xf32>, vector<1000x512xf32> -> vector<1000x512xf32>
    %get3A_26 = arith.constant 0 : index
    %get3A_27 = arith.constant 0 : index
    %get3A_28 = vector.load %arg6[%get3A_26, %get3A_27] : memref<1x512xf32, #tpu.memory_space<vmem>>, vector<1x512xf32>
    %add3A_29 = vector.broadcast %get3A_28 : vector<1x512xf32> to vector<1000x512xf32>
    %add3A_30 = arith.addf %dot_general3A_25, %add3A_29 : vector<1000x512xf32>
    %max3A = arith.constant 0.000000e+00 : f32
    %max3A_31 = vector.broadcast %max3A : f32 to vector<1000x512xf32>
    %max3A_32 = arith.maximumf %add3A_30, %max3A_31 : vector<1000x512xf32>
    %get3A_33 = arith.constant 0 : index
    %get3A_34 = arith.constant 0 : index
    %get3A_35 = vector.load %arg7[%get3A_33, %get3A_34] : memref<512x128xf32, #tpu.memory_space<vmem>>, vector<512x128xf32>
    %dot_general3A_36 = arith.constant dense<0.000000e+00> : vector<1000x128xf32>
    %dot_general3A_37 = tpu.matmul %max3A_32, %get3A_35, %dot_general3A_36 {dimension_numbers = #tpu.dot_dimension_numbers<[1], [0], [0], [1], [0, 0, 1, 1], [], []>, transpose_lhs_hint = false} : vector<1000x512xf32>, vector<512x128xf32>, vector<1000x128xf32> -> vector<1000x128xf32>
    %mul3A_38 = vector.broadcast %get3A_1 : vector<1000x1xf32> to vector<1000x128xf32>
    %mul3A_39 = arith.mulf %dot_general3A_37, %mul3A_38 : vector<1000x128xf32>
    %swap3A = arith.constant 0 : index
    %swap3A_40 = arith.constant 0 : index
    %swap3A_41 = vector.load %arg8[%swap3A, %swap3A_40] : memref<1000x128xf32, #tpu.memory_space<vmem>>, vector<1000x128xf32>
    tpu.vector_store %arg8[%swap3A, %swap3A_40], %mul3A_39 {strides = array<i32>} : memref<1000x128xf32, #tpu.memory_space<vmem>>, vector<1000x128xf32>,
    return
  }
  func.func @transform_0(%arg0: i32) -> (i32, i32, i32) {
    %c0_i32 = arith.constant 0 : i32
    %c0_i32_0 = arith.constant 0 : i32
    %c0_i32_1 = arith.constant 0 : i32
    return %c0_i32, %arg0, %c0_i32_0 : i32, i32, i32
  }
  func.func @transform_1(%arg0: i32) -> (i32, i32) {
    %c0_i32 = arith.constant 0 : i32
    %c0_i32_0 = arith.constant 0 : i32
    return %arg0, %c0_i32 : i32, i32
  }
  func.func @transform_2(%arg0: i32) -> (i32, i32) {
    %c0_i32 = arith.constant 0 : i32
    %c0_i32_0 = arith.constant 0 : i32
    return %arg0, %c0_i32 : i32, i32
  }
  func.func @transform_3(%arg0: i32) -> (i32, i32) {
    %c0_i32 = arith.constant 0 : i32
    %c0_i32_0 = arith.constant 0 : i32
    return %arg0, %c0_i32 : i32, i32
  }
  func.func @transform_4(%arg0: i32) -> (i32, i32) {
    %c0_i32 = arith.constant 0 : i32
    %c0_i32_0 = arith.constant 0 : i32
    %c0_i32_1 = arith.constant 0 : i32
    return %c0_i32, %c0_i32_0 : i32, i32
  }
  func.func @transform_5(%arg0: i32) -> (i32, i32) {
    %c0_i32 = arith.constant 0 : i32
    %c0_i32_0 = arith.constant 0 : i32
    %c0_i32_1 = arith.constant 0 : i32
    return %c0_i32, %c0_i32_0 : i32, i32
  }
  func.func @transform_6(%arg0: i32) -> (i32, i32) {
    %c0_i32 = arith.constant 0 : i32
    %c0_i32_0 = arith.constant 0 : i32
    %c0_i32_1 = arith.constant 0 : i32
    return %c0_i32, %c0_i32_0 : i32, i32
  }
  func.func @transform_7(%arg0: i32) -> (i32, i32) {
    %c0_i32 = arith.constant 0 : i32
    %c0_i32_0 = arith.constant 0 : i32
    return %arg0, %c0_i32 : i32, i32
  }
}

module attributes {stable_mosaic.version = 14 : i64} {
  func.func @_tc_final_body(%arg0: i32, %arg1: memref<2x1000x128xf32, #tpu.memory_space<vmem>>, %arg2: memref<1000x128xf32, #tpu.memory_space<vmem>>, %arg3: memref<1000x1xf32, #tpu.memory_space<vmem>>, %arg4: memref<1x128xf32, #tpu.memory_space<vmem>>, %arg5: memref<1000x128xf32, #tpu.memory_space<vmem>>) attributes {dimension_semantics = [#tpu.dimension_semantics<arbitrary>], iteration_bounds = array<i64: 10>, scalar_prefetch = 0 : i64, scratch_operands = 0 : i64, tpu.core_type = #tpu.core_type<tc>, window_params = [{transform_indices = @transform_0, window_bounds = array<i64: 2, 1000, 128>}, {transform_indices = @transform_1, window_bounds = array<i64: 1000, 128>}, {transform_indices = @transform_2, window_bounds = array<i64: 1000, 1>}, {pipeline_mode = #tpu.pipeline_mode<synchronous>, transform_indices = @transform_3, window_bounds = array<i64: 1, 128>}, {transform_indices = @transform_4, window_bounds = array<i64: 1000, 128>}]} {
    %get3A = arith.constant 0 : index
    %get3A_0 = arith.constant 0 : index
    %get3A_1 = arith.constant 0 : index
    %get3A_2 = vector.load %arg1[%get3A, %get3A_0, %get3A_1] : memref<2x1000x128xf32, #tpu.memory_space<vmem>>, vector<1x1000x128xf32>
    %get3A_3 = vector.shape_cast %get3A_2 : vector<1x1000x128xf32> to vector<1000x128xf32>
    %get3A_4 = arith.constant 1 : index
    %get3A_5 = arith.constant 0 : index
    %get3A_6 = arith.constant 0 : index
    %get3A_7 = vector.load %arg1[%get3A_4, %get3A_5, %get3A_6] : memref<2x1000x128xf32, #tpu.memory_space<vmem>>, vector<1x1000x128xf32>
    %get3A_8 = vector.shape_cast %get3A_7 : vector<1x1000x128xf32> to vector<1000x128xf32>
    %add3A = arith.addf %get3A_3, %get3A_8 : vector<1000x128xf32>
    %get3A_9 = arith.constant 0 : index
    %get3A_10 = arith.constant 0 : index
    %get3A_11 = vector.load %arg2[%get3A_9, %get3A_10] : memref<1000x128xf32, #tpu.memory_space<vmem>>, vector<1000x128xf32>
    %add3A_12 = arith.addf %add3A, %get3A_11 : vector<1000x128xf32>
    %get3A_13 = arith.constant 0 : index
    %get3A_14 = arith.constant 0 : index
    %get3A_15 = vector.load %arg3[%get3A_13, %get3A_14] : memref<1000x1xf32, #tpu.memory_space<vmem>>, vector<1000x1xf32>
    %mul3A = vector.broadcast %get3A_15 : vector<1000x1xf32> to vector<1000x128xf32>
    %mul3A_16 = arith.mulf %add3A_12, %mul3A : vector<1000x128xf32>
    %get3A_17 = arith.constant 0 : index
    %get3A_18 = arith.constant 0 : index
    %get3A_19 = vector.load %arg4[%get3A_17, %get3A_18] : memref<1x128xf32, #tpu.memory_space<vmem>>, vector<1x128xf32>
    %add3A_20 = vector.broadcast %get3A_19 : vector<1x128xf32> to vector<1000x128xf32>
    %add3A_21 = arith.addf %mul3A_16, %add3A_20 : vector<1000x128xf32>
    %swap3A = arith.constant 0 : index
    %swap3A_22 = arith.constant 0 : index
    %swap3A_23 = vector.load %arg5[%swap3A, %swap3A_22] : memref<1000x128xf32, #tpu.memory_space<vmem>>, vector<1000x128xf32>
    tpu.vector_store %arg5[%swap3A, %swap3A_22], %add3A_21 {strides = array<i32>} : memref<1000x128xf32, #tpu.memory_space<vmem>>, vector<1000x128xf32>,
    return
  }
  func.func @transform_0(%arg0: i32) -> (i32, i32, i32) {
    %c0_i32 = arith.constant 0 : i32
    %c0_i32_0 = arith.constant 0 : i32
    %c0_i32_1 = arith.constant 0 : i32
    return %c0_i32, %arg0, %c0_i32_0 : i32, i32, i32
  }
  func.func @transform_1(%arg0: i32) -> (i32, i32) {
    %c0_i32 = arith.constant 0 : i32
    %c0_i32_0 = arith.constant 0 : i32
    return %arg0, %c0_i32 : i32, i32
  }
  func.func @transform_2(%arg0: i32) -> (i32, i32) {
    %c0_i32 = arith.constant 0 : i32
    %c0_i32_0 = arith.constant 0 : i32
    return %arg0, %c0_i32 : i32, i32
  }
  func.func @transform_3(%arg0: i32) -> (i32, i32) {
    %c0_i32 = arith.constant 0 : i32
    %c0_i32_0 = arith.constant 0 : i32
    %c0_i32_1 = arith.constant 0 : i32
    return %c0_i32, %c0_i32_0 : i32, i32
  }
  func.func @transform_4(%arg0: i32) -> (i32, i32) {
    %c0_i32 = arith.constant 0 : i32
    %c0_i32_0 = arith.constant 0 : i32
    return %arg0, %c0_i32 : i32, i32
  }
}

</mosaic_0001>

<sc_bundles>
// kernel: kernel.11.cloned.1.call-start
scs
__scs_entry_jumppad:
0x0: {  	(pc) =	sbr.rel $0x88, $3  }
0x1: {  	(tag) =	ssettag $0x0;
	lr =	simm.s32 $0x1  }
0x2: {  	[smem:$0x3F9B] =	sst lr;
	_ =	strace $0xD0000000  }
0x3: {  	_ = 	snop  }
0x4: {  	_ = 	snop  }
0x5: {  	_ = 	snop  }
0x6: {  	_ = 	snop  }
0x7: {  	_ = 	snop  }
__scs_overlays_trampoline_lowered:
0x8: {  	[smem:$0x3FAA] =	sst s0  }
0x9: {  	[smem:$0x3FAB] =	sst s1  }
0xa: {  	[smem:$0x3FAC] =	sst s2  }
0xb: {  	[smem:$0x3FAD] =	sst s3  }
0xc: {  	[smem:$0x3FAE] =	sst s4  }
0xd: {  	[smem:$0x3FAF] =	sst s5  }
0xe: {  	[smem:$0x3FB0] =	sst s6  }
0xf: {  	[smem:$0x3FB1] =	sst s7  }
0x10: {  	[smem:$0x3FB2] =	sst s8  }
0x11: {  	[smem:$0x3FB3] =	sst s9;
	s0 =	simm.s32 @!p0 $0x0  }
0x12: {  	s1 =	sld [smem:$0x3F99];
	s0 =	simm.s32 @p0 $0x1  }
0x13: {  	[smem:$0x3FB4] =	sst s0;
	s0 =	simm.s32 @!p1 $0x0  }
0x14: {  	s2 =	sld [smem:$0x3F98];
	s0 =	simm.s32 @p1 $0x1  }
0x15: {  	[smem:$0x3FB5] =	sst s0;
	s0 =	simm.s32 @!p2 $0x0  }
0x16: {  	s3 =	sld [smem:$0x3FDB];
	s0 =	simm.s32 @p2 $0x1  }
0x17: {  	s4 =	simm.s32 $0x1BF5;
	[smem:$0x3FB7] =	sst s0  }
0x18: {  	s0 =	sld [smem:$0x3F9A];
	_ =	swait.ge [sflag:s4], $0x0  }
0x19: {  	s7 =	sld [smem:$0x3F9B]  }
0x1a: {  	s8 =	sadd.s32 $0xFFFFE003, lr  }
0x1b: {  	s9 =	sadd.s32 $0xFFFFFEF7, lr;
	s5 =	simm.s32 $0xFFFFFFFF;
	p2 =	slt.u32 s8, $0xFFFFF086  }
0x1c: {  	p1 =	slt.u32 s9, $0xF7A;
	s5 =	simm.s32 @!p2 $0x0  }
0x1d: {  	s5 =	simm.s32 @p1 $0x1;
	p0 =	seq.s32 s7, s2  }
0x1e: {  	s7 =	smul.u32 @!p0 $0xF7A, s2;
	p2 =	seq.s32 @!p0 s5, $0x0  }
0x1f: {  	s9 =	smul.u32 $0xF7A, s1;
	s8 =	simm.s32 @!p0 $0x1BF5;
	p2 =	por !p2, p0  }
0x20: {  	[sflag:s8] =	ssyncset.s32 @!p0 $0xFFFFF086;
	s6 =	sadd.s32 @!p0 s3, s7;
	s7 =	simm.s32 @!p0 $0x108  }
0x21: {  	s3 =	sadd.s32 s3, s9;
	s6 =	sadd.s32 @!p0 $0x88, s6;
	s7 =	simm.s32 @p2 $0x1082  }
0x22: {  	[simem:s7], [sflag:s8] =	dma.local @!p0 [hbm:s6], $0xF7A  }
0x23: {  	s9 =	sor.u32 $0xD0000000, s2;
	s6 =	simm.s32 $0x108;
	_ =	swait.ge @!p0 [sflag:s8], $0x0  }
0x24: {  	s3 =	sadd.s32 $0x88, s3;
	s6 =	simm.s32 @!p1 $0x1082;
	[sflag:s4] =	ssyncset.s32 $0xFFFFF086  }
0x25: {  	[simem:s6], [sflag:s4] =	dma.local [hbm:s3], $0xF7A  }
0x26: {  	[smem:$0x3F9B] =	sst s1;
	(tag) =	ssettag s2;
	_ =	strace s9  }
0x27: {  	s1 =	sld [smem:$0x3FAB]  }
0x28: {  	s2 =	sld [smem:$0x3FAC]  }
0x29: {  	s4 =	sld [smem:$0x3FAE]  }
0x2a: {  	p0 =	seq.s32 s5, $0x0;
	s5 =	sld [smem:$0x3FAF]  }
0x2b: {  	s6 =	sld [smem:$0x3FB0]  }
0x2c: {  	s7 =	sld [smem:$0x3FB1]  }
0x2d: {  	s3 =	simm.s32 $0x108;
	s8 =	sld [smem:$0x3FB2]  }
0x2e: {  	s3 =	simm.s32 @!p0 $0x1082;
	s9 =	sld [smem:$0x3FB3]  }
0x2f: {  	lr =	sadd.s32 s0, s3;
	s0 =	sld [smem:$0x3FAA]  }
0x30: {  	s3 =	sld [smem:$0x3FAD]  }
0x31: {  	[smem:$0x3FB6] =	sst s10  }
0x32: {  	s10 =	sld [smem:$0x3FB4];
	_ =	sdelay $0x3  }
0x33: {  	p0 =	seq.s32 s10, $0x1;
	s10 =	sld [smem:$0x3FB6];
	_ =	sdelay $0x3  }
0x34: {  	[smem:$0x3FB6] =	sst s10  }
0x35: {  	s10 =	sld [smem:$0x3FB5];
	_ =	sdelay $0x3  }
0x36: {  	p1 =	seq.s32 s10, $0x1;
	s10 =	sld [smem:$0x3FB6];
	_ =	sdelay $0x3  }
0x37: {  	[smem:$0x3FB6] =	sst s10  }
0x38: {  	s10 =	sld [smem:$0x3FB7]  }
0x39: {  	_ = 	snop;
	(pc) =	sbr.ind lr, $3  }
0x3a: {  	_ = 	snop  }
0x3b: {  	_ = 	snop  }
0x3c: {  	p2 =	seq.s32 s10, $0x1;
	s10 =	sld [smem:$0x3FB6]  }
0x3d: {  	_ =	shalt  }
0x3e: {  	_ =	shalt  }
0x3f: {  	_ =	shalt  }
0x40: {  	_ =	shalt  }
0x41: {  	_ =	shalt  }
0x42: {  	_ =	shalt  }
0x43: {  	_ =	shalt  }
0x44: {  	_ =	shalt  }
0x45: {  	_ =	shalt  }
0x46: {  	_ =	shalt  }
0x47: {  	_ =	shalt  }
0x48: {  	_ =	shalt  }
0x49: {  	_ =	shalt  }
0x4a: {  	_ =	shalt  }
0x4b: {  	_ =	shalt  }
0x4c: {  	_ =	shalt  }
0x4d: {  	_ =	shalt  }
0x4e: {  	_ =	shalt  }
0x4f: {  	_ =	shalt  }
0x50: {  	_ =	shalt  }
0x51: {  	_ =	shalt  }
0x52: {  	_ =	shalt  }
0x53: {  	_ =	shalt  }
0x54: {  	_ =	shalt  }
0x55: {  	_ =	shalt  }
0x56: {  	_ =	shalt  }
0x57: {  	_ =	shalt  }
0x58: {  	_ =	shalt  }
0x59: {  	_ =	shalt  }
0x5a: {  	_ =	shalt  }
0x5b: {  	_ =	shalt  }
0x5c: {  	_ =	shalt  }
0x5d: {  	_ =	shalt  }
0x5e: {  	_ =	shalt  }
0x5f: {  	_ =	shalt  }
0x60: {  	_ =	shalt  }
0x61: {  	_ =	shalt  }
0x62: {  	_ =	shalt  }
0x63: {  	_ =	shalt  }
0x64: {  	_ =	shalt  }
0x65: {  	_ =	shalt  }
0x66: {  	_ =	shalt  }
0x67: {  	_ =	shalt  }
0x68: {  	_ =	shalt  }
0x69: {  	_ =	shalt  }
0x6a: {  	_ =	shalt  }
0x6b: {  	_ =	shalt  }
0x6c: {  	_ =	shalt  }
0x6d: {  	_ =	shalt  }
0x6e: {  	_ =	shalt  }
0x6f: {  	_ =	shalt  }
0x70: {  	_ =	shalt  }
0x71: {  	_ =	shalt  }
0x72: {  	_ =	shalt  }
0x73: {  	_ =	shalt  }
0x74: {  	_ =	shalt  }
0x75: {  	_ =	shalt  }
0x76: {  	_ =	shalt  }
0x77: {  	_ =	shalt  }
0x78: {  	_ =	shalt  }
0x79: {  	_ =	shalt  }
0x7a: {  	_ =	shalt  }
0x7b: {  	_ =	shalt  }
0x7c: {  	_ =	shalt  }
0x7d: {  	_ =	shalt  }
0x7e: {  	_ =	shalt  }
0x7f: {  	_ =	shalt  }
0x80: {  	_ =	shalt  }
0x81: {  	_ =	shalt  }
0x82: {  	_ =	shalt  }
0x83: {  	_ =	shalt  }
0x84: {  	_ =	shalt  }
0x85: {  	_ =	shalt  }
0x86: {  	_ =	shalt  }
0x87: {  	_ =	shalt  }
.Lfunc_end0:
.L_simem_size_0:
called_computation.1_lowered:
.L_overlay_start_0:
0x88: {  	s2 =	sld [smem:$0x3FD9]  }
0x89: {  	s3 =	sld [smem:$0x3FFE];
	_ =	sdelay $0x1  }
0x8a: {  	s1 =	srdreg.scid  }
0x8b: {  	s0 =	sand.u32 $0x1, s1  }
0x8c: {  	s17 =	sshll.u32 s0, $0xA;
	s2 =	sadd.s32 s3, s2  }
0x8d: {  	s2 =	sadd.s32 s2, s17  }
0x8e: {  	[smem:$0x3FC2] =	sst s2  }
0x8f: {  	_ = 	snop  }
0x90: {  	s2 =	sld [smem:$0x3FD0];
	(tm) =	ssettm $0x1  }
0x91: {  	s18 =	sld [smem:$0x3FFB];
	_ =	sdelay $0x3  }
0x92: {  	_ =	strace s18  }
0x93: {  	s3 =	sld [smem:$0x3FFC];
	_ =	sdelay $0x3  }
0x94: {  	_ =	strace s3  }
0x95: {  	s3 =	sld [smem:$0x3FFD];
	_ =	sdelay $0x3  }
0x96: {  	_ =	strace s3  }
0x97: {  	_ =	strace $0x8FFFFFFF  }
0x98: {  	s19 =	sld [smem:$0x3FDB];
	_ =	sdelay $0x1  }
0x99: {  	s4 =	simm.s32 $_scs_section_size  }
0x9a: {  	s5 =	simm.s32 $_size__tile_overlayer_lowered;
	s6 =	simm.s32 $_tile_overlayer_lowered  }
0x9b: {  	s22 =	simm.s32 $0x1BFF;
	s21 =	sshll.u32 s6, $0x1;
	s3 =	sadd.s32 s4, s19  }
0x9c: {  	s7 =	simm.s32 $0x0;
	s20 =	sshll.u32 s5, $0x1;
	s5 =	sadd.s32 s21, s3  }
0x9d: {  	[timem:s7], [sflag:s22] =	dma.local [hbm:s5], s20  }
0x9e: {  	_ =	swait.ge [sflag:s22], s20  }
0x9f: {  	s4 =	ssub.s32 $0x0, s20;
	[sflag:s22] =	ssyncset.done $0x0  }
0xa0: {  	[sflag:s22] =	ssyncadd.s32 s4;
	_ =	sdelay $0x1  }
0xa1: {  	s23 =	simm.s32 $0x1B8B  }
0xa2: {  	_ =	swait.ge [sflag:s23], $0x1  }
0xa3: {  	[sflag:s23] =	ssyncset.done $0x0  }
0xa4: {  	s25 =	simm.s32 $0x1B8E;
	s24 =	sld [smem:$0x3FFE];
	[sflag:s23] =	ssyncadd.s32 $0xFFFFFFFF  }
0xa5: {  	s26 =	simm.s32 $execute0_lowered;
	[smem:$0x3FD2] =	sst s25  }
0xa6: {  	s5 =	sshll.u32 s26, $0x1;
	_ =	strace $0x80000049;
	[dreg:$0x1] =	wrdreg $0xFFFFFFFF  }
0xa7: {  	s28 =	simm.s32 $_size_execute0_lowered;
	s3 =	sadd.s32 s3, s5;
	[dreg:$0x0] =	wrdreg $0x0  }
0xa8: {  	s5 =	sshll.u32 s28, $0x1;
	[dreg:$0x2] =	wrdreg s3  }
0xa9: {  	[dreg:$0x3] =	wrdreg s5  }
0xaa: {  	[dreg:$0x4] =	wrdreg $0xC0  }
0xab: {  	_ =	task [dreg:s7], $0x5FFFF  }
0xac: {  	[dreg:$0x1] =	wrdreg $0xFFFFFFFF  }
0xad: {  	[dreg:$0x0] =	wrdreg $0x60  }
0xae: {  	[dreg:$0x2] =	wrdreg s2  }
0xaf: {  	[dreg:$0x3] =	wrdreg s24  }
0xb0: {  	[dreg:$0x4] =	wrdreg $0xA8000  }
0xb1: {  	[dreg:$0x5] =	wrdreg $0x9  }
0xb2: {  	_ =	task.clear_ibuf [dreg:s7], $0x6FFFF;
	_ =	strace $0x90000049  }
0xb3: {  	s29 =	simm.s32 $0x9;
	_ =	strace $0x8000004B  }
0xb4: {  	_ =	swait.ge [sflag:s29], $0x1  }
0xb5: {  	[sflag:s29] =	ssyncadd.s32 $0xFFFFFFFF  }
0xb6: {  	_ =	strace $0x9000004B  }
0xb7: {  	_ =	sfence  }
0xb8: {  	s30 =	sld [smem:$0x0];
	_ =	sdelay $0x2  }
0xb9: {  	s31 =	sshll.u32 s1, $0xD;
	s1 =	sshrl.u32 s1, $0x2  }
0xba: {  	s3 =	sand.u32 $0x4000, s31;
	s1 =	sadd.s32 s1, s30  }
0xbb: {  	s0 =	sor.u32 s3, s0;
	s1 =	sshll.u32 s1, $0x11  }
0xbc: {  	s0 =	sor.u32 s1, s0  }
0xbd: {  	s0 =	sadd.s32 $0x8F2B, s0  }
0xbe: {  	[sflag:s0] =	ssyncadd.remote.s32 $0x1  }
0xbf: {  	_ =	sfence.sel $0xFFFF  }
0xc0: {  	[dreg:$0x0] =	wrdreg $0xFFFFFFFF;
	(pc) =	sbr.abs _section_cstart, $3  }
0xc1: {  	[dreg:$0x1] =	wrdreg $0xFFFFFFFF  }
0xc2: {  	_ =	task.clear_ibuf [dreg:s7], $0x2FFFF;
	_ =	strace $0x9FFFFFFF  }
0xc3: {  	(tm) =	ssettm $0x7FFFFFFF  }
tec
execute0_lowered:
.L_overlay_start_1:
0x0: {  	(tag) =	ssettag $0x1  }
0x1: {  	s1 =	rddreg [dreg:$0x0]  }
0x2: {  	s0 =	rddreg [dreg:$0x1]  }
0x3: {  	s2 =	rddreg [dreg:$0x2];
	s4 =	simm.s32 $0x0  }
0x4: {  	s3 =	srdreg.scid;
	s11 =	stileid.u32;
	s28 =	simm.s32 $0x2800  }
0x5: {  	s29 =	simm.s32 $0x3;
	s30 =	simm.s32 $0x1400;
	s31 =	simm.s32 $0x80  }
0x6: {  	[smem:$0x7FF] =	sst s4;
	s5 =	sadd.s32 $0xBE00, s0;
	s10 =	smul.u32 $0x280, s11  }
0x7: {  	s3 =	sand.u32 $0x1, s3;
	s14 =	sadd.s32 $0x6E00, s0;
	s7 =	smul.u32 $0x50000, s11  }
0x8: {  	s15 =	sadd.s32 $0x1E00, s0;
	s17 =	sadd.s32 $0x33000, s0;
	s26 =	smul.u32 $0x2800, s11  }
0x9: {  	_ =	strace $0x8000004A;
	s6 =	ssub.s32 $0x2, s3;
	p0 =	sne.s32 s3, $0x0  }
0xa: {  	s3 =	simm.s32 $0x1;
	s8 =	sshrl.u32 s6, $0x1;
	s24 =	sshrl.u32 s7, $0x2  }
0xb: {  	s19 =	sadd.s32 $0x80, s10;
	s20 =	sadd.s32 $0x100, s10;
	s21 =	sadd.s32 $0x180, s10  }
0xc: {  	s22 =	sadd.s32 $0x200, s10;
	s13 =	sshrl.u32 s26, $0x3;
	[dreg:$0x4] =	wrdreg s26  }
0xd: {  	s18 =	ssub.s32 s6, s8;
	s6 =	sadd.s32 s24, s2;
	s25 =	sshll.u32 s19, $0x7  }
0xe: {  	s9 =	sshll.u32 s20, $0x7;
	s12 =	sshll.u32 s21, $0x7;
	s16 =	sshll.u32 s22, $0x7  }
0xf: {  	s19 =	sshll.u32 s19, $0x4;
	s20 =	sshll.u32 s20, $0x4;
	s21 =	sshll.u32 s21, $0x4  }
0x10: {  	s23 =	sshll.u32 s22, $0x4;
	s8 =	sadd.s32 s17, s26;
	s22 =	simm.s32 $0x1380  }
0x11: {  	s7 =	sadd.s32 s25, s2;
	s9 =	sadd.s32 s9, s2;
	[dreg:$0x9] =	wrdreg s8  }
0x12: {  	s10 =	sadd.s32 s12, s2;
	s11 =	sadd.s32 s16, s2;
	[dreg:$0x5] =	wrdreg s19  }
0x13: {  	s16 =	sadd.s32 $0x280, s13;
	s12 =	sadd.s32 s14, s13;
	[dreg:$0x6] =	wrdreg s20  }
0x14: {  	s13 =	sadd.s32 s15, s13;
	s24 =	sadd.s32 s17, s20;
	[dreg:$0x7] =	wrdreg s21  }
0x15: {  	s25 =	sadd.s32 s17, s21;
	[dreg:$0x8] =	wrdreg s23;
	s26 =	sadd.s32 s17, s23  }
.Ltmp0:
0x16: {  	s21 =	simm.s32 $0x2;
	s23 =	simm.s32 $0x2700;
	(pc) =	sbr.rel .LBB2_1-.Ltmp0, $4  }
0x17: {  	s14 =	sadd.s32 s14, s16;
	s15 =	sadd.s32 s15, s16;
	[dreg:$0xb] =	wrdreg s24  }
0x18: {  	s16 =	sadd.s32 $0x5B000, s0;
	s0 =	sadd.s32 s17, s19;
	[dreg:$0xc] =	wrdreg s25  }
0x19: {  	[dreg:$0xd] =	wrdreg s26;
	s26 =	smax.u32 s18, $0x1;
	s24 =	simm.s32 $0x2780  }
0x1a: {  	v0 =	vimm.f32 $0.0e+00;
	s25 =	simm.s32 $0x0;
	[dreg:$0xa] =	wrdreg s0;
	s0 =	simm.s32 $0x6800  }
.LBB2_13:
0x1b: {  	s8 =	sadd.s32 $0x80, s17;
	[sflag:s29] =	ssyncadd.s32 $0xFFFFC000  }
0x1c: {  	[tilespmem:s0], [sflag:$0x2] =	stream.indirect.gather [hbm4b:s5+s31], $0x80, s8, s31, $0xb8;
	[tilespmem:$0x1E800] =	vst v63  }
0x1d: {  	_ =	swait.ge [sflag:s3], $0x4000  }
0x1e: {  	[sflag:s3] =	ssyncset.done $0x0  }
0x1f: {  	s20 =	sadd.s32 $0x1400, s17;
	[sflag:s3] =	ssyncadd.s32 $0xFFFFC000  }
0x20: {  	[spmem:s2] =	stream.indirect.scatter.add.f32 [tilespmem:s28], [sflag:$0x3], $0x80, s20, s31, $0xb8;
	[tilespmem:$0x1E800] =	vst v63  }
0x21: {  	_ =	swait.ge [sflag:s29], $0x4000  }
0x22: {  	[sflag:s29] =	ssyncset.done $0x0  }
0x23: {  	s18 =	sadd.s32 $0x100, s17;
	[sflag:s29] =	ssyncadd.s32 $0xFFFFC000  }
0x24: {  	[tilespmem:s28], [sflag:$0x1] =	stream.indirect.gather [hbm4b:s5+s31], $0x80, s18, s31, $0xb8;
	[tilespmem:$0x1E800] =	vst v63  }
0x25: {  	_ =	swait.ge [sflag:s21], $0x4000  }
0x26: {  	[sflag:s21] =	ssyncset.done $0x0  }
0x27: {  	s19 =	sadd.s32 $0x1480, s17;
	[sflag:s21] =	ssyncadd.s32 $0xFFFFC000  }
0x28: {  	[spmem:s2] =	stream.indirect.scatter.add.f32 [tilespmem:s0], [sflag:$0x3], $0x80, s19, s31, $0xb8;
	[tilespmem:$0x1E800] =	vst v63  }
0x29: {  	_ =	swait.ge [sflag:s29], $0x4000  }
0x2a: {  	[sflag:s29] =	ssyncset.done $0x0  }
0x2b: {  	[sflag:s29] =	ssyncadd.s32 $0xFFFFC000  }
0x2c: {  	[tilespmem:s0], [sflag:$0x2] =	stream.indirect.gather [hbm4b:s5+s31], $0x80, s22, s31, $0xb8;
	[tilespmem:$0x1E800] =	vst v63  }
0x2d: {  	_ =	swait.ge [sflag:s3], $0x4000  }
0x2e: {  	[sflag:s3] =	ssyncset.done $0x0  }
0x2f: {  	[sflag:s3] =	ssyncadd.s32 $0xFFFFC000  }
0x30: {  	[spmem:s2] =	stream.indirect.scatter.add.f32 [tilespmem:s28], [sflag:$0x3], $0x80, s23, s31, $0xb8;
	[tilespmem:$0x1E800] =	vst v63  }
0x31: {  	_ =	swait.ge [sflag:s29], $0x4000  }
0x32: {  	[sflag:s29] =	ssyncset.done $0x0  }
0x33: {  	[sflag:s29] =	ssyncadd.s32 $0xFFFFC000  }
0x34: {  	_ =	swait.ge [sflag:s21], $0x4000  }
0x35: {  	[sflag:s21] =	ssyncset.done $0x0  }
0x36: {  	[sflag:s21] =	ssyncadd.s32 $0xFFFFC000  }
0x37: {  	[spmem:s2] =	stream.indirect.scatter.add.f32 [tilespmem:s0], [sflag:$0x3], $0x80, s24, s31, $0xb8;
	[tilespmem:$0x1E800] =	vst v63  }
0x38: {  	_ =	swait.ge [sflag:s29], $0x4000  }
0x39: {  	[sflag:s29] =	ssyncset.done $0x0  }
0x3a: {  	[sflag:s29] =	ssyncadd.s32 $0xFFFFC000  }
0x3b: {  	[bflag:$0x0] =	sbarrier.arrive $0xFFFF  }
0x3c: {  	[tilespmem:s28], [sflag:$0x3] =	stream.linear.gather [spmem:s6], $0x4000, $0x38;
	[tilespmem:$0x1E800] =	vst v63  }
0x3d: {  	_ =	swait.ge [sflag:s29], $0x4000  }
0x3e: {  	[sflag:s29] =	ssyncset.done $0x0;
	s20 =	rddreg [dreg:$0x4]  }
0x3f: {  	[sflag:s29] =	ssyncadd.s32 $0xFFFFC000;
	s8 =	sadd.s32 s20, s16  }
0x40: {  	[hbm4b:s8+s4] =	stream.linear.scatter [tilespmem:s28], [sflag:$0x3], $0x4000, $0x38;
	[tilespmem:$0x1E800] =	vst v63  }
0x41: {  	_ =	swait.ge [sflag:s29], $0x4000  }
0x42: {  	[sflag:s29] =	ssyncset.done $0x0  }
0x43: {  	[sflag:s29] =	ssyncadd.s32 $0xFFFFC000  }
0x44: {  	[tilespmem:s28], [sflag:$0x3] =	stream.linear.gather [spmem:s7], $0x4000, $0x38;
	[tilespmem:$0x1E800] =	vst v63  }
0x45: {  	_ =	swait.ge [sflag:s29], $0x4000  }
0x46: {  	[sflag:s29] =	ssyncset.done $0x0;
	s17 =	rddreg [dreg:$0x5]  }
0x47: {  	[sflag:s29] =	ssyncadd.s32 $0xFFFFC000;
	s8 =	sadd.s32 s17, s16  }
0x48: {  	[hbm4b:s8+s4] =	stream.linear.scatter [tilespmem:s28], [sflag:$0x3], $0x4000, $0x38;
	[tilespmem:$0x1E800] =	vst v63  }
0x49: {  	_ =	swait.ge [sflag:s29], $0x4000  }
0x4a: {  	[sflag:s29] =	ssyncset.done $0x0  }
0x4b: {  	[sflag:s29] =	ssyncadd.s32 $0xFFFFC000  }
0x4c: {  	[tilespmem:s28], [sflag:$0x3] =	stream.linear.gather [spmem:s9], $0x4000, $0x38;
	[tilespmem:$0x1E800] =	vst v63  }
0x4d: {  	_ =	swait.ge [sflag:s29], $0x4000  }
0x4e: {  	[sflag:s29] =	ssyncset.done $0x0;
	s18 =	rddreg [dreg:$0x6]  }
0x4f: {  	[sflag:s29] =	ssyncadd.s32 $0xFFFFC000;
	s8 =	sadd.s32 s18, s16  }
0x50: {  	[hbm4b:s8+s4] =	stream.linear.scatter [tilespmem:s28], [sflag:$0x3], $0x4000, $0x38;
	[tilespmem:$0x1E800] =	vst v63  }
0x51: {  	_ =	swait.ge [sflag:s29], $0x4000  }
0x52: {  	[sflag:s29] =	ssyncset.done $0x0  }
0x53: {  	[sflag:s29] =	ssyncadd.s32 $0xFFFFC000  }
0x54: {  	[tilespmem:s28], [sflag:$0x3] =	stream.linear.gather [spmem:s10], $0x4000, $0x38;
	[tilespmem:$0x1E800] =	vst v63  }
0x55: {  	_ =	swait.ge [sflag:s29], $0x4000  }
0x56: {  	[sflag:s29] =	ssyncset.done $0x0;
	s19 =	rddreg [dreg:$0x7]  }
0x57: {  	[sflag:s29] =	ssyncadd.s32 $0xFFFFC000;
	s8 =	sadd.s32 s19, s16  }
0x58: {  	[hbm4b:s8+s4] =	stream.linear.scatter [tilespmem:s28], [sflag:$0x3], $0x4000, $0x38;
	[tilespmem:$0x1E800] =	vst v63  }
0x59: {  	_ =	swait.ge [sflag:s29], $0x4000  }
0x5a: {  	[sflag:s29] =	ssyncset.done $0x0  }
0x5b: {  	[sflag:s29] =	ssyncadd.s32 $0xFFFFC000  }
0x5c: {  	[tilespmem:s28], [sflag:$0x3] =	stream.linear.gather [spmem:s11], $0x4000, $0x38;
	[tilespmem:$0x1E800] =	vst v63  }
0x5d: {  	_ =	swait.ge [sflag:s29], $0x4000  }
0x5e: {  	[sflag:s29] =	ssyncset.done $0x0;
	s20 =	rddreg [dreg:$0x8]  }
0x5f: {  	[sflag:s29] =	ssyncadd.s32 $0xFFFFC000;
	s17 =	sadd.s32 s20, s16  }
.LBB2_14:
0x60: {  	s25 =	sadd.s32 $0x1, s25  }
0x61: {  	p1 =	sne.s32 s25, s26  }
.Ltmp1:
0x62: {  	_ = 	snop;
	(pc) =	sbr.rel @!p1 .LBB2_15-.Ltmp1, $4  }
0x63: {  	[hbm4b:s17+s4] =	stream.linear.scatter [tilespmem:s28], [sflag:$0x3], $0x4000, $0x38;
	[tilespmem:$0x1E800] =	vst v63  }
0x64: {  	_ =	swait.ge [sflag:s29], $0x4000  }
0x65: {  	[sflag:s29] =	ssyncset.done $0x0  }
0x66: {  	[sflag:s29] =	ssyncadd.s32 $0xFFFFC000  }
.LBB2_1:
0x67: {  	s17 =	simm.s32 $0x0;
	s18 =	simm.s32 $0x200  }
.LBB2_2:
0x68: {  	p1 =	sne.s32 s18, $0xFE00;
	[tilespmem:s17+$0x2870] =	vst v0  }
0x69: {  	[tilespmem:s17+$0x2800] =	vst v0  }
0x6a: {  	[tilespmem:s17+$0x2810] =	vst v0  }
.Ltmp2:
0x6b: {  	[tilespmem:s17+$0x2820] =	vst v0;
	(pc) =	sbr.rel @p1 .LBB2_2-.Ltmp2, $4  }
0x6c: {  	[tilespmem:s17+$0x2830] =	vst v0  }
0x6d: {  	[tilespmem:s17+$0x2840] =	vst v0  }
0x6e: {  	[tilespmem:s17+$0x2850] =	vst v0  }
0x6f: {  	[tilespmem:s17+$0x2860] =	vst v0;
	s17 =	sshra.s32 s18, $0x2;
	s18 =	sadd.s32 $0x200, s18  }
0x70: {  	[tilespmem:s17+$0x2870] =	vst v0  }
0x71: {  	[tilespmem:s17+$0x2800] =	vst v0  }
0x72: {  	[tilespmem:s17+$0x2810] =	vst v0  }
0x73: {  	[tilespmem:s17+$0x2820] =	vst v0  }
0x74: {  	[tilespmem:s17+$0x2830] =	vst v0  }
0x75: {  	[tilespmem:s17+$0x2840] =	vst v0  }
0x76: {  	[tilespmem:s17+$0x2850] =	vst v0  }
0x77: {  	[tilespmem:s17+$0x2860] =	vst v0  }
0x78: {  	[spmem:s6] =	stream.linear.scatter [tilespmem:s28], [sflag:$0x3], $0x4000, $0x38;
	[tilespmem:$0x1E800] =	vst v63  }
0x79: {  	_ =	swait.ge [sflag:s29], $0x4000  }
0x7a: {  	[sflag:s29] =	ssyncset.done $0x0  }
0x7b: {  	[sflag:s29] =	ssyncadd.s32 $0xFFFFC000  }
0x7c: {  	[spmem:s7] =	stream.linear.scatter [tilespmem:s28], [sflag:$0x3], $0x4000, $0x38;
	[tilespmem:$0x1E800] =	vst v63  }
0x7d: {  	_ =	swait.ge [sflag:s29], $0x4000  }
0x7e: {  	[sflag:s29] =	ssyncset.done $0x0  }
0x7f: {  	[sflag:s29] =	ssyncadd.s32 $0xFFFFC000  }
0x80: {  	[spmem:s9] =	stream.linear.scatter [tilespmem:s28], [sflag:$0x3], $0x4000, $0x38;
	[tilespmem:$0x1E800] =	vst v63  }
0x81: {  	_ =	swait.ge [sflag:s29], $0x4000  }
0x82: {  	[sflag:s29] =	ssyncset.done $0x0  }
0x83: {  	[sflag:s29] =	ssyncadd.s32 $0xFFFFC000  }
0x84: {  	[spmem:s10] =	stream.linear.scatter [tilespmem:s28], [sflag:$0x3], $0x4000, $0x38;
	[tilespmem:$0x1E800] =	vst v63  }
0x85: {  	_ =	swait.ge [sflag:s29], $0x4000  }
0x86: {  	[sflag:s29] =	ssyncset.done $0x0  }
0x87: {  	[sflag:s29] =	ssyncadd.s32 $0xFFFFC000  }
0x88: {  	[spmem:s11] =	stream.linear.scatter [tilespmem:s28], [sflag:$0x3], $0x4000, $0x38;
	[tilespmem:$0x1E800] =	vst v63  }
0x89: {  	_ =	swait.ge [sflag:s29], $0x4000  }
0x8a: {  	[sflag:s29] =	ssyncset.done $0x0  }
0x8b: {  	[sflag:s29] =	ssyncadd.s32 $0xFFFFC000  }
0x8c: {  	[bflag:$0x0] =	sbarrier.arrive $0xFFFF  }
0x8d: {  	[tilespmem:s4], [sflag:$0x3] =	stream.linear.gather [hbm4b:s12+s4], $0x1400, $0x38;
	[tilespmem:$0x1E800] =	vst v63  }
0x8e: {  	_ =	swait.ge [sflag:s29], $0x1400  }
0x8f: {  	[sflag:s29] =	ssyncset.done $0x0  }
.Ltmp3:
0x90: {  	[sflag:s29] =	ssyncadd.s32 $0xFFFFEC00;
	(pc) =	sbr.rel @p0 .LBB2_9-.Ltmp3, $4  }
0x91: {  	[tilespmem:s30], [sflag:$0x3] =	stream.linear.gather [hbm4b:s13+s4], $0x1400, $0x38;
	[tilespmem:$0x1E800] =	vst v63  }
0x92: {  	_ =	swait.ge [sflag:s29], $0x1400  }
0x93: {  	[sflag:s29] =	ssyncset.done $0x0  }
0x94: {  	[sflag:s29] =	ssyncadd.s32 $0xFFFFEC00  }
0x95: {  	s17 =	simm.s32 $0x0  }
0x96: {  	[tilespmem:s28], [sflag:$0x1] =	stream.indirect.gather [hbm4b:s1+s31], $0x80, s17, s31, $0xb8;
	[tilespmem:$0x1E800] =	vst v63  }
0x97: {  	s8 =	simm.s32 $0x80  }
0x98: {  	[tilespmem:s0], [sflag:$0x2] =	stream.indirect.gather [hbm4b:s1+s31], $0x80, s8, s31, $0xb8;
	[tilespmem:$0x1E800] =	vst v63  }
0x99: {  	_ =	swait.ge [sflag:s3], $0x4000  }
0x9a: {  	[sflag:s3] =	ssyncset.done $0x0  }
0x9b: {  	s18 =	simm.s32 $0x1400;
	[sflag:s3] =	ssyncadd.s32 $0xFFFFC000  }
0x9c: {  	[spmem:s2] =	stream.indirect.scatter.add.f32 [tilespmem:s28], [sflag:$0x3], $0x80, s18, s31, $0xb8;
	[tilespmem:$0x1E800] =	vst v63  }
0x9d: {  	_ =	swait.ge [sflag:s29], $0x4000  }
0x9e: {  	[sflag:s29] =	ssyncset.done $0x0  }
0x9f: {  	s19 =	simm.s32 $0x100;
	[sflag:s29] =	ssyncadd.s32 $0xFFFFC000  }
0xa0: {  	[tilespmem:s28], [sflag:$0x1] =	stream.indirect.gather [hbm4b:s1+s31], $0x80, s19, s31, $0xb8;
	[tilespmem:$0x1E800] =	vst v63  }
0xa1: {  	_ =	swait.ge [sflag:s21], $0x4000  }
0xa2: {  	[sflag:s21] =	ssyncset.done $0x0  }
0xa3: {  	s20 =	simm.s32 $0x1480;
	[sflag:s21] =	ssyncadd.s32 $0xFFFFC000  }
0xa4: {  	[spmem:s2] =	stream.indirect.scatter.add.f32 [tilespmem:s0], [sflag:$0x3], $0x80, s20, s31, $0xb8;
	[tilespmem:$0x1E800] =	vst v63  }
0xa5: {  	_ =	swait.ge [sflag:s29], $0x4000  }
0xa6: {  	s17 =	simm.s32 $0x100;
	s18 =	simm.s32 $0x800;
	[sflag:s29] =	ssyncset.done $0x0  }
.LBB2_5:
0xa7: {  	s19 =	sadd.s32 $0x80, s17  }
0xa8: {  	[sflag:s29] =	ssyncadd.s32 $0xFFFFC000;
	s20 =	smov.u32 s18;
	s8 =	sadd.s32 $0x400, s18  }
0xa9: {  	[tilespmem:s0], [sflag:$0x2] =	stream.indirect.gather [hbm4b:s1+s31], $0x80, s19, s31, $0xb8;
	[tilespmem:$0x1E800] =	vst v63  }
0xaa: {  	p1 =	sne.s32 s18, $0x4800;
	_ =	swait.ge [sflag:s3], $0x4000  }
0xab: {  	[sflag:s3] =	ssyncset.done $0x0  }
0xac: {  	s18 =	sadd.s32 $0x1400, s17;
	[sflag:s3] =	ssyncadd.s32 $0xFFFFC000  }
0xad: {  	[spmem:s2] =	stream.indirect.scatter.add.f32 [tilespmem:s28], [sflag:$0x3], $0x80, s18, s31, $0xb8;
	[tilespmem:$0x1E800] =	vst v63  }
0xae: {  	_ =	swait.ge [sflag:s29], $0x4000  }
0xaf: {  	[sflag:s29] =	ssyncset.done $0x0  }
0xb0: {  	s18 =	sadd.s32 $0x100, s17;
	[sflag:s29] =	ssyncadd.s32 $0xFFFFC000  }
0xb1: {  	[tilespmem:s28], [sflag:$0x1] =	stream.indirect.gather [hbm4b:s1+s31], $0x80, s18, s31, $0xb8;
	[tilespmem:$0x1E800] =	vst v63  }
0xb2: {  	_ =	swait.ge [sflag:s21], $0x4000  }
.Ltmp4:
0xb3: {  	[sflag:s21] =	ssyncset.done $0x0;
	(pc) =	sbr.rel @p1 .LBB2_5-.Ltmp4, $4  }
0xb4: {  	s17 =	sadd.s32 $0x1480, s17;
	[sflag:s21] =	ssyncadd.s32 $0xFFFFC000  }
0xb5: {  	[spmem:s2] =	stream.indirect.scatter.add.f32 [tilespmem:s0], [sflag:$0x3], $0x80, s17, s31, $0xb8;
	[tilespmem:$0x1E800] =	vst v63  }
0xb6: {  	_ =	swait.ge [sflag:s29], $0x4000  }
0xb7: {  	s18 =	smov.u32 s8;
	s17 =	sshra.s32 s20, $0x2;
	[sflag:s29] =	ssyncset.done $0x0  }
0xb8: {  	s8 =	sadd.s32 $0x80, s17;
	[sflag:s29] =	ssyncadd.s32 $0xFFFFC000  }
0xb9: {  	[tilespmem:s0], [sflag:$0x2] =	stream.indirect.gather [hbm4b:s1+s31], $0x80, s8, s31, $0xb8;
	[tilespmem:$0x1E800] =	vst v63  }
0xba: {  	_ =	swait.ge [sflag:s3], $0x4000  }
0xbb: {  	[sflag:s3] =	ssyncset.done $0x0  }
0xbc: {  	s20 =	sadd.s32 $0x1400, s17;
	[sflag:s3] =	ssyncadd.s32 $0xFFFFC000  }
0xbd: {  	[spmem:s2] =	stream.indirect.scatter.add.f32 [tilespmem:s28], [sflag:$0x3], $0x80, s20, s31, $0xb8;
	[tilespmem:$0x1E800] =	vst v63  }
0xbe: {  	_ =	swait.ge [sflag:s29], $0x4000  }
0xbf: {  	[sflag:s29] =	ssyncset.done $0x0  }
0xc0: {  	s18 =	sadd.s32 $0x100, s17;
	[sflag:s29] =	ssyncadd.s32 $0xFFFFC000  }
0xc1: {  	[tilespmem:s28], [sflag:$0x1] =	stream.indirect.gather [hbm4b:s1+s31], $0x80, s18, s31, $0xb8;
	[tilespmem:$0x1E800] =	vst v63  }
0xc2: {  	_ =	swait.ge [sflag:s21], $0x4000  }
0xc3: {  	[sflag:s21] =	ssyncset.done $0x0  }
0xc4: {  	s19 =	sadd.s32 $0x1480, s17;
	[sflag:s21] =	ssyncadd.s32 $0xFFFFC000  }
0xc5: {  	[spmem:s2] =	stream.indirect.scatter.add.f32 [tilespmem:s0], [sflag:$0x3], $0x80, s19, s31, $0xb8;
	[tilespmem:$0x1E800] =	vst v63  }
0xc6: {  	_ =	swait.ge [sflag:s29], $0x4000  }
0xc7: {  	[sflag:s29] =	ssyncset.done $0x0  }
0xc8: {  	[sflag:s29] =	ssyncadd.s32 $0xFFFFC000  }
0xc9: {  	[tilespmem:s0], [sflag:$0x2] =	stream.indirect.gather [hbm4b:s1+s31], $0x80, s22, s31, $0xb8;
	[tilespmem:$0x1E800] =	vst v63  }
0xca: {  	_ =	swait.ge [sflag:s3], $0x4000  }
0xcb: {  	[sflag:s3] =	ssyncset.done $0x0  }
0xcc: {  	[sflag:s3] =	ssyncadd.s32 $0xFFFFC000  }
0xcd: {  	[spmem:s2] =	stream.indirect.scatter.add.f32 [tilespmem:s28], [sflag:$0x3], $0x80, s23, s31, $0xb8;
	[tilespmem:$0x1E800] =	vst v63  }
0xce: {  	_ =	swait.ge [sflag:s29], $0x4000  }
0xcf: {  	[sflag:s29] =	ssyncset.done $0x0  }
0xd0: {  	[sflag:s29] =	ssyncadd.s32 $0xFFFFC000  }
0xd1: {  	_ =	swait.ge [sflag:s21], $0x4000  }
0xd2: {  	[sflag:s21] =	ssyncset.done $0x0  }
0xd3: {  	[sflag:s21] =	ssyncadd.s32 $0xFFFFC000  }
0xd4: {  	[spmem:s2] =	stream.indirect.scatter.add.f32 [tilespmem:s0], [sflag:$0x3], $0x80, s24, s31, $0xb8;
	[tilespmem:$0x1E800] =	vst v63  }
0xd5: {  	_ =	swait.ge [sflag:s29], $0x4000  }
0xd6: {  	[sflag:s29] =	ssyncset.done $0x0  }
0xd7: {  	s20 =	simm.s32 $0x0;
	[sflag:s29] =	ssyncadd.s32 $0xFFFFC000  }
0xd8: {  	[tilespmem:s20], [sflag:$0x3] =	stream.linear.gather [hbm4b:s14+s20], $0x1400, $0x38;
	[tilespmem:$0x1E800] =	vst v63  }
0xd9: {  	_ =	swait.ge [sflag:s29], $0x1400  }
0xda: {  	[sflag:s29] =	ssyncset.done $0x0  }
0xdb: {  	[sflag:s29] =	ssyncadd.s32 $0xFFFFEC00  }
0xdc: {  	[tilespmem:s30], [sflag:$0x3] =	stream.linear.gather [hbm4b:s15+s20], $0x1400, $0x38;
	[tilespmem:$0x1E800] =	vst v63  }
0xdd: {  	_ =	swait.ge [sflag:s29], $0x1400  }
0xde: {  	[sflag:s29] =	ssyncset.done $0x0  }
0xdf: {  	[sflag:s29] =	ssyncadd.s32 $0xFFFFEC00  }
0xe0: {  	[tilespmem:s28], [sflag:$0x1] =	stream.indirect.gather [hbm4b:s1+s31], $0x80, s20, s31, $0xb8;
	[tilespmem:$0x1E800] =	vst v63  }
0xe1: {  	s17 =	simm.s32 $0x80  }
0xe2: {  	[tilespmem:s0], [sflag:$0x2] =	stream.indirect.gather [hbm4b:s1+s31], $0x80, s17, s31, $0xb8;
	[tilespmem:$0x1E800] =	vst v63  }
0xe3: {  	_ =	swait.ge [sflag:s3], $0x4000  }
0xe4: {  	[sflag:s3] =	ssyncset.done $0x0  }
0xe5: {  	s18 =	simm.s32 $0x1400;
	[sflag:s3] =	ssyncadd.s32 $0xFFFFC000  }
0xe6: {  	[spmem:s2] =	stream.indirect.scatter.add.f32 [tilespmem:s28], [sflag:$0x3], $0x80, s18, s31, $0xb8;
	[tilespmem:$0x1E800] =	vst v63  }
0xe7: {  	_ =	swait.ge [sflag:s29], $0x4000  }
0xe8: {  	[sflag:s29] =	ssyncset.done $0x0  }
0xe9: {  	s19 =	simm.s32 $0x100;
	[sflag:s29] =	ssyncadd.s32 $0xFFFFC000  }
0xea: {  	[tilespmem:s28], [sflag:$0x1] =	stream.indirect.gather [hbm4b:s1+s31], $0x80, s19, s31, $0xb8;
	[tilespmem:$0x1E800] =	vst v63  }
0xeb: {  	_ =	swait.ge [sflag:s21], $0x4000  }
0xec: {  	[sflag:s21] =	ssyncset.done $0x0  }
0xed: {  	s20 =	simm.s32 $0x1480;
	[sflag:s21] =	ssyncadd.s32 $0xFFFFC000  }
0xee: {  	[spmem:s2] =	stream.indirect.scatter.add.f32 [tilespmem:s0], [sflag:$0x3], $0x80, s20, s31, $0xb8;
	[tilespmem:$0x1E800] =	vst v63  }
0xef: {  	_ =	swait.ge [sflag:s29], $0x4000  }
0xf0: {  	s17 =	simm.s32 $0x100;
	s18 =	simm.s32 $0x800;
	[sflag:s29] =	ssyncset.done $0x0  }
.LBB2_7:
0xf1: {  	s8 =	sadd.s32 $0x80, s17  }
0xf2: {  	[sflag:s29] =	ssyncadd.s32 $0xFFFFC000;
	s19 =	smov.u32 s18;
	s20 =	sadd.s32 $0x400, s18  }
0xf3: {  	[tilespmem:s0], [sflag:$0x2] =	stream.indirect.gather [hbm4b:s1+s31], $0x80, s8, s31, $0xb8;
	[tilespmem:$0x1E800] =	vst v63  }
0xf4: {  	p1 =	sne.s32 s18, $0x4800;
	_ =	swait.ge [sflag:s3], $0x4000  }
0xf5: {  	[sflag:s3] =	ssyncset.done $0x0  }
0xf6: {  	s8 =	sadd.s32 $0x1400, s17;
	[sflag:s3] =	ssyncadd.s32 $0xFFFFC000  }
0xf7: {  	[spmem:s2] =	stream.indirect.scatter.add.f32 [tilespmem:s28], [sflag:$0x3], $0x80, s8, s31, $0xb8;
	[tilespmem:$0x1E800] =	vst v63  }
0xf8: {  	_ =	swait.ge [sflag:s29], $0x4000  }
0xf9: {  	[sflag:s29] =	ssyncset.done $0x0  }
0xfa: {  	s8 =	sadd.s32 $0x100, s17;
	[sflag:s29] =	ssyncadd.s32 $0xFFFFC000  }
0xfb: {  	[tilespmem:s28], [sflag:$0x1] =	stream.indirect.gather [hbm4b:s1+s31], $0x80, s8, s31, $0xb8;
	[tilespmem:$0x1E800] =	vst v63  }
0xfc: {  	_ =	swait.ge [sflag:s21], $0x4000  }
.Ltmp5:
0xfd: {  	[sflag:s21] =	ssyncset.done $0x0;
	(pc) =	sbr.rel @p1 .LBB2_7-.Ltmp5, $4  }
0xfe: {  	s8 =	sadd.s32 $0x1480, s17;
	[sflag:s21] =	ssyncadd.s32 $0xFFFFC000  }
0xff: {  	[spmem:s2] =	stream.indirect.scatter.add.f32 [tilespmem:s0], [sflag:$0x3], $0x80, s8, s31, $0xb8;
	[tilespmem:$0x1E800] =	vst v63  }
0x100: {  	_ =	swait.ge [sflag:s29], $0x4000  }
0x101: {  	s18 =	smov.u32 s20;
	s17 =	sshra.s32 s19, $0x2;
	[sflag:s29] =	ssyncset.done $0x0  }
0x102: {  	s8 =	sadd.s32 $0x80, s17;
	[sflag:s29] =	ssyncadd.s32 $0xFFFFC000  }
0x103: {  	[tilespmem:s0], [sflag:$0x2] =	stream.indirect.gather [hbm4b:s1+s31], $0x80, s8, s31, $0xb8;
	[tilespmem:$0x1E800] =	vst v63  }
0x104: {  	_ =	swait.ge [sflag:s3], $0x4000  }
0x105: {  	[sflag:s3] =	ssyncset.done $0x0  }
0x106: {  	s18 =	sadd.s32 $0x1400, s17;
	[sflag:s3] =	ssyncadd.s32 $0xFFFFC000  }
0x107: {  	[spmem:s2] =	stream.indirect.scatter.add.f32 [tilespmem:s28], [sflag:$0x3], $0x80, s18, s31, $0xb8;
	[tilespmem:$0x1E800] =	vst v63  }
0x108: {  	_ =	swait.ge [sflag:s29], $0x4000  }
0x109: {  	[sflag:s29] =	ssyncset.done $0x0  }
0x10a: {  	s19 =	sadd.s32 $0x100, s17;
	[sflag:s29] =	ssyncadd.s32 $0xFFFFC000  }
0x10b: {  	[tilespmem:s28], [sflag:$0x1] =	stream.indirect.gather [hbm4b:s1+s31], $0x80, s19, s31, $0xb8;
	[tilespmem:$0x1E800] =	vst v63  }
0x10c: {  	_ =	swait.ge [sflag:s21], $0x4000  }
0x10d: {  	[sflag:s21] =	ssyncset.done $0x0  }
0x10e: {  	s20 =	sadd.s32 $0x1480, s17;
	[sflag:s21] =	ssyncadd.s32 $0xFFFFC000  }
0x10f: {  	[spmem:s2] =	stream.indirect.scatter.add.f32 [tilespmem:s0], [sflag:$0x3], $0x80, s20, s31, $0xb8;
	[tilespmem:$0x1E800] =	vst v63  }
0x110: {  	_ =	swait.ge [sflag:s29], $0x4000  }
0x111: {  	[sflag:s29] =	ssyncset.done $0x0  }
0x112: {  	[sflag:s29] =	ssyncadd.s32 $0xFFFFC000  }
0x113: {  	[tilespmem:s0], [sflag:$0x2] =	stream.indirect.gather [hbm4b:s1+s31], $0x80, s22, s31, $0xb8;
	[tilespmem:$0x1E800] =	vst v63  }
0x114: {  	_ =	swait.ge [sflag:s3], $0x4000  }
0x115: {  	[sflag:s3] =	ssyncset.done $0x0  }
0x116: {  	[sflag:s3] =	ssyncadd.s32 $0xFFFFC000  }
0x117: {  	[spmem:s2] =	stream.indirect.scatter.add.f32 [tilespmem:s28], [sflag:$0x3], $0x80, s23, s31, $0xb8;
	[tilespmem:$0x1E800] =	vst v63  }
0x118: {  	_ =	swait.ge [sflag:s29], $0x4000  }
0x119: {  	[sflag:s29] =	ssyncset.done $0x0  }
0x11a: {  	[sflag:s29] =	ssyncadd.s32 $0xFFFFC000  }
0x11b: {  	_ =	swait.ge [sflag:s21], $0x4000  }
0x11c: {  	[sflag:s21] =	ssyncset.done $0x0  }
0x11d: {  	[sflag:s21] =	ssyncadd.s32 $0xFFFFC000  }
0x11e: {  	[spmem:s2] =	stream.indirect.scatter.add.f32 [tilespmem:s0], [sflag:$0x3], $0x80, s24, s31, $0xb8;
	[tilespmem:$0x1E800] =	vst v63  }
0x11f: {  	_ =	swait.ge [sflag:s29], $0x4000  }
0x120: {  	[sflag:s29] =	ssyncset.done $0x0  }
0x121: {  	[sflag:s29] =	ssyncadd.s32 $0xFFFFC000  }
0x122: {  	[bflag:$0x0] =	sbarrier.arrive $0xFFFF  }
0x123: {  	[tilespmem:s28], [sflag:$0x3] =	stream.linear.gather [spmem:s6], $0x4000, $0x38;
	[tilespmem:$0x1E800] =	vst v63  }
0x124: {  	_ =	swait.ge [sflag:s29], $0x4000  }
0x125: {  	[sflag:s29] =	ssyncset.done $0x0  }
0x126: {  	s17 =	rddreg [dreg:$0x9];
	[sflag:s29] =	ssyncadd.s32 $0xFFFFC000  }
0x127: {  	[hbm4b:s17+s4] =	stream.linear.scatter [tilespmem:s28], [sflag:$0x3], $0x4000, $0x38;
	[tilespmem:$0x1E800] =	vst v63  }
0x128: {  	_ =	swait.ge [sflag:s29], $0x4000  }
0x129: {  	[sflag:s29] =	ssyncset.done $0x0  }
0x12a: {  	[sflag:s29] =	ssyncadd.s32 $0xFFFFC000  }
0x12b: {  	[tilespmem:s28], [sflag:$0x3] =	stream.linear.gather [spmem:s7], $0x4000, $0x38;
	[tilespmem:$0x1E800] =	vst v63  }
0x12c: {  	_ =	swait.ge [sflag:s29], $0x4000  }
0x12d: {  	[sflag:s29] =	ssyncset.done $0x0  }
0x12e: {  	s18 =	rddreg [dreg:$0xa];
	[sflag:s29] =	ssyncadd.s32 $0xFFFFC000  }
0x12f: {  	[hbm4b:s18+s4] =	stream.linear.scatter [tilespmem:s28], [sflag:$0x3], $0x4000, $0x38;
	[tilespmem:$0x1E800] =	vst v63  }
0x130: {  	_ =	swait.ge [sflag:s29], $0x4000  }
0x131: {  	[sflag:s29] =	ssyncset.done $0x0  }
0x132: {  	[sflag:s29] =	ssyncadd.s32 $0xFFFFC000  }
0x133: {  	[tilespmem:s28], [sflag:$0x3] =	stream.linear.gather [spmem:s9], $0x4000, $0x38;
	[tilespmem:$0x1E800] =	vst v63  }
0x134: {  	_ =	swait.ge [sflag:s29], $0x4000  }
0x135: {  	[sflag:s29] =	ssyncset.done $0x0  }
0x136: {  	s19 =	rddreg [dreg:$0xb];
	[sflag:s29] =	ssyncadd.s32 $0xFFFFC000  }
0x137: {  	[hbm4b:s19+s4] =	stream.linear.scatter [tilespmem:s28], [sflag:$0x3], $0x4000, $0x38;
	[tilespmem:$0x1E800] =	vst v63  }
0x138: {  	_ =	swait.ge [sflag:s29], $0x4000  }
0x139: {  	[sflag:s29] =	ssyncset.done $0x0  }
0x13a: {  	[sflag:s29] =	ssyncadd.s32 $0xFFFFC000  }
0x13b: {  	[tilespmem:s28], [sflag:$0x3] =	stream.linear.gather [spmem:s10], $0x4000, $0x38;
	[tilespmem:$0x1E800] =	vst v63  }
0x13c: {  	_ =	swait.ge [sflag:s29], $0x4000  }
0x13d: {  	[sflag:s29] =	ssyncset.done $0x0  }
0x13e: {  	s20 =	rddreg [dreg:$0xc];
	[sflag:s29] =	ssyncadd.s32 $0xFFFFC000  }
0x13f: {  	[hbm4b:s20+s4] =	stream.linear.scatter [tilespmem:s28], [sflag:$0x3], $0x4000, $0x38;
	[tilespmem:$0x1E800] =	vst v63  }
0x140: {  	_ =	swait.ge [sflag:s29], $0x4000  }
0x141: {  	[sflag:s29] =	ssyncset.done $0x0  }
.Ltmp6:
0x142: {  	[sflag:s29] =	ssyncadd.s32 $0xFFFFC000;
	(pc) =	sbr.rel .LBB2_14-.Ltmp6, $4  }
0x143: {  	[tilespmem:s28], [sflag:$0x3] =	stream.linear.gather [spmem:s11], $0x4000, $0x38;
	[tilespmem:$0x1E800] =	vst v63  }
0x144: {  	_ =	swait.ge [sflag:s29], $0x4000  }
0x145: {  	[sflag:s29] =	ssyncset.done $0x0  }
0x146: {  	s17 =	rddreg [dreg:$0xd];
	[sflag:s29] =	ssyncadd.s32 $0xFFFFC000  }
.LBB2_9:
0x147: {  	s8 =	simm.s32 $0x0  }
0x148: {  	[tilespmem:s28], [sflag:$0x1] =	stream.indirect.gather [hbm4b:s5+s31], $0x80, s8, s31, $0xb8;
	[tilespmem:$0x1E800] =	vst v63  }
0x149: {  	s17 =	simm.s32 $0x80  }
0x14a: {  	[tilespmem:s0], [sflag:$0x2] =	stream.indirect.gather [hbm4b:s5+s31], $0x80, s17, s31, $0xb8;
	[tilespmem:$0x1E800] =	vst v63  }
0x14b: {  	_ =	swait.ge [sflag:s3], $0x4000  }
0x14c: {  	[sflag:s3] =	ssyncset.done $0x0  }
0x14d: {  	s18 =	simm.s32 $0x1400;
	[sflag:s3] =	ssyncadd.s32 $0xFFFFC000  }
0x14e: {  	[spmem:s2] =	stream.indirect.scatter.add.f32 [tilespmem:s28], [sflag:$0x3], $0x80, s18, s31, $0xb8;
	[tilespmem:$0x1E800] =	vst v63  }
0x14f: {  	_ =	swait.ge [sflag:s29], $0x4000  }
0x150: {  	[sflag:s29] =	ssyncset.done $0x0  }
0x151: {  	s19 =	simm.s32 $0x100;
	[sflag:s29] =	ssyncadd.s32 $0xFFFFC000  }
0x152: {  	[tilespmem:s28], [sflag:$0x1] =	stream.indirect.gather [hbm4b:s5+s31], $0x80, s19, s31, $0xb8;
	[tilespmem:$0x1E800] =	vst v63  }
0x153: {  	_ =	swait.ge [sflag:s21], $0x4000  }
0x154: {  	[sflag:s21] =	ssyncset.done $0x0  }
0x155: {  	s20 =	simm.s32 $0x1480;
	[sflag:s21] =	ssyncadd.s32 $0xFFFFC000  }
0x156: {  	[spmem:s2] =	stream.indirect.scatter.add.f32 [tilespmem:s0], [sflag:$0x3], $0x80, s20, s31, $0xb8;
	[tilespmem:$0x1E800] =	vst v63  }
0x157: {  	_ =	swait.ge [sflag:s29], $0x4000  }
0x158: {  	s17 =	simm.s32 $0x100;
	s18 =	simm.s32 $0x800;
	[sflag:s29] =	ssyncset.done $0x0  }
.LBB2_10:
0x159: {  	s8 =	sadd.s32 $0x80, s17  }
0x15a: {  	[sflag:s29] =	ssyncadd.s32 $0xFFFFC000;
	s19 =	smov.u32 s18;
	s20 =	sadd.s32 $0x400, s18  }
0x15b: {  	[tilespmem:s0], [sflag:$0x2] =	stream.indirect.gather [hbm4b:s5+s31], $0x80, s8, s31, $0xb8;
	[tilespmem:$0x1E800] =	vst v63  }
0x15c: {  	p1 =	sne.s32 s18, $0x4800;
	_ =	swait.ge [sflag:s3], $0x4000  }
0x15d: {  	[sflag:s3] =	ssyncset.done $0x0  }
0x15e: {  	s8 =	sadd.s32 $0x1400, s17;
	[sflag:s3] =	ssyncadd.s32 $0xFFFFC000  }
0x15f: {  	[spmem:s2] =	stream.indirect.scatter.add.f32 [tilespmem:s28], [sflag:$0x3], $0x80, s8, s31, $0xb8;
	[tilespmem:$0x1E800] =	vst v63  }
0x160: {  	_ =	swait.ge [sflag:s29], $0x4000  }
0x161: {  	[sflag:s29] =	ssyncset.done $0x0  }
0x162: {  	s8 =	sadd.s32 $0x100, s17;
	[sflag:s29] =	ssyncadd.s32 $0xFFFFC000  }
0x163: {  	[tilespmem:s28], [sflag:$0x1] =	stream.indirect.gather [hbm4b:s5+s31], $0x80, s8, s31, $0xb8;
	[tilespmem:$0x1E800] =	vst v63  }
0x164: {  	_ =	swait.ge [sflag:s21], $0x4000  }
.Ltmp7:
0x165: {  	[sflag:s21] =	ssyncset.done $0x0;
	(pc) =	sbr.rel @p1 .LBB2_10-.Ltmp7, $4  }
0x166: {  	s8 =	sadd.s32 $0x1480, s17;
	[sflag:s21] =	ssyncadd.s32 $0xFFFFC000  }
0x167: {  	[spmem:s2] =	stream.indirect.scatter.add.f32 [tilespmem:s0], [sflag:$0x3], $0x80, s8, s31, $0xb8;
	[tilespmem:$0x1E800] =	vst v63  }
0x168: {  	_ =	swait.ge [sflag:s29], $0x4000  }
0x169: {  	s18 =	smov.u32 s20;
	s17 =	sshra.s32 s19, $0x2;
	[sflag:s29] =	ssyncset.done $0x0  }
0x16a: {  	s8 =	sadd.s32 $0x80, s17;
	[sflag:s29] =	ssyncadd.s32 $0xFFFFC000  }
0x16b: {  	[tilespmem:s0], [sflag:$0x2] =	stream.indirect.gather [hbm4b:s5+s31], $0x80, s8, s31, $0xb8;
	[tilespmem:$0x1E800] =	vst v63  }
0x16c: {  	_ =	swait.ge [sflag:s3], $0x4000  }
0x16d: {  	[sflag:s3] =	ssyncset.done $0x0  }
0x16e: {  	s20 =	sadd.s32 $0x1400, s17;
	[sflag:s3] =	ssyncadd.s32 $0xFFFFC000  }
0x16f: {  	[spmem:s2] =	stream.indirect.scatter.add.f32 [tilespmem:s28], [sflag:$0x3], $0x80, s20, s31, $0xb8;
	[tilespmem:$0x1E800] =	vst v63  }
0x170: {  	_ =	swait.ge [sflag:s29], $0x4000  }
0x171: {  	[sflag:s29] =	ssyncset.done $0x0  }
0x172: {  	s18 =	sadd.s32 $0x100, s17;
	[sflag:s29] =	ssyncadd.s32 $0xFFFFC000  }
0x173: {  	[tilespmem:s28], [sflag:$0x1] =	stream.indirect.gather [hbm4b:s5+s31], $0x80, s18, s31, $0xb8;
	[tilespmem:$0x1E800] =	vst v63  }
0x174: {  	_ =	swait.ge [sflag:s21], $0x4000  }
0x175: {  	[sflag:s21] =	ssyncset.done $0x0  }
0x176: {  	s19 =	sadd.s32 $0x1480, s17;
	[sflag:s21] =	ssyncadd.s32 $0xFFFFC000  }
0x177: {  	[spmem:s2] =	stream.indirect.scatter.add.f32 [tilespmem:s0], [sflag:$0x3], $0x80, s19, s31, $0xb8;
	[tilespmem:$0x1E800] =	vst v63  }
0x178: {  	_ =	swait.ge [sflag:s29], $0x4000  }
0x179: {  	[sflag:s29] =	ssyncset.done $0x0  }
0x17a: {  	[sflag:s29] =	ssyncadd.s32 $0xFFFFC000  }
0x17b: {  	[tilespmem:s0], [sflag:$0x2] =	stream.indirect.gather [hbm4b:s5+s31], $0x80, s22, s31, $0xb8;
	[tilespmem:$0x1E800] =	vst v63  }
0x17c: {  	_ =	swait.ge [sflag:s3], $0x4000  }
0x17d: {  	[sflag:s3] =	ssyncset.done $0x0  }
0x17e: {  	[sflag:s3] =	ssyncadd.s32 $0xFFFFC000  }
0x17f: {  	[spmem:s2] =	stream.indirect.scatter.add.f32 [tilespmem:s28], [sflag:$0x3], $0x80, s23, s31, $0xb8;
	[tilespmem:$0x1E800] =	vst v63  }
0x180: {  	_ =	swait.ge [sflag:s29], $0x4000  }
0x181: {  	[sflag:s29] =	ssyncset.done $0x0  }
0x182: {  	[sflag:s29] =	ssyncadd.s32 $0xFFFFC000  }
0x183: {  	_ =	swait.ge [sflag:s21], $0x4000  }
0x184: {  	[sflag:s21] =	ssyncset.done $0x0  }
0x185: {  	[sflag:s21] =	ssyncadd.s32 $0xFFFFC000  }
0x186: {  	[spmem:s2] =	stream.indirect.scatter.add.f32 [tilespmem:s0], [sflag:$0x3], $0x80, s24, s31, $0xb8;
	[tilespmem:$0x1E800] =	vst v63  }
0x187: {  	_ =	swait.ge [sflag:s29], $0x4000  }
0x188: {  	[sflag:s29] =	ssyncset.done $0x0  }
0x189: {  	s20 =	simm.s32 $0x0;
	[sflag:s29] =	ssyncadd.s32 $0xFFFFC000  }
0x18a: {  	[tilespmem:s20], [sflag:$0x3] =	stream.linear.gather [hbm4b:s14+s20], $0x1400, $0x38;
	[tilespmem:$0x1E800] =	vst v63  }
0x18b: {  	_ =	swait.ge [sflag:s29], $0x1400  }
0x18c: {  	[sflag:s29] =	ssyncset.done $0x0  }
0x18d: {  	[sflag:s29] =	ssyncadd.s32 $0xFFFFEC00  }
0x18e: {  	[tilespmem:s30], [sflag:$0x3] =	stream.linear.gather [hbm4b:s15+s20], $0x1400, $0x38;
	[tilespmem:$0x1E800] =	vst v63  }
0x18f: {  	_ =	swait.ge [sflag:s29], $0x1400  }
0x190: {  	[sflag:s29] =	ssyncset.done $0x0  }
0x191: {  	[sflag:s29] =	ssyncadd.s32 $0xFFFFEC00  }
0x192: {  	[tilespmem:s28], [sflag:$0x1] =	stream.indirect.gather [hbm4b:s5+s31], $0x80, s20, s31, $0xb8;
	[tilespmem:$0x1E800] =	vst v63  }
0x193: {  	s17 =	simm.s32 $0x80  }
0x194: {  	[tilespmem:s0], [sflag:$0x2] =	stream.indirect.gather [hbm4b:s5+s31], $0x80, s17, s31, $0xb8;
	[tilespmem:$0x1E800] =	vst v63  }
0x195: {  	_ =	swait.ge [sflag:s3], $0x4000  }
0x196: {  	[sflag:s3] =	ssyncset.done $0x0  }
0x197: {  	s18 =	simm.s32 $0x1400;
	[sflag:s3] =	ssyncadd.s32 $0xFFFFC000  }
0x198: {  	[spmem:s2] =	stream.indirect.scatter.add.f32 [tilespmem:s28], [sflag:$0x3], $0x80, s18, s31, $0xb8;
	[tilespmem:$0x1E800] =	vst v63  }
0x199: {  	_ =	swait.ge [sflag:s29], $0x4000  }
0x19a: {  	[sflag:s29] =	ssyncset.done $0x0  }
0x19b: {  	s19 =	simm.s32 $0x100;
	[sflag:s29] =	ssyncadd.s32 $0xFFFFC000  }
0x19c: {  	[tilespmem:s28], [sflag:$0x1] =	stream.indirect.gather [hbm4b:s5+s31], $0x80, s19, s31, $0xb8;
	[tilespmem:$0x1E800] =	vst v63  }
0x19d: {  	_ =	swait.ge [sflag:s21], $0x4000  }
0x19e: {  	[sflag:s21] =	ssyncset.done $0x0  }
0x19f: {  	s20 =	simm.s32 $0x1480;
	[sflag:s21] =	ssyncadd.s32 $0xFFFFC000  }
0x1a0: {  	[spmem:s2] =	stream.indirect.scatter.add.f32 [tilespmem:s0], [sflag:$0x3], $0x80, s20, s31, $0xb8;
	[tilespmem:$0x1E800] =	vst v63  }
0x1a1: {  	_ =	swait.ge [sflag:s29], $0x4000  }
0x1a2: {  	s17 =	simm.s32 $0x100;
	s18 =	simm.s32 $0x800;
	[sflag:s29] =	ssyncset.done $0x0  }
.LBB2_12:
0x1a3: {  	s8 =	sadd.s32 $0x80, s17  }
0x1a4: {  	[sflag:s29] =	ssyncadd.s32 $0xFFFFC000;
	s19 =	smov.u32 s18;
	s20 =	sadd.s32 $0x400, s18  }
0x1a5: {  	[tilespmem:s0], [sflag:$0x2] =	stream.indirect.gather [hbm4b:s5+s31], $0x80, s8, s31, $0xb8;
	[tilespmem:$0x1E800] =	vst v63  }
0x1a6: {  	p1 =	sne.s32 s18, $0x4800;
	_ =	swait.ge [sflag:s3], $0x4000  }
0x1a7: {  	[sflag:s3] =	ssyncset.done $0x0  }
0x1a8: {  	s8 =	sadd.s32 $0x1400, s17;
	[sflag:s3] =	ssyncadd.s32 $0xFFFFC000  }
0x1a9: {  	[spmem:s2] =	stream.indirect.scatter.add.f32 [tilespmem:s28], [sflag:$0x3], $0x80, s8, s31, $0xb8;
	[tilespmem:$0x1E800] =	vst v63  }
0x1aa: {  	_ =	swait.ge [sflag:s29], $0x4000  }
0x1ab: {  	[sflag:s29] =	ssyncset.done $0x0  }
0x1ac: {  	s8 =	sadd.s32 $0x100, s17;
	[sflag:s29] =	ssyncadd.s32 $0xFFFFC000  }
0x1ad: {  	[tilespmem:s28], [sflag:$0x1] =	stream.indirect.gather [hbm4b:s5+s31], $0x80, s8, s31, $0xb8;
	[tilespmem:$0x1E800] =	vst v63  }
0x1ae: {  	_ =	swait.ge [sflag:s21], $0x4000  }
.Ltmp8:
0x1af: {  	[sflag:s21] =	ssyncset.done $0x0;
	(pc) =	sbr.rel @p1 .LBB2_12-.Ltmp8, $4  }
0x1b0: {  	s8 =	sadd.s32 $0x1480, s17;
	[sflag:s21] =	ssyncadd.s32 $0xFFFFC000  }
0x1b1: {  	[spmem:s2] =	stream.indirect.scatter.add.f32 [tilespmem:s0], [sflag:$0x3], $0x80, s8, s31, $0xb8;
	[tilespmem:$0x1E800] =	vst v63  }
0x1b2: {  	_ =	swait.ge [sflag:s29], $0x4000  }
0x1b3: {  	s18 =	smov.u32 s20;
	s17 =	sshra.s32 s19, $0x2;
	[sflag:s29] =	ssyncset.done $0x0  }
.Ltmp9:
0x1b4: {  	_ = 	snop;
	(pc) =	sbr.rel .LBB2_13-.Ltmp9, $1  }
0x1b5: {  	_ =	sdelay $0x3  }
.LBB2_15:
0x1b6: {  	_ =	sfence.sel $0x180000  }
0x1b7: {  	[bflag:$0x0] =	sbarrier.arrive $0xFFFF  }
0x1b8: {  	_ =	strace $0x9000004A  }
0x1b9: {  	s0 =	stileid.u32;
	[bflag:$0x2] =	sbarrier.arrive $0xFFFF  }
0x1ba: {  	p0 =	sne.s32 s0, $0x0;
	s0 =	rddreg [dreg:$0x3]  }
0x1bb: {  	s0 =	sadd.s32 @!p0 $0x100000, s0  }
0x1bc: {  	[sflag:s0] =	ssyncadd.tile.s32 @!p0 $0x1;
	_ =	shalt  }
.Lfunc_end2:
_tile_overlayer_lowered:
.L_overlay_start_2:
0x1bd: {  	(tag) =	ssettag $0x2  }
0x1be: {  	s0 =	rddreg [dreg:$0x0];
	s2 =	stileid.u32  }
0x1bf: {  	s1 =	rddreg [dreg:$0x1];
	p0 =	sne.s32 s2, $0x0  }
0x1c0: {  	s3 =	rddreg [dreg:$0x2];
	[bflag:$0x3] =	sbarrier.arrive $0xFFFF;
	s2 =	simm.s32 @!p0 $0x1C03  }
0x1c1: {  	[timem:s3], [sflag:s2] =	dma.local @!p0 [hbm:s0], s1  }
0x1c2: {  	s0 =	simm.s32 @!p0 $0x3  }
0x1c3: {  	_ =	swait.ge @!p0 [sflag:s0], s1  }
0x1c4: {  	s1 =	ssub.s32 @!p0 $0x0, s1;
	[sflag:s0] =	ssyncset.done @!p0 $0x0  }
0x1c5: {  	[sflag:s0] =	ssyncadd.s32 @!p0 s1  }
0x1c6: {  	[bflag:$0x3] =	sbarrier.arrive $0xFFFF  }
0x1c7: {  	_ =	shalt  }

// kernel: kernel.14.cloned.1.call-start
scs
__scs_entry_jumppad:
0x0: {  	(pc) =	sbr.rel $0x88, $3  }
0x1: {  	(tag) =	ssettag $0x0;
	lr =	simm.s32 $0x1  }
0x2: {  	[smem:$0x3F9B] =	sst lr;
	_ =	strace $0xD0000000  }
0x3: {  	_ = 	snop  }
0x4: {  	_ = 	snop  }
0x5: {  	_ = 	snop  }
0x6: {  	_ = 	snop  }
0x7: {  	_ = 	snop  }
__scs_overlays_trampoline_lowered:
0x8: {  	[smem:$0x3FAA] =	sst s0  }
0x9: {  	[smem:$0x3FAB] =	sst s1  }
0xa: {  	[smem:$0x3FAC] =	sst s2  }
0xb: {  	[smem:$0x3FAD] =	sst s3  }
0xc: {  	[smem:$0x3FAE] =	sst s4  }
0xd: {  	[smem:$0x3FAF] =	sst s5  }
0xe: {  	[smem:$0x3FB0] =	sst s6  }
0xf: {  	[smem:$0x3FB1] =	sst s7  }
0x10: {  	[smem:$0x3FB2] =	sst s8  }
0x11: {  	[smem:$0x3FB3] =	sst s9;
	s0 =	simm.s32 @!p0 $0x0  }
0x12: {  	s1 =	sld [smem:$0x3F99];
	s0 =	simm.s32 @p0 $0x1  }
0x13: {  	[smem:$0x3FB4] =	sst s0;
	s0 =	simm.s32 @!p1 $0x0  }
0x14: {  	s2 =	sld [smem:$0x3F98];
	s0 =	simm.s32 @p1 $0x1  }
0x15: {  	[smem:$0x3FB5] =	sst s0;
	s0 =	simm.s32 @!p2 $0x0  }
0x16: {  	s3 =	sld [smem:$0x3FDB];
	s0 =	simm.s32 @p2 $0x1  }
0x17: {  	s4 =	simm.s32 $0x1BF5;
	[smem:$0x3FB7] =	sst s0  }
0x18: {  	s0 =	sld [smem:$0x3F9A];
	_ =	swait.ge [sflag:s4], $0x0  }
0x19: {  	s7 =	sld [smem:$0x3F9B]  }
0x1a: {  	s8 =	sadd.s32 $0xFFFFE003, lr  }
0x1b: {  	s9 =	sadd.s32 $0xFFFFFEF7, lr;
	s5 =	simm.s32 $0xFFFFFFFF;
	p2 =	slt.u32 s8, $0xFFFFF086  }
0x1c: {  	p1 =	slt.u32 s9, $0xF7A;
	s5 =	simm.s32 @!p2 $0x0  }
0x1d: {  	s5 =	simm.s32 @p1 $0x1;
	p0 =	seq.s32 s7, s2  }
0x1e: {  	s7 =	smul.u32 @!p0 $0xF7A, s2;
	p2 =	seq.s32 @!p0 s5, $0x0  }
0x1f: {  	s9 =	smul.u32 $0xF7A, s1;
	s8 =	simm.s32 @!p0 $0x1BF5;
	p2 =	por !p2, p0  }
0x20: {  	[sflag:s8] =	ssyncset.s32 @!p0 $0xFFFFF086;
	s6 =	sadd.s32 @!p0 s3, s7;
	s7 =	simm.s32 @!p0 $0x108  }
0x21: {  	s3 =	sadd.s32 s3, s9;
	s6 =	sadd.s32 @!p0 $0x88, s6;
	s7 =	simm.s32 @p2 $0x1082  }
0x22: {  	[simem:s7], [sflag:s8] =	dma.local @!p0 [hbm:s6], $0xF7A  }
0x23: {  	s9 =	sor.u32 $0xD0000000, s2;
	s6 =	simm.s32 $0x108;
	_ =	swait.ge @!p0 [sflag:s8], $0x0  }
0x24: {  	s3 =	sadd.s32 $0x88, s3;
	s6 =	simm.s32 @!p1 $0x1082;
	[sflag:s4] =	ssyncset.s32 $0xFFFFF086  }
0x25: {  	[simem:s6], [sflag:s4] =	dma.local [hbm:s3], $0xF7A  }
0x26: {  	[smem:$0x3F9B] =	sst s1;
	(tag) =	ssettag s2;
	_ =	strace s9  }
0x27: {  	s1 =	sld [smem:$0x3FAB]  }
0x28: {  	s2 =	sld [smem:$0x3FAC]  }
0x29: {  	s4 =	sld [smem:$0x3FAE]  }
0x2a: {  	p0 =	seq.s32 s5, $0x0;
	s5 =	sld [smem:$0x3FAF]  }
0x2b: {  	s6 =	sld [smem:$0x3FB0]  }
0x2c: {  	s7 =	sld [smem:$0x3FB1]  }
0x2d: {  	s3 =	simm.s32 $0x108;
	s8 =	sld [smem:$0x3FB2]  }
0x2e: {  	s3 =	simm.s32 @!p0 $0x1082;
	s9 =	sld [smem:$0x3FB3]  }
0x2f: {  	lr =	sadd.s32 s0, s3;
	s0 =	sld [smem:$0x3FAA]  }
0x30: {  	s3 =	sld [smem:$0x3FAD]  }
0x31: {  	[smem:$0x3FB6] =	sst s10  }
0x32: {  	s10 =	sld [smem:$0x3FB4];
	_ =	sdelay $0x3  }
0x33: {  	p0 =	seq.s32 s10, $0x1;
	s10 =	sld [smem:$0x3FB6];
	_ =	sdelay $0x3  }
0x34: {  	[smem:$0x3FB6] =	sst s10  }
0x35: {  	s10 =	sld [smem:$0x3FB5];
	_ =	sdelay $0x3  }
0x36: {  	p1 =	seq.s32 s10, $0x1;
	s10 =	sld [smem:$0x3FB6];
	_ =	sdelay $0x3  }
0x37: {  	[smem:$0x3FB6] =	sst s10  }
0x38: {  	s10 =	sld [smem:$0x3FB7]  }
0x39: {  	_ = 	snop;
	(pc) =	sbr.ind lr, $3  }
0x3a: {  	_ = 	snop  }
0x3b: {  	_ = 	snop  }
0x3c: {  	p2 =	seq.s32 s10, $0x1;
	s10 =	sld [smem:$0x3FB6]  }
0x3d: {  	_ =	shalt  }
0x3e: {  	_ =	shalt  }
0x3f: {  	_ =	shalt  }
0x40: {  	_ =	shalt  }
0x41: {  	_ =	shalt  }
0x42: {  	_ =	shalt  }
0x43: {  	_ =	shalt  }
0x44: {  	_ =	shalt  }
0x45: {  	_ =	shalt  }
0x46: {  	_ =	shalt  }
0x47: {  	_ =	shalt  }
0x48: {  	_ =	shalt  }
0x49: {  	_ =	shalt  }
0x4a: {  	_ =	shalt  }
0x4b: {  	_ =	shalt  }
0x4c: {  	_ =	shalt  }
0x4d: {  	_ =	shalt  }
0x4e: {  	_ =	shalt  }
0x4f: {  	_ =	shalt  }
0x50: {  	_ =	shalt  }
0x51: {  	_ =	shalt  }
0x52: {  	_ =	shalt  }
0x53: {  	_ =	shalt  }
0x54: {  	_ =	shalt  }
0x55: {  	_ =	shalt  }
0x56: {  	_ =	shalt  }
0x57: {  	_ =	shalt  }
0x58: {  	_ =	shalt  }
0x59: {  	_ =	shalt  }
0x5a: {  	_ =	shalt  }
0x5b: {  	_ =	shalt  }
0x5c: {  	_ =	shalt  }
0x5d: {  	_ =	shalt  }
0x5e: {  	_ =	shalt  }
0x5f: {  	_ =	shalt  }
0x60: {  	_ =	shalt  }
0x61: {  	_ =	shalt  }
0x62: {  	_ =	shalt  }
0x63: {  	_ =	shalt  }
0x64: {  	_ =	shalt  }
0x65: {  	_ =	shalt  }
0x66: {  	_ =	shalt  }
0x67: {  	_ =	shalt  }
0x68: {  	_ =	shalt  }
0x69: {  	_ =	shalt  }
0x6a: {  	_ =	shalt  }
0x6b: {  	_ =	shalt  }
0x6c: {  	_ =	shalt  }
0x6d: {  	_ =	shalt  }
0x6e: {  	_ =	shalt  }
0x6f: {  	_ =	shalt  }
0x70: {  	_ =	shalt  }
0x71: {  	_ =	shalt  }
0x72: {  	_ =	shalt  }
0x73: {  	_ =	shalt  }
0x74: {  	_ =	shalt  }
0x75: {  	_ =	shalt  }
0x76: {  	_ =	shalt  }
0x77: {  	_ =	shalt  }
0x78: {  	_ =	shalt  }
0x79: {  	_ =	shalt  }
0x7a: {  	_ =	shalt  }
0x7b: {  	_ =	shalt  }
0x7c: {  	_ =	shalt  }
0x7d: {  	_ =	shalt  }
0x7e: {  	_ =	shalt  }
0x7f: {  	_ =	shalt  }
0x80: {  	_ =	shalt  }
0x81: {  	_ =	shalt  }
0x82: {  	_ =	shalt  }
0x83: {  	_ =	shalt  }
0x84: {  	_ =	shalt  }
0x85: {  	_ =	shalt  }
0x86: {  	_ =	shalt  }
0x87: {  	_ =	shalt  }
.Lfunc_end0:
.L_simem_size_0:
called_computation.2_lowered:
.L_overlay_start_0:
0x88: {  	s2 =	sld [smem:$0x3FD9]  }
0x89: {  	s3 =	sld [smem:$0x3FFE];
	_ =	sdelay $0x1  }
0x8a: {  	s1 =	srdreg.scid  }
0x8b: {  	s0 =	sand.u32 $0x1, s1  }
0x8c: {  	s17 =	sshll.u32 s0, $0xA;
	s2 =	sadd.s32 s3, s2  }
0x8d: {  	s2 =	sadd.s32 s2, s17  }
0x8e: {  	[smem:$0x3FC2] =	sst s2  }
0x8f: {  	_ = 	snop  }
0x90: {  	s2 =	sld [smem:$0x3FD0];
	(tm) =	ssettm $0x1  }
0x91: {  	s18 =	sld [smem:$0x3FFB];
	_ =	sdelay $0x3  }
0x92: {  	_ =	strace s18  }
0x93: {  	s3 =	sld [smem:$0x3FFC];
	_ =	sdelay $0x3  }
0x94: {  	_ =	strace s3  }
0x95: {  	s3 =	sld [smem:$0x3FFD];
	_ =	sdelay $0x3  }
0x96: {  	_ =	strace s3  }
0x97: {  	_ =	strace $0x8FFFFFFF  }
0x98: {  	s19 =	sld [smem:$0x3FDB];
	_ =	sdelay $0x1  }
0x99: {  	s4 =	simm.s32 $_scs_section_size  }
0x9a: {  	s5 =	simm.s32 $_size__tile_overlayer_lowered;
	s6 =	simm.s32 $_tile_overlayer_lowered  }
0x9b: {  	s22 =	simm.s32 $0x1BFF;
	s21 =	sshll.u32 s6, $0x1;
	s3 =	sadd.s32 s4, s19  }
0x9c: {  	s7 =	simm.s32 $0x0;
	s20 =	sshll.u32 s5, $0x1;
	s5 =	sadd.s32 s21, s3  }
0x9d: {  	[timem:s7], [sflag:s22] =	dma.local [hbm:s5], s20  }
0x9e: {  	_ =	swait.ge [sflag:s22], s20  }
0x9f: {  	s4 =	ssub.s32 $0x0, s20;
	[sflag:s22] =	ssyncset.done $0x0  }
0xa0: {  	[sflag:s22] =	ssyncadd.s32 s4;
	_ =	sdelay $0x1  }
0xa1: {  	s23 =	simm.s32 $0x1B8B  }
0xa2: {  	_ =	swait.ge [sflag:s23], $0x1  }
0xa3: {  	[sflag:s23] =	ssyncset.done $0x0  }
0xa4: {  	s25 =	simm.s32 $0x1B8E;
	s24 =	sld [smem:$0x3FFE];
	[sflag:s23] =	ssyncadd.s32 $0xFFFFFFFF  }
0xa5: {  	s26 =	simm.s32 $execute0_lowered;
	[smem:$0x3FD2] =	sst s25  }
0xa6: {  	s5 =	sshll.u32 s26, $0x1;
	_ =	strace $0x8000004C;
	[dreg:$0x1] =	wrdreg $0xFFFFFFFF  }
0xa7: {  	s28 =	simm.s32 $_size_execute0_lowered;
	s3 =	sadd.s32 s3, s5;
	[dreg:$0x0] =	wrdreg $0x0  }
0xa8: {  	s5 =	sshll.u32 s28, $0x1;
	[dreg:$0x2] =	wrdreg s3  }
0xa9: {  	[dreg:$0x3] =	wrdreg s5  }
0xaa: {  	[dreg:$0x4] =	wrdreg $0xC0  }
0xab: {  	_ =	task [dreg:s7], $0x5FFFF  }
0xac: {  	[dreg:$0x1] =	wrdreg $0xFFFFFFFF  }
0xad: {  	[dreg:$0x0] =	wrdreg $0x60  }
0xae: {  	[dreg:$0x2] =	wrdreg s2  }
0xaf: {  	[dreg:$0x3] =	wrdreg s24  }
0xb0: {  	[dreg:$0x4] =	wrdreg $0xA8000  }
0xb1: {  	[dreg:$0x5] =	wrdreg $0x9  }
0xb2: {  	_ =	task.clear_ibuf [dreg:s7], $0x6FFFF;
	_ =	strace $0x9000004C  }
0xb3: {  	s29 =	simm.s32 $0x9;
	_ =	strace $0x8000004E  }
0xb4: {  	_ =	swait.ge [sflag:s29], $0x1  }
0xb5: {  	[sflag:s29] =	ssyncadd.s32 $0xFFFFFFFF  }
0xb6: {  	_ =	strace $0x9000004E  }
0xb7: {  	_ =	sfence  }
0xb8: {  	s30 =	sld [smem:$0x0];
	_ =	sdelay $0x2  }
0xb9: {  	s31 =	sshll.u32 s1, $0xD;
	s1 =	sshrl.u32 s1, $0x2  }
0xba: {  	s3 =	sand.u32 $0x4000, s31;
	s1 =	sadd.s32 s1, s30  }
0xbb: {  	s0 =	sor.u32 s3, s0;
	s1 =	sshll.u32 s1, $0x11  }
0xbc: {  	s0 =	sor.u32 s1, s0  }
0xbd: {  	s0 =	sadd.s32 $0x8F2B, s0  }
0xbe: {  	[sflag:s0] =	ssyncadd.remote.s32 $0x1  }
0xbf: {  	_ =	sfence.sel $0xFFFF  }
0xc0: {  	[dreg:$0x0] =	wrdreg $0xFFFFFFFF;
	(pc) =	sbr.abs _section_cstart, $3  }
0xc1: {  	[dreg:$0x1] =	wrdreg $0xFFFFFFFF  }
0xc2: {  	_ =	task.clear_ibuf [dreg:s7], $0x2FFFF;
	_ =	strace $0x9FFFFFFF  }
0xc3: {  	(tm) =	ssettm $0x7FFFFFFF  }
tec
execute0_lowered:
.L_overlay_start_1:
0x0: {  	(tag) =	ssettag $0x1  }
0x1: {  	s1 =	rddreg [dreg:$0x0]  }
0x2: {  	s0 =	srdreg.scid;
	s2 =	rddreg [dreg:$0x1]  }
0x3: {  	s10 =	stileid.u32;
	s3 =	rddreg [dreg:$0x2];
	s5 =	simm.s32 $0x0  }
0x4: {  	s28 =	simm.s32 $0x80;
	s29 =	simm.s32 $0x6800;
	s30 =	simm.s32 $0x1  }
0x5: {  	s31 =	simm.s32 $0x2;
	s0 =	sand.u32 $0x1, s0;
	s7 =	smul.u32 $0x280, s10  }
0x6: {  	[smem:$0x7FF] =	sst s5;
	s23 =	smul.u32 $0x50000, s10;
	s21 =	sadd.s32 $0xBE00, s2  }
0x7: {  	s22 =	sadd.s32 $0x33E00, s2;
	s4 =	sshll.u32 s0, $0x4;
	_ =	strace $0x8000004D  }
0x8: {  	s6 =	ssub.s32 $0x2, s0;
	p0 =	seq.s32 s0, $0x1;
	s4 =	sor.u32 s10, s4  }
0x9: {  	s8 =	sshrl.u32 s6, $0x1;
	s5 =	sshrl.u32 s23, $0x2;
	s13 =	sadd.s32 $0x80, s7  }
0xa: {  	s16 =	sadd.s32 $0x100, s7;
	s18 =	sadd.s32 $0x180, s7;
	s19 =	sadd.s32 $0x200, s7  }
0xb: {  	s4 =	smul.u32 $0x280, s4;
	s23 =	ssub.s32 s6, s8;
	s5 =	sadd.s32 s5, s3  }
0xc: {  	s24 =	sshll.u32 s13, $0x7;
	s25 =	sshll.u32 s16, $0x7;
	s9 =	sshll.u32 s18, $0x7  }
0xd: {  	s26 =	sshll.u32 s19, $0x7;
	s13 =	sshll.u32 s13, $0x4;
	s16 =	sshll.u32 s16, $0x4  }
0xe: {  	s18 =	sshll.u32 s18, $0x4;
	s19 =	sshll.u32 s19, $0x4;
	s6 =	sadd.s32 s24, s3  }
0xf: {  	s7 =	sadd.s32 s25, s3;
	s8 =	sadd.s32 s9, s3;
	s9 =	sadd.s32 s26, s3  }
0x10: {  	s15 =	sadd.s32 s21, s13;
	s17 =	sadd.s32 s21, s16;
	s4 =	sadd.s32 s4, s2  }
0x11: {  	s20 =	sadd.s32 s21, s18;
	s23 =	smax.u32 s23, $0x1;
	s11 =	sadd.s32 $0x6E00, s4  }
0x12: {  	s24 =	simm.s32 $0x2800;
	[dreg:$0x4] =	wrdreg s11;
	s11 =	smul.u32 $0x2800, s10  }
0x13: {  	s25 =	simm.s32 $0x3;
	s26 =	simm.s32 $0x0;
	s4 =	sadd.s32 $0x1E00, s4  }
0x14: {  	v0 =	vimm.f32 $0.0e+00;
	[dreg:$0x5] =	wrdreg s4;
	s14 =	sadd.s32 s21, s11;
	s21 =	sadd.s32 s21, s19  }
.LBB2_1:
0x15: {  	s2 =	simm.s32 $0x0;
	s0 =	simm.s32 $0x200  }
.LBB2_2:
0x16: {  	p1 =	sne.s32 s0, $0xFE00;
	[tilespmem:s2+$0x2870] =	vst v0  }
0x17: {  	[tilespmem:s2+$0x2800] =	vst v0  }
0x18: {  	[tilespmem:s2+$0x2810] =	vst v0  }
.Ltmp0:
0x19: {  	[tilespmem:s2+$0x2820] =	vst v0;
	(pc) =	sbr.rel @p1 .LBB2_2-.Ltmp0, $4  }
0x1a: {  	[tilespmem:s2+$0x2830] =	vst v0  }
0x1b: {  	[tilespmem:s2+$0x2840] =	vst v0  }
0x1c: {  	[tilespmem:s2+$0x2850] =	vst v0  }
0x1d: {  	[tilespmem:s2+$0x2860] =	vst v0;
	s2 =	sshra.s32 s0, $0x2;
	s0 =	sadd.s32 $0x200, s0  }
0x1e: {  	[tilespmem:s2+$0x2870] =	vst v0  }
0x1f: {  	[tilespmem:s2+$0x2800] =	vst v0  }
0x20: {  	[tilespmem:s2+$0x2810] =	vst v0  }
0x21: {  	[tilespmem:s2+$0x2820] =	vst v0  }
0x22: {  	[tilespmem:s2+$0x2830] =	vst v0  }
0x23: {  	[tilespmem:s2+$0x2840] =	vst v0  }
0x24: {  	[tilespmem:s2+$0x2850] =	vst v0  }
0x25: {  	[tilespmem:s2+$0x2860] =	vst v0  }
0x26: {  	[spmem:s5] =	stream.linear.scatter [tilespmem:s24], [sflag:$0x3], $0x4000, $0x38;
	[tilespmem:$0x1E800] =	vst v63  }
0x27: {  	_ =	swait.ge [sflag:s25], $0x4000  }
0x28: {  	[sflag:s25] =	ssyncset.done $0x0  }
0x29: {  	[sflag:s25] =	ssyncadd.s32 $0xFFFFC000  }
0x2a: {  	[spmem:s6] =	stream.linear.scatter [tilespmem:s24], [sflag:$0x3], $0x4000, $0x38;
	[tilespmem:$0x1E800] =	vst v63  }
0x2b: {  	_ =	swait.ge [sflag:s25], $0x4000  }
0x2c: {  	[sflag:s25] =	ssyncset.done $0x0  }
0x2d: {  	[sflag:s25] =	ssyncadd.s32 $0xFFFFC000  }
0x2e: {  	[spmem:s7] =	stream.linear.scatter [tilespmem:s24], [sflag:$0x3], $0x4000, $0x38;
	[tilespmem:$0x1E800] =	vst v63  }
0x2f: {  	_ =	swait.ge [sflag:s25], $0x4000  }
0x30: {  	[sflag:s25] =	ssyncset.done $0x0  }
0x31: {  	[sflag:s25] =	ssyncadd.s32 $0xFFFFC000  }
0x32: {  	[spmem:s8] =	stream.linear.scatter [tilespmem:s24], [sflag:$0x3], $0x4000, $0x38;
	[tilespmem:$0x1E800] =	vst v63  }
0x33: {  	_ =	swait.ge [sflag:s25], $0x4000  }
0x34: {  	[sflag:s25] =	ssyncset.done $0x0  }
0x35: {  	[sflag:s25] =	ssyncadd.s32 $0xFFFFC000  }
0x36: {  	[spmem:s9] =	stream.linear.scatter [tilespmem:s24], [sflag:$0x3], $0x4000, $0x38;
	[tilespmem:$0x1E800] =	vst v63  }
0x37: {  	_ =	swait.ge [sflag:s25], $0x4000  }
0x38: {  	[sflag:s25] =	ssyncset.done $0x0  }
0x39: {  	s0 =	simm.s32 $0x0;
	s10 =	rddreg [dreg:$0x4];
	[sflag:s25] =	ssyncadd.s32 $0xFFFFC000  }
0x3a: {  	[tilespmem:s0], [sflag:$0x3] =	stream.linear.gather [hbm4b:s10+s0], $0x1400, $0x38;
	[tilespmem:$0x1E800] =	vst v63  }
0x3b: {  	_ =	swait.ge [sflag:s25], $0x1400  }
0x3c: {  	[sflag:s25] =	ssyncset.done $0x0  }
0x3d: {  	s4 =	simm.s32 $0x1400;
	s12 =	rddreg [dreg:$0x5];
	[sflag:s25] =	ssyncadd.s32 $0xFFFFEC00  }
0x3e: {  	[tilespmem:s4], [sflag:$0x3] =	stream.linear.gather [hbm4b:s12+s0], $0x1400, $0x38;
	[tilespmem:$0x1E800] =	vst v63  }
0x3f: {  	_ =	swait.ge [sflag:s25], $0x1400  }
0x40: {  	[sflag:s25] =	ssyncset.done $0x0  }
0x41: {  	[sflag:s25] =	ssyncadd.s32 $0xFFFFEC00  }
0x42: {  	[bflag:$0x0] =	sbarrier.arrive $0xFFFF  }
0x43: {  	[tilespmem:s24], [sflag:$0x1] =	stream.indirect.gather [hbm4b:s1+s28], $0x80, s0, s28, $0xb8;
	[tilespmem:$0x1E800] =	vst v63  }
0x44: {  	s2 =	simm.s32 $0x80  }
0x45: {  	[tilespmem:s29], [sflag:$0x2] =	stream.indirect.gather [hbm4b:s1+s28], $0x80, s2, s28, $0xb8;
	[tilespmem:$0x1E800] =	vst v63  }
0x46: {  	_ =	swait.ge [sflag:s30], $0x4000  }
0x47: {  	[sflag:s30] =	ssyncset.done $0x0  }
0x48: {  	s4 =	simm.s32 $0x1400;
	[sflag:s30] =	ssyncadd.s32 $0xFFFFC000  }
0x49: {  	[spmem:s3] =	stream.indirect.scatter.add.f32 [tilespmem:s24], [sflag:$0x3], $0x80, s4, s28, $0xb8;
	[tilespmem:$0x1E800] =	vst v63  }
0x4a: {  	_ =	swait.ge [sflag:s25], $0x4000  }
0x4b: {  	[sflag:s25] =	ssyncset.done $0x0  }
0x4c: {  	s10 =	simm.s32 $0x100;
	[sflag:s25] =	ssyncadd.s32 $0xFFFFC000  }
0x4d: {  	[tilespmem:s24], [sflag:$0x1] =	stream.indirect.gather [hbm4b:s1+s28], $0x80, s10, s28, $0xb8;
	[tilespmem:$0x1E800] =	vst v63  }
0x4e: {  	_ =	swait.ge [sflag:s31], $0x4000  }
0x4f: {  	[sflag:s31] =	ssyncset.done $0x0  }
0x50: {  	s12 =	simm.s32 $0x1480;
	[sflag:s31] =	ssyncadd.s32 $0xFFFFC000  }
0x51: {  	[spmem:s3] =	stream.indirect.scatter.add.f32 [tilespmem:s29], [sflag:$0x3], $0x80, s12, s28, $0xb8;
	[tilespmem:$0x1E800] =	vst v63  }
0x52: {  	_ =	swait.ge [sflag:s25], $0x4000  }
0x53: {  	s0 =	simm.s32 $0x800;
	s2 =	simm.s32 $0x100;
	[sflag:s25] =	ssyncset.done $0x0  }
.LBB2_4:
0x54: {  	s4 =	sadd.s32 $0x80, s2  }
0x55: {  	[sflag:s25] =	ssyncadd.s32 $0xFFFFC000;
	s10 =	smov.u32 s0;
	s12 =	sadd.s32 $0x400, s0  }
0x56: {  	[tilespmem:s29], [sflag:$0x2] =	stream.indirect.gather [hbm4b:s1+s28], $0x80, s4, s28, $0xb8;
	[tilespmem:$0x1E800] =	vst v63  }
0x57: {  	p1 =	sne.s32 s0, $0x4800;
	_ =	swait.ge [sflag:s30], $0x4000  }
0x58: {  	[sflag:s30] =	ssyncset.done $0x0  }
0x59: {  	s0 =	sadd.s32 $0x1400, s2;
	[sflag:s30] =	ssyncadd.s32 $0xFFFFC000  }
0x5a: {  	[spmem:s3] =	stream.indirect.scatter.add.f32 [tilespmem:s24], [sflag:$0x3], $0x80, s0, s28, $0xb8;
	[tilespmem:$0x1E800] =	vst v63  }
0x5b: {  	_ =	swait.ge [sflag:s25], $0x4000  }
0x5c: {  	[sflag:s25] =	ssyncset.done $0x0  }
0x5d: {  	s0 =	sadd.s32 $0x100, s2;
	[sflag:s25] =	ssyncadd.s32 $0xFFFFC000  }
0x5e: {  	[tilespmem:s24], [sflag:$0x1] =	stream.indirect.gather [hbm4b:s1+s28], $0x80, s0, s28, $0xb8;
	[tilespmem:$0x1E800] =	vst v63  }
0x5f: {  	_ =	swait.ge [sflag:s31], $0x4000  }
.Ltmp1:
0x60: {  	[sflag:s31] =	ssyncset.done $0x0;
	(pc) =	sbr.rel @p1 .LBB2_4-.Ltmp1, $4  }
0x61: {  	s0 =	sadd.s32 $0x1480, s2;
	[sflag:s31] =	ssyncadd.s32 $0xFFFFC000  }
0x62: {  	[spmem:s3] =	stream.indirect.scatter.add.f32 [tilespmem:s29], [sflag:$0x3], $0x80, s0, s28, $0xb8;
	[tilespmem:$0x1E800] =	vst v63  }
0x63: {  	_ =	swait.ge [sflag:s25], $0x4000  }
0x64: {  	s2 =	sshra.s32 s10, $0x2;
	s0 =	smov.u32 s12;
	[sflag:s25] =	ssyncset.done $0x0  }
0x65: {  	s0 =	sadd.s32 $0x80, s2;
	[sflag:s25] =	ssyncadd.s32 $0xFFFFC000  }
0x66: {  	[tilespmem:s29], [sflag:$0x2] =	stream.indirect.gather [hbm4b:s1+s28], $0x80, s0, s28, $0xb8;
	[tilespmem:$0x1E800] =	vst v63  }
0x67: {  	_ =	swait.ge [sflag:s30], $0x4000  }
0x68: {  	[sflag:s30] =	ssyncset.done $0x0  }
0x69: {  	s4 =	sadd.s32 $0x1400, s2;
	[sflag:s30] =	ssyncadd.s32 $0xFFFFC000  }
0x6a: {  	[spmem:s3] =	stream.indirect.scatter.add.f32 [tilespmem:s24], [sflag:$0x3], $0x80, s4, s28, $0xb8;
	[tilespmem:$0x1E800] =	vst v63  }
0x6b: {  	_ =	swait.ge [sflag:s25], $0x4000  }
0x6c: {  	[sflag:s25] =	ssyncset.done $0x0  }
0x6d: {  	s10 =	sadd.s32 $0x100, s2;
	[sflag:s25] =	ssyncadd.s32 $0xFFFFC000  }
0x6e: {  	[tilespmem:s24], [sflag:$0x1] =	stream.indirect.gather [hbm4b:s1+s28], $0x80, s10, s28, $0xb8;
	[tilespmem:$0x1E800] =	vst v63  }
0x6f: {  	_ =	swait.ge [sflag:s31], $0x4000  }
0x70: {  	[sflag:s31] =	ssyncset.done $0x0  }
0x71: {  	s12 =	sadd.s32 $0x1480, s2;
	[sflag:s31] =	ssyncadd.s32 $0xFFFFC000  }
0x72: {  	[spmem:s3] =	stream.indirect.scatter.add.f32 [tilespmem:s29], [sflag:$0x3], $0x80, s12, s28, $0xb8;
	[tilespmem:$0x1E800] =	vst v63  }
0x73: {  	_ =	swait.ge [sflag:s25], $0x4000  }
0x74: {  	[sflag:s25] =	ssyncset.done $0x0  }
0x75: {  	s2 =	simm.s32 $0x1380;
	[sflag:s25] =	ssyncadd.s32 $0xFFFFC000  }
0x76: {  	[tilespmem:s29], [sflag:$0x2] =	stream.indirect.gather [hbm4b:s1+s28], $0x80, s2, s28, $0xb8;
	[tilespmem:$0x1E800] =	vst v63  }
0x77: {  	_ =	swait.ge [sflag:s30], $0x4000  }
0x78: {  	[sflag:s30] =	ssyncset.done $0x0  }
0x79: {  	s4 =	simm.s32 $0x2700;
	[sflag:s30] =	ssyncadd.s32 $0xFFFFC000  }
0x7a: {  	[spmem:s3] =	stream.indirect.scatter.add.f32 [tilespmem:s24], [sflag:$0x3], $0x80, s4, s28, $0xb8;
	[tilespmem:$0x1E800] =	vst v63  }
0x7b: {  	_ =	swait.ge [sflag:s25], $0x4000  }
0x7c: {  	[sflag:s25] =	ssyncset.done $0x0  }
0x7d: {  	[sflag:s25] =	ssyncadd.s32 $0xFFFFC000  }
0x7e: {  	_ =	swait.ge [sflag:s31], $0x4000  }
0x7f: {  	[sflag:s31] =	ssyncset.done $0x0  }
0x80: {  	s10 =	simm.s32 $0x2780;
	[sflag:s31] =	ssyncadd.s32 $0xFFFFC000  }
0x81: {  	[spmem:s3] =	stream.indirect.scatter.add.f32 [tilespmem:s29], [sflag:$0x3], $0x80, s10, s28, $0xb8;
	[tilespmem:$0x1E800] =	vst v63  }
0x82: {  	_ =	swait.ge [sflag:s25], $0x4000  }
0x83: {  	[sflag:s25] =	ssyncset.done $0x0  }
0x84: {  	[sflag:s25] =	ssyncadd.s32 $0xFFFFC000  }
0x85: {  	[bflag:$0x0] =	sbarrier.arrive $0xFFFF  }
0x86: {  	[tilespmem:s24], [sflag:$0x3] =	stream.linear.gather [spmem:s5], $0x4000, $0x38;
	[tilespmem:$0x1E800] =	vst v63  }
0x87: {  	_ =	swait.ge [sflag:s25], $0x4000  }
0x88: {  	s0 =	sadd.s32 @p0 s11, s22;
	[sflag:s25] =	ssyncset.done $0x0  }
0x89: {  	s2 =	simm.s32 @p0 $0x0;
	s4 =	simm.s32 @p0 $0x2800;
	[sflag:s25] =	ssyncadd.s32 $0xFFFFC000  }
0x8a: {  	[hbm4b:s0+s2] =	stream.linear.scatter @p0 [tilespmem:s4], [sflag:$0x3], $0x4000, $0x38;
	[tilespmem:$0x1E800] =	vst v63  }
0x8b: {  	s0 =	simm.s32 @p0 $0x3  }
0x8c: {  	_ =	swait.ge @p0 [sflag:s0], $0x4000  }
0x8d: {  	[sflag:s0] =	ssyncset.done @p0 $0x0  }
0x8e: {  	[sflag:s0] =	ssyncadd.s32 @p0 $0xFFFFC000  }
0x8f: {  	[tilespmem:s4], [sflag:$0x3] =	stream.linear.gather @p0 [spmem:s6], $0x4000, $0x38;
	[tilespmem:$0x1E800] =	vst v63  }
0x90: {  	_ =	swait.ge @p0 [sflag:s0], $0x4000  }
0x91: {  	[sflag:s0] =	ssyncset.done @p0 $0x0  }
0x92: {  	s10 =	sadd.s32 @p0 s13, s22;
	[sflag:s0] =	ssyncadd.s32 @p0 $0xFFFFC000  }
0x93: {  	[hbm4b:s10+s2] =	stream.linear.scatter @p0 [tilespmem:s4], [sflag:$0x3], $0x4000, $0x38;
	[tilespmem:$0x1E800] =	vst v63  }
0x94: {  	_ =	swait.ge @p0 [sflag:s0], $0x4000  }
0x95: {  	[sflag:s0] =	ssyncset.done @p0 $0x0  }
0x96: {  	[sflag:s0] =	ssyncadd.s32 @p0 $0xFFFFC000  }
0x97: {  	[tilespmem:s4], [sflag:$0x3] =	stream.linear.gather @p0 [spmem:s7], $0x4000, $0x38;
	[tilespmem:$0x1E800] =	vst v63  }
0x98: {  	_ =	swait.ge @p0 [sflag:s0], $0x4000  }
0x99: {  	[sflag:s0] =	ssyncset.done @p0 $0x0  }
0x9a: {  	s10 =	sadd.s32 @p0 s16, s22;
	[sflag:s0] =	ssyncadd.s32 @p0 $0xFFFFC000  }
0x9b: {  	[hbm4b:s10+s2] =	stream.linear.scatter @p0 [tilespmem:s4], [sflag:$0x3], $0x4000, $0x38;
	[tilespmem:$0x1E800] =	vst v63  }
0x9c: {  	_ =	swait.ge @p0 [sflag:s0], $0x4000  }
0x9d: {  	[sflag:s0] =	ssyncset.done @p0 $0x0  }
0x9e: {  	[sflag:s0] =	ssyncadd.s32 @p0 $0xFFFFC000  }
0x9f: {  	[tilespmem:s4], [sflag:$0x3] =	stream.linear.gather @p0 [spmem:s8], $0x4000, $0x38;
	[tilespmem:$0x1E800] =	vst v63  }
0xa0: {  	_ =	swait.ge @p0 [sflag:s0], $0x4000  }
0xa1: {  	[sflag:s0] =	ssyncset.done @p0 $0x0  }
0xa2: {  	s10 =	sadd.s32 @p0 s18, s22;
	[sflag:s0] =	ssyncadd.s32 @p0 $0xFFFFC000  }
0xa3: {  	[hbm4b:s10+s2] =	stream.linear.scatter @p0 [tilespmem:s4], [sflag:$0x3], $0x4000, $0x38;
	[tilespmem:$0x1E800] =	vst v63  }
0xa4: {  	_ =	swait.ge @p0 [sflag:s0], $0x4000  }
0xa5: {  	[sflag:s0] =	ssyncset.done @p0 $0x0  }
0xa6: {  	[sflag:s0] =	ssyncadd.s32 @p0 $0xFFFFC000  }
0xa7: {  	[tilespmem:s4], [sflag:$0x3] =	stream.linear.gather @p0 [spmem:s9], $0x4000, $0x38;
	[tilespmem:$0x1E800] =	vst v63  }
0xa8: {  	_ =	swait.ge @p0 [sflag:s0], $0x4000  }
0xa9: {  	s2 =	simm.s32 @!p0 $0x2800;
	[sflag:s0] =	ssyncset.done @p0 $0x0  }
0xaa: {  	s4 =	simm.s32 @!p0 $0x3;
	[sflag:s0] =	ssyncadd.s32 @p0 $0xFFFFC000;
	s0 =	simm.s32 @!p0 $0x0  }
0xab: {  	[hbm4b:s14+s0] =	stream.linear.scatter @!p0 [tilespmem:s2], [sflag:$0x3], $0x4000, $0x38;
	[tilespmem:$0x1E800] =	vst v63  }
0xac: {  	_ =	swait.ge @!p0 [sflag:s4], $0x4000  }
0xad: {  	[sflag:s4] =	ssyncset.done @!p0 $0x0  }
0xae: {  	[sflag:s4] =	ssyncadd.s32 @!p0 $0xFFFFC000  }
0xaf: {  	[tilespmem:s2], [sflag:$0x3] =	stream.linear.gather @!p0 [spmem:s6], $0x4000, $0x38;
	[tilespmem:$0x1E800] =	vst v63  }
0xb0: {  	_ =	swait.ge @!p0 [sflag:s4], $0x4000  }
0xb1: {  	[sflag:s4] =	ssyncset.done @!p0 $0x0  }
0xb2: {  	[sflag:s4] =	ssyncadd.s32 @!p0 $0xFFFFC000  }
0xb3: {  	[hbm4b:s15+s0] =	stream.linear.scatter @!p0 [tilespmem:s2], [sflag:$0x3], $0x4000, $0x38;
	[tilespmem:$0x1E800] =	vst v63  }
0xb4: {  	_ =	swait.ge @!p0 [sflag:s4], $0x4000  }
0xb5: {  	[sflag:s4] =	ssyncset.done @!p0 $0x0  }
0xb6: {  	[sflag:s4] =	ssyncadd.s32 @!p0 $0xFFFFC000  }
0xb7: {  	[tilespmem:s2], [sflag:$0x3] =	stream.linear.gather @!p0 [spmem:s7], $0x4000, $0x38;
	[tilespmem:$0x1E800] =	vst v63  }
0xb8: {  	_ =	swait.ge @!p0 [sflag:s4], $0x4000  }
0xb9: {  	[sflag:s4] =	ssyncset.done @!p0 $0x0  }
0xba: {  	[sflag:s4] =	ssyncadd.s32 @!p0 $0xFFFFC000  }
0xbb: {  	[hbm4b:s17+s0] =	stream.linear.scatter @!p0 [tilespmem:s2], [sflag:$0x3], $0x4000, $0x38;
	[tilespmem:$0x1E800] =	vst v63  }
0xbc: {  	_ =	swait.ge @!p0 [sflag:s4], $0x4000  }
0xbd: {  	[sflag:s4] =	ssyncset.done @!p0 $0x0  }
0xbe: {  	[sflag:s4] =	ssyncadd.s32 @!p0 $0xFFFFC000  }
0xbf: {  	[tilespmem:s2], [sflag:$0x3] =	stream.linear.gather @!p0 [spmem:s8], $0x4000, $0x38;
	[tilespmem:$0x1E800] =	vst v63  }
0xc0: {  	_ =	swait.ge @!p0 [sflag:s4], $0x4000  }
0xc1: {  	[sflag:s4] =	ssyncset.done @!p0 $0x0  }
0xc2: {  	[sflag:s4] =	ssyncadd.s32 @!p0 $0xFFFFC000  }
0xc3: {  	[hbm4b:s20+s0] =	stream.linear.scatter @!p0 [tilespmem:s2], [sflag:$0x3], $0x4000, $0x38;
	[tilespmem:$0x1E800] =	vst v63  }
0xc4: {  	_ =	swait.ge @!p0 [sflag:s4], $0x4000  }
0xc5: {  	[sflag:s4] =	ssyncset.done @!p0 $0x0  }
0xc6: {  	s26 =	sadd.s32 $0x1, s26;
	[sflag:s4] =	ssyncadd.s32 @!p0 $0xFFFFC000  }
0xc7: {  	[tilespmem:s2], [sflag:$0x3] =	stream.linear.gather @!p0 [spmem:s9], $0x4000, $0x38;
	[tilespmem:$0x1E800] =	vst v63  }
0xc8: {  	p1 =	sne.s32 s26, s23;
	s12 =	simm.s32 $0x0;
	_ =	swait.ge @!p0 [sflag:s4], $0x4000  }
0xc9: {  	s0 =	sadd.s32 @p0 s19, s22;
	s2 =	smov.u32 s21;
	[sflag:s4] =	ssyncset.done @!p0 $0x0  }
.Ltmp2:
0xca: {  	s2 =	smov.u32 @p0 s0;
	[sflag:s4] =	ssyncadd.s32 @!p0 $0xFFFFC000;
	(pc) =	sbr.rel @p1 .LBB2_1-.Ltmp2, $4  }
0xcb: {  	[hbm4b:s2+s12] =	stream.linear.scatter [tilespmem:s24], [sflag:$0x3], $0x4000, $0x38;
	[tilespmem:$0x1E800] =	vst v63  }
0xcc: {  	_ =	swait.ge [sflag:s25], $0x4000  }
0xcd: {  	[sflag:s25] =	ssyncset.done $0x0  }
0xce: {  	[sflag:s25] =	ssyncadd.s32 $0xFFFFC000  }
0xcf: {  	_ =	sfence.sel $0x180000  }
0xd0: {  	[bflag:$0x0] =	sbarrier.arrive $0xFFFF  }
0xd1: {  	_ =	strace $0x9000004D  }
0xd2: {  	s0 =	stileid.u32;
	[bflag:$0x2] =	sbarrier.arrive $0xFFFF  }
0xd3: {  	p0 =	sne.s32 s0, $0x0;
	s0 =	rddreg [dreg:$0x3]  }
0xd4: {  	s0 =	sadd.s32 @!p0 $0x100000, s0  }
0xd5: {  	[sflag:s0] =	ssyncadd.tile.s32 @!p0 $0x1;
	_ =	shalt  }
.Lfunc_end2:
_tile_overlayer_lowered:
.L_overlay_start_2:
0xd6: {  	(tag) =	ssettag $0x2  }
0xd7: {  	s0 =	rddreg [dreg:$0x0];
	s2 =	stileid.u32  }
0xd8: {  	s1 =	rddreg [dreg:$0x1];
	p0 =	sne.s32 s2, $0x0  }
0xd9: {  	s3 =	rddreg [dreg:$0x2];
	[bflag:$0x3] =	sbarrier.arrive $0xFFFF;
	s2 =	simm.s32 @!p0 $0x1C03  }
0xda: {  	[timem:s3], [sflag:s2] =	dma.local @!p0 [hbm:s0], s1  }
0xdb: {  	s0 =	simm.s32 @!p0 $0x3  }
0xdc: {  	_ =	swait.ge @!p0 [sflag:s0], s1  }
0xdd: {  	s1 =	ssub.s32 @!p0 $0x0, s1;
	[sflag:s0] =	ssyncset.done @!p0 $0x0  }
0xde: {  	[sflag:s0] =	ssyncadd.s32 @!p0 s1  }
0xdf: {  	[bflag:$0x3] =	sbarrier.arrive $0xFFFF  }
0xe0: {  	_ =	shalt  }

// kernel: kernel.8.cloned.1.call-start
scs
__scs_entry_jumppad:
0x0: {  	(pc) =	sbr.rel $0x88, $3  }
0x1: {  	(tag) =	ssettag $0x0;
	lr =	simm.s32 $0x1  }
0x2: {  	[smem:$0x3F9B] =	sst lr;
	_ =	strace $0xD0000000  }
0x3: {  	_ = 	snop  }
0x4: {  	_ = 	snop  }
0x5: {  	_ = 	snop  }
0x6: {  	_ = 	snop  }
0x7: {  	_ = 	snop  }
__scs_overlays_trampoline_lowered:
0x8: {  	[smem:$0x3FAA] =	sst s0  }
0x9: {  	[smem:$0x3FAB] =	sst s1  }
0xa: {  	[smem:$0x3FAC] =	sst s2  }
0xb: {  	[smem:$0x3FAD] =	sst s3  }
0xc: {  	[smem:$0x3FAE] =	sst s4  }
0xd: {  	[smem:$0x3FAF] =	sst s5  }
0xe: {  	[smem:$0x3FB0] =	sst s6  }
0xf: {  	[smem:$0x3FB1] =	sst s7  }
0x10: {  	[smem:$0x3FB2] =	sst s8  }
0x11: {  	[smem:$0x3FB3] =	sst s9;
	s0 =	simm.s32 @!p0 $0x0  }
0x12: {  	s1 =	sld [smem:$0x3F99];
	s0 =	simm.s32 @p0 $0x1  }
0x13: {  	[smem:$0x3FB4] =	sst s0;
	s0 =	simm.s32 @!p1 $0x0  }
0x14: {  	s2 =	sld [smem:$0x3F98];
	s0 =	simm.s32 @p1 $0x1  }
0x15: {  	[smem:$0x3FB5] =	sst s0;
	s0 =	simm.s32 @!p2 $0x0  }
0x16: {  	s3 =	sld [smem:$0x3FDB];
	s0 =	simm.s32 @p2 $0x1  }
0x17: {  	s4 =	simm.s32 $0x1BF5;
	[smem:$0x3FB7] =	sst s0  }
0x18: {  	s0 =	sld [smem:$0x3F9A];
	_ =	swait.ge [sflag:s4], $0x0  }
0x19: {  	s7 =	sld [smem:$0x3F9B]  }
0x1a: {  	s8 =	sadd.s32 $0xFFFFE003, lr  }
0x1b: {  	s9 =	sadd.s32 $0xFFFFFEF7, lr;
	s5 =	simm.s32 $0xFFFFFFFF;
	p2 =	slt.u32 s8, $0xFFFFF086  }
0x1c: {  	p1 =	slt.u32 s9, $0xF7A;
	s5 =	simm.s32 @!p2 $0x0  }
0x1d: {  	s5 =	simm.s32 @p1 $0x1;
	p0 =	seq.s32 s7, s2  }
0x1e: {  	s7 =	smul.u32 @!p0 $0xF7A, s2;
	p2 =	seq.s32 @!p0 s5, $0x0  }
0x1f: {  	s9 =	smul.u32 $0xF7A, s1;
	s8 =	simm.s32 @!p0 $0x1BF5;
	p2 =	por !p2, p0  }
0x20: {  	[sflag:s8] =	ssyncset.s32 @!p0 $0xFFFFF086;
	s6 =	sadd.s32 @!p0 s3, s7;
	s7 =	simm.s32 @!p0 $0x108  }
0x21: {  	s3 =	sadd.s32 s3, s9;
	s6 =	sadd.s32 @!p0 $0x88, s6;
	s7 =	simm.s32 @p2 $0x1082  }
0x22: {  	[simem:s7], [sflag:s8] =	dma.local @!p0 [hbm:s6], $0xF7A  }
0x23: {  	s9 =	sor.u32 $0xD0000000, s2;
	s6 =	simm.s32 $0x108;
	_ =	swait.ge @!p0 [sflag:s8], $0x0  }
0x24: {  	s3 =	sadd.s32 $0x88, s3;
	s6 =	simm.s32 @!p1 $0x1082;
	[sflag:s4] =	ssyncset.s32 $0xFFFFF086  }
0x25: {  	[simem:s6], [sflag:s4] =	dma.local [hbm:s3], $0xF7A  }
0x26: {  	[smem:$0x3F9B] =	sst s1;
	(tag) =	ssettag s2;
	_ =	strace s9  }
0x27: {  	s1 =	sld [smem:$0x3FAB]  }
0x28: {  	s2 =	sld [smem:$0x3FAC]  }
0x29: {  	s4 =	sld [smem:$0x3FAE]  }
0x2a: {  	p0 =	seq.s32 s5, $0x0;
	s5 =	sld [smem:$0x3FAF]  }
0x2b: {  	s6 =	sld [smem:$0x3FB0]  }
0x2c: {  	s7 =	sld [smem:$0x3FB1]  }
0x2d: {  	s3 =	simm.s32 $0x108;
	s8 =	sld [smem:$0x3FB2]  }
0x2e: {  	s3 =	simm.s32 @!p0 $0x1082;
	s9 =	sld [smem:$0x3FB3]  }
0x2f: {  	lr =	sadd.s32 s0, s3;
	s0 =	sld [smem:$0x3FAA]  }
0x30: {  	s3 =	sld [smem:$0x3FAD]  }
0x31: {  	[smem:$0x3FB6] =	sst s10  }
0x32: {  	s10 =	sld [smem:$0x3FB4];
	_ =	sdelay $0x3  }
0x33: {  	p0 =	seq.s32 s10, $0x1;
	s10 =	sld [smem:$0x3FB6];
	_ =	sdelay $0x3  }
0x34: {  	[smem:$0x3FB6] =	sst s10  }
0x35: {  	s10 =	sld [smem:$0x3FB5];
	_ =	sdelay $0x3  }
0x36: {  	p1 =	seq.s32 s10, $0x1;
	s10 =	sld [smem:$0x3FB6];
	_ =	sdelay $0x3  }
0x37: {  	[smem:$0x3FB6] =	sst s10  }
0x38: {  	s10 =	sld [smem:$0x3FB7]  }
0x39: {  	_ = 	snop;
	(pc) =	sbr.ind lr, $3  }
0x3a: {  	_ = 	snop  }
0x3b: {  	_ = 	snop  }
0x3c: {  	p2 =	seq.s32 s10, $0x1;
	s10 =	sld [smem:$0x3FB6]  }
0x3d: {  	_ =	shalt  }
0x3e: {  	_ =	shalt  }
0x3f: {  	_ =	shalt  }
0x40: {  	_ =	shalt  }
0x41: {  	_ =	shalt  }
0x42: {  	_ =	shalt  }
0x43: {  	_ =	shalt  }
0x44: {  	_ =	shalt  }
0x45: {  	_ =	shalt  }
0x46: {  	_ =	shalt  }
0x47: {  	_ =	shalt  }
0x48: {  	_ =	shalt  }
0x49: {  	_ =	shalt  }
0x4a: {  	_ =	shalt  }
0x4b: {  	_ =	shalt  }
0x4c: {  	_ =	shalt  }
0x4d: {  	_ =	shalt  }
0x4e: {  	_ =	shalt  }
0x4f: {  	_ =	shalt  }
0x50: {  	_ =	shalt  }
0x51: {  	_ =	shalt  }
0x52: {  	_ =	shalt  }
0x53: {  	_ =	shalt  }
0x54: {  	_ =	shalt  }
0x55: {  	_ =	shalt  }
0x56: {  	_ =	shalt  }
0x57: {  	_ =	shalt  }
0x58: {  	_ =	shalt  }
0x59: {  	_ =	shalt  }
0x5a: {  	_ =	shalt  }
0x5b: {  	_ =	shalt  }
0x5c: {  	_ =	shalt  }
0x5d: {  	_ =	shalt  }
0x5e: {  	_ =	shalt  }
0x5f: {  	_ =	shalt  }
0x60: {  	_ =	shalt  }
0x61: {  	_ =	shalt  }
0x62: {  	_ =	shalt  }
0x63: {  	_ =	shalt  }
0x64: {  	_ =	shalt  }
0x65: {  	_ =	shalt  }
0x66: {  	_ =	shalt  }
0x67: {  	_ =	shalt  }
0x68: {  	_ =	shalt  }
0x69: {  	_ =	shalt  }
0x6a: {  	_ =	shalt  }
0x6b: {  	_ =	shalt  }
0x6c: {  	_ =	shalt  }
0x6d: {  	_ =	shalt  }
0x6e: {  	_ =	shalt  }
0x6f: {  	_ =	shalt  }
0x70: {  	_ =	shalt  }
0x71: {  	_ =	shalt  }
0x72: {  	_ =	shalt  }
0x73: {  	_ =	shalt  }
0x74: {  	_ =	shalt  }
0x75: {  	_ =	shalt  }
0x76: {  	_ =	shalt  }
0x77: {  	_ =	shalt  }
0x78: {  	_ =	shalt  }
0x79: {  	_ =	shalt  }
0x7a: {  	_ =	shalt  }
0x7b: {  	_ =	shalt  }
0x7c: {  	_ =	shalt  }
0x7d: {  	_ =	shalt  }
0x7e: {  	_ =	shalt  }
0x7f: {  	_ =	shalt  }
0x80: {  	_ =	shalt  }
0x81: {  	_ =	shalt  }
0x82: {  	_ =	shalt  }
0x83: {  	_ =	shalt  }
0x84: {  	_ =	shalt  }
0x85: {  	_ =	shalt  }
0x86: {  	_ =	shalt  }
0x87: {  	_ =	shalt  }
.Lfunc_end0:
.L_simem_size_0:
called_computation_lowered:
.L_overlay_start_0:
0x88: {  	s2 =	sld [smem:$0x3FD9]  }
0x89: {  	s3 =	sld [smem:$0x3FFE];
	_ =	sdelay $0x1  }
0x8a: {  	s1 =	srdreg.scid  }
0x8b: {  	s0 =	sand.u32 $0x1, s1  }
0x8c: {  	s16 =	sshll.u32 s0, $0xA;
	s2 =	sadd.s32 s3, s2  }
0x8d: {  	s2 =	sadd.s32 s2, s16  }
0x8e: {  	[smem:$0x3FC2] =	sst s2  }
0x8f: {  	_ = 	snop  }
0x90: {  	(tm) =	ssettm $0x1  }
0x91: {  	s17 =	sld [smem:$0x3FFB];
	_ =	sdelay $0x3  }
0x92: {  	_ =	strace s17  }
0x93: {  	s2 =	sld [smem:$0x3FFC];
	_ =	sdelay $0x3  }
0x94: {  	_ =	strace s2  }
0x95: {  	s2 =	sld [smem:$0x3FFD];
	_ =	sdelay $0x3  }
0x96: {  	_ =	strace s2  }
0x97: {  	_ =	strace $0x8FFFFFFF  }
0x98: {  	s18 =	sld [smem:$0x3FDB];
	_ =	sdelay $0x1  }
0x99: {  	s19 =	simm.s32 $_scs_section_size  }
0x9a: {  	s4 =	simm.s32 $_size__tile_overlayer_lowered;
	s5 =	simm.s32 $_tile_overlayer_lowered  }
0x9b: {  	s22 =	simm.s32 $0x1BFF;
	s21 =	sshll.u32 s5, $0x1;
	s2 =	sadd.s32 s19, s18  }
0x9c: {  	s6 =	simm.s32 $0x0;
	s20 =	sshll.u32 s4, $0x1;
	s4 =	sadd.s32 s21, s2  }
0x9d: {  	[timem:s6], [sflag:s22] =	dma.local [hbm:s4], s20  }
0x9e: {  	_ =	swait.ge [sflag:s22], s20  }
0x9f: {  	s3 =	ssub.s32 $0x0, s20;
	[sflag:s22] =	ssyncset.done $0x0  }
0xa0: {  	[sflag:s22] =	ssyncadd.s32 s3;
	_ =	sdelay $0x1  }
0xa1: {  	s23 =	simm.s32 $0x1B8B  }
0xa2: {  	_ =	swait.ge [sflag:s23], $0x1  }
0xa3: {  	[sflag:s23] =	ssyncset.done $0x0  }
0xa4: {  	s25 =	simm.s32 $0x1B8E;
	s24 =	sld [smem:$0x3FFE];
	[sflag:s23] =	ssyncadd.s32 $0xFFFFFFFF  }
0xa5: {  	s26 =	simm.s32 $execute0_lowered;
	[smem:$0x3FD2] =	sst s25  }
0xa6: {  	s4 =	sshll.u32 s26, $0x1;
	_ =	strace $0x80000046;
	[dreg:$0x1] =	wrdreg $0xFFFFFFFF  }
0xa7: {  	s28 =	simm.s32 $_size_execute0_lowered;
	s2 =	sadd.s32 s2, s4;
	[dreg:$0x0] =	wrdreg $0x0  }
0xa8: {  	s4 =	sshll.u32 s28, $0x1;
	[dreg:$0x2] =	wrdreg s2  }
0xa9: {  	[dreg:$0x3] =	wrdreg s4  }
0xaa: {  	[dreg:$0x4] =	wrdreg $0xC0  }
0xab: {  	_ =	task [dreg:s6], $0x5FFFF  }
0xac: {  	[dreg:$0x1] =	wrdreg $0xFFFFFFFF  }
0xad: {  	[dreg:$0x0] =	wrdreg $0x60  }
0xae: {  	[dreg:$0x2] =	wrdreg s24  }
0xaf: {  	[dreg:$0x3] =	wrdreg $0x94000  }
0xb0: {  	[dreg:$0x4] =	wrdreg $0x9  }
0xb1: {  	_ =	task.clear_ibuf [dreg:s6], $0x5FFFF;
	_ =	strace $0x90000046  }
0xb2: {  	s29 =	simm.s32 $0x9;
	_ =	strace $0x80000048  }
0xb3: {  	_ =	swait.ge [sflag:s29], $0x1  }
0xb4: {  	[sflag:s29] =	ssyncadd.s32 $0xFFFFFFFF  }
0xb5: {  	_ =	strace $0x90000048  }
0xb6: {  	_ =	sfence  }
0xb7: {  	s30 =	sld [smem:$0x0];
	_ =	sdelay $0x2  }
0xb8: {  	s31 =	sshll.u32 s1, $0xD;
	s1 =	sshrl.u32 s1, $0x2  }
0xb9: {  	s3 =	sand.u32 $0x4000, s31;
	s1 =	sadd.s32 s1, s30  }
0xba: {  	s0 =	sor.u32 s3, s0;
	s1 =	sshll.u32 s1, $0x11  }
0xbb: {  	s0 =	sor.u32 s1, s0  }
0xbc: {  	s0 =	sadd.s32 $0x8F2B, s0  }
0xbd: {  	[sflag:s0] =	ssyncadd.remote.s32 $0x1  }
0xbe: {  	_ =	sfence.sel $0xFFFF  }
0xbf: {  	[dreg:$0x0] =	wrdreg $0xFFFFFFFF;
	(pc) =	sbr.abs _section_cstart, $3  }
0xc0: {  	[dreg:$0x1] =	wrdreg $0xFFFFFFFF  }
0xc1: {  	_ =	task.clear_ibuf [dreg:s6], $0x2FFFF;
	_ =	strace $0x9FFFFFFF  }
0xc2: {  	(tm) =	ssettm $0x7FFFFFFF  }
0xc3: {  	_ =	shalt  }
tec
execute0_lowered:
.L_overlay_start_1:
0x0: {  	(tag) =	ssettag $0x1  }
0x1: {  	s0 =	srdreg.scid;
	s1 =	rddreg [dreg:$0x0]  }
0x2: {  	s2 =	rddreg [dreg:$0x1];
	s9 =	stileid.u32;
	s3 =	simm.s32 $0x0  }
0x3: {  	s22 =	simm.s32 $0x5400;
	s29 =	simm.s32 $0x1380;
	s30 =	simm.s32 $0x1  }
0x4: {  	s31 =	simm.s32 $0x0;
	s0 =	sand.u32 $0x1, s0;
	s6 =	smul.u32 $0x280, s9  }
0x5: {  	[smem:$0x7FF] =	sst s3;
	s5 =	smul.u32 $0x50000, s9;
	s19 =	sadd.s32 $0xBE00, s1  }
0x6: {  	s20 =	sadd.s32 $0x33E00, s1;
	s4 =	sshll.u32 s0, $0x4;
	_ =	strace $0x80000047  }
0x7: {  	s23 =	ssub.s32 $0x2, s0;
	p0 =	seq.s32 s0, $0x1;
	s4 =	sor.u32 s9, s4  }
0x8: {  	s7 =	sshrl.u32 s23, $0x1;
	s11 =	sadd.s32 $0x80, s6;
	s24 =	sshrl.u32 s5, $0x2  }
0x9: {  	s14 =	sadd.s32 $0x100, s6;
	s16 =	sadd.s32 $0x180, s6;
	s9 =	smul.u32 $0x2800, s9  }
0xa: {  	s17 =	sadd.s32 $0x200, s6;
	s4 =	smul.u32 $0x280, s4;
	s21 =	ssub.s32 s23, s7  }
0xb: {  	s25 =	sshll.u32 s11, $0x7;
	s26 =	sshll.u32 s14, $0x7;
	s28 =	sshll.u32 s16, $0x7  }
0xc: {  	s8 =	sshll.u32 s17, $0x7;
	s11 =	sshll.u32 s11, $0x4;
	s14 =	sshll.u32 s14, $0x4  }
0xd: {  	s16 =	sshll.u32 s16, $0x4;
	s17 =	sshll.u32 s17, $0x4;
	s23 =	simm.s32 $0x2  }
0xe: {  	s5 =	sadd.s32 s25, s2;
	s6 =	sadd.s32 s26, s2;
	s7 =	sadd.s32 s28, s2  }
0xf: {  	s8 =	sadd.s32 s8, s2;
	s12 =	sadd.s32 s19, s9;
	s13 =	sadd.s32 s19, s11  }
0x10: {  	s15 =	sadd.s32 s19, s14;
	s18 =	sadd.s32 s19, s16;
	s19 =	sadd.s32 s19, s17  }
0x11: {  	s21 =	smax.u32 s21, $0x1;
	s25 =	simm.s32 $0x1400;
	s10 =	sadd.s32 s4, s1  }
0x12: {  	v0 =	vimm.f32 $0.0e+00;
	v1 =	vimm.f32 $1.000000000e+00;
	s4 =	sadd.s32 s24, s2;
	s24 =	simm.s32 $0x80;
	s10 =	sadd.s32 $0x1E00, s10  }
.LBB2_1:
0x13: {  	s0 =	simm.s32 $0x0;
	s1 =	simm.s32 $0x200  }
.LBB2_2:
0x14: {  	p1 =	sne.s32 s1, $0xFE00;
	[tilespmem:s0+$0x5470] =	vst v0  }
0x15: {  	[tilespmem:s0+$0x5400] =	vst v0  }
0x16: {  	[tilespmem:s0+$0x5410] =	vst v0  }
.Ltmp0:
0x17: {  	[tilespmem:s0+$0x5420] =	vst v0;
	(pc) =	sbr.rel @p1 .LBB2_2-.Ltmp0, $4  }
0x18: {  	[tilespmem:s0+$0x5430] =	vst v0  }
0x19: {  	[tilespmem:s0+$0x5440] =	vst v0  }
0x1a: {  	[tilespmem:s0+$0x5450] =	vst v0  }
0x1b: {  	[tilespmem:s0+$0x5460] =	vst v0;
	s0 =	sshra.s32 s1, $0x2;
	s1 =	sadd.s32 $0x200, s1  }
0x1c: {  	[tilespmem:s0+$0x5470] =	vst v0  }
0x1d: {  	[tilespmem:s0+$0x5400] =	vst v0  }
0x1e: {  	[tilespmem:s0+$0x5410] =	vst v0  }
0x1f: {  	[tilespmem:s0+$0x5420] =	vst v0  }
0x20: {  	[tilespmem:s0+$0x5430] =	vst v0  }
0x21: {  	[tilespmem:s0+$0x5440] =	vst v0  }
0x22: {  	[tilespmem:s0+$0x5450] =	vst v0  }
0x23: {  	[tilespmem:s0+$0x5460] =	vst v0  }
0x24: {  	[spmem:s4] =	stream.linear.scatter [tilespmem:s22], [sflag:$0x2], $0x4000, $0x38;
	[tilespmem:$0x1D400] =	vst v63  }
0x25: {  	_ =	swait.ge [sflag:s23], $0x4000  }
0x26: {  	[sflag:s23] =	ssyncset.done $0x0  }
0x27: {  	[sflag:s23] =	ssyncadd.s32 $0xFFFFC000  }
0x28: {  	[spmem:s5] =	stream.linear.scatter [tilespmem:s22], [sflag:$0x2], $0x4000, $0x38;
	[tilespmem:$0x1D400] =	vst v63  }
0x29: {  	_ =	swait.ge [sflag:s23], $0x4000  }
0x2a: {  	[sflag:s23] =	ssyncset.done $0x0  }
0x2b: {  	[sflag:s23] =	ssyncadd.s32 $0xFFFFC000  }
0x2c: {  	[spmem:s6] =	stream.linear.scatter [tilespmem:s22], [sflag:$0x2], $0x4000, $0x38;
	[tilespmem:$0x1D400] =	vst v63  }
0x2d: {  	_ =	swait.ge [sflag:s23], $0x4000  }
0x2e: {  	[sflag:s23] =	ssyncset.done $0x0  }
0x2f: {  	[sflag:s23] =	ssyncadd.s32 $0xFFFFC000  }
0x30: {  	[spmem:s7] =	stream.linear.scatter [tilespmem:s22], [sflag:$0x2], $0x4000, $0x38;
	[tilespmem:$0x1D400] =	vst v63  }
0x31: {  	_ =	swait.ge [sflag:s23], $0x4000  }
0x32: {  	[sflag:s23] =	ssyncset.done $0x0  }
0x33: {  	[sflag:s23] =	ssyncadd.s32 $0xFFFFC000  }
0x34: {  	[spmem:s8] =	stream.linear.scatter [tilespmem:s22], [sflag:$0x2], $0x4000, $0x38;
	[tilespmem:$0x1D400] =	vst v63  }
0x35: {  	_ =	swait.ge [sflag:s23], $0x4000  }
0x36: {  	[sflag:s23] =	ssyncset.done $0x0  }
0x37: {  	s0 =	simm.s32 $0x0;
	s1 =	simm.s32 $0x200;
	[sflag:s23] =	ssyncadd.s32 $0xFFFFC000  }
.LBB2_4:
0x38: {  	p1 =	sne.s32 s1, $0xFE00;
	[tilespmem:s0+$0x1470] =	vst v1  }
0x39: {  	[tilespmem:s0+$0x1400] =	vst v1  }
0x3a: {  	[tilespmem:s0+$0x1410] =	vst v1  }
.Ltmp1:
0x3b: {  	[tilespmem:s0+$0x1420] =	vst v1;
	(pc) =	sbr.rel @p1 .LBB2_4-.Ltmp1, $4  }
0x3c: {  	[tilespmem:s0+$0x1430] =	vst v1  }
0x3d: {  	[tilespmem:s0+$0x1440] =	vst v1  }
0x3e: {  	[tilespmem:s0+$0x1450] =	vst v1  }
0x3f: {  	[tilespmem:s0+$0x1460] =	vst v1;
	s0 =	sshra.s32 s1, $0x2;
	s1 =	sadd.s32 $0x200, s1  }
0x40: {  	[tilespmem:s0+$0x1470] =	vst v1  }
0x41: {  	[tilespmem:s0+$0x1400] =	vst v1  }
0x42: {  	[tilespmem:s0+$0x1410] =	vst v1  }
0x43: {  	[tilespmem:s0+$0x1420] =	vst v1  }
0x44: {  	[tilespmem:s0+$0x1430] =	vst v1  }
0x45: {  	[tilespmem:s0+$0x1440] =	vst v1  }
0x46: {  	[tilespmem:s0+$0x1450] =	vst v1  }
0x47: {  	[tilespmem:s0+$0x1460] =	vst v1  }
0x48: {  	[tilespmem:s3], [sflag:$0x2] =	stream.linear.gather [hbm4b:s10+s3], $0x1400, $0x38;
	[tilespmem:$0x1D400] =	vst v63  }
0x49: {  	_ =	swait.ge [sflag:s23], $0x1400  }
0x4a: {  	[sflag:s23] =	ssyncset.done $0x0  }
0x4b: {  	[sflag:s23] =	ssyncadd.s32 $0xFFFFEC00  }
0x4c: {  	[bflag:$0x0] =	sbarrier.arrive $0xFFFF  }
0x4d: {  	[spmem:s2] =	stream.indirect.scatter.add.f32 [tilespmem:s25], [sflag:$0x1], $0x80, s3, s24, $0xb8;
	[tilespmem:$0x1D400] =	vst v63  }
0x4e: {  	_ = 	snop  }
0x4f: {  	[spmem:s2] =	stream.indirect.scatter.add.f32 [tilespmem:s25], [sflag:$0x1], $0x80, s24, s24, $0xb8;
	[tilespmem:$0x1D400] =	vst v63  }
0x50: {  	s28 =	simm.s32 $0x100  }
0x51: {  	[spmem:s2] =	stream.indirect.scatter.add.f32 [tilespmem:s25], [sflag:$0x1], $0x80, s28, s24, $0xb8;
	[tilespmem:$0x1D400] =	vst v63  }
0x52: {  	s1 =	simm.s32 $0x180  }
0x53: {  	[spmem:s2] =	stream.indirect.scatter.add.f32 [tilespmem:s25], [sflag:$0x1], $0x80, s1, s24, $0xb8;
	[tilespmem:$0x1D400] =	vst v63  }
0x54: {  	s26 =	simm.s32 $0x200  }
0x55: {  	[spmem:s2] =	stream.indirect.scatter.add.f32 [tilespmem:s25], [sflag:$0x1], $0x80, s26, s24, $0xb8;
	[tilespmem:$0x1D400] =	vst v63  }
0x56: {  	s28 =	simm.s32 $0x280  }
0x57: {  	[spmem:s2] =	stream.indirect.scatter.add.f32 [tilespmem:s25], [sflag:$0x1], $0x80, s28, s24, $0xb8;
	[tilespmem:$0x1D400] =	vst v63  }
0x58: {  	s1 =	simm.s32 $0x300  }
0x59: {  	[spmem:s2] =	stream.indirect.scatter.add.f32 [tilespmem:s25], [sflag:$0x1], $0x80, s1, s24, $0xb8;
	[tilespmem:$0x1D400] =	vst v63  }
0x5a: {  	s26 =	simm.s32 $0x380  }
0x5b: {  	[spmem:s2] =	stream.indirect.scatter.add.f32 [tilespmem:s25], [sflag:$0x1], $0x80, s26, s24, $0xb8;
	[tilespmem:$0x1D400] =	vst v63  }
0x5c: {  	s28 =	simm.s32 $0x400  }
0x5d: {  	[spmem:s2] =	stream.indirect.scatter.add.f32 [tilespmem:s25], [sflag:$0x1], $0x80, s28, s24, $0xb8;
	[tilespmem:$0x1D400] =	vst v63  }
0x5e: {  	s1 =	simm.s32 $0x480  }
0x5f: {  	[spmem:s2] =	stream.indirect.scatter.add.f32 [tilespmem:s25], [sflag:$0x1], $0x80, s1, s24, $0xb8;
	[tilespmem:$0x1D400] =	vst v63  }
0x60: {  	s26 =	simm.s32 $0x500  }
0x61: {  	[spmem:s2] =	stream.indirect.scatter.add.f32 [tilespmem:s25], [sflag:$0x1], $0x80, s26, s24, $0xb8;
	[tilespmem:$0x1D400] =	vst v63  }
0x62: {  	s28 =	simm.s32 $0x580  }
0x63: {  	[spmem:s2] =	stream.indirect.scatter.add.f32 [tilespmem:s25], [sflag:$0x1], $0x80, s28, s24, $0xb8;
	[tilespmem:$0x1D400] =	vst v63  }
0x64: {  	s1 =	simm.s32 $0x600  }
0x65: {  	[spmem:s2] =	stream.indirect.scatter.add.f32 [tilespmem:s25], [sflag:$0x1], $0x80, s1, s24, $0xb8;
	[tilespmem:$0x1D400] =	vst v63  }
0x66: {  	s26 =	simm.s32 $0x680  }
0x67: {  	[spmem:s2] =	stream.indirect.scatter.add.f32 [tilespmem:s25], [sflag:$0x1], $0x80, s26, s24, $0xb8;
	[tilespmem:$0x1D400] =	vst v63  }
0x68: {  	s28 =	simm.s32 $0x700  }
0x69: {  	[spmem:s2] =	stream.indirect.scatter.add.f32 [tilespmem:s25], [sflag:$0x1], $0x80, s28, s24, $0xb8;
	[tilespmem:$0x1D400] =	vst v63  }
0x6a: {  	s1 =	simm.s32 $0x780  }
0x6b: {  	[spmem:s2] =	stream.indirect.scatter.add.f32 [tilespmem:s25], [sflag:$0x1], $0x80, s1, s24, $0xb8;
	[tilespmem:$0x1D400] =	vst v63  }
0x6c: {  	s26 =	simm.s32 $0x800  }
0x6d: {  	[spmem:s2] =	stream.indirect.scatter.add.f32 [tilespmem:s25], [sflag:$0x1], $0x80, s26, s24, $0xb8;
	[tilespmem:$0x1D400] =	vst v63  }
0x6e: {  	s28 =	simm.s32 $0x880  }
0x6f: {  	[spmem:s2] =	stream.indirect.scatter.add.f32 [tilespmem:s25], [sflag:$0x1], $0x80, s28, s24, $0xb8;
	[tilespmem:$0x1D400] =	vst v63  }
0x70: {  	s1 =	simm.s32 $0x900  }
0x71: {  	[spmem:s2] =	stream.indirect.scatter.add.f32 [tilespmem:s25], [sflag:$0x1], $0x80, s1, s24, $0xb8;
	[tilespmem:$0x1D400] =	vst v63  }
0x72: {  	s26 =	simm.s32 $0x980  }
0x73: {  	[spmem:s2] =	stream.indirect.scatter.add.f32 [tilespmem:s25], [sflag:$0x1], $0x80, s26, s24, $0xb8;
	[tilespmem:$0x1D400] =	vst v63  }
0x74: {  	s28 =	simm.s32 $0xA00  }
0x75: {  	[spmem:s2] =	stream.indirect.scatter.add.f32 [tilespmem:s25], [sflag:$0x1], $0x80, s28, s24, $0xb8;
	[tilespmem:$0x1D400] =	vst v63  }
0x76: {  	s1 =	simm.s32 $0xA80  }
0x77: {  	[spmem:s2] =	stream.indirect.scatter.add.f32 [tilespmem:s25], [sflag:$0x1], $0x80, s1, s24, $0xb8;
	[tilespmem:$0x1D400] =	vst v63  }
0x78: {  	s26 =	simm.s32 $0xB00  }
0x79: {  	[spmem:s2] =	stream.indirect.scatter.add.f32 [tilespmem:s25], [sflag:$0x1], $0x80, s26, s24, $0xb8;
	[tilespmem:$0x1D400] =	vst v63  }
0x7a: {  	s28 =	simm.s32 $0xB80  }
0x7b: {  	[spmem:s2] =	stream.indirect.scatter.add.f32 [tilespmem:s25], [sflag:$0x1], $0x80, s28, s24, $0xb8;
	[tilespmem:$0x1D400] =	vst v63  }
0x7c: {  	s1 =	simm.s32 $0xC00  }
0x7d: {  	[spmem:s2] =	stream.indirect.scatter.add.f32 [tilespmem:s25], [sflag:$0x1], $0x80, s1, s24, $0xb8;
	[tilespmem:$0x1D400] =	vst v63  }
0x7e: {  	s26 =	simm.s32 $0xC80  }
0x7f: {  	[spmem:s2] =	stream.indirect.scatter.add.f32 [tilespmem:s25], [sflag:$0x1], $0x80, s26, s24, $0xb8;
	[tilespmem:$0x1D400] =	vst v63  }
0x80: {  	s28 =	simm.s32 $0xD00  }
0x81: {  	[spmem:s2] =	stream.indirect.scatter.add.f32 [tilespmem:s25], [sflag:$0x1], $0x80, s28, s24, $0xb8;
	[tilespmem:$0x1D400] =	vst v63  }
0x82: {  	s1 =	simm.s32 $0xD80  }
0x83: {  	[spmem:s2] =	stream.indirect.scatter.add.f32 [tilespmem:s25], [sflag:$0x1], $0x80, s1, s24, $0xb8;
	[tilespmem:$0x1D400] =	vst v63  }
0x84: {  	s26 =	simm.s32 $0xE00  }
0x85: {  	[spmem:s2] =	stream.indirect.scatter.add.f32 [tilespmem:s25], [sflag:$0x1], $0x80, s26, s24, $0xb8;
	[tilespmem:$0x1D400] =	vst v63  }
0x86: {  	s28 =	simm.s32 $0xE80  }
0x87: {  	[spmem:s2] =	stream.indirect.scatter.add.f32 [tilespmem:s25], [sflag:$0x1], $0x80, s28, s24, $0xb8;
	[tilespmem:$0x1D400] =	vst v63  }
0x88: {  	s1 =	simm.s32 $0xF00  }
0x89: {  	[spmem:s2] =	stream.indirect.scatter.add.f32 [tilespmem:s25], [sflag:$0x1], $0x80, s1, s24, $0xb8;
	[tilespmem:$0x1D400] =	vst v63  }
0x8a: {  	s26 =	simm.s32 $0xF80  }
0x8b: {  	[spmem:s2] =	stream.indirect.scatter.add.f32 [tilespmem:s25], [sflag:$0x1], $0x80, s26, s24, $0xb8;
	[tilespmem:$0x1D400] =	vst v63  }
0x8c: {  	s28 =	simm.s32 $0x1000  }
0x8d: {  	[spmem:s2] =	stream.indirect.scatter.add.f32 [tilespmem:s25], [sflag:$0x1], $0x80, s28, s24, $0xb8;
	[tilespmem:$0x1D400] =	vst v63  }
0x8e: {  	s1 =	simm.s32 $0x1080  }
0x8f: {  	[spmem:s2] =	stream.indirect.scatter.add.f32 [tilespmem:s25], [sflag:$0x1], $0x80, s1, s24, $0xb8;
	[tilespmem:$0x1D400] =	vst v63  }
0x90: {  	s26 =	simm.s32 $0x1100  }
0x91: {  	[spmem:s2] =	stream.indirect.scatter.add.f32 [tilespmem:s25], [sflag:$0x1], $0x80, s26, s24, $0xb8;
	[tilespmem:$0x1D400] =	vst v63  }
0x92: {  	s28 =	simm.s32 $0x1180  }
0x93: {  	[spmem:s2] =	stream.indirect.scatter.add.f32 [tilespmem:s25], [sflag:$0x1], $0x80, s28, s24, $0xb8;
	[tilespmem:$0x1D400] =	vst v63  }
0x94: {  	s1 =	simm.s32 $0x1200  }
0x95: {  	[spmem:s2] =	stream.indirect.scatter.add.f32 [tilespmem:s25], [sflag:$0x1], $0x80, s1, s24, $0xb8;
	[tilespmem:$0x1D400] =	vst v63  }
0x96: {  	s26 =	simm.s32 $0x1280  }
0x97: {  	[spmem:s2] =	stream.indirect.scatter.add.f32 [tilespmem:s25], [sflag:$0x1], $0x80, s26, s24, $0xb8;
	[tilespmem:$0x1D400] =	vst v63  }
0x98: {  	s28 =	simm.s32 $0x1300  }
0x99: {  	[spmem:s2] =	stream.indirect.scatter.add.f32 [tilespmem:s25], [sflag:$0x1], $0x80, s28, s24, $0xb8;
	[tilespmem:$0x1D400] =	vst v63  }
0x9a: {  	_ = 	snop  }
0x9b: {  	[spmem:s2] =	stream.indirect.scatter.add.f32 [tilespmem:s25], [sflag:$0x1], $0x80, s29, s24, $0xb8;
	[tilespmem:$0x1D400] =	vst v63  }
0x9c: {  	_ =	swait.ge [sflag:s30], $0x4000  }
0x9d: {  	s0 =	simm.s32 $0x27;
	[sflag:s30] =	ssyncset.done $0x0  }
.LBB2_6:
0x9e: {  	p1 =	sne.s32 s0, $0x1;
	s0 =	sadd.s32 $0xFFFFFFFF, s0;
	[sflag:s30] =	ssyncadd.s32 $0xFFFFC000  }
.Ltmp2:
0x9f: {  	(pc) =	sbr.rel @p1 .LBB2_6-.Ltmp2, $3  }
0xa0: {  	_ =	sdelay $0x1  }
0xa1: {  	_ =	swait.ge [sflag:s30], $0x4000  }
0xa2: {  	[sflag:s30] =	ssyncset.done $0x0  }
0xa3: {  	[sflag:s30] =	ssyncadd.s32 $0xFFFFC000  }
0xa4: {  	[bflag:$0x0] =	sbarrier.arrive $0xFFFF  }
0xa5: {  	[tilespmem:s22], [sflag:$0x2] =	stream.linear.gather [spmem:s4], $0x4000, $0x38;
	[tilespmem:$0x1D400] =	vst v63  }
0xa6: {  	_ =	swait.ge [sflag:s23], $0x4000  }
0xa7: {  	s0 =	sadd.s32 @p0 s9, s20;
	[sflag:s23] =	ssyncset.done $0x0  }
0xa8: {  	s1 =	simm.s32 @p0 $0x0;
	s26 =	simm.s32 @p0 $0x5400;
	[sflag:s23] =	ssyncadd.s32 $0xFFFFC000  }
0xa9: {  	[hbm4b:s0+s1] =	stream.linear.scatter @p0 [tilespmem:s26], [sflag:$0x2], $0x4000, $0x38;
	[tilespmem:$0x1D400] =	vst v63  }
0xaa: {  	s0 =	simm.s32 @p0 $0x2  }
0xab: {  	_ =	swait.ge @p0 [sflag:s0], $0x4000  }
0xac: {  	[sflag:s0] =	ssyncset.done @p0 $0x0  }
0xad: {  	[sflag:s0] =	ssyncadd.s32 @p0 $0xFFFFC000  }
0xae: {  	[tilespmem:s26], [sflag:$0x2] =	stream.linear.gather @p0 [spmem:s5], $0x4000, $0x38;
	[tilespmem:$0x1D400] =	vst v63  }
0xaf: {  	_ =	swait.ge @p0 [sflag:s0], $0x4000  }
0xb0: {  	[sflag:s0] =	ssyncset.done @p0 $0x0  }
0xb1: {  	s28 =	sadd.s32 @p0 s11, s20;
	[sflag:s0] =	ssyncadd.s32 @p0 $0xFFFFC000  }
0xb2: {  	[hbm4b:s28+s1] =	stream.linear.scatter @p0 [tilespmem:s26], [sflag:$0x2], $0x4000, $0x38;
	[tilespmem:$0x1D400] =	vst v63  }
0xb3: {  	_ =	swait.ge @p0 [sflag:s0], $0x4000  }
0xb4: {  	[sflag:s0] =	ssyncset.done @p0 $0x0  }
0xb5: {  	[sflag:s0] =	ssyncadd.s32 @p0 $0xFFFFC000  }
0xb6: {  	[tilespmem:s26], [sflag:$0x2] =	stream.linear.gather @p0 [spmem:s6], $0x4000, $0x38;
	[tilespmem:$0x1D400] =	vst v63  }
0xb7: {  	_ =	swait.ge @p0 [sflag:s0], $0x4000  }
0xb8: {  	[sflag:s0] =	ssyncset.done @p0 $0x0  }
0xb9: {  	s28 =	sadd.s32 @p0 s14, s20;
	[sflag:s0] =	ssyncadd.s32 @p0 $0xFFFFC000  }
0xba: {  	[hbm4b:s28+s1] =	stream.linear.scatter @p0 [tilespmem:s26], [sflag:$0x2], $0x4000, $0x38;
	[tilespmem:$0x1D400] =	vst v63  }
0xbb: {  	_ =	swait.ge @p0 [sflag:s0], $0x4000  }
0xbc: {  	[sflag:s0] =	ssyncset.done @p0 $0x0  }
0xbd: {  	[sflag:s0] =	ssyncadd.s32 @p0 $0xFFFFC000  }
0xbe: {  	[tilespmem:s26], [sflag:$0x2] =	stream.linear.gather @p0 [spmem:s7], $0x4000, $0x38;
	[tilespmem:$0x1D400] =	vst v63  }
0xbf: {  	_ =	swait.ge @p0 [sflag:s0], $0x4000  }
0xc0: {  	[sflag:s0] =	ssyncset.done @p0 $0x0  }
0xc1: {  	s28 =	sadd.s32 @p0 s16, s20;
	[sflag:s0] =	ssyncadd.s32 @p0 $0xFFFFC000  }
0xc2: {  	[hbm4b:s28+s1] =	stream.linear.scatter @p0 [tilespmem:s26], [sflag:$0x2], $0x4000, $0x38;
	[tilespmem:$0x1D400] =	vst v63  }
0xc3: {  	_ =	swait.ge @p0 [sflag:s0], $0x4000  }
0xc4: {  	[sflag:s0] =	ssyncset.done @p0 $0x0  }
0xc5: {  	[sflag:s0] =	ssyncadd.s32 @p0 $0xFFFFC000  }
0xc6: {  	[tilespmem:s26], [sflag:$0x2] =	stream.linear.gather @p0 [spmem:s8], $0x4000, $0x38;
	[tilespmem:$0x1D400] =	vst v63  }
0xc7: {  	_ =	swait.ge @p0 [sflag:s0], $0x4000  }
0xc8: {  	s1 =	simm.s32 @!p0 $0x5400;
	[sflag:s0] =	ssyncset.done @p0 $0x0  }
0xc9: {  	s26 =	simm.s32 @!p0 $0x2;
	[sflag:s0] =	ssyncadd.s32 @p0 $0xFFFFC000;
	s0 =	simm.s32 @!p0 $0x0  }
0xca: {  	[hbm4b:s12+s0] =	stream.linear.scatter @!p0 [tilespmem:s1], [sflag:$0x2], $0x4000, $0x38;
	[tilespmem:$0x1D400] =	vst v63  }
0xcb: {  	_ =	swait.ge @!p0 [sflag:s26], $0x4000  }
0xcc: {  	[sflag:s26] =	ssyncset.done @!p0 $0x0  }
0xcd: {  	[sflag:s26] =	ssyncadd.s32 @!p0 $0xFFFFC000  }
0xce: {  	[tilespmem:s1], [sflag:$0x2] =	stream.linear.gather @!p0 [spmem:s5], $0x4000, $0x38;
	[tilespmem:$0x1D400] =	vst v63  }
0xcf: {  	_ =	swait.ge @!p0 [sflag:s26], $0x4000  }
0xd0: {  	[sflag:s26] =	ssyncset.done @!p0 $0x0  }
0xd1: {  	[sflag:s26] =	ssyncadd.s32 @!p0 $0xFFFFC000  }
0xd2: {  	[hbm4b:s13+s0] =	stream.linear.scatter @!p0 [tilespmem:s1], [sflag:$0x2], $0x4000, $0x38;
	[tilespmem:$0x1D400] =	vst v63  }
0xd3: {  	_ =	swait.ge @!p0 [sflag:s26], $0x4000  }
0xd4: {  	[sflag:s26] =	ssyncset.done @!p0 $0x0  }
0xd5: {  	[sflag:s26] =	ssyncadd.s32 @!p0 $0xFFFFC000  }
0xd6: {  	[tilespmem:s1], [sflag:$0x2] =	stream.linear.gather @!p0 [spmem:s6], $0x4000, $0x38;
	[tilespmem:$0x1D400] =	vst v63  }
0xd7: {  	_ =	swait.ge @!p0 [sflag:s26], $0x4000  }
0xd8: {  	[sflag:s26] =	ssyncset.done @!p0 $0x0  }
0xd9: {  	[sflag:s26] =	ssyncadd.s32 @!p0 $0xFFFFC000  }
0xda: {  	[hbm4b:s15+s0] =	stream.linear.scatter @!p0 [tilespmem:s1], [sflag:$0x2], $0x4000, $0x38;
	[tilespmem:$0x1D400] =	vst v63  }
0xdb: {  	_ =	swait.ge @!p0 [sflag:s26], $0x4000  }
0xdc: {  	[sflag:s26] =	ssyncset.done @!p0 $0x0  }
0xdd: {  	[sflag:s26] =	ssyncadd.s32 @!p0 $0xFFFFC000  }
0xde: {  	[tilespmem:s1], [sflag:$0x2] =	stream.linear.gather @!p0 [spmem:s7], $0x4000, $0x38;
	[tilespmem:$0x1D400] =	vst v63  }
0xdf: {  	_ =	swait.ge @!p0 [sflag:s26], $0x4000  }
0xe0: {  	[sflag:s26] =	ssyncset.done @!p0 $0x0  }
0xe1: {  	[sflag:s26] =	ssyncadd.s32 @!p0 $0xFFFFC000  }
0xe2: {  	[hbm4b:s18+s0] =	stream.linear.scatter @!p0 [tilespmem:s1], [sflag:$0x2], $0x4000, $0x38;
	[tilespmem:$0x1D400] =	vst v63  }
0xe3: {  	_ =	swait.ge @!p0 [sflag:s26], $0x4000  }
0xe4: {  	[sflag:s26] =	ssyncset.done @!p0 $0x0  }
0xe5: {  	s31 =	sadd.s32 $0x1, s31;
	[sflag:s26] =	ssyncadd.s32 @!p0 $0xFFFFC000  }
0xe6: {  	[tilespmem:s1], [sflag:$0x2] =	stream.linear.gather @!p0 [spmem:s8], $0x4000, $0x38;
	[tilespmem:$0x1D400] =	vst v63  }
0xe7: {  	p1 =	sne.s32 s31, s21;
	_ =	swait.ge @!p0 [sflag:s26], $0x4000  }
0xe8: {  	s0 =	sadd.s32 @p0 s17, s20;
	s1 =	smov.u32 s19;
	[sflag:s26] =	ssyncset.done @!p0 $0x0  }
.Ltmp3:
0xe9: {  	s1 =	smov.u32 @p0 s0;
	[sflag:s26] =	ssyncadd.s32 @!p0 $0xFFFFC000;
	(pc) =	sbr.rel @p1 .LBB2_1-.Ltmp3, $4  }
0xea: {  	[hbm4b:s1+s3] =	stream.linear.scatter [tilespmem:s22], [sflag:$0x2], $0x4000, $0x38;
	[tilespmem:$0x1D400] =	vst v63  }
0xeb: {  	_ =	swait.ge [sflag:s23], $0x4000  }
0xec: {  	[sflag:s23] =	ssyncset.done $0x0  }
0xed: {  	[sflag:s23] =	ssyncadd.s32 $0xFFFFC000  }
0xee: {  	_ =	sfence.sel $0x180000  }
0xef: {  	[bflag:$0x0] =	sbarrier.arrive $0xFFFF  }
0xf0: {  	_ =	strace $0x90000047  }
0xf1: {  	s0 =	stileid.u32;
	[bflag:$0x2] =	sbarrier.arrive $0xFFFF  }
0xf2: {  	p0 =	sne.s32 s0, $0x0;
	s0 =	rddreg [dreg:$0x2]  }
0xf3: {  	s0 =	sadd.s32 @!p0 $0x100000, s0  }
0xf4: {  	[sflag:s0] =	ssyncadd.tile.s32 @!p0 $0x1;
	_ =	shalt  }
.Lfunc_end2:
_tile_overlayer_lowered:
.L_overlay_start_2:
0xf5: {  	(tag) =	ssettag $0x2  }
0xf6: {  	s0 =	rddreg [dreg:$0x0];
	s2 =	stileid.u32  }
0xf7: {  	s1 =	rddreg [dreg:$0x1];
	p0 =	sne.s32 s2, $0x0  }
0xf8: {  	s3 =	rddreg [dreg:$0x2];
	[bflag:$0x3] =	sbarrier.arrive $0xFFFF;
	s2 =	simm.s32 @!p0 $0x1C02  }
0xf9: {  	[timem:s3], [sflag:s2] =	dma.local @!p0 [hbm:s0], s1  }
0xfa: {  	s0 =	simm.s32 @!p0 $0x2  }
0xfb: {  	_ =	swait.ge @!p0 [sflag:s0], s1  }
0xfc: {  	s1 =	ssub.s32 @!p0 $0x0, s1;
	[sflag:s0] =	ssyncset.done @!p0 $0x0  }
0xfd: {  	[sflag:s0] =	ssyncadd.s32 @!p0 s1  }
0xfe: {  	[bflag:$0x3] =	sbarrier.arrive $0xFFFF  }
0xff: {  	_ =	shalt  }

</sc_bundles>
